<compile_context>
chip_gen: v7x
topology: tpu7x:2x2x1
jax: 0.10.2.dev20260603
libtpu: 0.0.44.dev20260713+nightly
codegen_flags: <defaults>
</compile_context>

<pallas_src>
import jax
import jax.numpy as jnp
from jax import lax
from jax.experimental import pallas as pl
from jax.experimental.pallas import tpu as pltpu
from jax.experimental.pallas import tpu_sc as plsc

_B, _S, _D = 4, 8192, 1024
_NC, _NS = 2, 16
_NW = _NC * _NS
_ROWS_PER_W = _S // _NW
_CH = 8
_NCH = _ROWS_PER_W // _CH


def _sc_body(x_hbm, pe_hbm, out_hbm, *refs):
    xin = [[refs[2 * b + p] for p in range(2)] for b in range(_B)]
    ob = list(refs[8:12])
    pev = list(refs[12:14])
    ld = [[refs[14 + 2 * b + p] for p in range(2)] for b in range(_B)]
    st = list(refs[22:26])
    ps = list(refs[26:28])

    wid = lax.axis_index("s") * _NC + lax.axis_index("c")
    base = wid * _ROWS_PER_W

    for c in range(2):
        pltpu.async_copy(pe_hbm.at[pl.ds(base + c * _CH, _CH)], pev[c], ps[c])
        for b in range(_B):
            pltpu.async_copy(
                x_hbm.at[pl.ds(base + b * _S + c * _CH, _CH)], xin[b][c],
                ld[b][c])
    for b in range(_B):
        pltpu.async_copy(ob[b], out_hbm.at[pl.ds(base + b * _S, _CH)], st[b])

    def outer(k, carry):
        ci0 = 2 * k
        for p in range(2):
            ci = ci0 + p
            row = base + ci * _CH
            pltpu.make_async_copy(
                pe_hbm.at[pl.ds(0, _CH)], pev[p], ps[p]).wait()
            for b in range(_B):
                pltpu.make_async_copy(
                    x_hbm.at[pl.ds(0, _CH)], xin[b][p], ld[b][p]).wait()
                pltpu.make_async_copy(
                    ob[b], out_hbm.at[pl.ds(0, _CH)], st[b]).wait()

            xin_p = [xin[b][p] for b in range(_B)]
            pev_p = pev[p]

            for r in range(_CH):
                @plsc.parallel_loop(0, _D, 16, unroll=8)
                def add_body(c, _r=r):
                    pe16 = pev_p[_r, pl.ds(c, 16)]
                    for b in range(_B):
                        ob[b][_r, pl.ds(c, 16)] = (
                            xin_p[b][_r, pl.ds(c, 16)] + pe16)

            for b in range(_B):
                pltpu.async_copy(
                    ob[b], out_hbm.at[pl.ds(row + b * _S, _CH)], st[b])

            @pl.when(ci < _NCH - 2)
            def _():
                pltpu.async_copy(
                    pe_hbm.at[pl.ds(row + 2 * _CH, _CH)], pev[p], ps[p])
                for b in range(_B):
                    pltpu.async_copy(
                        x_hbm.at[pl.ds(row + b * _S + 2 * _CH, _CH)],
                        xin[b][p], ld[b][p])
        return carry

    lax.fori_loop(0, _NCH // 2, outer, 0)

    for b in range(_B):
        pltpu.make_async_copy(ob[b], out_hbm.at[pl.ds(0, _CH)], st[b]).wait()


def kernel(x, pe):
    B, S, D = x.shape
    mesh = plsc.VectorSubcoreMesh(core_axis_name="c", subcore_axis_name="s")
    out2d = pl.kernel(
        _sc_body,
        out_type=jax.ShapeDtypeStruct((B * S, D), jnp.float32),
        mesh=mesh,
        scratch_types=(
            [pltpu.VMEM((_CH, _D), jnp.float32) for _ in range(14)]
            + [pltpu.SemaphoreType.DMA for _ in range(14)]
        ),
        compiler_params=pltpu.CompilerParams(use_tc_tiling_on_sc=True),
    )(x.reshape(B * S, D), pe)
    return out2d.reshape(B, S, D)

# --- scband reference (transcript-rebuilt; emitter-appended) ---
"""Pipeline reference for scband-learned-positional-encoding-2044404433284 (READ-ONLY COPY).

The authoritative reference and input builder live on the scoring server;
editing this copy changes nothing except your own understanding.
"""

import jax, jax.numpy as jnp
import numpy as np


def setup_inputs(seed: int = 0) -> dict:
    key = jax.random.key(seed)
    k1, k2 = jax.random.split(key)
    x = jax.random.normal(k1, (4, 8192, 1024), dtype=jnp.float32)
    pe = jax.random.normal(k2, (8192, 1024), dtype=jnp.float32) * 0.02
    return {"x": x, "pe": pe}


def reference(x, pe):
    positions = jnp.arange(x.shape[1])
    pos_emb = jnp.take(pe, positions, axis=0)
    return x + pos_emb[None, :, :]

if __name__ == "__main__":
    import jax
    _d = setup_inputs()
    print(jax.jit(kernel)(*tuple(_d.values())))

</pallas_src>

<mosaic_0001>
#map = affine_map<(d0, d1) -> (0, 0)>
module attributes {stable_mosaic.version = 14 : i64} {
  func.func @_sc_body(%arg0: i32, %arg1: i32, %arg2: memref<32768x1024xf32, #tpu.memory_space<hbm>>, %arg3: memref<8192x1024xf32, #tpu.memory_space<hbm>>, %arg4: memref<32768x1024xf32, #tpu.memory_space<hbm>>, %arg5: memref<8x1024xf32, #tpu.memory_space<vmem>>, %arg6: memref<8x1024xf32, #tpu.memory_space<vmem>>, %arg7: memref<8x1024xf32, #tpu.memory_space<vmem>>, %arg8: memref<8x1024xf32, #tpu.memory_space<vmem>>, %arg9: memref<8x1024xf32, #tpu.memory_space<vmem>>, %arg10: memref<8x1024xf32, #tpu.memory_space<vmem>>, %arg11: memref<8x1024xf32, #tpu.memory_space<vmem>>, %arg12: memref<8x1024xf32, #tpu.memory_space<vmem>>, %arg13: memref<8x1024xf32, #tpu.memory_space<vmem>>, %arg14: memref<8x1024xf32, #tpu.memory_space<vmem>>, %arg15: memref<8x1024xf32, #tpu.memory_space<vmem>>, %arg16: memref<8x1024xf32, #tpu.memory_space<vmem>>, %arg17: memref<8x1024xf32, #tpu.memory_space<vmem>>, %arg18: memref<8x1024xf32, #tpu.memory_space<vmem>>, %arg19: memref<!tpu.dma_semaphore, #tpu.memory_space<semaphore_mem>>, %arg20: memref<!tpu.dma_semaphore, #tpu.memory_space<semaphore_mem>>, %arg21: memref<!tpu.dma_semaphore, #tpu.memory_space<semaphore_mem>>, %arg22: memref<!tpu.dma_semaphore, #tpu.memory_space<semaphore_mem>>, %arg23: memref<!tpu.dma_semaphore, #tpu.memory_space<semaphore_mem>>, %arg24: memref<!tpu.dma_semaphore, #tpu.memory_space<semaphore_mem>>, %arg25: memref<!tpu.dma_semaphore, #tpu.memory_space<semaphore_mem>>, %arg26: memref<!tpu.dma_semaphore, #tpu.memory_space<semaphore_mem>>, %arg27: memref<!tpu.dma_semaphore, #tpu.memory_space<semaphore_mem>>, %arg28: memref<!tpu.dma_semaphore, #tpu.memory_space<semaphore_mem>>, %arg29: memref<!tpu.dma_semaphore, #tpu.memory_space<semaphore_mem>>, %arg30: memref<!tpu.dma_semaphore, #tpu.memory_space<semaphore_mem>>, %arg31: memref<!tpu.dma_semaphore, #tpu.memory_space<semaphore_mem>>, %arg32: memref<!tpu.dma_semaphore, #tpu.memory_space<semaphore_mem>>) attributes {dimension_semantics = [#tpu.dimension_semantics<core_parallel>, #tpu.dimension_semantics<subcore_parallel>], iteration_bounds = array<i64: 2, 16>, scalar_prefetch = 0 : i64, scratch_operands = 28 : i64, tpu.core_type = #tpu.core_type<sc_vector_subcore>, window_params = [{transform_indices = #map}, {transform_indices = #map}, {transform_indices = #map}]} {
    %mul3A = arith.constant 2 : i32
    %mul3A_0 = arith.muli %arg1, %mul3A : i32
    %add3A = arith.addi %mul3A_0, %arg0 : i32
    %mul3A_1 = arith.constant 256 : i32
    %mul3A_2 = arith.muli %add3A, %mul3A_1 : i32
    %add3A_3 = arith.constant 0 : i32
    %add3A_4 = arith.addi %mul3A_2, %add3A_3 : i32
    %dma_start3A = arith.constant 0 : i32
    %dma_start3A_5 = tpu.memref_slice %arg3[%add3A_4, %dma_start3A] : memref<8192x1024xf32, #tpu.memory_space<hbm>> -> memref<8x1024xf32, #tpu.memory_space<hbm>>
    %dma_start3A_6 = arith.constant 0 : i32
    %dma_start3A_7 = tpu.memref_slice %arg3[%add3A_4, %dma_start3A_6] : memref<8192x1024xf32, #tpu.memory_space<hbm>> -> memref<8x1024xf32, #tpu.memory_space<hbm>>
    tpu.enqueue_dma source(%dma_start3A_7 : memref<8x1024xf32, #tpu.memory_space<hbm>>) target(%arg17 : memref<8x1024xf32, #tpu.memory_space<vmem>>) target_semaphore(%arg31 : memref<!tpu.dma_semaphore, #tpu.memory_space<semaphore_mem>>)
    %add3A_8 = arith.constant 0 : i32
    %add3A_9 = arith.addi %mul3A_2, %add3A_8 : i32
    %add3A_10 = arith.constant 0 : i32
    %add3A_11 = arith.addi %add3A_9, %add3A_10 : i32
    %dma_start3A_12 = arith.constant 0 : i32
    %dma_start3A_13 = tpu.memref_slice %arg2[%add3A_11, %dma_start3A_12] : memref<32768x1024xf32, #tpu.memory_space<hbm>> -> memref<8x1024xf32, #tpu.memory_space<hbm>>
    %dma_start3A_14 = arith.constant 0 : i32
    %dma_start3A_15 = tpu.memref_slice %arg2[%add3A_11, %dma_start3A_14] : memref<32768x1024xf32, #tpu.memory_space<hbm>> -> memref<8x1024xf32, #tpu.memory_space<hbm>>
    tpu.enqueue_dma source(%dma_start3A_15 : memref<8x1024xf32, #tpu.memory_space<hbm>>) target(%arg5 : memref<8x1024xf32, #tpu.memory_space<vmem>>) target_semaphore(%arg19 : memref<!tpu.dma_semaphore, #tpu.memory_space<semaphore_mem>>)
    %add3A_16 = arith.constant 8192 : i32
    %add3A_17 = arith.addi %mul3A_2, %add3A_16 : i32
    %add3A_18 = arith.constant 0 : i32
    %add3A_19 = arith.addi %add3A_17, %add3A_18 : i32
    %dma_start3A_20 = arith.constant 0 : i32
    %dma_start3A_21 = tpu.memref_slice %arg2[%add3A_19, %dma_start3A_20] : memref<32768x1024xf32, #tpu.memory_space<hbm>> -> memref<8x1024xf32, #tpu.memory_space<hbm>>
    %dma_start3A_22 = arith.constant 0 : i32
    %dma_start3A_23 = tpu.memref_slice %arg2[%add3A_19, %dma_start3A_22] : memref<32768x1024xf32, #tpu.memory_space<hbm>> -> memref<8x1024xf32, #tpu.memory_space<hbm>>
    tpu.enqueue_dma source(%dma_start3A_23 : memref<8x1024xf32, #tpu.memory_space<hbm>>) target(%arg7 : memref<8x1024xf32, #tpu.memory_space<vmem>>) target_semaphore(%arg21 : memref<!tpu.dma_semaphore, #tpu.memory_space<semaphore_mem>>)
    %add3A_24 = arith.constant 16384 : i32
    %add3A_25 = arith.addi %mul3A_2, %add3A_24 : i32
    %add3A_26 = arith.constant 0 : i32
    %add3A_27 = arith.addi %add3A_25, %add3A_26 : i32
    %dma_start3A_28 = arith.constant 0 : i32
    %dma_start3A_29 = tpu.memref_slice %arg2[%add3A_27, %dma_start3A_28] : memref<32768x1024xf32, #tpu.memory_space<hbm>> -> memref<8x1024xf32, #tpu.memory_space<hbm>>
    %dma_start3A_30 = arith.constant 0 : i32
    %dma_start3A_31 = tpu.memref_slice %arg2[%add3A_27, %dma_start3A_30] : memref<32768x1024xf32, #tpu.memory_space<hbm>> -> memref<8x1024xf32, #tpu.memory_space<hbm>>
    tpu.enqueue_dma source(%dma_start3A_31 : memref<8x1024xf32, #tpu.memory_space<hbm>>) target(%arg9 : memref<8x1024xf32, #tpu.memory_space<vmem>>) target_semaphore(%arg23 : memref<!tpu.dma_semaphore, #tpu.memory_space<semaphore_mem>>)
    %add3A_32 = arith.constant 24576 : i32
    %add3A_33 = arith.addi %mul3A_2, %add3A_32 : i32
    %add3A_34 = arith.constant 0 : i32
    %add3A_35 = arith.addi %add3A_33, %add3A_34 : i32
    %dma_start3A_36 = arith.constant 0 : i32
    %dma_start3A_37 = tpu.memref_slice %arg2[%add3A_35, %dma_start3A_36] : memref<32768x1024xf32, #tpu.memory_space<hbm>> -> memref<8x1024xf32, #tpu.memory_space<hbm>>
    %dma_start3A_38 = arith.constant 0 : i32
    %dma_start3A_39 = tpu.memref_slice %arg2[%add3A_35, %dma_start3A_38] : memref<32768x1024xf32, #tpu.memory_space<hbm>> -> memref<8x1024xf32, #tpu.memory_space<hbm>>
    tpu.enqueue_dma source(%dma_start3A_39 : memref<8x1024xf32, #tpu.memory_space<hbm>>) target(%arg11 : memref<8x1024xf32, #tpu.memory_space<vmem>>) target_semaphore(%arg25 : memref<!tpu.dma_semaphore, #tpu.memory_space<semaphore_mem>>)
    %add3A_40 = arith.constant 8 : i32
    %add3A_41 = arith.addi %mul3A_2, %add3A_40 : i32
    %dma_start3A_42 = arith.constant 0 : i32
    %dma_start3A_43 = tpu.memref_slice %arg3[%add3A_41, %dma_start3A_42] : memref<8192x1024xf32, #tpu.memory_space<hbm>> -> memref<8x1024xf32, #tpu.memory_space<hbm>>
    %dma_start3A_44 = arith.constant 0 : i32
    %dma_start3A_45 = tpu.memref_slice %arg3[%add3A_41, %dma_start3A_44] : memref<8192x1024xf32, #tpu.memory_space<hbm>> -> memref<8x1024xf32, #tpu.memory_space<hbm>>
    tpu.enqueue_dma source(%dma_start3A_45 : memref<8x1024xf32, #tpu.memory_space<hbm>>) target(%arg18 : memref<8x1024xf32, #tpu.memory_space<vmem>>) target_semaphore(%arg32 : memref<!tpu.dma_semaphore, #tpu.memory_space<semaphore_mem>>)
    %add3A_46 = arith.constant 0 : i32
    %add3A_47 = arith.addi %mul3A_2, %add3A_46 : i32
    %add3A_48 = arith.constant 8 : i32
    %add3A_49 = arith.addi %add3A_47, %add3A_48 : i32
    %dma_start3A_50 = arith.constant 0 : i32
    %dma_start3A_51 = tpu.memref_slice %arg2[%add3A_49, %dma_start3A_50] : memref<32768x1024xf32, #tpu.memory_space<hbm>> -> memref<8x1024xf32, #tpu.memory_space<hbm>>
    %dma_start3A_52 = arith.constant 0 : i32
    %dma_start3A_53 = tpu.memref_slice %arg2[%add3A_49, %dma_start3A_52] : memref<32768x1024xf32, #tpu.memory_space<hbm>> -> memref<8x1024xf32, #tpu.memory_space<hbm>>
    tpu.enqueue_dma source(%dma_start3A_53 : memref<8x1024xf32, #tpu.memory_space<hbm>>) target(%arg6 : memref<8x1024xf32, #tpu.memory_space<vmem>>) target_semaphore(%arg20 : memref<!tpu.dma_semaphore, #tpu.memory_space<semaphore_mem>>)
    %add3A_54 = arith.constant 8192 : i32
    %add3A_55 = arith.addi %mul3A_2, %add3A_54 : i32
    %add3A_56 = arith.constant 8 : i32
    %add3A_57 = arith.addi %add3A_55, %add3A_56 : i32
    %dma_start3A_58 = arith.constant 0 : i32
    %dma_start3A_59 = tpu.memref_slice %arg2[%add3A_57, %dma_start3A_58] : memref<32768x1024xf32, #tpu.memory_space<hbm>> -> memref<8x1024xf32, #tpu.memory_space<hbm>>
    %dma_start3A_60 = arith.constant 0 : i32
    %dma_start3A_61 = tpu.memref_slice %arg2[%add3A_57, %dma_start3A_60] : memref<32768x1024xf32, #tpu.memory_space<hbm>> -> memref<8x1024xf32, #tpu.memory_space<hbm>>
    tpu.enqueue_dma source(%dma_start3A_61 : memref<8x1024xf32, #tpu.memory_space<hbm>>) target(%arg8 : memref<8x1024xf32, #tpu.memory_space<vmem>>) target_semaphore(%arg22 : memref<!tpu.dma_semaphore, #tpu.memory_space<semaphore_mem>>)
    %add3A_62 = arith.constant 16384 : i32
    %add3A_63 = arith.addi %mul3A_2, %add3A_62 : i32
    %add3A_64 = arith.constant 8 : i32
    %add3A_65 = arith.addi %add3A_63, %add3A_64 : i32
    %dma_start3A_66 = arith.constant 0 : i32
    %dma_start3A_67 = tpu.memref_slice %arg2[%add3A_65, %dma_start3A_66] : memref<32768x1024xf32, #tpu.memory_space<hbm>> -> memref<8x1024xf32, #tpu.memory_space<hbm>>
    %dma_start3A_68 = arith.constant 0 : i32
    %dma_start3A_69 = tpu.memref_slice %arg2[%add3A_65, %dma_start3A_68] : memref<32768x1024xf32, #tpu.memory_space<hbm>> -> memref<8x1024xf32, #tpu.memory_space<hbm>>
    tpu.enqueue_dma source(%dma_start3A_69 : memref<8x1024xf32, #tpu.memory_space<hbm>>) target(%arg10 : memref<8x1024xf32, #tpu.memory_space<vmem>>) target_semaphore(%arg24 : memref<!tpu.dma_semaphore, #tpu.memory_space<semaphore_mem>>)
    %add3A_70 = arith.constant 24576 : i32
    %add3A_71 = arith.addi %mul3A_2, %add3A_70 : i32
    %add3A_72 = arith.constant 8 : i32
    %add3A_73 = arith.addi %add3A_71, %add3A_72 : i32
    %dma_start3A_74 = arith.constant 0 : i32
    %dma_start3A_75 = tpu.memref_slice %arg2[%add3A_73, %dma_start3A_74] : memref<32768x1024xf32, #tpu.memory_space<hbm>> -> memref<8x1024xf32, #tpu.memory_space<hbm>>
    %dma_start3A_76 = arith.constant 0 : i32
    %dma_start3A_77 = tpu.memref_slice %arg2[%add3A_73, %dma_start3A_76] : memref<32768x1024xf32, #tpu.memory_space<hbm>> -> memref<8x1024xf32, #tpu.memory_space<hbm>>
    tpu.enqueue_dma source(%dma_start3A_77 : memref<8x1024xf32, #tpu.memory_space<hbm>>) target(%arg12 : memref<8x1024xf32, #tpu.memory_space<vmem>>) target_semaphore(%arg26 : memref<!tpu.dma_semaphore, #tpu.memory_space<semaphore_mem>>)
    %add3A_78 = arith.constant 0 : i32
    %add3A_79 = arith.addi %mul3A_2, %add3A_78 : i32
    %dma_start3A_80 = arith.constant 0 : i32
    %dma_start3A_81 = tpu.memref_slice %arg4[%add3A_79, %dma_start3A_80] : memref<32768x1024xf32, #tpu.memory_space<hbm>> -> memref<8x1024xf32, #tpu.memory_space<hbm>>
    %dma_start3A_82 = arith.constant 0 : i32
    %dma_start3A_83 = tpu.memref_slice %arg4[%add3A_79, %dma_start3A_82] : memref<32768x1024xf32, #tpu.memory_space<hbm>> -> memref<8x1024xf32, #tpu.memory_space<hbm>>
    tpu.enqueue_dma source(%arg13 : memref<8x1024xf32, #tpu.memory_space<vmem>>) target(%dma_start3A_83 : memref<8x1024xf32, #tpu.memory_space<hbm>>) target_semaphore(%arg27 : memref<!tpu.dma_semaphore, #tpu.memory_space<semaphore_mem>>)
    %add3A_84 = arith.constant 8192 : i32
    %add3A_85 = arith.addi %mul3A_2, %add3A_84 : i32
    %dma_start3A_86 = arith.constant 0 : i32
    %dma_start3A_87 = tpu.memref_slice %arg4[%add3A_85, %dma_start3A_86] : memref<32768x1024xf32, #tpu.memory_space<hbm>> -> memref<8x1024xf32, #tpu.memory_space<hbm>>
    %dma_start3A_88 = arith.constant 0 : i32
    %dma_start3A_89 = tpu.memref_slice %arg4[%add3A_85, %dma_start3A_88] : memref<32768x1024xf32, #tpu.memory_space<hbm>> -> memref<8x1024xf32, #tpu.memory_space<hbm>>
    tpu.enqueue_dma source(%arg14 : memref<8x1024xf32, #tpu.memory_space<vmem>>) target(%dma_start3A_89 : memref<8x1024xf32, #tpu.memory_space<hbm>>) target_semaphore(%arg28 : memref<!tpu.dma_semaphore, #tpu.memory_space<semaphore_mem>>)
    %add3A_90 = arith.constant 16384 : i32
    %add3A_91 = arith.addi %mul3A_2, %add3A_90 : i32
    %dma_start3A_92 = arith.constant 0 : i32
    %dma_start3A_93 = tpu.memref_slice %arg4[%add3A_91, %dma_start3A_92] : memref<32768x1024xf32, #tpu.memory_space<hbm>> -> memref<8x1024xf32, #tpu.memory_space<hbm>>
    %dma_start3A_94 = arith.constant 0 : i32
    %dma_start3A_95 = tpu.memref_slice %arg4[%add3A_91, %dma_start3A_94] : memref<32768x1024xf32, #tpu.memory_space<hbm>> -> memref<8x1024xf32, #tpu.memory_space<hbm>>
    tpu.enqueue_dma source(%arg15 : memref<8x1024xf32, #tpu.memory_space<vmem>>) target(%dma_start3A_95 : memref<8x1024xf32, #tpu.memory_space<hbm>>) target_semaphore(%arg29 : memref<!tpu.dma_semaphore, #tpu.memory_space<semaphore_mem>>)
    %add3A_96 = arith.constant 24576 : i32
    %add3A_97 = arith.addi %mul3A_2, %add3A_96 : i32
    %dma_start3A_98 = arith.constant 0 : i32
    %dma_start3A_99 = tpu.memref_slice %arg4[%add3A_97, %dma_start3A_98] : memref<32768x1024xf32, #tpu.memory_space<hbm>> -> memref<8x1024xf32, #tpu.memory_space<hbm>>
    %dma_start3A_100 = arith.constant 0 : i32
    %dma_start3A_101 = tpu.memref_slice %arg4[%add3A_97, %dma_start3A_100] : memref<32768x1024xf32, #tpu.memory_space<hbm>> -> memref<8x1024xf32, #tpu.memory_space<hbm>>
    tpu.enqueue_dma source(%arg16 : memref<8x1024xf32, #tpu.memory_space<vmem>>) target(%dma_start3A_101 : memref<8x1024xf32, #tpu.memory_space<hbm>>) target_semaphore(%arg30 : memref<!tpu.dma_semaphore, #tpu.memory_space<semaphore_mem>>)
    %scan3A = arith.constant 0 : i32
    %scan3A_102 = arith.constant 0 : i32
    %scan3A_103 = arith.constant 16 : i32
    %scan3A_104 = arith.addi %scan3A_102, %scan3A_103 : i32
    %scan3A_105 = arith.constant 1 : i32
    scf.for %scan3A_130 = %scan3A_102 to %scan3A_104 step %scan3A_105  : i32 {
      %mul3A_131 = arith.constant 2 : i32
      %mul3A_132 = arith.muli %mul3A_131, %scan3A_130 : i32
      %add3A_133 = arith.constant 0 : i32
      %add3A_134 = arith.addi %mul3A_132, %add3A_133 : i32
      %mul3A_135 = arith.constant 8 : i32
      %mul3A_136 = arith.muli %add3A_134, %mul3A_135 : i32
      %add3A_137 = arith.addi %mul3A_2, %mul3A_136 : i32
      %dma_wait3A_138 = arith.constant 0 : i32
      %dma_wait3A_139 = arith.constant 0 : i32
      %dma_wait3A_140 = tpu.memref_slice %arg3[%dma_wait3A_138, %dma_wait3A_139] : memref<8192x1024xf32, #tpu.memory_space<hbm>> -> memref<8x1024xf32, #tpu.memory_space<hbm>>
      %dma_wait3A_141 = arith.constant 0 : i32
      %dma_wait3A_142 = arith.constant 0 : i32
      %dma_wait3A_143 = tpu.memref_slice %arg3[%dma_wait3A_141, %dma_wait3A_142] : memref<8192x1024xf32, #tpu.memory_space<hbm>> -> memref<8x1024xf32, #tpu.memory_space<hbm>>
      tpu.wait_dma2 semaphore(%arg31 : memref<!tpu.dma_semaphore, #tpu.memory_space<semaphore_mem>>) src(%dma_wait3A_143 : memref<8x1024xf32, #tpu.memory_space<hbm>>) dst(%arg17 : memref<8x1024xf32, #tpu.memory_space<vmem>>)
      %dma_wait3A_144 = arith.constant 0 : i32
      %dma_wait3A_145 = arith.constant 0 : i32
      %dma_wait3A_146 = tpu.memref_slice %arg2[%dma_wait3A_144, %dma_wait3A_145] : memref<32768x1024xf32, #tpu.memory_space<hbm>> -> memref<8x1024xf32, #tpu.memory_space<hbm>>
      %dma_wait3A_147 = arith.constant 0 : i32
      %dma_wait3A_148 = arith.constant 0 : i32
      %dma_wait3A_149 = tpu.memref_slice %arg2[%dma_wait3A_147, %dma_wait3A_148] : memref<32768x1024xf32, #tpu.memory_space<hbm>> -> memref<8x1024xf32, #tpu.memory_space<hbm>>
      tpu.wait_dma2 semaphore(%arg19 : memref<!tpu.dma_semaphore, #tpu.memory_space<semaphore_mem>>) src(%dma_wait3A_149 : memref<8x1024xf32, #tpu.memory_space<hbm>>) dst(%arg5 : memref<8x1024xf32, #tpu.memory_space<vmem>>)
      %dma_wait3A_150 = arith.constant 0 : i32
      %dma_wait3A_151 = arith.constant 0 : i32
      %dma_wait3A_152 = tpu.memref_slice %arg4[%dma_wait3A_150, %dma_wait3A_151] : memref<32768x1024xf32, #tpu.memory_space<hbm>> -> memref<8x1024xf32, #tpu.memory_space<hbm>>
      %dma_wait3A_153 = arith.constant 0 : i32
      %dma_wait3A_154 = arith.constant 0 : i32
      %dma_wait3A_155 = tpu.memref_slice %arg4[%dma_wait3A_153, %dma_wait3A_154] : memref<32768x1024xf32, #tpu.memory_space<hbm>> -> memref<8x1024xf32, #tpu.memory_space<hbm>>
      tpu.wait_dma2 semaphore(%arg27 : memref<!tpu.dma_semaphore, #tpu.memory_space<semaphore_mem>>) src(%arg13 : memref<8x1024xf32, #tpu.memory_space<vmem>>) dst(%dma_wait3A_155 : memref<8x1024xf32, #tpu.memory_space<hbm>>)
      %dma_wait3A_156 = arith.constant 0 : i32
      %dma_wait3A_157 = arith.constant 0 : i32
      %dma_wait3A_158 = tpu.memref_slice %arg2[%dma_wait3A_156, %dma_wait3A_157] : memref<32768x1024xf32, #tpu.memory_space<hbm>> -> memref<8x1024xf32, #tpu.memory_space<hbm>>
      %dma_wait3A_159 = arith.constant 0 : i32
      %dma_wait3A_160 = arith.constant 0 : i32
      %dma_wait3A_161 = tpu.memref_slice %arg2[%dma_wait3A_159, %dma_wait3A_160] : memref<32768x1024xf32, #tpu.memory_space<hbm>> -> memref<8x1024xf32, #tpu.memory_space<hbm>>
      tpu.wait_dma2 semaphore(%arg21 : memref<!tpu.dma_semaphore, #tpu.memory_space<semaphore_mem>>) src(%dma_wait3A_161 : memref<8x1024xf32, #tpu.memory_space<hbm>>) dst(%arg7 : memref<8x1024xf32, #tpu.memory_space<vmem>>)
      %dma_wait3A_162 = arith.constant 0 : i32
      %dma_wait3A_163 = arith.constant 0 : i32
      %dma_wait3A_164 = tpu.memref_slice %arg4[%dma_wait3A_162, %dma_wait3A_163] : memref<32768x1024xf32, #tpu.memory_space<hbm>> -> memref<8x1024xf32, #tpu.memory_space<hbm>>
      %dma_wait3A_165 = arith.constant 0 : i32
      %dma_wait3A_166 = arith.constant 0 : i32
      %dma_wait3A_167 = tpu.memref_slice %arg4[%dma_wait3A_165, %dma_wait3A_166] : memref<32768x1024xf32, #tpu.memory_space<hbm>> -> memref<8x1024xf32, #tpu.memory_space<hbm>>
      tpu.wait_dma2 semaphore(%arg28 : memref<!tpu.dma_semaphore, #tpu.memory_space<semaphore_mem>>) src(%arg14 : memref<8x1024xf32, #tpu.memory_space<vmem>>) dst(%dma_wait3A_167 : memref<8x1024xf32, #tpu.memory_space<hbm>>)
      %dma_wait3A_168 = arith.constant 0 : i32
      %dma_wait3A_169 = arith.constant 0 : i32
      %dma_wait3A_170 = tpu.memref_slice %arg2[%dma_wait3A_168, %dma_wait3A_169] : memref<32768x1024xf32, #tpu.memory_space<hbm>> -> memref<8x1024xf32, #tpu.memory_space<hbm>>
      %dma_wait3A_171 = arith.constant 0 : i32
      %dma_wait3A_172 = arith.constant 0 : i32
      %dma_wait3A_173 = tpu.memref_slice %arg2[%dma_wait3A_171, %dma_wait3A_172] : memref<32768x1024xf32, #tpu.memory_space<hbm>> -> memref<8x1024xf32, #tpu.memory_space<hbm>>
      tpu.wait_dma2 semaphore(%arg23 : memref<!tpu.dma_semaphore, #tpu.memory_space<semaphore_mem>>) src(%dma_wait3A_173 : memref<8x1024xf32, #tpu.memory_space<hbm>>) dst(%arg9 : memref<8x1024xf32, #tpu.memory_space<vmem>>)
      %dma_wait3A_174 = arith.constant 0 : i32
      %dma_wait3A_175 = arith.constant 0 : i32
      %dma_wait3A_176 = tpu.memref_slice %arg4[%dma_wait3A_174, %dma_wait3A_175] : memref<32768x1024xf32, #tpu.memory_space<hbm>> -> memref<8x1024xf32, #tpu.memory_space<hbm>>
      %dma_wait3A_177 = arith.constant 0 : i32
      %dma_wait3A_178 = arith.constant 0 : i32
      %dma_wait3A_179 = tpu.memref_slice %arg4[%dma_wait3A_177, %dma_wait3A_178] : memref<32768x1024xf32, #tpu.memory_space<hbm>> -> memref<8x1024xf32, #tpu.memory_space<hbm>>
      tpu.wait_dma2 semaphore(%arg29 : memref<!tpu.dma_semaphore, #tpu.memory_space<semaphore_mem>>) src(%arg15 : memref<8x1024xf32, #tpu.memory_space<vmem>>) dst(%dma_wait3A_179 : memref<8x1024xf32, #tpu.memory_space<hbm>>)
      %dma_wait3A_180 = arith.constant 0 : i32
      %dma_wait3A_181 = arith.constant 0 : i32
      %dma_wait3A_182 = tpu.memref_slice %arg2[%dma_wait3A_180, %dma_wait3A_181] : memref<32768x1024xf32, #tpu.memory_space<hbm>> -> memref<8x1024xf32, #tpu.memory_space<hbm>>
      %dma_wait3A_183 = arith.constant 0 : i32
      %dma_wait3A_184 = arith.constant 0 : i32
      %dma_wait3A_185 = tpu.memref_slice %arg2[%dma_wait3A_183, %dma_wait3A_184] : memref<32768x1024xf32, #tpu.memory_space<hbm>> -> memref<8x1024xf32, #tpu.memory_space<hbm>>
      tpu.wait_dma2 semaphore(%arg25 : memref<!tpu.dma_semaphore, #tpu.memory_space<semaphore_mem>>) src(%dma_wait3A_185 : memref<8x1024xf32, #tpu.memory_space<hbm>>) dst(%arg11 : memref<8x1024xf32, #tpu.memory_space<vmem>>)
      %dma_wait3A_186 = arith.constant 0 : i32
      %dma_wait3A_187 = arith.constant 0 : i32
      %dma_wait3A_188 = tpu.memref_slice %arg4[%dma_wait3A_186, %dma_wait3A_187] : memref<32768x1024xf32, #tpu.memory_space<hbm>> -> memref<8x1024xf32, #tpu.memory_space<hbm>>
      %dma_wait3A_189 = arith.constant 0 : i32
      %dma_wait3A_190 = arith.constant 0 : i32
      %dma_wait3A_191 = tpu.memref_slice %arg4[%dma_wait3A_189, %dma_wait3A_190] : memref<32768x1024xf32, #tpu.memory_space<hbm>> -> memref<8x1024xf32, #tpu.memory_space<hbm>>
      tpu.wait_dma2 semaphore(%arg30 : memref<!tpu.dma_semaphore, #tpu.memory_space<semaphore_mem>>) src(%arg16 : memref<8x1024xf32, #tpu.memory_space<vmem>>) dst(%dma_wait3A_191 : memref<8x1024xf32, #tpu.memory_space<hbm>>)
      %parallel_loop3A = arith.constant 0 : i32
      %parallel_loop3A_192 = arith.constant 1024 : i32
      %parallel_loop3A_193 = arith.constant 16 : i32
      scf.for %parallel_loop3A_353 = %parallel_loop3A to %parallel_loop3A_192 step %parallel_loop3A_193  : i32 {
        %parallel_loop3A_354 = arith.constant 0 : i32
        %parallel_loop3A_355 = arith.index_cast %parallel_loop3A_354 : i32 to index
        %parallel_loop3A_356 = arith.index_cast %parallel_loop3A_353 : i32 to index
        %parallel_loop3A_357 = tpu.vector_load %arg17[%parallel_loop3A_355, %parallel_loop3A_356] {strides = array<i32>} : memref<8x1024xf32, #tpu.memory_space<vmem>>, vector<1x16xf32>,
        %parallel_loop3A_358 = vector.shape_cast %parallel_loop3A_357 : vector<1x16xf32> to vector<16xf32>
        %parallel_loop3A_359 = arith.constant 0 : i32
        %parallel_loop3A_360 = arith.index_cast %parallel_loop3A_359 : i32 to index
        %parallel_loop3A_361 = arith.index_cast %parallel_loop3A_353 : i32 to index
        %parallel_loop3A_362 = tpu.vector_load %arg5[%parallel_loop3A_360, %parallel_loop3A_361] {strides = array<i32>} : memref<8x1024xf32, #tpu.memory_space<vmem>>, vector<1x16xf32>,
        %parallel_loop3A_363 = vector.shape_cast %parallel_loop3A_362 : vector<1x16xf32> to vector<16xf32>
        %parallel_loop3A_364 = arith.addf %parallel_loop3A_363, %parallel_loop3A_358 : vector<16xf32>
        %parallel_loop3A_365 = arith.constant 0 : i32
        %parallel_loop3A_366 = arith.index_cast %parallel_loop3A_365 : i32 to index
        %parallel_loop3A_367 = arith.index_cast %parallel_loop3A_353 : i32 to index
        %parallel_loop3A_368 = tpu.vector_load %arg13[%parallel_loop3A_366, %parallel_loop3A_367] {strides = array<i32>} : memref<8x1024xf32, #tpu.memory_space<vmem>>, vector<1x16xf32>,
        %parallel_loop3A_369 = vector.shape_cast %parallel_loop3A_368 : vector<1x16xf32> to vector<16xf32>
        %parallel_loop3A_370 = vector.shape_cast %parallel_loop3A_364 : vector<16xf32> to vector<1x16xf32>
        tpu.vector_store %arg13[%parallel_loop3A_366, %parallel_loop3A_367], %parallel_loop3A_370 {strides = array<i32>} : memref<8x1024xf32, #tpu.memory_space<vmem>>, vector<1x16xf32>,
        %parallel_loop3A_371 = arith.constant 0 : i32
        %parallel_loop3A_372 = arith.index_cast %parallel_loop3A_371 : i32 to index
        %parallel_loop3A_373 = arith.index_cast %parallel_loop3A_353 : i32 to index
        %parallel_loop3A_374 = tpu.vector_load %arg7[%parallel_loop3A_372, %parallel_loop3A_373] {strides = array<i32>} : memref<8x1024xf32, #tpu.memory_space<vmem>>, vector<1x16xf32>,
        %parallel_loop3A_375 = vector.shape_cast %parallel_loop3A_374 : vector<1x16xf32> to vector<16xf32>
        %parallel_loop3A_376 = arith.addf %parallel_loop3A_375, %parallel_loop3A_358 : vector<16xf32>
        %parallel_loop3A_377 = arith.constant 0 : i32
        %parallel_loop3A_378 = arith.index_cast %parallel_loop3A_377 : i32 to index
        %parallel_loop3A_379 = arith.index_cast %parallel_loop3A_353 : i32 to index
        %parallel_loop3A_380 = tpu.vector_load %arg14[%parallel_loop3A_378, %parallel_loop3A_379] {strides = array<i32>} : memref<8x1024xf32, #tpu.memory_space<vmem>>, vector<1x16xf32>,
        %parallel_loop3A_381 = vector.shape_cast %parallel_loop3A_380 : vector<1x16xf32> to vector<16xf32>
        %parallel_loop3A_382 = vector.shape_cast %parallel_loop3A_376 : vector<16xf32> to vector<1x16xf32>
        tpu.vector_store %arg14[%parallel_loop3A_378, %parallel_loop3A_379], %parallel_loop3A_382 {strides = array<i32>} : memref<8x1024xf32, #tpu.memory_space<vmem>>, vector<1x16xf32>,
        %parallel_loop3A_383 = arith.constant 0 : i32
        %parallel_loop3A_384 = arith.index_cast %parallel_loop3A_383 : i32 to index
        %parallel_loop3A_385 = arith.index_cast %parallel_loop3A_353 : i32 to index
        %parallel_loop3A_386 = tpu.vector_load %arg9[%parallel_loop3A_384, %parallel_loop3A_385] {strides = array<i32>} : memref<8x1024xf32, #tpu.memory_space<vmem>>, vector<1x16xf32>,
        %parallel_loop3A_387 = vector.shape_cast %parallel_loop3A_386 : vector<1x16xf32> to vector<16xf32>
        %parallel_loop3A_388 = arith.addf %parallel_loop3A_387, %parallel_loop3A_358 : vector<16xf32>
        %parallel_loop3A_389 = arith.constant 0 : i32
        %parallel_loop3A_390 = arith.index_cast %parallel_loop3A_389 : i32 to index
        %parallel_loop3A_391 = arith.index_cast %parallel_loop3A_353 : i32 to index
        %parallel_loop3A_392 = tpu.vector_load %arg15[%parallel_loop3A_390, %parallel_loop3A_391] {strides = array<i32>} : memref<8x1024xf32, #tpu.memory_space<vmem>>, vector<1x16xf32>,
        %parallel_loop3A_393 = vector.shape_cast %parallel_loop3A_392 : vector<1x16xf32> to vector<16xf32>
        %parallel_loop3A_394 = vector.shape_cast %parallel_loop3A_388 : vector<16xf32> to vector<1x16xf32>
        tpu.vector_store %arg15[%parallel_loop3A_390, %parallel_loop3A_391], %parallel_loop3A_394 {strides = array<i32>} : memref<8x1024xf32, #tpu.memory_space<vmem>>, vector<1x16xf32>,
        %parallel_loop3A_395 = arith.constant 0 : i32
        %parallel_loop3A_396 = arith.index_cast %parallel_loop3A_395 : i32 to index
        %parallel_loop3A_397 = arith.index_cast %parallel_loop3A_353 : i32 to index
        %parallel_loop3A_398 = tpu.vector_load %arg11[%parallel_loop3A_396, %parallel_loop3A_397] {strides = array<i32>} : memref<8x1024xf32, #tpu.memory_space<vmem>>, vector<1x16xf32>,
        %parallel_loop3A_399 = vector.shape_cast %parallel_loop3A_398 : vector<1x16xf32> to vector<16xf32>
        %parallel_loop3A_400 = arith.addf %parallel_loop3A_399, %parallel_loop3A_358 : vector<16xf32>
        %parallel_loop3A_401 = arith.constant 0 : i32
        %parallel_loop3A_402 = arith.index_cast %parallel_loop3A_401 : i32 to index
        %parallel_loop3A_403 = arith.index_cast %parallel_loop3A_353 : i32 to index
        %parallel_loop3A_404 = tpu.vector_load %arg16[%parallel_loop3A_402, %parallel_loop3A_403] {strides = array<i32>} : memref<8x1024xf32, #tpu.memory_space<vmem>>, vector<1x16xf32>,
        %parallel_loop3A_405 = vector.shape_cast %parallel_loop3A_404 : vector<1x16xf32> to vector<16xf32>
        %parallel_loop3A_406 = vector.shape_cast %parallel_loop3A_400 : vector<16xf32> to vector<1x16xf32>
        tpu.vector_store %arg16[%parallel_loop3A_402, %parallel_loop3A_403], %parallel_loop3A_406 {strides = array<i32>} : memref<8x1024xf32, #tpu.memory_space<vmem>>, vector<1x16xf32>,
      } {sc.loop_unroll_factor = 8 : i64, sc.parallel_access}
      %parallel_loop3A_194 = arith.constant 0 : i32
      %parallel_loop3A_195 = arith.constant 1024 : i32
      %parallel_loop3A_196 = arith.constant 16 : i32
      scf.for %parallel_loop3A_353 = %parallel_loop3A_194 to %parallel_loop3A_195 step %parallel_loop3A_196  : i32 {
        %parallel_loop3A_354 = arith.constant 1 : i32
        %parallel_loop3A_355 = arith.index_cast %parallel_loop3A_354 : i32 to index
        %parallel_loop3A_356 = arith.index_cast %parallel_loop3A_353 : i32 to index
        %parallel_loop3A_357 = tpu.vector_load %arg17[%parallel_loop3A_355, %parallel_loop3A_356] {strides = array<i32>} : memref<8x1024xf32, #tpu.memory_space<vmem>>, vector<1x16xf32>,
        %parallel_loop3A_358 = vector.shape_cast %parallel_loop3A_357 : vector<1x16xf32> to vector<16xf32>
        %parallel_loop3A_359 = arith.constant 1 : i32
        %parallel_loop3A_360 = arith.index_cast %parallel_loop3A_359 : i32 to index
        %parallel_loop3A_361 = arith.index_cast %parallel_loop3A_353 : i32 to index
        %parallel_loop3A_362 = tpu.vector_load %arg5[%parallel_loop3A_360, %parallel_loop3A_361] {strides = array<i32>} : memref<8x1024xf32, #tpu.memory_space<vmem>>, vector<1x16xf32>,
        %parallel_loop3A_363 = vector.shape_cast %parallel_loop3A_362 : vector<1x16xf32> to vector<16xf32>
        %parallel_loop3A_364 = arith.addf %parallel_loop3A_363, %parallel_loop3A_358 : vector<16xf32>
        %parallel_loop3A_365 = arith.constant 1 : i32
        %parallel_loop3A_366 = arith.index_cast %parallel_loop3A_365 : i32 to index
        %parallel_loop3A_367 = arith.index_cast %parallel_loop3A_353 : i32 to index
        %parallel_loop3A_368 = tpu.vector_load %arg13[%parallel_loop3A_366, %parallel_loop3A_367] {strides = array<i32>} : memref<8x1024xf32, #tpu.memory_space<vmem>>, vector<1x16xf32>,
        %parallel_loop3A_369 = vector.shape_cast %parallel_loop3A_368 : vector<1x16xf32> to vector<16xf32>
        %parallel_loop3A_370 = vector.shape_cast %parallel_loop3A_364 : vector<16xf32> to vector<1x16xf32>
        tpu.vector_store %arg13[%parallel_loop3A_366, %parallel_loop3A_367], %parallel_loop3A_370 {strides = array<i32>} : memref<8x1024xf32, #tpu.memory_space<vmem>>, vector<1x16xf32>,
        %parallel_loop3A_371 = arith.constant 1 : i32
        %parallel_loop3A_372 = arith.index_cast %parallel_loop3A_371 : i32 to index
        %parallel_loop3A_373 = arith.index_cast %parallel_loop3A_353 : i32 to index
        %parallel_loop3A_374 = tpu.vector_load %arg7[%parallel_loop3A_372, %parallel_loop3A_373] {strides = array<i32>} : memref<8x1024xf32, #tpu.memory_space<vmem>>, vector<1x16xf32>,
        %parallel_loop3A_375 = vector.shape_cast %parallel_loop3A_374 : vector<1x16xf32> to vector<16xf32>
        %parallel_loop3A_376 = arith.addf %parallel_loop3A_375, %parallel_loop3A_358 : vector<16xf32>
        %parallel_loop3A_377 = arith.constant 1 : i32
        %parallel_loop3A_378 = arith.index_cast %parallel_loop3A_377 : i32 to index
        %parallel_loop3A_379 = arith.index_cast %parallel_loop3A_353 : i32 to index
        %parallel_loop3A_380 = tpu.vector_load %arg14[%parallel_loop3A_378, %parallel_loop3A_379] {strides = array<i32>} : memref<8x1024xf32, #tpu.memory_space<vmem>>, vector<1x16xf32>,
        %parallel_loop3A_381 = vector.shape_cast %parallel_loop3A_380 : vector<1x16xf32> to vector<16xf32>
        %parallel_loop3A_382 = vector.shape_cast %parallel_loop3A_376 : vector<16xf32> to vector<1x16xf32>
        tpu.vector_store %arg14[%parallel_loop3A_378, %parallel_loop3A_379], %parallel_loop3A_382 {strides = array<i32>} : memref<8x1024xf32, #tpu.memory_space<vmem>>, vector<1x16xf32>,
        %parallel_loop3A_383 = arith.constant 1 : i32
        %parallel_loop3A_384 = arith.index_cast %parallel_loop3A_383 : i32 to index
        %parallel_loop3A_385 = arith.index_cast %parallel_loop3A_353 : i32 to index
        %parallel_loop3A_386 = tpu.vector_load %arg9[%parallel_loop3A_384, %parallel_loop3A_385] {strides = array<i32>} : memref<8x1024xf32, #tpu.memory_space<vmem>>, vector<1x16xf32>,
        %parallel_loop3A_387 = vector.shape_cast %parallel_loop3A_386 : vector<1x16xf32> to vector<16xf32>
        %parallel_loop3A_388 = arith.addf %parallel_loop3A_387, %parallel_loop3A_358 : vector<16xf32>
        %parallel_loop3A_389 = arith.constant 1 : i32
        %parallel_loop3A_390 = arith.index_cast %parallel_loop3A_389 : i32 to index
        %parallel_loop3A_391 = arith.index_cast %parallel_loop3A_353 : i32 to index
        %parallel_loop3A_392 = tpu.vector_load %arg15[%parallel_loop3A_390, %parallel_loop3A_391] {strides = array<i32>} : memref<8x1024xf32, #tpu.memory_space<vmem>>, vector<1x16xf32>,
        %parallel_loop3A_393 = vector.shape_cast %parallel_loop3A_392 : vector<1x16xf32> to vector<16xf32>
        %parallel_loop3A_394 = vector.shape_cast %parallel_loop3A_388 : vector<16xf32> to vector<1x16xf32>
        tpu.vector_store %arg15[%parallel_loop3A_390, %parallel_loop3A_391], %parallel_loop3A_394 {strides = array<i32>} : memref<8x1024xf32, #tpu.memory_space<vmem>>, vector<1x16xf32>,
        %parallel_loop3A_395 = arith.constant 1 : i32
        %parallel_loop3A_396 = arith.index_cast %parallel_loop3A_395 : i32 to index
        %parallel_loop3A_397 = arith.index_cast %parallel_loop3A_353 : i32 to index
        %parallel_loop3A_398 = tpu.vector_load %arg11[%parallel_loop3A_396, %parallel_loop3A_397] {strides = array<i32>} : memref<8x1024xf32, #tpu.memory_space<vmem>>, vector<1x16xf32>,
        %parallel_loop3A_399 = vector.shape_cast %parallel_loop3A_398 : vector<1x16xf32> to vector<16xf32>
        %parallel_loop3A_400 = arith.addf %parallel_loop3A_399, %parallel_loop3A_358 : vector<16xf32>
        %parallel_loop3A_401 = arith.constant 1 : i32
        %parallel_loop3A_402 = arith.index_cast %parallel_loop3A_401 : i32 to index
        %parallel_loop3A_403 = arith.index_cast %parallel_loop3A_353 : i32 to index
        %parallel_loop3A_404 = tpu.vector_load %arg16[%parallel_loop3A_402, %parallel_loop3A_403] {strides = array<i32>} : memref<8x1024xf32, #tpu.memory_space<vmem>>, vector<1x16xf32>,
        %parallel_loop3A_405 = vector.shape_cast %parallel_loop3A_404 : vector<1x16xf32> to vector<16xf32>
        %parallel_loop3A_406 = vector.shape_cast %parallel_loop3A_400 : vector<16xf32> to vector<1x16xf32>
        tpu.vector_store %arg16[%parallel_loop3A_402, %parallel_loop3A_403], %parallel_loop3A_406 {strides = array<i32>} : memref<8x1024xf32, #tpu.memory_space<vmem>>, vector<1x16xf32>,
      } {sc.loop_unroll_factor = 8 : i64, sc.parallel_access}
      %parallel_loop3A_197 = arith.constant 0 : i32
      %parallel_loop3A_198 = arith.constant 1024 : i32
      %parallel_loop3A_199 = arith.constant 16 : i32
      scf.for %parallel_loop3A_353 = %parallel_loop3A_197 to %parallel_loop3A_198 step %parallel_loop3A_199  : i32 {
        %parallel_loop3A_354 = arith.constant 2 : i32
        %parallel_loop3A_355 = arith.index_cast %parallel_loop3A_354 : i32 to index
        %parallel_loop3A_356 = arith.index_cast %parallel_loop3A_353 : i32 to index
        %parallel_loop3A_357 = tpu.vector_load %arg17[%parallel_loop3A_355, %parallel_loop3A_356] {strides = array<i32>} : memref<8x1024xf32, #tpu.memory_space<vmem>>, vector<1x16xf32>,
        %parallel_loop3A_358 = vector.shape_cast %parallel_loop3A_357 : vector<1x16xf32> to vector<16xf32>
        %parallel_loop3A_359 = arith.constant 2 : i32
        %parallel_loop3A_360 = arith.index_cast %parallel_loop3A_359 : i32 to index
        %parallel_loop3A_361 = arith.index_cast %parallel_loop3A_353 : i32 to index
        %parallel_loop3A_362 = tpu.vector_load %arg5[%parallel_loop3A_360, %parallel_loop3A_361] {strides = array<i32>} : memref<8x1024xf32, #tpu.memory_space<vmem>>, vector<1x16xf32>,
        %parallel_loop3A_363 = vector.shape_cast %parallel_loop3A_362 : vector<1x16xf32> to vector<16xf32>
        %parallel_loop3A_364 = arith.addf %parallel_loop3A_363, %parallel_loop3A_358 : vector<16xf32>
        %parallel_loop3A_365 = arith.constant 2 : i32
        %parallel_loop3A_366 = arith.index_cast %parallel_loop3A_365 : i32 to index
        %parallel_loop3A_367 = arith.index_cast %parallel_loop3A_353 : i32 to index
        %parallel_loop3A_368 = tpu.vector_load %arg13[%parallel_loop3A_366, %parallel_loop3A_367] {strides = array<i32>} : memref<8x1024xf32, #tpu.memory_space<vmem>>, vector<1x16xf32>,
        %parallel_loop3A_369 = vector.shape_cast %parallel_loop3A_368 : vector<1x16xf32> to vector<16xf32>
        %parallel_loop3A_370 = vector.shape_cast %parallel_loop3A_364 : vector<16xf32> to vector<1x16xf32>
        tpu.vector_store %arg13[%parallel_loop3A_366, %parallel_loop3A_367], %parallel_loop3A_370 {strides = array<i32>} : memref<8x1024xf32, #tpu.memory_space<vmem>>, vector<1x16xf32>,
        %parallel_loop3A_371 = arith.constant 2 : i32
        %parallel_loop3A_372 = arith.index_cast %parallel_loop3A_371 : i32 to index
        %parallel_loop3A_373 = arith.index_cast %parallel_loop3A_353 : i32 to index
        %parallel_loop3A_374 = tpu.vector_load %arg7[%parallel_loop3A_372, %parallel_loop3A_373] {strides = array<i32>} : memref<8x1024xf32, #tpu.memory_space<vmem>>, vector<1x16xf32>,
        %parallel_loop3A_375 = vector.shape_cast %parallel_loop3A_374 : vector<1x16xf32> to vector<16xf32>
        %parallel_loop3A_376 = arith.addf %parallel_loop3A_375, %parallel_loop3A_358 : vector<16xf32>
        %parallel_loop3A_377 = arith.constant 2 : i32
        %parallel_loop3A_378 = arith.index_cast %parallel_loop3A_377 : i32 to index
        %parallel_loop3A_379 = arith.index_cast %parallel_loop3A_353 : i32 to index
        %parallel_loop3A_380 = tpu.vector_load %arg14[%parallel_loop3A_378, %parallel_loop3A_379] {strides = array<i32>} : memref<8x1024xf32, #tpu.memory_space<vmem>>, vector<1x16xf32>,
        %parallel_loop3A_381 = vector.shape_cast %parallel_loop3A_380 : vector<1x16xf32> to vector<16xf32>
        %parallel_loop3A_382 = vector.shape_cast %parallel_loop3A_376 : vector<16xf32> to vector<1x16xf32>
        tpu.vector_store %arg14[%parallel_loop3A_378, %parallel_loop3A_379], %parallel_loop3A_382 {strides = array<i32>} : memref<8x1024xf32, #tpu.memory_space<vmem>>, vector<1x16xf32>,
        %parallel_loop3A_383 = arith.constant 2 : i32
        %parallel_loop3A_384 = arith.index_cast %parallel_loop3A_383 : i32 to index
        %parallel_loop3A_385 = arith.index_cast %parallel_loop3A_353 : i32 to index
        %parallel_loop3A_386 = tpu.vector_load %arg9[%parallel_loop3A_384, %parallel_loop3A_385] {strides = array<i32>} : memref<8x1024xf32, #tpu.memory_space<vmem>>, vector<1x16xf32>,
        %parallel_loop3A_387 = vector.shape_cast %parallel_loop3A_386 : vector<1x16xf32> to vector<16xf32>
        %parallel_loop3A_388 = arith.addf %parallel_loop3A_387, %parallel_loop3A_358 : vector<16xf32>
        %parallel_loop3A_389 = arith.constant 2 : i32
        %parallel_loop3A_390 = arith.index_cast %parallel_loop3A_389 : i32 to index
        %parallel_loop3A_391 = arith.index_cast %parallel_loop3A_353 : i32 to index
        %parallel_loop3A_392 = tpu.vector_load %arg15[%parallel_loop3A_390, %parallel_loop3A_391] {strides = array<i32>} : memref<8x1024xf32, #tpu.memory_space<vmem>>, vector<1x16xf32>,
        %parallel_loop3A_393 = vector.shape_cast %parallel_loop3A_392 : vector<1x16xf32> to vector<16xf32>
        %parallel_loop3A_394 = vector.shape_cast %parallel_loop3A_388 : vector<16xf32> to vector<1x16xf32>
        tpu.vector_store %arg15[%parallel_loop3A_390, %parallel_loop3A_391], %parallel_loop3A_394 {strides = array<i32>} : memref<8x1024xf32, #tpu.memory_space<vmem>>, vector<1x16xf32>,
        %parallel_loop3A_395 = arith.constant 2 : i32
        %parallel_loop3A_396 = arith.index_cast %parallel_loop3A_395 : i32 to index
        %parallel_loop3A_397 = arith.index_cast %parallel_loop3A_353 : i32 to index
        %parallel_loop3A_398 = tpu.vector_load %arg11[%parallel_loop3A_396, %parallel_loop3A_397] {strides = array<i32>} : memref<8x1024xf32, #tpu.memory_space<vmem>>, vector<1x16xf32>,
        %parallel_loop3A_399 = vector.shape_cast %parallel_loop3A_398 : vector<1x16xf32> to vector<16xf32>
        %parallel_loop3A_400 = arith.addf %parallel_loop3A_399, %parallel_loop3A_358 : vector<16xf32>
        %parallel_loop3A_401 = arith.constant 2 : i32
        %parallel_loop3A_402 = arith.index_cast %parallel_loop3A_401 : i32 to index
        %parallel_loop3A_403 = arith.index_cast %parallel_loop3A_353 : i32 to index
        %parallel_loop3A_404 = tpu.vector_load %arg16[%parallel_loop3A_402, %parallel_loop3A_403] {strides = array<i32>} : memref<8x1024xf32, #tpu.memory_space<vmem>>, vector<1x16xf32>,
        %parallel_loop3A_405 = vector.shape_cast %parallel_loop3A_404 : vector<1x16xf32> to vector<16xf32>
        %parallel_loop3A_406 = vector.shape_cast %parallel_loop3A_400 : vector<16xf32> to vector<1x16xf32>
        tpu.vector_store %arg16[%parallel_loop3A_402, %parallel_loop3A_403], %parallel_loop3A_406 {strides = array<i32>} : memref<8x1024xf32, #tpu.memory_space<vmem>>, vector<1x16xf32>,
      } {sc.loop_unroll_factor = 8 : i64, sc.parallel_access}
      %parallel_loop3A_200 = arith.constant 0 : i32
      %parallel_loop3A_201 = arith.constant 1024 : i32
      %parallel_loop3A_202 = arith.constant 16 : i32
      scf.for %parallel_loop3A_353 = %parallel_loop3A_200 to %parallel_loop3A_201 step %parallel_loop3A_202  : i32 {
        %parallel_loop3A_354 = arith.constant 3 : i32
        %parallel_loop3A_355 = arith.index_cast %parallel_loop3A_354 : i32 to index
        %parallel_loop3A_356 = arith.index_cast %parallel_loop3A_353 : i32 to index
        %parallel_loop3A_357 = tpu.vector_load %arg17[%parallel_loop3A_355, %parallel_loop3A_356] {strides = array<i32>} : memref<8x1024xf32, #tpu.memory_space<vmem>>, vector<1x16xf32>,
        %parallel_loop3A_358 = vector.shape_cast %parallel_loop3A_357 : vector<1x16xf32> to vector<16xf32>
        %parallel_loop3A_359 = arith.constant 3 : i32
        %parallel_loop3A_360 = arith.index_cast %parallel_loop3A_359 : i32 to index
        %parallel_loop3A_361 = arith.index_cast %parallel_loop3A_353 : i32 to index
        %parallel_loop3A_362 = tpu.vector_load %arg5[%parallel_loop3A_360, %parallel_loop3A_361] {strides = array<i32>} : memref<8x1024xf32, #tpu.memory_space<vmem>>, vector<1x16xf32>,
        %parallel_loop3A_363 = vector.shape_cast %parallel_loop3A_362 : vector<1x16xf32> to vector<16xf32>
        %parallel_loop3A_364 = arith.addf %parallel_loop3A_363, %parallel_loop3A_358 : vector<16xf32>
        %parallel_loop3A_365 = arith.constant 3 : i32
        %parallel_loop3A_366 = arith.index_cast %parallel_loop3A_365 : i32 to index
        %parallel_loop3A_367 = arith.index_cast %parallel_loop3A_353 : i32 to index
        %parallel_loop3A_368 = tpu.vector_load %arg13[%parallel_loop3A_366, %parallel_loop3A_367] {strides = array<i32>} : memref<8x1024xf32, #tpu.memory_space<vmem>>, vector<1x16xf32>,
        %parallel_loop3A_369 = vector.shape_cast %parallel_loop3A_368 : vector<1x16xf32> to vector<16xf32>
        %parallel_loop3A_370 = vector.shape_cast %parallel_loop3A_364 : vector<16xf32> to vector<1x16xf32>
        tpu.vector_store %arg13[%parallel_loop3A_366, %parallel_loop3A_367], %parallel_loop3A_370 {strides = array<i32>} : memref<8x1024xf32, #tpu.memory_space<vmem>>, vector<1x16xf32>,
        %parallel_loop3A_371 = arith.constant 3 : i32
        %parallel_loop3A_372 = arith.index_cast %parallel_loop3A_371 : i32 to index
        %parallel_loop3A_373 = arith.index_cast %parallel_loop3A_353 : i32 to index
        %parallel_loop3A_374 = tpu.vector_load %arg7[%parallel_loop3A_372, %parallel_loop3A_373] {strides = array<i32>} : memref<8x1024xf32, #tpu.memory_space<vmem>>, vector<1x16xf32>,
        %parallel_loop3A_375 = vector.shape_cast %parallel_loop3A_374 : vector<1x16xf32> to vector<16xf32>
        %parallel_loop3A_376 = arith.addf %parallel_loop3A_375, %parallel_loop3A_358 : vector<16xf32>
        %parallel_loop3A_377 = arith.constant 3 : i32
        %parallel_loop3A_378 = arith.index_cast %parallel_loop3A_377 : i32 to index
        %parallel_loop3A_379 = arith.index_cast %parallel_loop3A_353 : i32 to index
        %parallel_loop3A_380 = tpu.vector_load %arg14[%parallel_loop3A_378, %parallel_loop3A_379] {strides = array<i32>} : memref<8x1024xf32, #tpu.memory_space<vmem>>, vector<1x16xf32>,
        %parallel_loop3A_381 = vector.shape_cast %parallel_loop3A_380 : vector<1x16xf32> to vector<16xf32>
        %parallel_loop3A_382 = vector.shape_cast %parallel_loop3A_376 : vector<16xf32> to vector<1x16xf32>
        tpu.vector_store %arg14[%parallel_loop3A_378, %parallel_loop3A_379], %parallel_loop3A_382 {strides = array<i32>} : memref<8x1024xf32, #tpu.memory_space<vmem>>, vector<1x16xf32>,
        %parallel_loop3A_383 = arith.constant 3 : i32
        %parallel_loop3A_384 = arith.index_cast %parallel_loop3A_383 : i32 to index
        %parallel_loop3A_385 = arith.index_cast %parallel_loop3A_353 : i32 to index
        %parallel_loop3A_386 = tpu.vector_load %arg9[%parallel_loop3A_384, %parallel_loop3A_385] {strides = array<i32>} : memref<8x1024xf32, #tpu.memory_space<vmem>>, vector<1x16xf32>,
        %parallel_loop3A_387 = vector.shape_cast %parallel_loop3A_386 : vector<1x16xf32> to vector<16xf32>
        %parallel_loop3A_388 = arith.addf %parallel_loop3A_387, %parallel_loop3A_358 : vector<16xf32>
        %parallel_loop3A_389 = arith.constant 3 : i32
        %parallel_loop3A_390 = arith.index_cast %parallel_loop3A_389 : i32 to index
        %parallel_loop3A_391 = arith.index_cast %parallel_loop3A_353 : i32 to index
        %parallel_loop3A_392 = tpu.vector_load %arg15[%parallel_loop3A_390, %parallel_loop3A_391] {strides = array<i32>} : memref<8x1024xf32, #tpu.memory_space<vmem>>, vector<1x16xf32>,
        %parallel_loop3A_393 = vector.shape_cast %parallel_loop3A_392 : vector<1x16xf32> to vector<16xf32>
        %parallel_loop3A_394 = vector.shape_cast %parallel_loop3A_388 : vector<16xf32> to vector<1x16xf32>
        tpu.vector_store %arg15[%parallel_loop3A_390, %parallel_loop3A_391], %parallel_loop3A_394 {strides = array<i32>} : memref<8x1024xf32, #tpu.memory_space<vmem>>, vector<1x16xf32>,
        %parallel_loop3A_395 = arith.constant 3 : i32
        %parallel_loop3A_396 = arith.index_cast %parallel_loop3A_395 : i32 to index
        %parallel_loop3A_397 = arith.index_cast %parallel_loop3A_353 : i32 to index
        %parallel_loop3A_398 = tpu.vector_load %arg11[%parallel_loop3A_396, %parallel_loop3A_397] {strides = array<i32>} : memref<8x1024xf32, #tpu.memory_space<vmem>>, vector<1x16xf32>,
        %parallel_loop3A_399 = vector.shape_cast %parallel_loop3A_398 : vector<1x16xf32> to vector<16xf32>
        %parallel_loop3A_400 = arith.addf %parallel_loop3A_399, %parallel_loop3A_358 : vector<16xf32>
        %parallel_loop3A_401 = arith.constant 3 : i32
        %parallel_loop3A_402 = arith.index_cast %parallel_loop3A_401 : i32 to index
        %parallel_loop3A_403 = arith.index_cast %parallel_loop3A_353 : i32 to index
        %parallel_loop3A_404 = tpu.vector_load %arg16[%parallel_loop3A_402, %parallel_loop3A_403] {strides = array<i32>} : memref<8x1024xf32, #tpu.memory_space<vmem>>, vector<1x16xf32>,
        %parallel_loop3A_405 = vector.shape_cast %parallel_loop3A_404 : vector<1x16xf32> to vector<16xf32>
        %parallel_loop3A_406 = vector.shape_cast %parallel_loop3A_400 : vector<16xf32> to vector<1x16xf32>
        tpu.vector_store %arg16[%parallel_loop3A_402, %parallel_loop3A_403], %parallel_loop3A_406 {strides = array<i32>} : memref<8x1024xf32, #tpu.memory_space<vmem>>, vector<1x16xf32>,
      } {sc.loop_unroll_factor = 8 : i64, sc.parallel_access}
      %parallel_loop3A_203 = arith.constant 0 : i32
      %parallel_loop3A_204 = arith.constant 1024 : i32
      %parallel_loop3A_205 = arith.constant 16 : i32
      scf.for %parallel_loop3A_353 = %parallel_loop3A_203 to %parallel_loop3A_204 step %parallel_loop3A_205  : i32 {
        %parallel_loop3A_354 = arith.constant 4 : i32
        %parallel_loop3A_355 = arith.index_cast %parallel_loop3A_354 : i32 to index
        %parallel_loop3A_356 = arith.index_cast %parallel_loop3A_353 : i32 to index
        %parallel_loop3A_357 = tpu.vector_load %arg17[%parallel_loop3A_355, %parallel_loop3A_356] {strides = array<i32>} : memref<8x1024xf32, #tpu.memory_space<vmem>>, vector<1x16xf32>,
        %parallel_loop3A_358 = vector.shape_cast %parallel_loop3A_357 : vector<1x16xf32> to vector<16xf32>
        %parallel_loop3A_359 = arith.constant 4 : i32
        %parallel_loop3A_360 = arith.index_cast %parallel_loop3A_359 : i32 to index
        %parallel_loop3A_361 = arith.index_cast %parallel_loop3A_353 : i32 to index
        %parallel_loop3A_362 = tpu.vector_load %arg5[%parallel_loop3A_360, %parallel_loop3A_361] {strides = array<i32>} : memref<8x1024xf32, #tpu.memory_space<vmem>>, vector<1x16xf32>,
        %parallel_loop3A_363 = vector.shape_cast %parallel_loop3A_362 : vector<1x16xf32> to vector<16xf32>
        %parallel_loop3A_364 = arith.addf %parallel_loop3A_363, %parallel_loop3A_358 : vector<16xf32>
        %parallel_loop3A_365 = arith.constant 4 : i32
        %parallel_loop3A_366 = arith.index_cast %parallel_loop3A_365 : i32 to index
        %parallel_loop3A_367 = arith.index_cast %parallel_loop3A_353 : i32 to index
        %parallel_loop3A_368 = tpu.vector_load %arg13[%parallel_loop3A_366, %parallel_loop3A_367] {strides = array<i32>} : memref<8x1024xf32, #tpu.memory_space<vmem>>, vector<1x16xf32>,
        %parallel_loop3A_369 = vector.shape_cast %parallel_loop3A_368 : vector<1x16xf32> to vector<16xf32>
        %parallel_loop3A_370 = vector.shape_cast %parallel_loop3A_364 : vector<16xf32> to vector<1x16xf32>
        tpu.vector_store %arg13[%parallel_loop3A_366, %parallel_loop3A_367], %parallel_loop3A_370 {strides = array<i32>} : memref<8x1024xf32, #tpu.memory_space<vmem>>, vector<1x16xf32>,
        %parallel_loop3A_371 = arith.constant 4 : i32
        %parallel_loop3A_372 = arith.index_cast %parallel_loop3A_371 : i32 to index
        %parallel_loop3A_373 = arith.index_cast %parallel_loop3A_353 : i32 to index
        %parallel_loop3A_374 = tpu.vector_load %arg7[%parallel_loop3A_372, %parallel_loop3A_373] {strides = array<i32>} : memref<8x1024xf32, #tpu.memory_space<vmem>>, vector<1x16xf32>,
        %parallel_loop3A_375 = vector.shape_cast %parallel_loop3A_374 : vector<1x16xf32> to vector<16xf32>
        %parallel_loop3A_376 = arith.addf %parallel_loop3A_375, %parallel_loop3A_358 : vector<16xf32>
        %parallel_loop3A_377 = arith.constant 4 : i32
        %parallel_loop3A_378 = arith.index_cast %parallel_loop3A_377 : i32 to index
        %parallel_loop3A_379 = arith.index_cast %parallel_loop3A_353 : i32 to index
        %parallel_loop3A_380 = tpu.vector_load %arg14[%parallel_loop3A_378, %parallel_loop3A_379] {strides = array<i32>} : memref<8x1024xf32, #tpu.memory_space<vmem>>, vector<1x16xf32>,
        %parallel_loop3A_381 = vector.shape_cast %parallel_loop3A_380 : vector<1x16xf32> to vector<16xf32>
        %parallel_loop3A_382 = vector.shape_cast %parallel_loop3A_376 : vector<16xf32> to vector<1x16xf32>
        tpu.vector_store %arg14[%parallel_loop3A_378, %parallel_loop3A_379], %parallel_loop3A_382 {strides = array<i32>} : memref<8x1024xf32, #tpu.memory_space<vmem>>, vector<1x16xf32>,
        %parallel_loop3A_383 = arith.constant 4 : i32
        %parallel_loop3A_384 = arith.index_cast %parallel_loop3A_383 : i32 to index
        %parallel_loop3A_385 = arith.index_cast %parallel_loop3A_353 : i32 to index
        %parallel_loop3A_386 = tpu.vector_load %arg9[%parallel_loop3A_384, %parallel_loop3A_385] {strides = array<i32>} : memref<8x1024xf32, #tpu.memory_space<vmem>>, vector<1x16xf32>,
        %parallel_loop3A_387 = vector.shape_cast %parallel_loop3A_386 : vector<1x16xf32> to vector<16xf32>
        %parallel_loop3A_388 = arith.addf %parallel_loop3A_387, %parallel_loop3A_358 : vector<16xf32>
        %parallel_loop3A_389 = arith.constant 4 : i32
        %parallel_loop3A_390 = arith.index_cast %parallel_loop3A_389 : i32 to index
        %parallel_loop3A_391 = arith.index_cast %parallel_loop3A_353 : i32 to index
        %parallel_loop3A_392 = tpu.vector_load %arg15[%parallel_loop3A_390, %parallel_loop3A_391] {strides = array<i32>} : memref<8x1024xf32, #tpu.memory_space<vmem>>, vector<1x16xf32>,
        %parallel_loop3A_393 = vector.shape_cast %parallel_loop3A_392 : vector<1x16xf32> to vector<16xf32>
        %parallel_loop3A_394 = vector.shape_cast %parallel_loop3A_388 : vector<16xf32> to vector<1x16xf32>
        tpu.vector_store %arg15[%parallel_loop3A_390, %parallel_loop3A_391], %parallel_loop3A_394 {strides = array<i32>} : memref<8x1024xf32, #tpu.memory_space<vmem>>, vector<1x16xf32>,
        %parallel_loop3A_395 = arith.constant 4 : i32
        %parallel_loop3A_396 = arith.index_cast %parallel_loop3A_395 : i32 to index
        %parallel_loop3A_397 = arith.index_cast %parallel_loop3A_353 : i32 to index
        %parallel_loop3A_398 = tpu.vector_load %arg11[%parallel_loop3A_396, %parallel_loop3A_397] {strides = array<i32>} : memref<8x1024xf32, #tpu.memory_space<vmem>>, vector<1x16xf32>,
        %parallel_loop3A_399 = vector.shape_cast %parallel_loop3A_398 : vector<1x16xf32> to vector<16xf32>
        %parallel_loop3A_400 = arith.addf %parallel_loop3A_399, %parallel_loop3A_358 : vector<16xf32>
        %parallel_loop3A_401 = arith.constant 4 : i32
        %parallel_loop3A_402 = arith.index_cast %parallel_loop3A_401 : i32 to index
        %parallel_loop3A_403 = arith.index_cast %parallel_loop3A_353 : i32 to index
        %parallel_loop3A_404 = tpu.vector_load %arg16[%parallel_loop3A_402, %parallel_loop3A_403] {strides = array<i32>} : memref<8x1024xf32, #tpu.memory_space<vmem>>, vector<1x16xf32>,
        %parallel_loop3A_405 = vector.shape_cast %parallel_loop3A_404 : vector<1x16xf32> to vector<16xf32>
        %parallel_loop3A_406 = vector.shape_cast %parallel_loop3A_400 : vector<16xf32> to vector<1x16xf32>
        tpu.vector_store %arg16[%parallel_loop3A_402, %parallel_loop3A_403], %parallel_loop3A_406 {strides = array<i32>} : memref<8x1024xf32, #tpu.memory_space<vmem>>, vector<1x16xf32>,
      } {sc.loop_unroll_factor = 8 : i64, sc.parallel_access}
      %parallel_loop3A_206 = arith.constant 0 : i32
      %parallel_loop3A_207 = arith.constant 1024 : i32
      %parallel_loop3A_208 = arith.constant 16 : i32
      scf.for %parallel_loop3A_353 = %parallel_loop3A_206 to %parallel_loop3A_207 step %parallel_loop3A_208  : i32 {
        %parallel_loop3A_354 = arith.constant 5 : i32
        %parallel_loop3A_355 = arith.index_cast %parallel_loop3A_354 : i32 to index
        %parallel_loop3A_356 = arith.index_cast %parallel_loop3A_353 : i32 to index
        %parallel_loop3A_357 = tpu.vector_load %arg17[%parallel_loop3A_355, %parallel_loop3A_356] {strides = array<i32>} : memref<8x1024xf32, #tpu.memory_space<vmem>>, vector<1x16xf32>,
        %parallel_loop3A_358 = vector.shape_cast %parallel_loop3A_357 : vector<1x16xf32> to vector<16xf32>
        %parallel_loop3A_359 = arith.constant 5 : i32
        %parallel_loop3A_360 = arith.index_cast %parallel_loop3A_359 : i32 to index
        %parallel_loop3A_361 = arith.index_cast %parallel_loop3A_353 : i32 to index
        %parallel_loop3A_362 = tpu.vector_load %arg5[%parallel_loop3A_360, %parallel_loop3A_361] {strides = array<i32>} : memref<8x1024xf32, #tpu.memory_space<vmem>>, vector<1x16xf32>,
        %parallel_loop3A_363 = vector.shape_cast %parallel_loop3A_362 : vector<1x16xf32> to vector<16xf32>
        %parallel_loop3A_364 = arith.addf %parallel_loop3A_363, %parallel_loop3A_358 : vector<16xf32>
        %parallel_loop3A_365 = arith.constant 5 : i32
        %parallel_loop3A_366 = arith.index_cast %parallel_loop3A_365 : i32 to index
        %parallel_loop3A_367 = arith.index_cast %parallel_loop3A_353 : i32 to index
        %parallel_loop3A_368 = tpu.vector_load %arg13[%parallel_loop3A_366, %parallel_loop3A_367] {strides = array<i32>} : memref<8x1024xf32, #tpu.memory_space<vmem>>, vector<1x16xf32>,
        %parallel_loop3A_369 = vector.shape_cast %parallel_loop3A_368 : vector<1x16xf32> to vector<16xf32>
        %parallel_loop3A_370 = vector.shape_cast %parallel_loop3A_364 : vector<16xf32> to vector<1x16xf32>
        tpu.vector_store %arg13[%parallel_loop3A_366, %parallel_loop3A_367], %parallel_loop3A_370 {strides = array<i32>} : memref<8x1024xf32, #tpu.memory_space<vmem>>, vector<1x16xf32>,
        %parallel_loop3A_371 = arith.constant 5 : i32
        %parallel_loop3A_372 = arith.index_cast %parallel_loop3A_371 : i32 to index
        %parallel_loop3A_373 = arith.index_cast %parallel_loop3A_353 : i32 to index
        %parallel_loop3A_374 = tpu.vector_load %arg7[%parallel_loop3A_372, %parallel_loop3A_373] {strides = array<i32>} : memref<8x1024xf32, #tpu.memory_space<vmem>>, vector<1x16xf32>,
        %parallel_loop3A_375 = vector.shape_cast %parallel_loop3A_374 : vector<1x16xf32> to vector<16xf32>
        %parallel_loop3A_376 = arith.addf %parallel_loop3A_375, %parallel_loop3A_358 : vector<16xf32>
        %parallel_loop3A_377 = arith.constant 5 : i32
        %parallel_loop3A_378 = arith.index_cast %parallel_loop3A_377 : i32 to index
        %parallel_loop3A_379 = arith.index_cast %parallel_loop3A_353 : i32 to index
        %parallel_loop3A_380 = tpu.vector_load %arg14[%parallel_loop3A_378, %parallel_loop3A_379] {strides = array<i32>} : memref<8x1024xf32, #tpu.memory_space<vmem>>, vector<1x16xf32>,
        %parallel_loop3A_381 = vector.shape_cast %parallel_loop3A_380 : vector<1x16xf32> to vector<16xf32>
        %parallel_loop3A_382 = vector.shape_cast %parallel_loop3A_376 : vector<16xf32> to vector<1x16xf32>
        tpu.vector_store %arg14[%parallel_loop3A_378, %parallel_loop3A_379], %parallel_loop3A_382 {strides = array<i32>} : memref<8x1024xf32, #tpu.memory_space<vmem>>, vector<1x16xf32>,
        %parallel_loop3A_383 = arith.constant 5 : i32
        %parallel_loop3A_384 = arith.index_cast %parallel_loop3A_383 : i32 to index
        %parallel_loop3A_385 = arith.index_cast %parallel_loop3A_353 : i32 to index
        %parallel_loop3A_386 = tpu.vector_load %arg9[%parallel_loop3A_384, %parallel_loop3A_385] {strides = array<i32>} : memref<8x1024xf32, #tpu.memory_space<vmem>>, vector<1x16xf32>,
        %parallel_loop3A_387 = vector.shape_cast %parallel_loop3A_386 : vector<1x16xf32> to vector<16xf32>
        %parallel_loop3A_388 = arith.addf %parallel_loop3A_387, %parallel_loop3A_358 : vector<16xf32>
        %parallel_loop3A_389 = arith.constant 5 : i32
        %parallel_loop3A_390 = arith.index_cast %parallel_loop3A_389 : i32 to index
        %parallel_loop3A_391 = arith.index_cast %parallel_loop3A_353 : i32 to index
        %parallel_loop3A_392 = tpu.vector_load %arg15[%parallel_loop3A_390, %parallel_loop3A_391] {strides = array<i32>} : memref<8x1024xf32, #tpu.memory_space<vmem>>, vector<1x16xf32>,
        %parallel_loop3A_393 = vector.shape_cast %parallel_loop3A_392 : vector<1x16xf32> to vector<16xf32>
        %parallel_loop3A_394 = vector.shape_cast %parallel_loop3A_388 : vector<16xf32> to vector<1x16xf32>
        tpu.vector_store %arg15[%parallel_loop3A_390, %parallel_loop3A_391], %parallel_loop3A_394 {strides = array<i32>} : memref<8x1024xf32, #tpu.memory_space<vmem>>, vector<1x16xf32>,
        %parallel_loop3A_395 = arith.constant 5 : i32
        %parallel_loop3A_396 = arith.index_cast %parallel_loop3A_395 : i32 to index
        %parallel_loop3A_397 = arith.index_cast %parallel_loop3A_353 : i32 to index
        %parallel_loop3A_398 = tpu.vector_load %arg11[%parallel_loop3A_396, %parallel_loop3A_397] {strides = array<i32>} : memref<8x1024xf32, #tpu.memory_space<vmem>>, vector<1x16xf32>,
        %parallel_loop3A_399 = vector.shape_cast %parallel_loop3A_398 : vector<1x16xf32> to vector<16xf32>
        %parallel_loop3A_400 = arith.addf %parallel_loop3A_399, %parallel_loop3A_358 : vector<16xf32>
        %parallel_loop3A_401 = arith.constant 5 : i32
        %parallel_loop3A_402 = arith.index_cast %parallel_loop3A_401 : i32 to index
        %parallel_loop3A_403 = arith.index_cast %parallel_loop3A_353 : i32 to index
        %parallel_loop3A_404 = tpu.vector_load %arg16[%parallel_loop3A_402, %parallel_loop3A_403] {strides = array<i32>} : memref<8x1024xf32, #tpu.memory_space<vmem>>, vector<1x16xf32>,
        %parallel_loop3A_405 = vector.shape_cast %parallel_loop3A_404 : vector<1x16xf32> to vector<16xf32>
        %parallel_loop3A_406 = vector.shape_cast %parallel_loop3A_400 : vector<16xf32> to vector<1x16xf32>
        tpu.vector_store %arg16[%parallel_loop3A_402, %parallel_loop3A_403], %parallel_loop3A_406 {strides = array<i32>} : memref<8x1024xf32, #tpu.memory_space<vmem>>, vector<1x16xf32>,
      } {sc.loop_unroll_factor = 8 : i64, sc.parallel_access}
      %parallel_loop3A_209 = arith.constant 0 : i32
      %parallel_loop3A_210 = arith.constant 1024 : i32
      %parallel_loop3A_211 = arith.constant 16 : i32
      scf.for %parallel_loop3A_353 = %parallel_loop3A_209 to %parallel_loop3A_210 step %parallel_loop3A_211  : i32 {
        %parallel_loop3A_354 = arith.constant 6 : i32
        %parallel_loop3A_355 = arith.index_cast %parallel_loop3A_354 : i32 to index
        %parallel_loop3A_356 = arith.index_cast %parallel_loop3A_353 : i32 to index
        %parallel_loop3A_357 = tpu.vector_load %arg17[%parallel_loop3A_355, %parallel_loop3A_356] {strides = array<i32>} : memref<8x1024xf32, #tpu.memory_space<vmem>>, vector<1x16xf32>,
        %parallel_loop3A_358 = vector.shape_cast %parallel_loop3A_357 : vector<1x16xf32> to vector<16xf32>
        %parallel_loop3A_359 = arith.constant 6 : i32
        %parallel_loop3A_360 = arith.index_cast %parallel_loop3A_359 : i32 to index
        %parallel_loop3A_361 = arith.index_cast %parallel_loop3A_353 : i32 to index
        %parallel_loop3A_362 = tpu.vector_load %arg5[%parallel_loop3A_360, %parallel_loop3A_361] {strides = array<i32>} : memref<8x1024xf32, #tpu.memory_space<vmem>>, vector<1x16xf32>,
        %parallel_loop3A_363 = vector.shape_cast %parallel_loop3A_362 : vector<1x16xf32> to vector<16xf32>
        %parallel_loop3A_364 = arith.addf %parallel_loop3A_363, %parallel_loop3A_358 : vector<16xf32>
        %parallel_loop3A_365 = arith.constant 6 : i32
        %parallel_loop3A_366 = arith.index_cast %parallel_loop3A_365 : i32 to index
        %parallel_loop3A_367 = arith.index_cast %parallel_loop3A_353 : i32 to index
        %parallel_loop3A_368 = tpu.vector_load %arg13[%parallel_loop3A_366, %parallel_loop3A_367] {strides = array<i32>} : memref<8x1024xf32, #tpu.memory_space<vmem>>, vector<1x16xf32>,
        %parallel_loop3A_369 = vector.shape_cast %parallel_loop3A_368 : vector<1x16xf32> to vector<16xf32>
        %parallel_loop3A_370 = vector.shape_cast %parallel_loop3A_364 : vector<16xf32> to vector<1x16xf32>
        tpu.vector_store %arg13[%parallel_loop3A_366, %parallel_loop3A_367], %parallel_loop3A_370 {strides = array<i32>} : memref<8x1024xf32, #tpu.memory_space<vmem>>, vector<1x16xf32>,
        %parallel_loop3A_371 = arith.constant 6 : i32
        %parallel_loop3A_372 = arith.index_cast %parallel_loop3A_371 : i32 to index
        %parallel_loop3A_373 = arith.index_cast %parallel_loop3A_353 : i32 to index
        %parallel_loop3A_374 = tpu.vector_load %arg7[%parallel_loop3A_372, %parallel_loop3A_373] {strides = array<i32>} : memref<8x1024xf32, #tpu.memory_space<vmem>>, vector<1x16xf32>,
        %parallel_loop3A_375 = vector.shape_cast %parallel_loop3A_374 : vector<1x16xf32> to vector<16xf32>
        %parallel_loop3A_376 = arith.addf %parallel_loop3A_375, %parallel_loop3A_358 : vector<16xf32>
        %parallel_loop3A_377 = arith.constant 6 : i32
        %parallel_loop3A_378 = arith.index_cast %parallel_loop3A_377 : i32 to index
        %parallel_loop3A_379 = arith.index_cast %parallel_loop3A_353 : i32 to index
        %parallel_loop3A_380 = tpu.vector_load %arg14[%parallel_loop3A_378, %parallel_loop3A_379] {strides = array<i32>} : memref<8x1024xf32, #tpu.memory_space<vmem>>, vector<1x16xf32>,
        %parallel_loop3A_381 = vector.shape_cast %parallel_loop3A_380 : vector<1x16xf32> to vector<16xf32>
        %parallel_loop3A_382 = vector.shape_cast %parallel_loop3A_376 : vector<16xf32> to vector<1x16xf32>
        tpu.vector_store %arg14[%parallel_loop3A_378, %parallel_loop3A_379], %parallel_loop3A_382 {strides = array<i32>} : memref<8x1024xf32, #tpu.memory_space<vmem>>, vector<1x16xf32>,
        %parallel_loop3A_383 = arith.constant 6 : i32
        %parallel_loop3A_384 = arith.index_cast %parallel_loop3A_383 : i32 to index
        %parallel_loop3A_385 = arith.index_cast %parallel_loop3A_353 : i32 to index
        %parallel_loop3A_386 = tpu.vector_load %arg9[%parallel_loop3A_384, %parallel_loop3A_385] {strides = array<i32>} : memref<8x1024xf32, #tpu.memory_space<vmem>>, vector<1x16xf32>,
        %parallel_loop3A_387 = vector.shape_cast %parallel_loop3A_386 : vector<1x16xf32> to vector<16xf32>
        %parallel_loop3A_388 = arith.addf %parallel_loop3A_387, %parallel_loop3A_358 : vector<16xf32>
        %parallel_loop3A_389 = arith.constant 6 : i32
        %parallel_loop3A_390 = arith.index_cast %parallel_loop3A_389 : i32 to index
        %parallel_loop3A_391 = arith.index_cast %parallel_loop3A_353 : i32 to index
        %parallel_loop3A_392 = tpu.vector_load %arg15[%parallel_loop3A_390, %parallel_loop3A_391] {strides = array<i32>} : memref<8x1024xf32, #tpu.memory_space<vmem>>, vector<1x16xf32>,
        %parallel_loop3A_393 = vector.shape_cast %parallel_loop3A_392 : vector<1x16xf32> to vector<16xf32>
        %parallel_loop3A_394 = vector.shape_cast %parallel_loop3A_388 : vector<16xf32> to vector<1x16xf32>
        tpu.vector_store %arg15[%parallel_loop3A_390, %parallel_loop3A_391], %parallel_loop3A_394 {strides = array<i32>} : memref<8x1024xf32, #tpu.memory_space<vmem>>, vector<1x16xf32>,
        %parallel_loop3A_395 = arith.constant 6 : i32
        %parallel_loop3A_396 = arith.index_cast %parallel_loop3A_395 : i32 to index
        %parallel_loop3A_397 = arith.index_cast %parallel_loop3A_353 : i32 to index
        %parallel_loop3A_398 = tpu.vector_load %arg11[%parallel_loop3A_396, %parallel_loop3A_397] {strides = array<i32>} : memref<8x1024xf32, #tpu.memory_space<vmem>>, vector<1x16xf32>,
        %parallel_loop3A_399 = vector.shape_cast %parallel_loop3A_398 : vector<1x16xf32> to vector<16xf32>
        %parallel_loop3A_400 = arith.addf %parallel_loop3A_399, %parallel_loop3A_358 : vector<16xf32>
        %parallel_loop3A_401 = arith.constant 6 : i32
        %parallel_loop3A_402 = arith.index_cast %parallel_loop3A_401 : i32 to index
        %parallel_loop3A_403 = arith.index_cast %parallel_loop3A_353 : i32 to index
        %parallel_loop3A_404 = tpu.vector_load %arg16[%parallel_loop3A_402, %parallel_loop3A_403] {strides = array<i32>} : memref<8x1024xf32, #tpu.memory_space<vmem>>, vector<1x16xf32>,
        %parallel_loop3A_405 = vector.shape_cast %parallel_loop3A_404 : vector<1x16xf32> to vector<16xf32>
        %parallel_loop3A_406 = vector.shape_cast %parallel_loop3A_400 : vector<16xf32> to vector<1x16xf32>
        tpu.vector_store %arg16[%parallel_loop3A_402, %parallel_loop3A_403], %parallel_loop3A_406 {strides = array<i32>} : memref<8x1024xf32, #tpu.memory_space<vmem>>, vector<1x16xf32>,
      } {sc.loop_unroll_factor = 8 : i64, sc.parallel_access}
      %parallel_loop3A_212 = arith.constant 0 : i32
      %parallel_loop3A_213 = arith.constant 1024 : i32
      %parallel_loop3A_214 = arith.constant 16 : i32
      scf.for %parallel_loop3A_353 = %parallel_loop3A_212 to %parallel_loop3A_213 step %parallel_loop3A_214  : i32 {
        %parallel_loop3A_354 = arith.constant 7 : i32
        %parallel_loop3A_355 = arith.index_cast %parallel_loop3A_354 : i32 to index
        %parallel_loop3A_356 = arith.index_cast %parallel_loop3A_353 : i32 to index
        %parallel_loop3A_357 = tpu.vector_load %arg17[%parallel_loop3A_355, %parallel_loop3A_356] {strides = array<i32>} : memref<8x1024xf32, #tpu.memory_space<vmem>>, vector<1x16xf32>,
        %parallel_loop3A_358 = vector.shape_cast %parallel_loop3A_357 : vector<1x16xf32> to vector<16xf32>
        %parallel_loop3A_359 = arith.constant 7 : i32
        %parallel_loop3A_360 = arith.index_cast %parallel_loop3A_359 : i32 to index
        %parallel_loop3A_361 = arith.index_cast %parallel_loop3A_353 : i32 to index
        %parallel_loop3A_362 = tpu.vector_load %arg5[%parallel_loop3A_360, %parallel_loop3A_361] {strides = array<i32>} : memref<8x1024xf32, #tpu.memory_space<vmem>>, vector<1x16xf32>,
        %parallel_loop3A_363 = vector.shape_cast %parallel_loop3A_362 : vector<1x16xf32> to vector<16xf32>
        %parallel_loop3A_364 = arith.addf %parallel_loop3A_363, %parallel_loop3A_358 : vector<16xf32>
        %parallel_loop3A_365 = arith.constant 7 : i32
        %parallel_loop3A_366 = arith.index_cast %parallel_loop3A_365 : i32 to index
        %parallel_loop3A_367 = arith.index_cast %parallel_loop3A_353 : i32 to index
        %parallel_loop3A_368 = tpu.vector_load %arg13[%parallel_loop3A_366, %parallel_loop3A_367] {strides = array<i32>} : memref<8x1024xf32, #tpu.memory_space<vmem>>, vector<1x16xf32>,
        %parallel_loop3A_369 = vector.shape_cast %parallel_loop3A_368 : vector<1x16xf32> to vector<16xf32>
        %parallel_loop3A_370 = vector.shape_cast %parallel_loop3A_364 : vector<16xf32> to vector<1x16xf32>
        tpu.vector_store %arg13[%parallel_loop3A_366, %parallel_loop3A_367], %parallel_loop3A_370 {strides = array<i32>} : memref<8x1024xf32, #tpu.memory_space<vmem>>, vector<1x16xf32>,
        %parallel_loop3A_371 = arith.constant 7 : i32
        %parallel_loop3A_372 = arith.index_cast %parallel_loop3A_371 : i32 to index
        %parallel_loop3A_373 = arith.index_cast %parallel_loop3A_353 : i32 to index
        %parallel_loop3A_374 = tpu.vector_load %arg7[%parallel_loop3A_372, %parallel_loop3A_373] {strides = array<i32>} : memref<8x1024xf32, #tpu.memory_space<vmem>>, vector<1x16xf32>,
        %parallel_loop3A_375 = vector.shape_cast %parallel_loop3A_374 : vector<1x16xf32> to vector<16xf32>
        %parallel_loop3A_376 = arith.addf %parallel_loop3A_375, %parallel_loop3A_358 : vector<16xf32>
        %parallel_loop3A_377 = arith.constant 7 : i32
        %parallel_loop3A_378 = arith.index_cast %parallel_loop3A_377 : i32 to index
        %parallel_loop3A_379 = arith.index_cast %parallel_loop3A_353 : i32 to index
        %parallel_loop3A_380 = tpu.vector_load %arg14[%parallel_loop3A_378, %parallel_loop3A_379] {strides = array<i32>} : memref<8x1024xf32, #tpu.memory_space<vmem>>, vector<1x16xf32>,
        %parallel_loop3A_381 = vector.shape_cast %parallel_loop3A_380 : vector<1x16xf32> to vector<16xf32>
        %parallel_loop3A_382 = vector.shape_cast %parallel_loop3A_376 : vector<16xf32> to vector<1x16xf32>
        tpu.vector_store %arg14[%parallel_loop3A_378, %parallel_loop3A_379], %parallel_loop3A_382 {strides = array<i32>} : memref<8x1024xf32, #tpu.memory_space<vmem>>, vector<1x16xf32>,
        %parallel_loop3A_383 = arith.constant 7 : i32
        %parallel_loop3A_384 = arith.index_cast %parallel_loop3A_383 : i32 to index
        %parallel_loop3A_385 = arith.index_cast %parallel_loop3A_353 : i32 to index
        %parallel_loop3A_386 = tpu.vector_load %arg9[%parallel_loop3A_384, %parallel_loop3A_385] {strides = array<i32>} : memref<8x1024xf32, #tpu.memory_space<vmem>>, vector<1x16xf32>,
        %parallel_loop3A_387 = vector.shape_cast %parallel_loop3A_386 : vector<1x16xf32> to vector<16xf32>
        %parallel_loop3A_388 = arith.addf %parallel_loop3A_387, %parallel_loop3A_358 : vector<16xf32>
        %parallel_loop3A_389 = arith.constant 7 : i32
        %parallel_loop3A_390 = arith.index_cast %parallel_loop3A_389 : i32 to index
        %parallel_loop3A_391 = arith.index_cast %parallel_loop3A_353 : i32 to index
        %parallel_loop3A_392 = tpu.vector_load %arg15[%parallel_loop3A_390, %parallel_loop3A_391] {strides = array<i32>} : memref<8x1024xf32, #tpu.memory_space<vmem>>, vector<1x16xf32>,
        %parallel_loop3A_393 = vector.shape_cast %parallel_loop3A_392 : vector<1x16xf32> to vector<16xf32>
        %parallel_loop3A_394 = vector.shape_cast %parallel_loop3A_388 : vector<16xf32> to vector<1x16xf32>
        tpu.vector_store %arg15[%parallel_loop3A_390, %parallel_loop3A_391], %parallel_loop3A_394 {strides = array<i32>} : memref<8x1024xf32, #tpu.memory_space<vmem>>, vector<1x16xf32>,
        %parallel_loop3A_395 = arith.constant 7 : i32
        %parallel_loop3A_396 = arith.index_cast %parallel_loop3A_395 : i32 to index
        %parallel_loop3A_397 = arith.index_cast %parallel_loop3A_353 : i32 to index
        %parallel_loop3A_398 = tpu.vector_load %arg11[%parallel_loop3A_396, %parallel_loop3A_397] {strides = array<i32>} : memref<8x1024xf32, #tpu.memory_space<vmem>>, vector<1x16xf32>,
        %parallel_loop3A_399 = vector.shape_cast %parallel_loop3A_398 : vector<1x16xf32> to vector<16xf32>
        %parallel_loop3A_400 = arith.addf %parallel_loop3A_399, %parallel_loop3A_358 : vector<16xf32>
        %parallel_loop3A_401 = arith.constant 7 : i32
        %parallel_loop3A_402 = arith.index_cast %parallel_loop3A_401 : i32 to index
        %parallel_loop3A_403 = arith.index_cast %parallel_loop3A_353 : i32 to index
        %parallel_loop3A_404 = tpu.vector_load %arg16[%parallel_loop3A_402, %parallel_loop3A_403] {strides = array<i32>} : memref<8x1024xf32, #tpu.memory_space<vmem>>, vector<1x16xf32>,
        %parallel_loop3A_405 = vector.shape_cast %parallel_loop3A_404 : vector<1x16xf32> to vector<16xf32>
        %parallel_loop3A_406 = vector.shape_cast %parallel_loop3A_400 : vector<16xf32> to vector<1x16xf32>
        tpu.vector_store %arg16[%parallel_loop3A_402, %parallel_loop3A_403], %parallel_loop3A_406 {strides = array<i32>} : memref<8x1024xf32, #tpu.memory_space<vmem>>, vector<1x16xf32>,
      } {sc.loop_unroll_factor = 8 : i64, sc.parallel_access}
      %add3A_215 = arith.constant 0 : i32
      %add3A_216 = arith.addi %add3A_137, %add3A_215 : i32
      %dma_start3A_217 = arith.constant 0 : i32
      %dma_start3A_218 = tpu.memref_slice %arg4[%add3A_216, %dma_start3A_217] : memref<32768x1024xf32, #tpu.memory_space<hbm>> -> memref<8x1024xf32, #tpu.memory_space<hbm>>
      %dma_start3A_219 = arith.constant 0 : i32
      %dma_start3A_220 = tpu.memref_slice %arg4[%add3A_216, %dma_start3A_219] : memref<32768x1024xf32, #tpu.memory_space<hbm>> -> memref<8x1024xf32, #tpu.memory_space<hbm>>
      tpu.enqueue_dma source(%arg13 : memref<8x1024xf32, #tpu.memory_space<vmem>>) target(%dma_start3A_220 : memref<8x1024xf32, #tpu.memory_space<hbm>>) target_semaphore(%arg27 : memref<!tpu.dma_semaphore, #tpu.memory_space<semaphore_mem>>)
      %add3A_221 = arith.constant 8192 : i32
      %add3A_222 = arith.addi %add3A_137, %add3A_221 : i32
      %dma_start3A_223 = arith.constant 0 : i32
      %dma_start3A_224 = tpu.memref_slice %arg4[%add3A_222, %dma_start3A_223] : memref<32768x1024xf32, #tpu.memory_space<hbm>> -> memref<8x1024xf32, #tpu.memory_space<hbm>>
      %dma_start3A_225 = arith.constant 0 : i32
      %dma_start3A_226 = tpu.memref_slice %arg4[%add3A_222, %dma_start3A_225] : memref<32768x1024xf32, #tpu.memory_space<hbm>> -> memref<8x1024xf32, #tpu.memory_space<hbm>>
      tpu.enqueue_dma source(%arg14 : memref<8x1024xf32, #tpu.memory_space<vmem>>) target(%dma_start3A_226 : memref<8x1024xf32, #tpu.memory_space<hbm>>) target_semaphore(%arg28 : memref<!tpu.dma_semaphore, #tpu.memory_space<semaphore_mem>>)
      %add3A_227 = arith.constant 16384 : i32
      %add3A_228 = arith.addi %add3A_137, %add3A_227 : i32
      %dma_start3A_229 = arith.constant 0 : i32
      %dma_start3A_230 = tpu.memref_slice %arg4[%add3A_228, %dma_start3A_229] : memref<32768x1024xf32, #tpu.memory_space<hbm>> -> memref<8x1024xf32, #tpu.memory_space<hbm>>
      %dma_start3A_231 = arith.constant 0 : i32
      %dma_start3A_232 = tpu.memref_slice %arg4[%add3A_228, %dma_start3A_231] : memref<32768x1024xf32, #tpu.memory_space<hbm>> -> memref<8x1024xf32, #tpu.memory_space<hbm>>
      tpu.enqueue_dma source(%arg15 : memref<8x1024xf32, #tpu.memory_space<vmem>>) target(%dma_start3A_232 : memref<8x1024xf32, #tpu.memory_space<hbm>>) target_semaphore(%arg29 : memref<!tpu.dma_semaphore, #tpu.memory_space<semaphore_mem>>)
      %add3A_233 = arith.constant 24576 : i32
      %add3A_234 = arith.addi %add3A_137, %add3A_233 : i32
      %dma_start3A_235 = arith.constant 0 : i32
      %dma_start3A_236 = tpu.memref_slice %arg4[%add3A_234, %dma_start3A_235] : memref<32768x1024xf32, #tpu.memory_space<hbm>> -> memref<8x1024xf32, #tpu.memory_space<hbm>>
      %dma_start3A_237 = arith.constant 0 : i32
      %dma_start3A_238 = tpu.memref_slice %arg4[%add3A_234, %dma_start3A_237] : memref<32768x1024xf32, #tpu.memory_space<hbm>> -> memref<8x1024xf32, #tpu.memory_space<hbm>>
      tpu.enqueue_dma source(%arg16 : memref<8x1024xf32, #tpu.memory_space<vmem>>) target(%dma_start3A_238 : memref<8x1024xf32, #tpu.memory_space<hbm>>) target_semaphore(%arg30 : memref<!tpu.dma_semaphore, #tpu.memory_space<semaphore_mem>>)
      %lt3A = arith.constant 30 : i32
      %lt3A_239 = arith.cmpi slt, %add3A_134, %lt3A : i32
      %convert_element_type3A = arith.extui %lt3A_239 : i1 to i32
      %cond3A = arith.constant 0 : i32
      %cond3A_240 = arith.cmpi ne, %convert_element_type3A, %cond3A : i32
      scf.if %cond3A_240 {
        %add3A_353 = arith.constant 16 : i32
        %add3A_354 = arith.addi %add3A_137, %add3A_353 : i32
        %dma_start3A_355 = arith.constant 0 : i32
        %dma_start3A_356 = tpu.memref_slice %arg3[%add3A_354, %dma_start3A_355] : memref<8192x1024xf32, #tpu.memory_space<hbm>> -> memref<8x1024xf32, #tpu.memory_space<hbm>>
        %dma_start3A_357 = arith.constant 0 : i32
        %dma_start3A_358 = tpu.memref_slice %arg3[%add3A_354, %dma_start3A_357] : memref<8192x1024xf32, #tpu.memory_space<hbm>> -> memref<8x1024xf32, #tpu.memory_space<hbm>>
        tpu.enqueue_dma source(%dma_start3A_358 : memref<8x1024xf32, #tpu.memory_space<hbm>>) target(%arg17 : memref<8x1024xf32, #tpu.memory_space<vmem>>) target_semaphore(%arg31 : memref<!tpu.dma_semaphore, #tpu.memory_space<semaphore_mem>>)
        %add3A_359 = arith.constant 0 : i32
        %add3A_360 = arith.addi %add3A_137, %add3A_359 : i32
        %add3A_361 = arith.constant 16 : i32
        %add3A_362 = arith.addi %add3A_360, %add3A_361 : i32
        %dma_start3A_363 = arith.constant 0 : i32
        %dma_start3A_364 = tpu.memref_slice %arg2[%add3A_362, %dma_start3A_363] : memref<32768x1024xf32, #tpu.memory_space<hbm>> -> memref<8x1024xf32, #tpu.memory_space<hbm>>
        %dma_start3A_365 = arith.constant 0 : i32
        %dma_start3A_366 = tpu.memref_slice %arg2[%add3A_362, %dma_start3A_365] : memref<32768x1024xf32, #tpu.memory_space<hbm>> -> memref<8x1024xf32, #tpu.memory_space<hbm>>
        tpu.enqueue_dma source(%dma_start3A_366 : memref<8x1024xf32, #tpu.memory_space<hbm>>) target(%arg5 : memref<8x1024xf32, #tpu.memory_space<vmem>>) target_semaphore(%arg19 : memref<!tpu.dma_semaphore, #tpu.memory_space<semaphore_mem>>)
        %add3A_367 = arith.constant 8192 : i32
        %add3A_368 = arith.addi %add3A_137, %add3A_367 : i32
        %add3A_369 = arith.constant 16 : i32
        %add3A_370 = arith.addi %add3A_368, %add3A_369 : i32
        %dma_start3A_371 = arith.constant 0 : i32
        %dma_start3A_372 = tpu.memref_slice %arg2[%add3A_370, %dma_start3A_371] : memref<32768x1024xf32, #tpu.memory_space<hbm>> -> memref<8x1024xf32, #tpu.memory_space<hbm>>
        %dma_start3A_373 = arith.constant 0 : i32
        %dma_start3A_374 = tpu.memref_slice %arg2[%add3A_370, %dma_start3A_373] : memref<32768x1024xf32, #tpu.memory_space<hbm>> -> memref<8x1024xf32, #tpu.memory_space<hbm>>
        tpu.enqueue_dma source(%dma_start3A_374 : memref<8x1024xf32, #tpu.memory_space<hbm>>) target(%arg7 : memref<8x1024xf32, #tpu.memory_space<vmem>>) target_semaphore(%arg21 : memref<!tpu.dma_semaphore, #tpu.memory_space<semaphore_mem>>)
        %add3A_375 = arith.constant 16384 : i32
        %add3A_376 = arith.addi %add3A_137, %add3A_375 : i32
        %add3A_377 = arith.constant 16 : i32
        %add3A_378 = arith.addi %add3A_376, %add3A_377 : i32
        %dma_start3A_379 = arith.constant 0 : i32
        %dma_start3A_380 = tpu.memref_slice %arg2[%add3A_378, %dma_start3A_379] : memref<32768x1024xf32, #tpu.memory_space<hbm>> -> memref<8x1024xf32, #tpu.memory_space<hbm>>
        %dma_start3A_381 = arith.constant 0 : i32
        %dma_start3A_382 = tpu.memref_slice %arg2[%add3A_378, %dma_start3A_381] : memref<32768x1024xf32, #tpu.memory_space<hbm>> -> memref<8x1024xf32, #tpu.memory_space<hbm>>
        tpu.enqueue_dma source(%dma_start3A_382 : memref<8x1024xf32, #tpu.memory_space<hbm>>) target(%arg9 : memref<8x1024xf32, #tpu.memory_space<vmem>>) target_semaphore(%arg23 : memref<!tpu.dma_semaphore, #tpu.memory_space<semaphore_mem>>)
        %add3A_383 = arith.constant 24576 : i32
        %add3A_384 = arith.addi %add3A_137, %add3A_383 : i32
        %add3A_385 = arith.constant 16 : i32
        %add3A_386 = arith.addi %add3A_384, %add3A_385 : i32
        %dma_start3A_387 = arith.constant 0 : i32
        %dma_start3A_388 = tpu.memref_slice %arg2[%add3A_386, %dma_start3A_387] : memref<32768x1024xf32, #tpu.memory_space<hbm>> -> memref<8x1024xf32, #tpu.memory_space<hbm>>
        %dma_start3A_389 = arith.constant 0 : i32
        %dma_start3A_390 = tpu.memref_slice %arg2[%add3A_386, %dma_start3A_389] : memref<32768x1024xf32, #tpu.memory_space<hbm>> -> memref<8x1024xf32, #tpu.memory_space<hbm>>
        tpu.enqueue_dma source(%dma_start3A_390 : memref<8x1024xf32, #tpu.memory_space<hbm>>) target(%arg11 : memref<8x1024xf32, #tpu.memory_space<vmem>>) target_semaphore(%arg25 : memref<!tpu.dma_semaphore, #tpu.memory_space<semaphore_mem>>)
      } else {
      }
      %add3A_241 = arith.constant 1 : i32
      %add3A_242 = arith.addi %mul3A_132, %add3A_241 : i32
      %mul3A_243 = arith.constant 8 : i32
      %mul3A_244 = arith.muli %add3A_242, %mul3A_243 : i32
      %add3A_245 = arith.addi %mul3A_2, %mul3A_244 : i32
      %dma_wait3A_246 = arith.constant 0 : i32
      %dma_wait3A_247 = arith.constant 0 : i32
      %dma_wait3A_248 = tpu.memref_slice %arg3[%dma_wait3A_246, %dma_wait3A_247] : memref<8192x1024xf32, #tpu.memory_space<hbm>> -> memref<8x1024xf32, #tpu.memory_space<hbm>>
      %dma_wait3A_249 = arith.constant 0 : i32
      %dma_wait3A_250 = arith.constant 0 : i32
      %dma_wait3A_251 = tpu.memref_slice %arg3[%dma_wait3A_249, %dma_wait3A_250] : memref<8192x1024xf32, #tpu.memory_space<hbm>> -> memref<8x1024xf32, #tpu.memory_space<hbm>>
      tpu.wait_dma2 semaphore(%arg32 : memref<!tpu.dma_semaphore, #tpu.memory_space<semaphore_mem>>) src(%dma_wait3A_251 : memref<8x1024xf32, #tpu.memory_space<hbm>>) dst(%arg18 : memref<8x1024xf32, #tpu.memory_space<vmem>>)
      %dma_wait3A_252 = arith.constant 0 : i32
      %dma_wait3A_253 = arith.constant 0 : i32
      %dma_wait3A_254 = tpu.memref_slice %arg2[%dma_wait3A_252, %dma_wait3A_253] : memref<32768x1024xf32, #tpu.memory_space<hbm>> -> memref<8x1024xf32, #tpu.memory_space<hbm>>
      %dma_wait3A_255 = arith.constant 0 : i32
      %dma_wait3A_256 = arith.constant 0 : i32
      %dma_wait3A_257 = tpu.memref_slice %arg2[%dma_wait3A_255, %dma_wait3A_256] : memref<32768x1024xf32, #tpu.memory_space<hbm>> -> memref<8x1024xf32, #tpu.memory_space<hbm>>
      tpu.wait_dma2 semaphore(%arg20 : memref<!tpu.dma_semaphore, #tpu.memory_space<semaphore_mem>>) src(%dma_wait3A_257 : memref<8x1024xf32, #tpu.memory_space<hbm>>) dst(%arg6 : memref<8x1024xf32, #tpu.memory_space<vmem>>)
      %dma_wait3A_258 = arith.constant 0 : i32
      %dma_wait3A_259 = arith.constant 0 : i32
      %dma_wait3A_260 = tpu.memref_slice %arg4[%dma_wait3A_258, %dma_wait3A_259] : memref<32768x1024xf32, #tpu.memory_space<hbm>> -> memref<8x1024xf32, #tpu.memory_space<hbm>>
      %dma_wait3A_261 = arith.constant 0 : i32
      %dma_wait3A_262 = arith.constant 0 : i32
      %dma_wait3A_263 = tpu.memref_slice %arg4[%dma_wait3A_261, %dma_wait3A_262] : memref<32768x1024xf32, #tpu.memory_space<hbm>> -> memref<8x1024xf32, #tpu.memory_space<hbm>>
      tpu.wait_dma2 semaphore(%arg27 : memref<!tpu.dma_semaphore, #tpu.memory_space<semaphore_mem>>) src(%arg13 : memref<8x1024xf32, #tpu.memory_space<vmem>>) dst(%dma_wait3A_263 : memref<8x1024xf32, #tpu.memory_space<hbm>>)
      %dma_wait3A_264 = arith.constant 0 : i32
      %dma_wait3A_265 = arith.constant 0 : i32
      %dma_wait3A_266 = tpu.memref_slice %arg2[%dma_wait3A_264, %dma_wait3A_265] : memref<32768x1024xf32, #tpu.memory_space<hbm>> -> memref<8x1024xf32, #tpu.memory_space<hbm>>
      %dma_wait3A_267 = arith.constant 0 : i32
      %dma_wait3A_268 = arith.constant 0 : i32
      %dma_wait3A_269 = tpu.memref_slice %arg2[%dma_wait3A_267, %dma_wait3A_268] : memref<32768x1024xf32, #tpu.memory_space<hbm>> -> memref<8x1024xf32, #tpu.memory_space<hbm>>
      tpu.wait_dma2 semaphore(%arg22 : memref<!tpu.dma_semaphore, #tpu.memory_space<semaphore_mem>>) src(%dma_wait3A_269 : memref<8x1024xf32, #tpu.memory_space<hbm>>) dst(%arg8 : memref<8x1024xf32, #tpu.memory_space<vmem>>)
      %dma_wait3A_270 = arith.constant 0 : i32
      %dma_wait3A_271 = arith.constant 0 : i32
      %dma_wait3A_272 = tpu.memref_slice %arg4[%dma_wait3A_270, %dma_wait3A_271] : memref<32768x1024xf32, #tpu.memory_space<hbm>> -> memref<8x1024xf32, #tpu.memory_space<hbm>>
      %dma_wait3A_273 = arith.constant 0 : i32
      %dma_wait3A_274 = arith.constant 0 : i32
      %dma_wait3A_275 = tpu.memref_slice %arg4[%dma_wait3A_273, %dma_wait3A_274] : memref<32768x1024xf32, #tpu.memory_space<hbm>> -> memref<8x1024xf32, #tpu.memory_space<hbm>>
      tpu.wait_dma2 semaphore(%arg28 : memref<!tpu.dma_semaphore, #tpu.memory_space<semaphore_mem>>) src(%arg14 : memref<8x1024xf32, #tpu.memory_space<vmem>>) dst(%dma_wait3A_275 : memref<8x1024xf32, #tpu.memory_space<hbm>>)
      %dma_wait3A_276 = arith.constant 0 : i32
      %dma_wait3A_277 = arith.constant 0 : i32
      %dma_wait3A_278 = tpu.memref_slice %arg2[%dma_wait3A_276, %dma_wait3A_277] : memref<32768x1024xf32, #tpu.memory_space<hbm>> -> memref<8x1024xf32, #tpu.memory_space<hbm>>
      %dma_wait3A_279 = arith.constant 0 : i32
      %dma_wait3A_280 = arith.constant 0 : i32
      %dma_wait3A_281 = tpu.memref_slice %arg2[%dma_wait3A_279, %dma_wait3A_280] : memref<32768x1024xf32, #tpu.memory_space<hbm>> -> memref<8x1024xf32, #tpu.memory_space<hbm>>
      tpu.wait_dma2 semaphore(%arg24 : memref<!tpu.dma_semaphore, #tpu.memory_space<semaphore_mem>>) src(%dma_wait3A_281 : memref<8x1024xf32, #tpu.memory_space<hbm>>) dst(%arg10 : memref<8x1024xf32, #tpu.memory_space<vmem>>)
      %dma_wait3A_282 = arith.constant 0 : i32
      %dma_wait3A_283 = arith.constant 0 : i32
      %dma_wait3A_284 = tpu.memref_slice %arg4[%dma_wait3A_282, %dma_wait3A_283] : memref<32768x1024xf32, #tpu.memory_space<hbm>> -> memref<8x1024xf32, #tpu.memory_space<hbm>>
      %dma_wait3A_285 = arith.constant 0 : i32
      %dma_wait3A_286 = arith.constant 0 : i32
      %dma_wait3A_287 = tpu.memref_slice %arg4[%dma_wait3A_285, %dma_wait3A_286] : memref<32768x1024xf32, #tpu.memory_space<hbm>> -> memref<8x1024xf32, #tpu.memory_space<hbm>>
      tpu.wait_dma2 semaphore(%arg29 : memref<!tpu.dma_semaphore, #tpu.memory_space<semaphore_mem>>) src(%arg15 : memref<8x1024xf32, #tpu.memory_space<vmem>>) dst(%dma_wait3A_287 : memref<8x1024xf32, #tpu.memory_space<hbm>>)
      %dma_wait3A_288 = arith.constant 0 : i32
      %dma_wait3A_289 = arith.constant 0 : i32
      %dma_wait3A_290 = tpu.memref_slice %arg2[%dma_wait3A_288, %dma_wait3A_289] : memref<32768x1024xf32, #tpu.memory_space<hbm>> -> memref<8x1024xf32, #tpu.memory_space<hbm>>
      %dma_wait3A_291 = arith.constant 0 : i32
      %dma_wait3A_292 = arith.constant 0 : i32
      %dma_wait3A_293 = tpu.memref_slice %arg2[%dma_wait3A_291, %dma_wait3A_292] : memref<32768x1024xf32, #tpu.memory_space<hbm>> -> memref<8x1024xf32, #tpu.memory_space<hbm>>
      tpu.wait_dma2 semaphore(%arg26 : memref<!tpu.dma_semaphore, #tpu.memory_space<semaphore_mem>>) src(%dma_wait3A_293 : memref<8x1024xf32, #tpu.memory_space<hbm>>) dst(%arg12 : memref<8x1024xf32, #tpu.memory_space<vmem>>)
      %dma_wait3A_294 = arith.constant 0 : i32
      %dma_wait3A_295 = arith.constant 0 : i32
      %dma_wait3A_296 = tpu.memref_slice %arg4[%dma_wait3A_294, %dma_wait3A_295] : memref<32768x1024xf32, #tpu.memory_space<hbm>> -> memref<8x1024xf32, #tpu.memory_space<hbm>>
      %dma_wait3A_297 = arith.constant 0 : i32
      %dma_wait3A_298 = arith.constant 0 : i32
      %dma_wait3A_299 = tpu.memref_slice %arg4[%dma_wait3A_297, %dma_wait3A_298] : memref<32768x1024xf32, #tpu.memory_space<hbm>> -> memref<8x1024xf32, #tpu.memory_space<hbm>>
      tpu.wait_dma2 semaphore(%arg30 : memref<!tpu.dma_semaphore, #tpu.memory_space<semaphore_mem>>) src(%arg16 : memref<8x1024xf32, #tpu.memory_space<vmem>>) dst(%dma_wait3A_299 : memref<8x1024xf32, #tpu.memory_space<hbm>>)
      %parallel_loop3A_300 = arith.constant 0 : i32
      %parallel_loop3A_301 = arith.constant 1024 : i32
      %parallel_loop3A_302 = arith.constant 16 : i32
      scf.for %parallel_loop3A_353 = %parallel_loop3A_300 to %parallel_loop3A_301 step %parallel_loop3A_302  : i32 {
        %parallel_loop3A_354 = arith.constant 0 : i32
        %parallel_loop3A_355 = arith.index_cast %parallel_loop3A_354 : i32 to index
        %parallel_loop3A_356 = arith.index_cast %parallel_loop3A_353 : i32 to index
        %parallel_loop3A_357 = tpu.vector_load %arg18[%parallel_loop3A_355, %parallel_loop3A_356] {strides = array<i32>} : memref<8x1024xf32, #tpu.memory_space<vmem>>, vector<1x16xf32>,
        %parallel_loop3A_358 = vector.shape_cast %parallel_loop3A_357 : vector<1x16xf32> to vector<16xf32>
        %parallel_loop3A_359 = arith.constant 0 : i32
        %parallel_loop3A_360 = arith.index_cast %parallel_loop3A_359 : i32 to index
        %parallel_loop3A_361 = arith.index_cast %parallel_loop3A_353 : i32 to index
        %parallel_loop3A_362 = tpu.vector_load %arg6[%parallel_loop3A_360, %parallel_loop3A_361] {strides = array<i32>} : memref<8x1024xf32, #tpu.memory_space<vmem>>, vector<1x16xf32>,
        %parallel_loop3A_363 = vector.shape_cast %parallel_loop3A_362 : vector<1x16xf32> to vector<16xf32>
        %parallel_loop3A_364 = arith.addf %parallel_loop3A_363, %parallel_loop3A_358 : vector<16xf32>
        %parallel_loop3A_365 = arith.constant 0 : i32
        %parallel_loop3A_366 = arith.index_cast %parallel_loop3A_365 : i32 to index
        %parallel_loop3A_367 = arith.index_cast %parallel_loop3A_353 : i32 to index
        %parallel_loop3A_368 = tpu.vector_load %arg13[%parallel_loop3A_366, %parallel_loop3A_367] {strides = array<i32>} : memref<8x1024xf32, #tpu.memory_space<vmem>>, vector<1x16xf32>,
        %parallel_loop3A_369 = vector.shape_cast %parallel_loop3A_368 : vector<1x16xf32> to vector<16xf32>
        %parallel_loop3A_370 = vector.shape_cast %parallel_loop3A_364 : vector<16xf32> to vector<1x16xf32>
        tpu.vector_store %arg13[%parallel_loop3A_366, %parallel_loop3A_367], %parallel_loop3A_370 {strides = array<i32>} : memref<8x1024xf32, #tpu.memory_space<vmem>>, vector<1x16xf32>,
        %parallel_loop3A_371 = arith.constant 0 : i32
        %parallel_loop3A_372 = arith.index_cast %parallel_loop3A_371 : i32 to index
        %parallel_loop3A_373 = arith.index_cast %parallel_loop3A_353 : i32 to index
        %parallel_loop3A_374 = tpu.vector_load %arg8[%parallel_loop3A_372, %parallel_loop3A_373] {strides = array<i32>} : memref<8x1024xf32, #tpu.memory_space<vmem>>, vector<1x16xf32>,
        %parallel_loop3A_375 = vector.shape_cast %parallel_loop3A_374 : vector<1x16xf32> to vector<16xf32>
        %parallel_loop3A_376 = arith.addf %parallel_loop3A_375, %parallel_loop3A_358 : vector<16xf32>
        %parallel_loop3A_377 = arith.constant 0 : i32
        %parallel_loop3A_378 = arith.index_cast %parallel_loop3A_377 : i32 to index
        %parallel_loop3A_379 = arith.index_cast %parallel_loop3A_353 : i32 to index
        %parallel_loop3A_380 = tpu.vector_load %arg14[%parallel_loop3A_378, %parallel_loop3A_379] {strides = array<i32>} : memref<8x1024xf32, #tpu.memory_space<vmem>>, vector<1x16xf32>,
        %parallel_loop3A_381 = vector.shape_cast %parallel_loop3A_380 : vector<1x16xf32> to vector<16xf32>
        %parallel_loop3A_382 = vector.shape_cast %parallel_loop3A_376 : vector<16xf32> to vector<1x16xf32>
        tpu.vector_store %arg14[%parallel_loop3A_378, %parallel_loop3A_379], %parallel_loop3A_382 {strides = array<i32>} : memref<8x1024xf32, #tpu.memory_space<vmem>>, vector<1x16xf32>,
        %parallel_loop3A_383 = arith.constant 0 : i32
        %parallel_loop3A_384 = arith.index_cast %parallel_loop3A_383 : i32 to index
        %parallel_loop3A_385 = arith.index_cast %parallel_loop3A_353 : i32 to index
        %parallel_loop3A_386 = tpu.vector_load %arg10[%parallel_loop3A_384, %parallel_loop3A_385] {strides = array<i32>} : memref<8x1024xf32, #tpu.memory_space<vmem>>, vector<1x16xf32>,
        %parallel_loop3A_387 = vector.shape_cast %parallel_loop3A_386 : vector<1x16xf32> to vector<16xf32>
        %parallel_loop3A_388 = arith.addf %parallel_loop3A_387, %parallel_loop3A_358 : vector<16xf32>
        %parallel_loop3A_389 = arith.constant 0 : i32
        %parallel_loop3A_390 = arith.index_cast %parallel_loop3A_389 : i32 to index
        %parallel_loop3A_391 = arith.index_cast %parallel_loop3A_353 : i32 to index
        %parallel_loop3A_392 = tpu.vector_load %arg15[%parallel_loop3A_390, %parallel_loop3A_391] {strides = array<i32>} : memref<8x1024xf32, #tpu.memory_space<vmem>>, vector<1x16xf32>,
        %parallel_loop3A_393 = vector.shape_cast %parallel_loop3A_392 : vector<1x16xf32> to vector<16xf32>
        %parallel_loop3A_394 = vector.shape_cast %parallel_loop3A_388 : vector<16xf32> to vector<1x16xf32>
        tpu.vector_store %arg15[%parallel_loop3A_390, %parallel_loop3A_391], %parallel_loop3A_394 {strides = array<i32>} : memref<8x1024xf32, #tpu.memory_space<vmem>>, vector<1x16xf32>,
        %parallel_loop3A_395 = arith.constant 0 : i32
        %parallel_loop3A_396 = arith.index_cast %parallel_loop3A_395 : i32 to index
        %parallel_loop3A_397 = arith.index_cast %parallel_loop3A_353 : i32 to index
        %parallel_loop3A_398 = tpu.vector_load %arg12[%parallel_loop3A_396, %parallel_loop3A_397] {strides = array<i32>} : memref<8x1024xf32, #tpu.memory_space<vmem>>, vector<1x16xf32>,
        %parallel_loop3A_399 = vector.shape_cast %parallel_loop3A_398 : vector<1x16xf32> to vector<16xf32>
        %parallel_loop3A_400 = arith.addf %parallel_loop3A_399, %parallel_loop3A_358 : vector<16xf32>
        %parallel_loop3A_401 = arith.constant 0 : i32
        %parallel_loop3A_402 = arith.index_cast %parallel_loop3A_401 : i32 to index
        %parallel_loop3A_403 = arith.index_cast %parallel_loop3A_353 : i32 to index
        %parallel_loop3A_404 = tpu.vector_load %arg16[%parallel_loop3A_402, %parallel_loop3A_403] {strides = array<i32>} : memref<8x1024xf32, #tpu.memory_space<vmem>>, vector<1x16xf32>,
        %parallel_loop3A_405 = vector.shape_cast %parallel_loop3A_404 : vector<1x16xf32> to vector<16xf32>
        %parallel_loop3A_406 = vector.shape_cast %parallel_loop3A_400 : vector<16xf32> to vector<1x16xf32>
        tpu.vector_store %arg16[%parallel_loop3A_402, %parallel_loop3A_403], %parallel_loop3A_406 {strides = array<i32>} : memref<8x1024xf32, #tpu.memory_space<vmem>>, vector<1x16xf32>,
      } {sc.loop_unroll_factor = 8 : i64, sc.parallel_access}
      %parallel_loop3A_303 = arith.constant 0 : i32
      %parallel_loop3A_304 = arith.constant 1024 : i32
      %parallel_loop3A_305 = arith.constant 16 : i32
      scf.for %parallel_loop3A_353 = %parallel_loop3A_303 to %parallel_loop3A_304 step %parallel_loop3A_305  : i32 {
        %parallel_loop3A_354 = arith.constant 1 : i32
        %parallel_loop3A_355 = arith.index_cast %parallel_loop3A_354 : i32 to index
        %parallel_loop3A_356 = arith.index_cast %parallel_loop3A_353 : i32 to index
        %parallel_loop3A_357 = tpu.vector_load %arg18[%parallel_loop3A_355, %parallel_loop3A_356] {strides = array<i32>} : memref<8x1024xf32, #tpu.memory_space<vmem>>, vector<1x16xf32>,
        %parallel_loop3A_358 = vector.shape_cast %parallel_loop3A_357 : vector<1x16xf32> to vector<16xf32>
        %parallel_loop3A_359 = arith.constant 1 : i32
        %parallel_loop3A_360 = arith.index_cast %parallel_loop3A_359 : i32 to index
        %parallel_loop3A_361 = arith.index_cast %parallel_loop3A_353 : i32 to index
        %parallel_loop3A_362 = tpu.vector_load %arg6[%parallel_loop3A_360, %parallel_loop3A_361] {strides = array<i32>} : memref<8x1024xf32, #tpu.memory_space<vmem>>, vector<1x16xf32>,
        %parallel_loop3A_363 = vector.shape_cast %parallel_loop3A_362 : vector<1x16xf32> to vector<16xf32>
        %parallel_loop3A_364 = arith.addf %parallel_loop3A_363, %parallel_loop3A_358 : vector<16xf32>
        %parallel_loop3A_365 = arith.constant 1 : i32
        %parallel_loop3A_366 = arith.index_cast %parallel_loop3A_365 : i32 to index
        %parallel_loop3A_367 = arith.index_cast %parallel_loop3A_353 : i32 to index
        %parallel_loop3A_368 = tpu.vector_load %arg13[%parallel_loop3A_366, %parallel_loop3A_367] {strides = array<i32>} : memref<8x1024xf32, #tpu.memory_space<vmem>>, vector<1x16xf32>,
        %parallel_loop3A_369 = vector.shape_cast %parallel_loop3A_368 : vector<1x16xf32> to vector<16xf32>
        %parallel_loop3A_370 = vector.shape_cast %parallel_loop3A_364 : vector<16xf32> to vector<1x16xf32>
        tpu.vector_store %arg13[%parallel_loop3A_366, %parallel_loop3A_367], %parallel_loop3A_370 {strides = array<i32>} : memref<8x1024xf32, #tpu.memory_space<vmem>>, vector<1x16xf32>,
        %parallel_loop3A_371 = arith.constant 1 : i32
        %parallel_loop3A_372 = arith.index_cast %parallel_loop3A_371 : i32 to index
        %parallel_loop3A_373 = arith.index_cast %parallel_loop3A_353 : i32 to index
        %parallel_loop3A_374 = tpu.vector_load %arg8[%parallel_loop3A_372, %parallel_loop3A_373] {strides = array<i32>} : memref<8x1024xf32, #tpu.memory_space<vmem>>, vector<1x16xf32>,
        %parallel_loop3A_375 = vector.shape_cast %parallel_loop3A_374 : vector<1x16xf32> to vector<16xf32>
        %parallel_loop3A_376 = arith.addf %parallel_loop3A_375, %parallel_loop3A_358 : vector<16xf32>
        %parallel_loop3A_377 = arith.constant 1 : i32
        %parallel_loop3A_378 = arith.index_cast %parallel_loop3A_377 : i32 to index
        %parallel_loop3A_379 = arith.index_cast %parallel_loop3A_353 : i32 to index
        %parallel_loop3A_380 = tpu.vector_load %arg14[%parallel_loop3A_378, %parallel_loop3A_379] {strides = array<i32>} : memref<8x1024xf32, #tpu.memory_space<vmem>>, vector<1x16xf32>,
        %parallel_loop3A_381 = vector.shape_cast %parallel_loop3A_380 : vector<1x16xf32> to vector<16xf32>
        %parallel_loop3A_382 = vector.shape_cast %parallel_loop3A_376 : vector<16xf32> to vector<1x16xf32>
        tpu.vector_store %arg14[%parallel_loop3A_378, %parallel_loop3A_379], %parallel_loop3A_382 {strides = array<i32>} : memref<8x1024xf32, #tpu.memory_space<vmem>>, vector<1x16xf32>,
        %parallel_loop3A_383 = arith.constant 1 : i32
        %parallel_loop3A_384 = arith.index_cast %parallel_loop3A_383 : i32 to index
        %parallel_loop3A_385 = arith.index_cast %parallel_loop3A_353 : i32 to index
        %parallel_loop3A_386 = tpu.vector_load %arg10[%parallel_loop3A_384, %parallel_loop3A_385] {strides = array<i32>} : memref<8x1024xf32, #tpu.memory_space<vmem>>, vector<1x16xf32>,
        %parallel_loop3A_387 = vector.shape_cast %parallel_loop3A_386 : vector<1x16xf32> to vector<16xf32>
        %parallel_loop3A_388 = arith.addf %parallel_loop3A_387, %parallel_loop3A_358 : vector<16xf32>
        %parallel_loop3A_389 = arith.constant 1 : i32
        %parallel_loop3A_390 = arith.index_cast %parallel_loop3A_389 : i32 to index
        %parallel_loop3A_391 = arith.index_cast %parallel_loop3A_353 : i32 to index
        %parallel_loop3A_392 = tpu.vector_load %arg15[%parallel_loop3A_390, %parallel_loop3A_391] {strides = array<i32>} : memref<8x1024xf32, #tpu.memory_space<vmem>>, vector<1x16xf32>,
        %parallel_loop3A_393 = vector.shape_cast %parallel_loop3A_392 : vector<1x16xf32> to vector<16xf32>
        %parallel_loop3A_394 = vector.shape_cast %parallel_loop3A_388 : vector<16xf32> to vector<1x16xf32>
        tpu.vector_store %arg15[%parallel_loop3A_390, %parallel_loop3A_391], %parallel_loop3A_394 {strides = array<i32>} : memref<8x1024xf32, #tpu.memory_space<vmem>>, vector<1x16xf32>,
        %parallel_loop3A_395 = arith.constant 1 : i32
        %parallel_loop3A_396 = arith.index_cast %parallel_loop3A_395 : i32 to index
        %parallel_loop3A_397 = arith.index_cast %parallel_loop3A_353 : i32 to index
        %parallel_loop3A_398 = tpu.vector_load %arg12[%parallel_loop3A_396, %parallel_loop3A_397] {strides = array<i32>} : memref<8x1024xf32, #tpu.memory_space<vmem>>, vector<1x16xf32>,
        %parallel_loop3A_399 = vector.shape_cast %parallel_loop3A_398 : vector<1x16xf32> to vector<16xf32>
        %parallel_loop3A_400 = arith.addf %parallel_loop3A_399, %parallel_loop3A_358 : vector<16xf32>
        %parallel_loop3A_401 = arith.constant 1 : i32
        %parallel_loop3A_402 = arith.index_cast %parallel_loop3A_401 : i32 to index
        %parallel_loop3A_403 = arith.index_cast %parallel_loop3A_353 : i32 to index
        %parallel_loop3A_404 = tpu.vector_load %arg16[%parallel_loop3A_402, %parallel_loop3A_403] {strides = array<i32>} : memref<8x1024xf32, #tpu.memory_space<vmem>>, vector<1x16xf32>,
        %parallel_loop3A_405 = vector.shape_cast %parallel_loop3A_404 : vector<1x16xf32> to vector<16xf32>
        %parallel_loop3A_406 = vector.shape_cast %parallel_loop3A_400 : vector<16xf32> to vector<1x16xf32>
        tpu.vector_store %arg16[%parallel_loop3A_402, %parallel_loop3A_403], %parallel_loop3A_406 {strides = array<i32>} : memref<8x1024xf32, #tpu.memory_space<vmem>>, vector<1x16xf32>,
      } {sc.loop_unroll_factor = 8 : i64, sc.parallel_access}
      %parallel_loop3A_306 = arith.constant 0 : i32
      %parallel_loop3A_307 = arith.constant 1024 : i32
      %parallel_loop3A_308 = arith.constant 16 : i32
      scf.for %parallel_loop3A_353 = %parallel_loop3A_306 to %parallel_loop3A_307 step %parallel_loop3A_308  : i32 {
        %parallel_loop3A_354 = arith.constant 2 : i32
        %parallel_loop3A_355 = arith.index_cast %parallel_loop3A_354 : i32 to index
        %parallel_loop3A_356 = arith.index_cast %parallel_loop3A_353 : i32 to index
        %parallel_loop3A_357 = tpu.vector_load %arg18[%parallel_loop3A_355, %parallel_loop3A_356] {strides = array<i32>} : memref<8x1024xf32, #tpu.memory_space<vmem>>, vector<1x16xf32>,
        %parallel_loop3A_358 = vector.shape_cast %parallel_loop3A_357 : vector<1x16xf32> to vector<16xf32>
        %parallel_loop3A_359 = arith.constant 2 : i32
        %parallel_loop3A_360 = arith.index_cast %parallel_loop3A_359 : i32 to index
        %parallel_loop3A_361 = arith.index_cast %parallel_loop3A_353 : i32 to index
        %parallel_loop3A_362 = tpu.vector_load %arg6[%parallel_loop3A_360, %parallel_loop3A_361] {strides = array<i32>} : memref<8x1024xf32, #tpu.memory_space<vmem>>, vector<1x16xf32>,
        %parallel_loop3A_363 = vector.shape_cast %parallel_loop3A_362 : vector<1x16xf32> to vector<16xf32>
        %parallel_loop3A_364 = arith.addf %parallel_loop3A_363, %parallel_loop3A_358 : vector<16xf32>
        %parallel_loop3A_365 = arith.constant 2 : i32
        %parallel_loop3A_366 = arith.index_cast %parallel_loop3A_365 : i32 to index
        %parallel_loop3A_367 = arith.index_cast %parallel_loop3A_353 : i32 to index
        %parallel_loop3A_368 = tpu.vector_load %arg13[%parallel_loop3A_366, %parallel_loop3A_367] {strides = array<i32>} : memref<8x1024xf32, #tpu.memory_space<vmem>>, vector<1x16xf32>,
        %parallel_loop3A_369 = vector.shape_cast %parallel_loop3A_368 : vector<1x16xf32> to vector<16xf32>
        %parallel_loop3A_370 = vector.shape_cast %parallel_loop3A_364 : vector<16xf32> to vector<1x16xf32>
        tpu.vector_store %arg13[%parallel_loop3A_366, %parallel_loop3A_367], %parallel_loop3A_370 {strides = array<i32>} : memref<8x1024xf32, #tpu.memory_space<vmem>>, vector<1x16xf32>,
        %parallel_loop3A_371 = arith.constant 2 : i32
        %parallel_loop3A_372 = arith.index_cast %parallel_loop3A_371 : i32 to index
        %parallel_loop3A_373 = arith.index_cast %parallel_loop3A_353 : i32 to index
        %parallel_loop3A_374 = tpu.vector_load %arg8[%parallel_loop3A_372, %parallel_loop3A_373] {strides = array<i32>} : memref<8x1024xf32, #tpu.memory_space<vmem>>, vector<1x16xf32>,
        %parallel_loop3A_375 = vector.shape_cast %parallel_loop3A_374 : vector<1x16xf32> to vector<16xf32>
        %parallel_loop3A_376 = arith.addf %parallel_loop3A_375, %parallel_loop3A_358 : vector<16xf32>
        %parallel_loop3A_377 = arith.constant 2 : i32
        %parallel_loop3A_378 = arith.index_cast %parallel_loop3A_377 : i32 to index
        %parallel_loop3A_379 = arith.index_cast %parallel_loop3A_353 : i32 to index
        %parallel_loop3A_380 = tpu.vector_load %arg14[%parallel_loop3A_378, %parallel_loop3A_379] {strides = array<i32>} : memref<8x1024xf32, #tpu.memory_space<vmem>>, vector<1x16xf32>,
        %parallel_loop3A_381 = vector.shape_cast %parallel_loop3A_380 : vector<1x16xf32> to vector<16xf32>
        %parallel_loop3A_382 = vector.shape_cast %parallel_loop3A_376 : vector<16xf32> to vector<1x16xf32>
        tpu.vector_store %arg14[%parallel_loop3A_378, %parallel_loop3A_379], %parallel_loop3A_382 {strides = array<i32>} : memref<8x1024xf32, #tpu.memory_space<vmem>>, vector<1x16xf32>,
        %parallel_loop3A_383 = arith.constant 2 : i32
        %parallel_loop3A_384 = arith.index_cast %parallel_loop3A_383 : i32 to index
        %parallel_loop3A_385 = arith.index_cast %parallel_loop3A_353 : i32 to index
        %parallel_loop3A_386 = tpu.vector_load %arg10[%parallel_loop3A_384, %parallel_loop3A_385] {strides = array<i32>} : memref<8x1024xf32, #tpu.memory_space<vmem>>, vector<1x16xf32>,
        %parallel_loop3A_387 = vector.shape_cast %parallel_loop3A_386 : vector<1x16xf32> to vector<16xf32>
        %parallel_loop3A_388 = arith.addf %parallel_loop3A_387, %parallel_loop3A_358 : vector<16xf32>
        %parallel_loop3A_389 = arith.constant 2 : i32
        %parallel_loop3A_390 = arith.index_cast %parallel_loop3A_389 : i32 to index
        %parallel_loop3A_391 = arith.index_cast %parallel_loop3A_353 : i32 to index
        %parallel_loop3A_392 = tpu.vector_load %arg15[%parallel_loop3A_390, %parallel_loop3A_391] {strides = array<i32>} : memref<8x1024xf32, #tpu.memory_space<vmem>>, vector<1x16xf32>,
        %parallel_loop3A_393 = vector.shape_cast %parallel_loop3A_392 : vector<1x16xf32> to vector<16xf32>
        %parallel_loop3A_394 = vector.shape_cast %parallel_loop3A_388 : vector<16xf32> to vector<1x16xf32>
        tpu.vector_store %arg15[%parallel_loop3A_390, %parallel_loop3A_391], %parallel_loop3A_394 {strides = array<i32>} : memref<8x1024xf32, #tpu.memory_space<vmem>>, vector<1x16xf32>,
        %parallel_loop3A_395 = arith.constant 2 : i32
        %parallel_loop3A_396 = arith.index_cast %parallel_loop3A_395 : i32 to index
        %parallel_loop3A_397 = arith.index_cast %parallel_loop3A_353 : i32 to index
        %parallel_loop3A_398 = tpu.vector_load %arg12[%parallel_loop3A_396, %parallel_loop3A_397] {strides = array<i32>} : memref<8x1024xf32, #tpu.memory_space<vmem>>, vector<1x16xf32>,
        %parallel_loop3A_399 = vector.shape_cast %parallel_loop3A_398 : vector<1x16xf32> to vector<16xf32>
        %parallel_loop3A_400 = arith.addf %parallel_loop3A_399, %parallel_loop3A_358 : vector<16xf32>
        %parallel_loop3A_401 = arith.constant 2 : i32
        %parallel_loop3A_402 = arith.index_cast %parallel_loop3A_401 : i32 to index
        %parallel_loop3A_403 = arith.index_cast %parallel_loop3A_353 : i32 to index
        %parallel_loop3A_404 = tpu.vector_load %arg16[%parallel_loop3A_402, %parallel_loop3A_403] {strides = array<i32>} : memref<8x1024xf32, #tpu.memory_space<vmem>>, vector<1x16xf32>,
        %parallel_loop3A_405 = vector.shape_cast %parallel_loop3A_404 : vector<1x16xf32> to vector<16xf32>
        %parallel_loop3A_406 = vector.shape_cast %parallel_loop3A_400 : vector<16xf32> to vector<1x16xf32>
        tpu.vector_store %arg16[%parallel_loop3A_402, %parallel_loop3A_403], %parallel_loop3A_406 {strides = array<i32>} : memref<8x1024xf32, #tpu.memory_space<vmem>>, vector<1x16xf32>,
      } {sc.loop_unroll_factor = 8 : i64, sc.parallel_access}
      %parallel_loop3A_309 = arith.constant 0 : i32
      %parallel_loop3A_310 = arith.constant 1024 : i32
      %parallel_loop3A_311 = arith.constant 16 : i32
      scf.for %parallel_loop3A_353 = %parallel_loop3A_309 to %parallel_loop3A_310 step %parallel_loop3A_311  : i32 {
        %parallel_loop3A_354 = arith.constant 3 : i32
        %parallel_loop3A_355 = arith.index_cast %parallel_loop3A_354 : i32 to index
        %parallel_loop3A_356 = arith.index_cast %parallel_loop3A_353 : i32 to index
        %parallel_loop3A_357 = tpu.vector_load %arg18[%parallel_loop3A_355, %parallel_loop3A_356] {strides = array<i32>} : memref<8x1024xf32, #tpu.memory_space<vmem>>, vector<1x16xf32>,
        %parallel_loop3A_358 = vector.shape_cast %parallel_loop3A_357 : vector<1x16xf32> to vector<16xf32>
        %parallel_loop3A_359 = arith.constant 3 : i32
        %parallel_loop3A_360 = arith.index_cast %parallel_loop3A_359 : i32 to index
        %parallel_loop3A_361 = arith.index_cast %parallel_loop3A_353 : i32 to index
        %parallel_loop3A_362 = tpu.vector_load %arg6[%parallel_loop3A_360, %parallel_loop3A_361] {strides = array<i32>} : memref<8x1024xf32, #tpu.memory_space<vmem>>, vector<1x16xf32>,
        %parallel_loop3A_363 = vector.shape_cast %parallel_loop3A_362 : vector<1x16xf32> to vector<16xf32>
        %parallel_loop3A_364 = arith.addf %parallel_loop3A_363, %parallel_loop3A_358 : vector<16xf32>
        %parallel_loop3A_365 = arith.constant 3 : i32
        %parallel_loop3A_366 = arith.index_cast %parallel_loop3A_365 : i32 to index
        %parallel_loop3A_367 = arith.index_cast %parallel_loop3A_353 : i32 to index
        %parallel_loop3A_368 = tpu.vector_load %arg13[%parallel_loop3A_366, %parallel_loop3A_367] {strides = array<i32>} : memref<8x1024xf32, #tpu.memory_space<vmem>>, vector<1x16xf32>,
        %parallel_loop3A_369 = vector.shape_cast %parallel_loop3A_368 : vector<1x16xf32> to vector<16xf32>
        %parallel_loop3A_370 = vector.shape_cast %parallel_loop3A_364 : vector<16xf32> to vector<1x16xf32>
        tpu.vector_store %arg13[%parallel_loop3A_366, %parallel_loop3A_367], %parallel_loop3A_370 {strides = array<i32>} : memref<8x1024xf32, #tpu.memory_space<vmem>>, vector<1x16xf32>,
        %parallel_loop3A_371 = arith.constant 3 : i32
        %parallel_loop3A_372 = arith.index_cast %parallel_loop3A_371 : i32 to index
        %parallel_loop3A_373 = arith.index_cast %parallel_loop3A_353 : i32 to index
        %parallel_loop3A_374 = tpu.vector_load %arg8[%parallel_loop3A_372, %parallel_loop3A_373] {strides = array<i32>} : memref<8x1024xf32, #tpu.memory_space<vmem>>, vector<1x16xf32>,
        %parallel_loop3A_375 = vector.shape_cast %parallel_loop3A_374 : vector<1x16xf32> to vector<16xf32>
        %parallel_loop3A_376 = arith.addf %parallel_loop3A_375, %parallel_loop3A_358 : vector<16xf32>
        %parallel_loop3A_377 = arith.constant 3 : i32
        %parallel_loop3A_378 = arith.index_cast %parallel_loop3A_377 : i32 to index
        %parallel_loop3A_379 = arith.index_cast %parallel_loop3A_353 : i32 to index
        %parallel_loop3A_380 = tpu.vector_load %arg14[%parallel_loop3A_378, %parallel_loop3A_379] {strides = array<i32>} : memref<8x1024xf32, #tpu.memory_space<vmem>>, vector<1x16xf32>,
        %parallel_loop3A_381 = vector.shape_cast %parallel_loop3A_380 : vector<1x16xf32> to vector<16xf32>
        %parallel_loop3A_382 = vector.shape_cast %parallel_loop3A_376 : vector<16xf32> to vector<1x16xf32>
        tpu.vector_store %arg14[%parallel_loop3A_378, %parallel_loop3A_379], %parallel_loop3A_382 {strides = array<i32>} : memref<8x1024xf32, #tpu.memory_space<vmem>>, vector<1x16xf32>,
        %parallel_loop3A_383 = arith.constant 3 : i32
        %parallel_loop3A_384 = arith.index_cast %parallel_loop3A_383 : i32 to index
        %parallel_loop3A_385 = arith.index_cast %parallel_loop3A_353 : i32 to index
        %parallel_loop3A_386 = tpu.vector_load %arg10[%parallel_loop3A_384, %parallel_loop3A_385] {strides = array<i32>} : memref<8x1024xf32, #tpu.memory_space<vmem>>, vector<1x16xf32>,
        %parallel_loop3A_387 = vector.shape_cast %parallel_loop3A_386 : vector<1x16xf32> to vector<16xf32>
        %parallel_loop3A_388 = arith.addf %parallel_loop3A_387, %parallel_loop3A_358 : vector<16xf32>
        %parallel_loop3A_389 = arith.constant 3 : i32
        %parallel_loop3A_390 = arith.index_cast %parallel_loop3A_389 : i32 to index
        %parallel_loop3A_391 = arith.index_cast %parallel_loop3A_353 : i32 to index
        %parallel_loop3A_392 = tpu.vector_load %arg15[%parallel_loop3A_390, %parallel_loop3A_391] {strides = array<i32>} : memref<8x1024xf32, #tpu.memory_space<vmem>>, vector<1x16xf32>,
        %parallel_loop3A_393 = vector.shape_cast %parallel_loop3A_392 : vector<1x16xf32> to vector<16xf32>
        %parallel_loop3A_394 = vector.shape_cast %parallel_loop3A_388 : vector<16xf32> to vector<1x16xf32>
        tpu.vector_store %arg15[%parallel_loop3A_390, %parallel_loop3A_391], %parallel_loop3A_394 {strides = array<i32>} : memref<8x1024xf32, #tpu.memory_space<vmem>>, vector<1x16xf32>,
        %parallel_loop3A_395 = arith.constant 3 : i32
        %parallel_loop3A_396 = arith.index_cast %parallel_loop3A_395 : i32 to index
        %parallel_loop3A_397 = arith.index_cast %parallel_loop3A_353 : i32 to index
        %parallel_loop3A_398 = tpu.vector_load %arg12[%parallel_loop3A_396, %parallel_loop3A_397] {strides = array<i32>} : memref<8x1024xf32, #tpu.memory_space<vmem>>, vector<1x16xf32>,
        %parallel_loop3A_399 = vector.shape_cast %parallel_loop3A_398 : vector<1x16xf32> to vector<16xf32>
        %parallel_loop3A_400 = arith.addf %parallel_loop3A_399, %parallel_loop3A_358 : vector<16xf32>
        %parallel_loop3A_401 = arith.constant 3 : i32
        %parallel_loop3A_402 = arith.index_cast %parallel_loop3A_401 : i32 to index
        %parallel_loop3A_403 = arith.index_cast %parallel_loop3A_353 : i32 to index
        %parallel_loop3A_404 = tpu.vector_load %arg16[%parallel_loop3A_402, %parallel_loop3A_403] {strides = array<i32>} : memref<8x1024xf32, #tpu.memory_space<vmem>>, vector<1x16xf32>,
        %parallel_loop3A_405 = vector.shape_cast %parallel_loop3A_404 : vector<1x16xf32> to vector<16xf32>
        %parallel_loop3A_406 = vector.shape_cast %parallel_loop3A_400 : vector<16xf32> to vector<1x16xf32>
        tpu.vector_store %arg16[%parallel_loop3A_402, %parallel_loop3A_403], %parallel_loop3A_406 {strides = array<i32>} : memref<8x1024xf32, #tpu.memory_space<vmem>>, vector<1x16xf32>,
      } {sc.loop_unroll_factor = 8 : i64, sc.parallel_access}
      %parallel_loop3A_312 = arith.constant 0 : i32
      %parallel_loop3A_313 = arith.constant 1024 : i32
      %parallel_loop3A_314 = arith.constant 16 : i32
      scf.for %parallel_loop3A_353 = %parallel_loop3A_312 to %parallel_loop3A_313 step %parallel_loop3A_314  : i32 {
        %parallel_loop3A_354 = arith.constant 4 : i32
        %parallel_loop3A_355 = arith.index_cast %parallel_loop3A_354 : i32 to index
        %parallel_loop3A_356 = arith.index_cast %parallel_loop3A_353 : i32 to index
        %parallel_loop3A_357 = tpu.vector_load %arg18[%parallel_loop3A_355, %parallel_loop3A_356] {strides = array<i32>} : memref<8x1024xf32, #tpu.memory_space<vmem>>, vector<1x16xf32>,
        %parallel_loop3A_358 = vector.shape_cast %parallel_loop3A_357 : vector<1x16xf32> to vector<16xf32>
        %parallel_loop3A_359 = arith.constant 4 : i32
        %parallel_loop3A_360 = arith.index_cast %parallel_loop3A_359 : i32 to index
        %parallel_loop3A_361 = arith.index_cast %parallel_loop3A_353 : i32 to index
        %parallel_loop3A_362 = tpu.vector_load %arg6[%parallel_loop3A_360, %parallel_loop3A_361] {strides = array<i32>} : memref<8x1024xf32, #tpu.memory_space<vmem>>, vector<1x16xf32>,
        %parallel_loop3A_363 = vector.shape_cast %parallel_loop3A_362 : vector<1x16xf32> to vector<16xf32>
        %parallel_loop3A_364 = arith.addf %parallel_loop3A_363, %parallel_loop3A_358 : vector<16xf32>
        %parallel_loop3A_365 = arith.constant 4 : i32
        %parallel_loop3A_366 = arith.index_cast %parallel_loop3A_365 : i32 to index
        %parallel_loop3A_367 = arith.index_cast %parallel_loop3A_353 : i32 to index
        %parallel_loop3A_368 = tpu.vector_load %arg13[%parallel_loop3A_366, %parallel_loop3A_367] {strides = array<i32>} : memref<8x1024xf32, #tpu.memory_space<vmem>>, vector<1x16xf32>,
        %parallel_loop3A_369 = vector.shape_cast %parallel_loop3A_368 : vector<1x16xf32> to vector<16xf32>
        %parallel_loop3A_370 = vector.shape_cast %parallel_loop3A_364 : vector<16xf32> to vector<1x16xf32>
        tpu.vector_store %arg13[%parallel_loop3A_366, %parallel_loop3A_367], %parallel_loop3A_370 {strides = array<i32>} : memref<8x1024xf32, #tpu.memory_space<vmem>>, vector<1x16xf32>,
        %parallel_loop3A_371 = arith.constant 4 : i32
        %parallel_loop3A_372 = arith.index_cast %parallel_loop3A_371 : i32 to index
        %parallel_loop3A_373 = arith.index_cast %parallel_loop3A_353 : i32 to index
        %parallel_loop3A_374 = tpu.vector_load %arg8[%parallel_loop3A_372, %parallel_loop3A_373] {strides = array<i32>} : memref<8x1024xf32, #tpu.memory_space<vmem>>, vector<1x16xf32>,
        %parallel_loop3A_375 = vector.shape_cast %parallel_loop3A_374 : vector<1x16xf32> to vector<16xf32>
        %parallel_loop3A_376 = arith.addf %parallel_loop3A_375, %parallel_loop3A_358 : vector<16xf32>
        %parallel_loop3A_377 = arith.constant 4 : i32
        %parallel_loop3A_378 = arith.index_cast %parallel_loop3A_377 : i32 to index
        %parallel_loop3A_379 = arith.index_cast %parallel_loop3A_353 : i32 to index
        %parallel_loop3A_380 = tpu.vector_load %arg14[%parallel_loop3A_378, %parallel_loop3A_379] {strides = array<i32>} : memref<8x1024xf32, #tpu.memory_space<vmem>>, vector<1x16xf32>,
        %parallel_loop3A_381 = vector.shape_cast %parallel_loop3A_380 : vector<1x16xf32> to vector<16xf32>
        %parallel_loop3A_382 = vector.shape_cast %parallel_loop3A_376 : vector<16xf32> to vector<1x16xf32>
        tpu.vector_store %arg14[%parallel_loop3A_378, %parallel_loop3A_379], %parallel_loop3A_382 {strides = array<i32>} : memref<8x1024xf32, #tpu.memory_space<vmem>>, vector<1x16xf32>,
        %parallel_loop3A_383 = arith.constant 4 : i32
        %parallel_loop3A_384 = arith.index_cast %parallel_loop3A_383 : i32 to index
        %parallel_loop3A_385 = arith.index_cast %parallel_loop3A_353 : i32 to index
        %parallel_loop3A_386 = tpu.vector_load %arg10[%parallel_loop3A_384, %parallel_loop3A_385] {strides = array<i32>} : memref<8x1024xf32, #tpu.memory_space<vmem>>, vector<1x16xf32>,
        %parallel_loop3A_387 = vector.shape_cast %parallel_loop3A_386 : vector<1x16xf32> to vector<16xf32>
        %parallel_loop3A_388 = arith.addf %parallel_loop3A_387, %parallel_loop3A_358 : vector<16xf32>
        %parallel_loop3A_389 = arith.constant 4 : i32
        %parallel_loop3A_390 = arith.index_cast %parallel_loop3A_389 : i32 to index
        %parallel_loop3A_391 = arith.index_cast %parallel_loop3A_353 : i32 to index
        %parallel_loop3A_392 = tpu.vector_load %arg15[%parallel_loop3A_390, %parallel_loop3A_391] {strides = array<i32>} : memref<8x1024xf32, #tpu.memory_space<vmem>>, vector<1x16xf32>,
        %parallel_loop3A_393 = vector.shape_cast %parallel_loop3A_392 : vector<1x16xf32> to vector<16xf32>
        %parallel_loop3A_394 = vector.shape_cast %parallel_loop3A_388 : vector<16xf32> to vector<1x16xf32>
        tpu.vector_store %arg15[%parallel_loop3A_390, %parallel_loop3A_391], %parallel_loop3A_394 {strides = array<i32>} : memref<8x1024xf32, #tpu.memory_space<vmem>>, vector<1x16xf32>,
        %parallel_loop3A_395 = arith.constant 4 : i32
        %parallel_loop3A_396 = arith.index_cast %parallel_loop3A_395 : i32 to index
        %parallel_loop3A_397 = arith.index_cast %parallel_loop3A_353 : i32 to index
        %parallel_loop3A_398 = tpu.vector_load %arg12[%parallel_loop3A_396, %parallel_loop3A_397] {strides = array<i32>} : memref<8x1024xf32, #tpu.memory_space<vmem>>, vector<1x16xf32>,
        %parallel_loop3A_399 = vector.shape_cast %parallel_loop3A_398 : vector<1x16xf32> to vector<16xf32>
        %parallel_loop3A_400 = arith.addf %parallel_loop3A_399, %parallel_loop3A_358 : vector<16xf32>
        %parallel_loop3A_401 = arith.constant 4 : i32
        %parallel_loop3A_402 = arith.index_cast %parallel_loop3A_401 : i32 to index
        %parallel_loop3A_403 = arith.index_cast %parallel_loop3A_353 : i32 to index
        %parallel_loop3A_404 = tpu.vector_load %arg16[%parallel_loop3A_402, %parallel_loop3A_403] {strides = array<i32>} : memref<8x1024xf32, #tpu.memory_space<vmem>>, vector<1x16xf32>,
        %parallel_loop3A_405 = vector.shape_cast %parallel_loop3A_404 : vector<1x16xf32> to vector<16xf32>
        %parallel_loop3A_406 = vector.shape_cast %parallel_loop3A_400 : vector<16xf32> to vector<1x16xf32>
        tpu.vector_store %arg16[%parallel_loop3A_402, %parallel_loop3A_403], %parallel_loop3A_406 {strides = array<i32>} : memref<8x1024xf32, #tpu.memory_space<vmem>>, vector<1x16xf32>,
      } {sc.loop_unroll_factor = 8 : i64, sc.parallel_access}
      %parallel_loop3A_315 = arith.constant 0 : i32
      %parallel_loop3A_316 = arith.constant 1024 : i32
      %parallel_loop3A_317 = arith.constant 16 : i32
      scf.for %parallel_loop3A_353 = %parallel_loop3A_315 to %parallel_loop3A_316 step %parallel_loop3A_317  : i32 {
        %parallel_loop3A_354 = arith.constant 5 : i32
        %parallel_loop3A_355 = arith.index_cast %parallel_loop3A_354 : i32 to index
        %parallel_loop3A_356 = arith.index_cast %parallel_loop3A_353 : i32 to index
        %parallel_loop3A_357 = tpu.vector_load %arg18[%parallel_loop3A_355, %parallel_loop3A_356] {strides = array<i32>} : memref<8x1024xf32, #tpu.memory_space<vmem>>, vector<1x16xf32>,
        %parallel_loop3A_358 = vector.shape_cast %parallel_loop3A_357 : vector<1x16xf32> to vector<16xf32>
        %parallel_loop3A_359 = arith.constant 5 : i32
        %parallel_loop3A_360 = arith.index_cast %parallel_loop3A_359 : i32 to index
        %parallel_loop3A_361 = arith.index_cast %parallel_loop3A_353 : i32 to index
        %parallel_loop3A_362 = tpu.vector_load %arg6[%parallel_loop3A_360, %parallel_loop3A_361] {strides = array<i32>} : memref<8x1024xf32, #tpu.memory_space<vmem>>, vector<1x16xf32>,
        %parallel_loop3A_363 = vector.shape_cast %parallel_loop3A_362 : vector<1x16xf32> to vector<16xf32>
        %parallel_loop3A_364 = arith.addf %parallel_loop3A_363, %parallel_loop3A_358 : vector<16xf32>
        %parallel_loop3A_365 = arith.constant 5 : i32
        %parallel_loop3A_366 = arith.index_cast %parallel_loop3A_365 : i32 to index
        %parallel_loop3A_367 = arith.index_cast %parallel_loop3A_353 : i32 to index
        %parallel_loop3A_368 = tpu.vector_load %arg13[%parallel_loop3A_366, %parallel_loop3A_367] {strides = array<i32>} : memref<8x1024xf32, #tpu.memory_space<vmem>>, vector<1x16xf32>,
        %parallel_loop3A_369 = vector.shape_cast %parallel_loop3A_368 : vector<1x16xf32> to vector<16xf32>
        %parallel_loop3A_370 = vector.shape_cast %parallel_loop3A_364 : vector<16xf32> to vector<1x16xf32>
        tpu.vector_store %arg13[%parallel_loop3A_366, %parallel_loop3A_367], %parallel_loop3A_370 {strides = array<i32>} : memref<8x1024xf32, #tpu.memory_space<vmem>>, vector<1x16xf32>,
        %parallel_loop3A_371 = arith.constant 5 : i32
        %parallel_loop3A_372 = arith.index_cast %parallel_loop3A_371 : i32 to index
        %parallel_loop3A_373 = arith.index_cast %parallel_loop3A_353 : i32 to index
        %parallel_loop3A_374 = tpu.vector_load %arg8[%parallel_loop3A_372, %parallel_loop3A_373] {strides = array<i32>} : memref<8x1024xf32, #tpu.memory_space<vmem>>, vector<1x16xf32>,
        %parallel_loop3A_375 = vector.shape_cast %parallel_loop3A_374 : vector<1x16xf32> to vector<16xf32>
        %parallel_loop3A_376 = arith.addf %parallel_loop3A_375, %parallel_loop3A_358 : vector<16xf32>
        %parallel_loop3A_377 = arith.constant 5 : i32
        %parallel_loop3A_378 = arith.index_cast %parallel_loop3A_377 : i32 to index
        %parallel_loop3A_379 = arith.index_cast %parallel_loop3A_353 : i32 to index
        %parallel_loop3A_380 = tpu.vector_load %arg14[%parallel_loop3A_378, %parallel_loop3A_379] {strides = array<i32>} : memref<8x1024xf32, #tpu.memory_space<vmem>>, vector<1x16xf32>,
        %parallel_loop3A_381 = vector.shape_cast %parallel_loop3A_380 : vector<1x16xf32> to vector<16xf32>
        %parallel_loop3A_382 = vector.shape_cast %parallel_loop3A_376 : vector<16xf32> to vector<1x16xf32>
        tpu.vector_store %arg14[%parallel_loop3A_378, %parallel_loop3A_379], %parallel_loop3A_382 {strides = array<i32>} : memref<8x1024xf32, #tpu.memory_space<vmem>>, vector<1x16xf32>,
        %parallel_loop3A_383 = arith.constant 5 : i32
        %parallel_loop3A_384 = arith.index_cast %parallel_loop3A_383 : i32 to index
        %parallel_loop3A_385 = arith.index_cast %parallel_loop3A_353 : i32 to index
        %parallel_loop3A_386 = tpu.vector_load %arg10[%parallel_loop3A_384, %parallel_loop3A_385] {strides = array<i32>} : memref<8x1024xf32, #tpu.memory_space<vmem>>, vector<1x16xf32>,
        %parallel_loop3A_387 = vector.shape_cast %parallel_loop3A_386 : vector<1x16xf32> to vector<16xf32>
        %parallel_loop3A_388 = arith.addf %parallel_loop3A_387, %parallel_loop3A_358 : vector<16xf32>
        %parallel_loop3A_389 = arith.constant 5 : i32
        %parallel_loop3A_390 = arith.index_cast %parallel_loop3A_389 : i32 to index
        %parallel_loop3A_391 = arith.index_cast %parallel_loop3A_353 : i32 to index
        %parallel_loop3A_392 = tpu.vector_load %arg15[%parallel_loop3A_390, %parallel_loop3A_391] {strides = array<i32>} : memref<8x1024xf32, #tpu.memory_space<vmem>>, vector<1x16xf32>,
        %parallel_loop3A_393 = vector.shape_cast %parallel_loop3A_392 : vector<1x16xf32> to vector<16xf32>
        %parallel_loop3A_394 = vector.shape_cast %parallel_loop3A_388 : vector<16xf32> to vector<1x16xf32>
        tpu.vector_store %arg15[%parallel_loop3A_390, %parallel_loop3A_391], %parallel_loop3A_394 {strides = array<i32>} : memref<8x1024xf32, #tpu.memory_space<vmem>>, vector<1x16xf32>,
        %parallel_loop3A_395 = arith.constant 5 : i32
        %parallel_loop3A_396 = arith.index_cast %parallel_loop3A_395 : i32 to index
        %parallel_loop3A_397 = arith.index_cast %parallel_loop3A_353 : i32 to index
        %parallel_loop3A_398 = tpu.vector_load %arg12[%parallel_loop3A_396, %parallel_loop3A_397] {strides = array<i32>} : memref<8x1024xf32, #tpu.memory_space<vmem>>, vector<1x16xf32>,
        %parallel_loop3A_399 = vector.shape_cast %parallel_loop3A_398 : vector<1x16xf32> to vector<16xf32>
        %parallel_loop3A_400 = arith.addf %parallel_loop3A_399, %parallel_loop3A_358 : vector<16xf32>
        %parallel_loop3A_401 = arith.constant 5 : i32
        %parallel_loop3A_402 = arith.index_cast %parallel_loop3A_401 : i32 to index
        %parallel_loop3A_403 = arith.index_cast %parallel_loop3A_353 : i32 to index
        %parallel_loop3A_404 = tpu.vector_load %arg16[%parallel_loop3A_402, %parallel_loop3A_403] {strides = array<i32>} : memref<8x1024xf32, #tpu.memory_space<vmem>>, vector<1x16xf32>,
        %parallel_loop3A_405 = vector.shape_cast %parallel_loop3A_404 : vector<1x16xf32> to vector<16xf32>
        %parallel_loop3A_406 = vector.shape_cast %parallel_loop3A_400 : vector<16xf32> to vector<1x16xf32>
        tpu.vector_store %arg16[%parallel_loop3A_402, %parallel_loop3A_403], %parallel_loop3A_406 {strides = array<i32>} : memref<8x1024xf32, #tpu.memory_space<vmem>>, vector<1x16xf32>,
      } {sc.loop_unroll_factor = 8 : i64, sc.parallel_access}
      %parallel_loop3A_318 = arith.constant 0 : i32
      %parallel_loop3A_319 = arith.constant 1024 : i32
      %parallel_loop3A_320 = arith.constant 16 : i32
      scf.for %parallel_loop3A_353 = %parallel_loop3A_318 to %parallel_loop3A_319 step %parallel_loop3A_320  : i32 {
        %parallel_loop3A_354 = arith.constant 6 : i32
        %parallel_loop3A_355 = arith.index_cast %parallel_loop3A_354 : i32 to index
        %parallel_loop3A_356 = arith.index_cast %parallel_loop3A_353 : i32 to index
        %parallel_loop3A_357 = tpu.vector_load %arg18[%parallel_loop3A_355, %parallel_loop3A_356] {strides = array<i32>} : memref<8x1024xf32, #tpu.memory_space<vmem>>, vector<1x16xf32>,
        %parallel_loop3A_358 = vector.shape_cast %parallel_loop3A_357 : vector<1x16xf32> to vector<16xf32>
        %parallel_loop3A_359 = arith.constant 6 : i32
        %parallel_loop3A_360 = arith.index_cast %parallel_loop3A_359 : i32 to index
        %parallel_loop3A_361 = arith.index_cast %parallel_loop3A_353 : i32 to index
        %parallel_loop3A_362 = tpu.vector_load %arg6[%parallel_loop3A_360, %parallel_loop3A_361] {strides = array<i32>} : memref<8x1024xf32, #tpu.memory_space<vmem>>, vector<1x16xf32>,
        %parallel_loop3A_363 = vector.shape_cast %parallel_loop3A_362 : vector<1x16xf32> to vector<16xf32>
        %parallel_loop3A_364 = arith.addf %parallel_loop3A_363, %parallel_loop3A_358 : vector<16xf32>
        %parallel_loop3A_365 = arith.constant 6 : i32
        %parallel_loop3A_366 = arith.index_cast %parallel_loop3A_365 : i32 to index
        %parallel_loop3A_367 = arith.index_cast %parallel_loop3A_353 : i32 to index
        %parallel_loop3A_368 = tpu.vector_load %arg13[%parallel_loop3A_366, %parallel_loop3A_367] {strides = array<i32>} : memref<8x1024xf32, #tpu.memory_space<vmem>>, vector<1x16xf32>,
        %parallel_loop3A_369 = vector.shape_cast %parallel_loop3A_368 : vector<1x16xf32> to vector<16xf32>
        %parallel_loop3A_370 = vector.shape_cast %parallel_loop3A_364 : vector<16xf32> to vector<1x16xf32>
        tpu.vector_store %arg13[%parallel_loop3A_366, %parallel_loop3A_367], %parallel_loop3A_370 {strides = array<i32>} : memref<8x1024xf32, #tpu.memory_space<vmem>>, vector<1x16xf32>,
        %parallel_loop3A_371 = arith.constant 6 : i32
        %parallel_loop3A_372 = arith.index_cast %parallel_loop3A_371 : i32 to index
        %parallel_loop3A_373 = arith.index_cast %parallel_loop3A_353 : i32 to index
        %parallel_loop3A_374 = tpu.vector_load %arg8[%parallel_loop3A_372, %parallel_loop3A_373] {strides = array<i32>} : memref<8x1024xf32, #tpu.memory_space<vmem>>, vector<1x16xf32>,
        %parallel_loop3A_375 = vector.shape_cast %parallel_loop3A_374 : vector<1x16xf32> to vector<16xf32>
        %parallel_loop3A_376 = arith.addf %parallel_loop3A_375, %parallel_loop3A_358 : vector<16xf32>
        %parallel_loop3A_377 = arith.constant 6 : i32
        %parallel_loop3A_378 = arith.index_cast %parallel_loop3A_377 : i32 to index
        %parallel_loop3A_379 = arith.index_cast %parallel_loop3A_353 : i32 to index
        %parallel_loop3A_380 = tpu.vector_load %arg14[%parallel_loop3A_378, %parallel_loop3A_379] {strides = array<i32>} : memref<8x1024xf32, #tpu.memory_space<vmem>>, vector<1x16xf32>,
        %parallel_loop3A_381 = vector.shape_cast %parallel_loop3A_380 : vector<1x16xf32> to vector<16xf32>
        %parallel_loop3A_382 = vector.shape_cast %parallel_loop3A_376 : vector<16xf32> to vector<1x16xf32>
        tpu.vector_store %arg14[%parallel_loop3A_378, %parallel_loop3A_379], %parallel_loop3A_382 {strides = array<i32>} : memref<8x1024xf32, #tpu.memory_space<vmem>>, vector<1x16xf32>,
        %parallel_loop3A_383 = arith.constant 6 : i32
        %parallel_loop3A_384 = arith.index_cast %parallel_loop3A_383 : i32 to index
        %parallel_loop3A_385 = arith.index_cast %parallel_loop3A_353 : i32 to index
        %parallel_loop3A_386 = tpu.vector_load %arg10[%parallel_loop3A_384, %parallel_loop3A_385] {strides = array<i32>} : memref<8x1024xf32, #tpu.memory_space<vmem>>, vector<1x16xf32>,
        %parallel_loop3A_387 = vector.shape_cast %parallel_loop3A_386 : vector<1x16xf32> to vector<16xf32>
        %parallel_loop3A_388 = arith.addf %parallel_loop3A_387, %parallel_loop3A_358 : vector<16xf32>
        %parallel_loop3A_389 = arith.constant 6 : i32
        %parallel_loop3A_390 = arith.index_cast %parallel_loop3A_389 : i32 to index
        %parallel_loop3A_391 = arith.index_cast %parallel_loop3A_353 : i32 to index
        %parallel_loop3A_392 = tpu.vector_load %arg15[%parallel_loop3A_390, %parallel_loop3A_391] {strides = array<i32>} : memref<8x1024xf32, #tpu.memory_space<vmem>>, vector<1x16xf32>,
        %parallel_loop3A_393 = vector.shape_cast %parallel_loop3A_392 : vector<1x16xf32> to vector<16xf32>
        %parallel_loop3A_394 = vector.shape_cast %parallel_loop3A_388 : vector<16xf32> to vector<1x16xf32>
        tpu.vector_store %arg15[%parallel_loop3A_390, %parallel_loop3A_391], %parallel_loop3A_394 {strides = array<i32>} : memref<8x1024xf32, #tpu.memory_space<vmem>>, vector<1x16xf32>,
        %parallel_loop3A_395 = arith.constant 6 : i32
        %parallel_loop3A_396 = arith.index_cast %parallel_loop3A_395 : i32 to index
        %parallel_loop3A_397 = arith.index_cast %parallel_loop3A_353 : i32 to index
        %parallel_loop3A_398 = tpu.vector_load %arg12[%parallel_loop3A_396, %parallel_loop3A_397] {strides = array<i32>} : memref<8x1024xf32, #tpu.memory_space<vmem>>, vector<1x16xf32>,
        %parallel_loop3A_399 = vector.shape_cast %parallel_loop3A_398 : vector<1x16xf32> to vector<16xf32>
        %parallel_loop3A_400 = arith.addf %parallel_loop3A_399, %parallel_loop3A_358 : vector<16xf32>
        %parallel_loop3A_401 = arith.constant 6 : i32
        %parallel_loop3A_402 = arith.index_cast %parallel_loop3A_401 : i32 to index
        %parallel_loop3A_403 = arith.index_cast %parallel_loop3A_353 : i32 to index
        %parallel_loop3A_404 = tpu.vector_load %arg16[%parallel_loop3A_402, %parallel_loop3A_403] {strides = array<i32>} : memref<8x1024xf32, #tpu.memory_space<vmem>>, vector<1x16xf32>,
        %parallel_loop3A_405 = vector.shape_cast %parallel_loop3A_404 : vector<1x16xf32> to vector<16xf32>
        %parallel_loop3A_406 = vector.shape_cast %parallel_loop3A_400 : vector<16xf32> to vector<1x16xf32>
        tpu.vector_store %arg16[%parallel_loop3A_402, %parallel_loop3A_403], %parallel_loop3A_406 {strides = array<i32>} : memref<8x1024xf32, #tpu.memory_space<vmem>>, vector<1x16xf32>,
      } {sc.loop_unroll_factor = 8 : i64, sc.parallel_access}
      %parallel_loop3A_321 = arith.constant 0 : i32
      %parallel_loop3A_322 = arith.constant 1024 : i32
      %parallel_loop3A_323 = arith.constant 16 : i32
      scf.for %parallel_loop3A_353 = %parallel_loop3A_321 to %parallel_loop3A_322 step %parallel_loop3A_323  : i32 {
        %parallel_loop3A_354 = arith.constant 7 : i32
        %parallel_loop3A_355 = arith.index_cast %parallel_loop3A_354 : i32 to index
        %parallel_loop3A_356 = arith.index_cast %parallel_loop3A_353 : i32 to index
        %parallel_loop3A_357 = tpu.vector_load %arg18[%parallel_loop3A_355, %parallel_loop3A_356] {strides = array<i32>} : memref<8x1024xf32, #tpu.memory_space<vmem>>, vector<1x16xf32>,
        %parallel_loop3A_358 = vector.shape_cast %parallel_loop3A_357 : vector<1x16xf32> to vector<16xf32>
        %parallel_loop3A_359 = arith.constant 7 : i32
        %parallel_loop3A_360 = arith.index_cast %parallel_loop3A_359 : i32 to index
        %parallel_loop3A_361 = arith.index_cast %parallel_loop3A_353 : i32 to index
        %parallel_loop3A_362 = tpu.vector_load %arg6[%parallel_loop3A_360, %parallel_loop3A_361] {strides = array<i32>} : memref<8x1024xf32, #tpu.memory_space<vmem>>, vector<1x16xf32>,
        %parallel_loop3A_363 = vector.shape_cast %parallel_loop3A_362 : vector<1x16xf32> to vector<16xf32>
        %parallel_loop3A_364 = arith.addf %parallel_loop3A_363, %parallel_loop3A_358 : vector<16xf32>
        %parallel_loop3A_365 = arith.constant 7 : i32
        %parallel_loop3A_366 = arith.index_cast %parallel_loop3A_365 : i32 to index
        %parallel_loop3A_367 = arith.index_cast %parallel_loop3A_353 : i32 to index
        %parallel_loop3A_368 = tpu.vector_load %arg13[%parallel_loop3A_366, %parallel_loop3A_367] {strides = array<i32>} : memref<8x1024xf32, #tpu.memory_space<vmem>>, vector<1x16xf32>,
        %parallel_loop3A_369 = vector.shape_cast %parallel_loop3A_368 : vector<1x16xf32> to vector<16xf32>
        %parallel_loop3A_370 = vector.shape_cast %parallel_loop3A_364 : vector<16xf32> to vector<1x16xf32>
        tpu.vector_store %arg13[%parallel_loop3A_366, %parallel_loop3A_367], %parallel_loop3A_370 {strides = array<i32>} : memref<8x1024xf32, #tpu.memory_space<vmem>>, vector<1x16xf32>,
        %parallel_loop3A_371 = arith.constant 7 : i32
        %parallel_loop3A_372 = arith.index_cast %parallel_loop3A_371 : i32 to index
        %parallel_loop3A_373 = arith.index_cast %parallel_loop3A_353 : i32 to index
        %parallel_loop3A_374 = tpu.vector_load %arg8[%parallel_loop3A_372, %parallel_loop3A_373] {strides = array<i32>} : memref<8x1024xf32, #tpu.memory_space<vmem>>, vector<1x16xf32>,
        %parallel_loop3A_375 = vector.shape_cast %parallel_loop3A_374 : vector<1x16xf32> to vector<16xf32>
        %parallel_loop3A_376 = arith.addf %parallel_loop3A_375, %parallel_loop3A_358 : vector<16xf32>
        %parallel_loop3A_377 = arith.constant 7 : i32
        %parallel_loop3A_378 = arith.index_cast %parallel_loop3A_377 : i32 to index
        %parallel_loop3A_379 = arith.index_cast %parallel_loop3A_353 : i32 to index
        %parallel_loop3A_380 = tpu.vector_load %arg14[%parallel_loop3A_378, %parallel_loop3A_379] {strides = array<i32>} : memref<8x1024xf32, #tpu.memory_space<vmem>>, vector<1x16xf32>,
        %parallel_loop3A_381 = vector.shape_cast %parallel_loop3A_380 : vector<1x16xf32> to vector<16xf32>
        %parallel_loop3A_382 = vector.shape_cast %parallel_loop3A_376 : vector<16xf32> to vector<1x16xf32>
        tpu.vector_store %arg14[%parallel_loop3A_378, %parallel_loop3A_379], %parallel_loop3A_382 {strides = array<i32>} : memref<8x1024xf32, #tpu.memory_space<vmem>>, vector<1x16xf32>,
        %parallel_loop3A_383 = arith.constant 7 : i32
        %parallel_loop3A_384 = arith.index_cast %parallel_loop3A_383 : i32 to index
        %parallel_loop3A_385 = arith.index_cast %parallel_loop3A_353 : i32 to index
        %parallel_loop3A_386 = tpu.vector_load %arg10[%parallel_loop3A_384, %parallel_loop3A_385] {strides = array<i32>} : memref<8x1024xf32, #tpu.memory_space<vmem>>, vector<1x16xf32>,
        %parallel_loop3A_387 = vector.shape_cast %parallel_loop3A_386 : vector<1x16xf32> to vector<16xf32>
        %parallel_loop3A_388 = arith.addf %parallel_loop3A_387, %parallel_loop3A_358 : vector<16xf32>
        %parallel_loop3A_389 = arith.constant 7 : i32
        %parallel_loop3A_390 = arith.index_cast %parallel_loop3A_389 : i32 to index
        %parallel_loop3A_391 = arith.index_cast %parallel_loop3A_353 : i32 to index
        %parallel_loop3A_392 = tpu.vector_load %arg15[%parallel_loop3A_390, %parallel_loop3A_391] {strides = array<i32>} : memref<8x1024xf32, #tpu.memory_space<vmem>>, vector<1x16xf32>,
        %parallel_loop3A_393 = vector.shape_cast %parallel_loop3A_392 : vector<1x16xf32> to vector<16xf32>
        %parallel_loop3A_394 = vector.shape_cast %parallel_loop3A_388 : vector<16xf32> to vector<1x16xf32>
        tpu.vector_store %arg15[%parallel_loop3A_390, %parallel_loop3A_391], %parallel_loop3A_394 {strides = array<i32>} : memref<8x1024xf32, #tpu.memory_space<vmem>>, vector<1x16xf32>,
        %parallel_loop3A_395 = arith.constant 7 : i32
        %parallel_loop3A_396 = arith.index_cast %parallel_loop3A_395 : i32 to index
        %parallel_loop3A_397 = arith.index_cast %parallel_loop3A_353 : i32 to index
        %parallel_loop3A_398 = tpu.vector_load %arg12[%parallel_loop3A_396, %parallel_loop3A_397] {strides = array<i32>} : memref<8x1024xf32, #tpu.memory_space<vmem>>, vector<1x16xf32>,
        %parallel_loop3A_399 = vector.shape_cast %parallel_loop3A_398 : vector<1x16xf32> to vector<16xf32>
        %parallel_loop3A_400 = arith.addf %parallel_loop3A_399, %parallel_loop3A_358 : vector<16xf32>
        %parallel_loop3A_401 = arith.constant 7 : i32
        %parallel_loop3A_402 = arith.index_cast %parallel_loop3A_401 : i32 to index
        %parallel_loop3A_403 = arith.index_cast %parallel_loop3A_353 : i32 to index
        %parallel_loop3A_404 = tpu.vector_load %arg16[%parallel_loop3A_402, %parallel_loop3A_403] {strides = array<i32>} : memref<8x1024xf32, #tpu.memory_space<vmem>>, vector<1x16xf32>,
        %parallel_loop3A_405 = vector.shape_cast %parallel_loop3A_404 : vector<1x16xf32> to vector<16xf32>
        %parallel_loop3A_406 = vector.shape_cast %parallel_loop3A_400 : vector<16xf32> to vector<1x16xf32>
        tpu.vector_store %arg16[%parallel_loop3A_402, %parallel_loop3A_403], %parallel_loop3A_406 {strides = array<i32>} : memref<8x1024xf32, #tpu.memory_space<vmem>>, vector<1x16xf32>,
      } {sc.loop_unroll_factor = 8 : i64, sc.parallel_access}
      %add3A_324 = arith.constant 0 : i32
      %add3A_325 = arith.addi %add3A_245, %add3A_324 : i32
      %dma_start3A_326 = arith.constant 0 : i32
      %dma_start3A_327 = tpu.memref_slice %arg4[%add3A_325, %dma_start3A_326] : memref<32768x1024xf32, #tpu.memory_space<hbm>> -> memref<8x1024xf32, #tpu.memory_space<hbm>>
      %dma_start3A_328 = arith.constant 0 : i32
      %dma_start3A_329 = tpu.memref_slice %arg4[%add3A_325, %dma_start3A_328] : memref<32768x1024xf32, #tpu.memory_space<hbm>> -> memref<8x1024xf32, #tpu.memory_space<hbm>>
      tpu.enqueue_dma source(%arg13 : memref<8x1024xf32, #tpu.memory_space<vmem>>) target(%dma_start3A_329 : memref<8x1024xf32, #tpu.memory_space<hbm>>) target_semaphore(%arg27 : memref<!tpu.dma_semaphore, #tpu.memory_space<semaphore_mem>>)
      %add3A_330 = arith.constant 8192 : i32
      %add3A_331 = arith.addi %add3A_245, %add3A_330 : i32
      %dma_start3A_332 = arith.constant 0 : i32
      %dma_start3A_333 = tpu.memref_slice %arg4[%add3A_331, %dma_start3A_332] : memref<32768x1024xf32, #tpu.memory_space<hbm>> -> memref<8x1024xf32, #tpu.memory_space<hbm>>
      %dma_start3A_334 = arith.constant 0 : i32
      %dma_start3A_335 = tpu.memref_slice %arg4[%add3A_331, %dma_start3A_334] : memref<32768x1024xf32, #tpu.memory_space<hbm>> -> memref<8x1024xf32, #tpu.memory_space<hbm>>
      tpu.enqueue_dma source(%arg14 : memref<8x1024xf32, #tpu.memory_space<vmem>>) target(%dma_start3A_335 : memref<8x1024xf32, #tpu.memory_space<hbm>>) target_semaphore(%arg28 : memref<!tpu.dma_semaphore, #tpu.memory_space<semaphore_mem>>)
      %add3A_336 = arith.constant 16384 : i32
      %add3A_337 = arith.addi %add3A_245, %add3A_336 : i32
      %dma_start3A_338 = arith.constant 0 : i32
      %dma_start3A_339 = tpu.memref_slice %arg4[%add3A_337, %dma_start3A_338] : memref<32768x1024xf32, #tpu.memory_space<hbm>> -> memref<8x1024xf32, #tpu.memory_space<hbm>>
      %dma_start3A_340 = arith.constant 0 : i32
      %dma_start3A_341 = tpu.memref_slice %arg4[%add3A_337, %dma_start3A_340] : memref<32768x1024xf32, #tpu.memory_space<hbm>> -> memref<8x1024xf32, #tpu.memory_space<hbm>>
      tpu.enqueue_dma source(%arg15 : memref<8x1024xf32, #tpu.memory_space<vmem>>) target(%dma_start3A_341 : memref<8x1024xf32, #tpu.memory_space<hbm>>) target_semaphore(%arg29 : memref<!tpu.dma_semaphore, #tpu.memory_space<semaphore_mem>>)
      %add3A_342 = arith.constant 24576 : i32
      %add3A_343 = arith.addi %add3A_245, %add3A_342 : i32
      %dma_start3A_344 = arith.constant 0 : i32
      %dma_start3A_345 = tpu.memref_slice %arg4[%add3A_343, %dma_start3A_344] : memref<32768x1024xf32, #tpu.memory_space<hbm>> -> memref<8x1024xf32, #tpu.memory_space<hbm>>
      %dma_start3A_346 = arith.constant 0 : i32
      %dma_start3A_347 = tpu.memref_slice %arg4[%add3A_343, %dma_start3A_346] : memref<32768x1024xf32, #tpu.memory_space<hbm>> -> memref<8x1024xf32, #tpu.memory_space<hbm>>
      tpu.enqueue_dma source(%arg16 : memref<8x1024xf32, #tpu.memory_space<vmem>>) target(%dma_start3A_347 : memref<8x1024xf32, #tpu.memory_space<hbm>>) target_semaphore(%arg30 : memref<!tpu.dma_semaphore, #tpu.memory_space<semaphore_mem>>)
      %lt3A_348 = arith.constant 30 : i32
      %lt3A_349 = arith.cmpi slt, %add3A_242, %lt3A_348 : i32
      %convert_element_type3A_350 = arith.extui %lt3A_349 : i1 to i32
      %cond3A_351 = arith.constant 0 : i32
      %cond3A_352 = arith.cmpi ne, %convert_element_type3A_350, %cond3A_351 : i32
      scf.if %cond3A_352 {
        %add3A_353 = arith.constant 16 : i32
        %add3A_354 = arith.addi %add3A_245, %add3A_353 : i32
        %dma_start3A_355 = arith.constant 0 : i32
        %dma_start3A_356 = tpu.memref_slice %arg3[%add3A_354, %dma_start3A_355] : memref<8192x1024xf32, #tpu.memory_space<hbm>> -> memref<8x1024xf32, #tpu.memory_space<hbm>>
        %dma_start3A_357 = arith.constant 0 : i32
        %dma_start3A_358 = tpu.memref_slice %arg3[%add3A_354, %dma_start3A_357] : memref<8192x1024xf32, #tpu.memory_space<hbm>> -> memref<8x1024xf32, #tpu.memory_space<hbm>>
        tpu.enqueue_dma source(%dma_start3A_358 : memref<8x1024xf32, #tpu.memory_space<hbm>>) target(%arg18 : memref<8x1024xf32, #tpu.memory_space<vmem>>) target_semaphore(%arg32 : memref<!tpu.dma_semaphore, #tpu.memory_space<semaphore_mem>>)
        %add3A_359 = arith.constant 0 : i32
        %add3A_360 = arith.addi %add3A_245, %add3A_359 : i32
        %add3A_361 = arith.constant 16 : i32
        %add3A_362 = arith.addi %add3A_360, %add3A_361 : i32
        %dma_start3A_363 = arith.constant 0 : i32
        %dma_start3A_364 = tpu.memref_slice %arg2[%add3A_362, %dma_start3A_363] : memref<32768x1024xf32, #tpu.memory_space<hbm>> -> memref<8x1024xf32, #tpu.memory_space<hbm>>
        %dma_start3A_365 = arith.constant 0 : i32
        %dma_start3A_366 = tpu.memref_slice %arg2[%add3A_362, %dma_start3A_365] : memref<32768x1024xf32, #tpu.memory_space<hbm>> -> memref<8x1024xf32, #tpu.memory_space<hbm>>
        tpu.enqueue_dma source(%dma_start3A_366 : memref<8x1024xf32, #tpu.memory_space<hbm>>) target(%arg6 : memref<8x1024xf32, #tpu.memory_space<vmem>>) target_semaphore(%arg20 : memref<!tpu.dma_semaphore, #tpu.memory_space<semaphore_mem>>)
        %add3A_367 = arith.constant 8192 : i32
        %add3A_368 = arith.addi %add3A_245, %add3A_367 : i32
        %add3A_369 = arith.constant 16 : i32
        %add3A_370 = arith.addi %add3A_368, %add3A_369 : i32
        %dma_start3A_371 = arith.constant 0 : i32
        %dma_start3A_372 = tpu.memref_slice %arg2[%add3A_370, %dma_start3A_371] : memref<32768x1024xf32, #tpu.memory_space<hbm>> -> memref<8x1024xf32, #tpu.memory_space<hbm>>
        %dma_start3A_373 = arith.constant 0 : i32
        %dma_start3A_374 = tpu.memref_slice %arg2[%add3A_370, %dma_start3A_373] : memref<32768x1024xf32, #tpu.memory_space<hbm>> -> memref<8x1024xf32, #tpu.memory_space<hbm>>
        tpu.enqueue_dma source(%dma_start3A_374 : memref<8x1024xf32, #tpu.memory_space<hbm>>) target(%arg8 : memref<8x1024xf32, #tpu.memory_space<vmem>>) target_semaphore(%arg22 : memref<!tpu.dma_semaphore, #tpu.memory_space<semaphore_mem>>)
        %add3A_375 = arith.constant 16384 : i32
        %add3A_376 = arith.addi %add3A_245, %add3A_375 : i32
        %add3A_377 = arith.constant 16 : i32
        %add3A_378 = arith.addi %add3A_376, %add3A_377 : i32
        %dma_start3A_379 = arith.constant 0 : i32
        %dma_start3A_380 = tpu.memref_slice %arg2[%add3A_378, %dma_start3A_379] : memref<32768x1024xf32, #tpu.memory_space<hbm>> -> memref<8x1024xf32, #tpu.memory_space<hbm>>
        %dma_start3A_381 = arith.constant 0 : i32
        %dma_start3A_382 = tpu.memref_slice %arg2[%add3A_378, %dma_start3A_381] : memref<32768x1024xf32, #tpu.memory_space<hbm>> -> memref<8x1024xf32, #tpu.memory_space<hbm>>
        tpu.enqueue_dma source(%dma_start3A_382 : memref<8x1024xf32, #tpu.memory_space<hbm>>) target(%arg10 : memref<8x1024xf32, #tpu.memory_space<vmem>>) target_semaphore(%arg24 : memref<!tpu.dma_semaphore, #tpu.memory_space<semaphore_mem>>)
        %add3A_383 = arith.constant 24576 : i32
        %add3A_384 = arith.addi %add3A_245, %add3A_383 : i32
        %add3A_385 = arith.constant 16 : i32
        %add3A_386 = arith.addi %add3A_384, %add3A_385 : i32
        %dma_start3A_387 = arith.constant 0 : i32
        %dma_start3A_388 = tpu.memref_slice %arg2[%add3A_386, %dma_start3A_387] : memref<32768x1024xf32, #tpu.memory_space<hbm>> -> memref<8x1024xf32, #tpu.memory_space<hbm>>
        %dma_start3A_389 = arith.constant 0 : i32
        %dma_start3A_390 = tpu.memref_slice %arg2[%add3A_386, %dma_start3A_389] : memref<32768x1024xf32, #tpu.memory_space<hbm>> -> memref<8x1024xf32, #tpu.memory_space<hbm>>
        tpu.enqueue_dma source(%dma_start3A_390 : memref<8x1024xf32, #tpu.memory_space<hbm>>) target(%arg12 : memref<8x1024xf32, #tpu.memory_space<vmem>>) target_semaphore(%arg26 : memref<!tpu.dma_semaphore, #tpu.memory_space<semaphore_mem>>)
      } else {
      }
    }
    %scan3A_106 = arith.constant 16 : i32
    %dma_wait3A = arith.constant 0 : i32
    %dma_wait3A_107 = arith.constant 0 : i32
    %dma_wait3A_108 = tpu.memref_slice %arg4[%dma_wait3A, %dma_wait3A_107] : memref<32768x1024xf32, #tpu.memory_space<hbm>> -> memref<8x1024xf32, #tpu.memory_space<hbm>>
    %dma_wait3A_109 = arith.constant 0 : i32
    %dma_wait3A_110 = arith.constant 0 : i32
    %dma_wait3A_111 = tpu.memref_slice %arg4[%dma_wait3A_109, %dma_wait3A_110] : memref<32768x1024xf32, #tpu.memory_space<hbm>> -> memref<8x1024xf32, #tpu.memory_space<hbm>>
    tpu.wait_dma2 semaphore(%arg27 : memref<!tpu.dma_semaphore, #tpu.memory_space<semaphore_mem>>) src(%arg13 : memref<8x1024xf32, #tpu.memory_space<vmem>>) dst(%dma_wait3A_111 : memref<8x1024xf32, #tpu.memory_space<hbm>>)
    %dma_wait3A_112 = arith.constant 0 : i32
    %dma_wait3A_113 = arith.constant 0 : i32
    %dma_wait3A_114 = tpu.memref_slice %arg4[%dma_wait3A_112, %dma_wait3A_113] : memref<32768x1024xf32, #tpu.memory_space<hbm>> -> memref<8x1024xf32, #tpu.memory_space<hbm>>
    %dma_wait3A_115 = arith.constant 0 : i32
    %dma_wait3A_116 = arith.constant 0 : i32
    %dma_wait3A_117 = tpu.memref_slice %arg4[%dma_wait3A_115, %dma_wait3A_116] : memref<32768x1024xf32, #tpu.memory_space<hbm>> -> memref<8x1024xf32, #tpu.memory_space<hbm>>
    tpu.wait_dma2 semaphore(%arg28 : memref<!tpu.dma_semaphore, #tpu.memory_space<semaphore_mem>>) src(%arg14 : memref<8x1024xf32, #tpu.memory_space<vmem>>) dst(%dma_wait3A_117 : memref<8x1024xf32, #tpu.memory_space<hbm>>)
    %dma_wait3A_118 = arith.constant 0 : i32
    %dma_wait3A_119 = arith.constant 0 : i32
    %dma_wait3A_120 = tpu.memref_slice %arg4[%dma_wait3A_118, %dma_wait3A_119] : memref<32768x1024xf32, #tpu.memory_space<hbm>> -> memref<8x1024xf32, #tpu.memory_space<hbm>>
    %dma_wait3A_121 = arith.constant 0 : i32
    %dma_wait3A_122 = arith.constant 0 : i32
    %dma_wait3A_123 = tpu.memref_slice %arg4[%dma_wait3A_121, %dma_wait3A_122] : memref<32768x1024xf32, #tpu.memory_space<hbm>> -> memref<8x1024xf32, #tpu.memory_space<hbm>>
    tpu.wait_dma2 semaphore(%arg29 : memref<!tpu.dma_semaphore, #tpu.memory_space<semaphore_mem>>) src(%arg15 : memref<8x1024xf32, #tpu.memory_space<vmem>>) dst(%dma_wait3A_123 : memref<8x1024xf32, #tpu.memory_space<hbm>>)
    %dma_wait3A_124 = arith.constant 0 : i32
    %dma_wait3A_125 = arith.constant 0 : i32
    %dma_wait3A_126 = tpu.memref_slice %arg4[%dma_wait3A_124, %dma_wait3A_125] : memref<32768x1024xf32, #tpu.memory_space<hbm>> -> memref<8x1024xf32, #tpu.memory_space<hbm>>
    %dma_wait3A_127 = arith.constant 0 : i32
    %dma_wait3A_128 = arith.constant 0 : i32
    %dma_wait3A_129 = tpu.memref_slice %arg4[%dma_wait3A_127, %dma_wait3A_128] : memref<32768x1024xf32, #tpu.memory_space<hbm>> -> memref<8x1024xf32, #tpu.memory_space<hbm>>
    tpu.wait_dma2 semaphore(%arg30 : memref<!tpu.dma_semaphore, #tpu.memory_space<semaphore_mem>>) src(%arg16 : memref<8x1024xf32, #tpu.memory_space<vmem>>) dst(%dma_wait3A_129 : memref<8x1024xf32, #tpu.memory_space<hbm>>)
    return
  }
}

</mosaic_0001>

<sc_bundles>
// kernel: kernel.3.cloned.1.call-start
scs
__scs_entry_jumppad:
0x0: {  	(pc) =	sbr.rel $0x88, $3  }
0x1: {  	(tag) =	ssettag $0x0;
	lr =	simm.s32 $0x1  }
0x2: {  	[smem:$0x3F9F] =	sst lr;
	_ =	strace $0xD0000000  }
0x3: {  	_ = 	snop  }
0x4: {  	_ = 	snop  }
0x5: {  	_ = 	snop  }
0x6: {  	_ = 	snop  }
0x7: {  	_ = 	snop  }
__scs_overlays_trampoline_lowered:
0x8: {  	[smem:$0x3FAE] =	sst s0  }
0x9: {  	[smem:$0x3FAF] =	sst s1  }
0xa: {  	[smem:$0x3FB0] =	sst s2  }
0xb: {  	[smem:$0x3FB1] =	sst s3  }
0xc: {  	[smem:$0x3FB2] =	sst s4  }
0xd: {  	[smem:$0x3FB3] =	sst s5  }
0xe: {  	[smem:$0x3FB4] =	sst s6  }
0xf: {  	[smem:$0x3FB5] =	sst s7  }
0x10: {  	[smem:$0x3FB6] =	sst s8  }
0x11: {  	[smem:$0x3FB7] =	sst s9;
	s0 =	simm.s32 @!p0 $0x0  }
0x12: {  	s1 =	sld [smem:$0x3F9D];
	s0 =	simm.s32 @p0 $0x1  }
0x13: {  	[smem:$0x3FB8] =	sst s0;
	s0 =	simm.s32 @!p1 $0x0  }
0x14: {  	s2 =	sld [smem:$0x3F9C];
	s0 =	simm.s32 @p1 $0x1  }
0x15: {  	[smem:$0x3FB9] =	sst s0;
	s0 =	simm.s32 @!p2 $0x0  }
0x16: {  	s3 =	sld [smem:$0x3FDB];
	s0 =	simm.s32 @p2 $0x1  }
0x17: {  	s4 =	simm.s32 $0x1BF5;
	[smem:$0x3FBB] =	sst s0  }
0x18: {  	s0 =	sld [smem:$0x3F9E];
	_ =	swait.ge [sflag:s4], $0x0  }
0x19: {  	s7 =	sld [smem:$0x3F9F]  }
0x1a: {  	s8 =	sadd.s32 $0xFFFFE003, lr  }
0x1b: {  	s9 =	sadd.s32 $0xFFFFFEF7, lr;
	s5 =	simm.s32 $0xFFFFFFFF;
	p2 =	slt.u32 s8, $0xFFFFF086  }
0x1c: {  	p1 =	slt.u32 s9, $0xF7A;
	s5 =	simm.s32 @!p2 $0x0  }
0x1d: {  	s5 =	simm.s32 @p1 $0x1;
	p0 =	seq.s32 s7, s2  }
0x1e: {  	s7 =	smul.u32 @!p0 $0xF7A, s2;
	p2 =	seq.s32 @!p0 s5, $0x0  }
0x1f: {  	s9 =	smul.u32 $0xF7A, s1;
	s8 =	simm.s32 @!p0 $0x1BF5;
	p2 =	por !p2, p0  }
0x20: {  	[sflag:s8] =	ssyncset.s32 @!p0 $0xFFFFF086;
	s6 =	sadd.s32 @!p0 s3, s7;
	s7 =	simm.s32 @!p0 $0x108  }
0x21: {  	s3 =	sadd.s32 s3, s9;
	s6 =	sadd.s32 @!p0 $0x88, s6;
	s7 =	simm.s32 @p2 $0x1082  }
0x22: {  	[simem:s7], [sflag:s8] =	dma.local @!p0 [hbm:s6], $0xF7A  }
0x23: {  	s9 =	sor.u32 $0xD0000000, s2;
	s6 =	simm.s32 $0x108;
	_ =	swait.ge @!p0 [sflag:s8], $0x0  }
0x24: {  	s3 =	sadd.s32 $0x88, s3;
	s6 =	simm.s32 @!p1 $0x1082;
	[sflag:s4] =	ssyncset.s32 $0xFFFFF086  }
0x25: {  	[simem:s6], [sflag:s4] =	dma.local [hbm:s3], $0xF7A  }
0x26: {  	[smem:$0x3F9F] =	sst s1;
	(tag) =	ssettag s2;
	_ =	strace s9  }
0x27: {  	s1 =	sld [smem:$0x3FAF]  }
0x28: {  	s2 =	sld [smem:$0x3FB0]  }
0x29: {  	s4 =	sld [smem:$0x3FB2]  }
0x2a: {  	p0 =	seq.s32 s5, $0x0;
	s5 =	sld [smem:$0x3FB3]  }
0x2b: {  	s6 =	sld [smem:$0x3FB4]  }
0x2c: {  	s7 =	sld [smem:$0x3FB5]  }
0x2d: {  	s3 =	simm.s32 $0x108;
	s8 =	sld [smem:$0x3FB6]  }
0x2e: {  	s3 =	simm.s32 @!p0 $0x1082;
	s9 =	sld [smem:$0x3FB7]  }
0x2f: {  	lr =	sadd.s32 s0, s3;
	s0 =	sld [smem:$0x3FAE]  }
0x30: {  	s3 =	sld [smem:$0x3FB1]  }
0x31: {  	[smem:$0x3FBA] =	sst s10  }
0x32: {  	s10 =	sld [smem:$0x3FB8];
	_ =	sdelay $0x3  }
0x33: {  	p0 =	seq.s32 s10, $0x1;
	s10 =	sld [smem:$0x3FBA];
	_ =	sdelay $0x3  }
0x34: {  	[smem:$0x3FBA] =	sst s10  }
0x35: {  	s10 =	sld [smem:$0x3FB9];
	_ =	sdelay $0x3  }
0x36: {  	p1 =	seq.s32 s10, $0x1;
	s10 =	sld [smem:$0x3FBA];
	_ =	sdelay $0x3  }
0x37: {  	[smem:$0x3FBA] =	sst s10  }
0x38: {  	s10 =	sld [smem:$0x3FBB]  }
0x39: {  	_ = 	snop;
	(pc) =	sbr.ind lr, $3  }
0x3a: {  	_ = 	snop  }
0x3b: {  	_ = 	snop  }
0x3c: {  	p2 =	seq.s32 s10, $0x1;
	s10 =	sld [smem:$0x3FBA]  }
0x3d: {  	_ =	shalt  }
0x3e: {  	_ =	shalt  }
0x3f: {  	_ =	shalt  }
0x40: {  	_ =	shalt  }
0x41: {  	_ =	shalt  }
0x42: {  	_ =	shalt  }
0x43: {  	_ =	shalt  }
0x44: {  	_ =	shalt  }
0x45: {  	_ =	shalt  }
0x46: {  	_ =	shalt  }
0x47: {  	_ =	shalt  }
0x48: {  	_ =	shalt  }
0x49: {  	_ =	shalt  }
0x4a: {  	_ =	shalt  }
0x4b: {  	_ =	shalt  }
0x4c: {  	_ =	shalt  }
0x4d: {  	_ =	shalt  }
0x4e: {  	_ =	shalt  }
0x4f: {  	_ =	shalt  }
0x50: {  	_ =	shalt  }
0x51: {  	_ =	shalt  }
0x52: {  	_ =	shalt  }
0x53: {  	_ =	shalt  }
0x54: {  	_ =	shalt  }
0x55: {  	_ =	shalt  }
0x56: {  	_ =	shalt  }
0x57: {  	_ =	shalt  }
0x58: {  	_ =	shalt  }
0x59: {  	_ =	shalt  }
0x5a: {  	_ =	shalt  }
0x5b: {  	_ =	shalt  }
0x5c: {  	_ =	shalt  }
0x5d: {  	_ =	shalt  }
0x5e: {  	_ =	shalt  }
0x5f: {  	_ =	shalt  }
0x60: {  	_ =	shalt  }
0x61: {  	_ =	shalt  }
0x62: {  	_ =	shalt  }
0x63: {  	_ =	shalt  }
0x64: {  	_ =	shalt  }
0x65: {  	_ =	shalt  }
0x66: {  	_ =	shalt  }
0x67: {  	_ =	shalt  }
0x68: {  	_ =	shalt  }
0x69: {  	_ =	shalt  }
0x6a: {  	_ =	shalt  }
0x6b: {  	_ =	shalt  }
0x6c: {  	_ =	shalt  }
0x6d: {  	_ =	shalt  }
0x6e: {  	_ =	shalt  }
0x6f: {  	_ =	shalt  }
0x70: {  	_ =	shalt  }
0x71: {  	_ =	shalt  }
0x72: {  	_ =	shalt  }
0x73: {  	_ =	shalt  }
0x74: {  	_ =	shalt  }
0x75: {  	_ =	shalt  }
0x76: {  	_ =	shalt  }
0x77: {  	_ =	shalt  }
0x78: {  	_ =	shalt  }
0x79: {  	_ =	shalt  }
0x7a: {  	_ =	shalt  }
0x7b: {  	_ =	shalt  }
0x7c: {  	_ =	shalt  }
0x7d: {  	_ =	shalt  }
0x7e: {  	_ =	shalt  }
0x7f: {  	_ =	shalt  }
0x80: {  	_ =	shalt  }
0x81: {  	_ =	shalt  }
0x82: {  	_ =	shalt  }
0x83: {  	_ =	shalt  }
0x84: {  	_ =	shalt  }
0x85: {  	_ =	shalt  }
0x86: {  	_ =	shalt  }
0x87: {  	_ =	shalt  }
.Lfunc_end0:
.L_simem_size_0:
called_computation_lowered:
.L_overlay_start_0:
0x88: {  	s2 =	sld [smem:$0x3FD9]  }
0x89: {  	s3 =	sld [smem:$0x3FFE];
	_ =	sdelay $0x1  }
0x8a: {  	s1 =	srdreg.scid  }
0x8b: {  	s0 =	sand.u32 $0x1, s1  }
0x8c: {  	s18 =	sshll.u32 s0, $0xA;
	s2 =	sadd.s32 s3, s2  }
0x8d: {  	s2 =	sadd.s32 s2, s18  }
0x8e: {  	[smem:$0x3FC6] =	sst s2  }
0x8f: {  	_ = 	snop  }
0x90: {  	s2 =	sld [smem:$0x3FC9]  }
0x91: {  	s19 =	sld [smem:$0x3FC8]  }
0x92: {  	s4 =	sld [smem:$0x3FD0];
	(tm) =	ssettm $0x1  }
0x93: {  	s5 =	sld [smem:$0x3FFB];
	_ =	sdelay $0x3  }
0x94: {  	_ =	strace s5  }
0x95: {  	s5 =	sld [smem:$0x3FFC];
	_ =	sdelay $0x3  }
0x96: {  	_ =	strace s5  }
0x97: {  	s5 =	sld [smem:$0x3FFD];
	_ =	sdelay $0x3  }
0x98: {  	_ =	strace s5  }
0x99: {  	_ =	strace $0x8FFFFFFF  }
0x9a: {  	s20 =	sld [smem:$0x3FDB];
	_ =	sdelay $0x1  }
0x9b: {  	s6 =	simm.s32 $_scs_section_size  }
0x9c: {  	s7 =	simm.s32 $_size__tile_overlayer_lowered;
	s8 =	simm.s32 $_tile_overlayer_lowered  }
0x9d: {  	s23 =	simm.s32 $0x1BFF;
	s22 =	sshll.u32 s8, $0x1;
	s5 =	sadd.s32 s6, s20  }
0x9e: {  	s9 =	simm.s32 $0x0;
	s21 =	sshll.u32 s7, $0x1;
	s7 =	sadd.s32 s22, s5  }
0x9f: {  	[timem:s9], [sflag:s23] =	dma.local [hbm:s7], s21  }
0xa0: {  	_ =	swait.ge [sflag:s23], s21  }
0xa1: {  	s6 =	ssub.s32 $0x0, s21;
	[sflag:s23] =	ssyncset.done $0x0  }
0xa2: {  	[sflag:s23] =	ssyncadd.s32 s6;
	_ =	sdelay $0x1  }
0xa3: {  	s24 =	simm.s32 $0x1B8B  }
0xa4: {  	_ =	swait.ge [sflag:s24], $0x1  }
0xa5: {  	[sflag:s24] =	ssyncset.done $0x0  }
0xa6: {  	s25 =	simm.s32 $0x1B8E;
	[sflag:s24] =	ssyncadd.s32 $0xFFFFFFFF  }
0xa7: {  	s26 =	simm.s32 $execute0_lowered;
	[smem:$0x3FD2] =	sst s25  }
0xa8: {  	s6 =	sshll.u32 s26, $0x1;
	_ =	strace $0x80000046;
	[dreg:$0x1] =	wrdreg $0xFFFFFFFF  }
0xa9: {  	s28 =	simm.s32 $_size_execute0_lowered;
	s5 =	sadd.s32 s5, s6;
	[dreg:$0x0] =	wrdreg $0x0  }
0xaa: {  	s6 =	sshll.u32 s28, $0x1;
	[dreg:$0x2] =	wrdreg s5  }
0xab: {  	[dreg:$0x3] =	wrdreg s6  }
0xac: {  	[dreg:$0x4] =	wrdreg $0xC0  }
0xad: {  	_ =	task [dreg:s9], $0x5FFFF  }
0xae: {  	[dreg:$0x1] =	wrdreg $0xFFFFFFFF  }
0xaf: {  	[dreg:$0x0] =	wrdreg $0x60  }
0xb0: {  	[dreg:$0x2] =	wrdreg s2  }
0xb1: {  	[dreg:$0x3] =	wrdreg s19  }
0xb2: {  	[dreg:$0x4] =	wrdreg s4  }
0xb3: {  	[dreg:$0x5] =	wrdreg $0x9  }
0xb4: {  	_ =	task.clear_ibuf [dreg:s9], $0x6FFFF;
	_ =	strace $0x90000046  }
0xb5: {  	s29 =	simm.s32 $0x9;
	_ =	strace $0x80000048  }
0xb6: {  	_ =	swait.ge [sflag:s29], $0x1  }
0xb7: {  	[sflag:s29] =	ssyncadd.s32 $0xFFFFFFFF  }
0xb8: {  	_ =	strace $0x90000048  }
0xb9: {  	_ =	sfence  }
0xba: {  	s30 =	sld [smem:$0x0];
	_ =	sdelay $0x2  }
0xbb: {  	s31 =	sshll.u32 s1, $0xD;
	s1 =	sshrl.u32 s1, $0x2  }
0xbc: {  	s3 =	sand.u32 $0x4000, s31;
	s1 =	sadd.s32 s1, s30  }
0xbd: {  	s0 =	sor.u32 s3, s0;
	s1 =	sshll.u32 s1, $0x11  }
0xbe: {  	s0 =	sor.u32 s1, s0  }
0xbf: {  	s0 =	sadd.s32 $0x8F2B, s0  }
0xc0: {  	[sflag:s0] =	ssyncadd.remote.s32 $0x1  }
0xc1: {  	_ =	sfence.sel $0xFFFF  }
0xc2: {  	[dreg:$0x0] =	wrdreg $0xFFFFFFFF;
	(pc) =	sbr.abs _section_cstart, $3  }
0xc3: {  	[dreg:$0x1] =	wrdreg $0xFFFFFFFF  }
0xc4: {  	_ =	task.clear_ibuf [dreg:s9], $0x2FFFF;
	_ =	strace $0x9FFFFFFF  }
0xc5: {  	(tm) =	ssettm $0x7FFFFFFF  }
tec
execute0_lowered:
.L_overlay_start_1:
0x0: {  	(tag) =	ssettag $0x1  }
0x1: {  	s6 =	rddreg [dreg:$0x0]  }
0x2: {  	s7 =	rddreg [dreg:$0x1]  }
0x3: {  	s28 =	rddreg [dreg:$0x2];
	s5 =	simm.s32 $0x0;
	s0 =	srdreg.scid  }
0x4: {  	s2 =	stileid.u32;
	[smem:$0x7FF] =	sst s5  }
0x5: {  	s0 =	sand.u32 $0x1, s0;
	s2 =	sshll.u32 s2, $0x10;
	s26 =	sadd.s32 $0x100000, s28  }
0x6: {  	s29 =	sadd.s32 $0x100800, s6;
	_ =	strace $0x80000047;
	[dreg:$0x13] =	wrdreg s26  }
0x7: {  	s30 =	sadd.s32 $0x200800, s6;
	s31 =	sadd.s32 $0x300800, s6;
	[dreg:$0x14] =	wrdreg s29  }
0x8: {  	s1 =	ssub.s32 $0x2, s0;
	s0 =	sshll.u32 s0, $0xF;
	[dreg:$0x15] =	wrdreg s30  }
0x9: {  	[dreg:$0x17] =	wrdreg s31;
	s8 =	sor.u32 s0, s2  }
0xa: {  	s14 =	sadd.s32 s7, s8;
	[dreg:$0x4] =	wrdreg s8  }
0xb: {  	s9 =	sadd.s32 s6, s8;
	[dreg:$0x5] =	wrdreg s14  }
0xc: {  	s15 =	sor.u32 $0x100000, s8;
	s23 =	sadd.s32 s28, s8;
	[dreg:$0x6] =	wrdreg s9  }
0xd: {  	s17 =	sor.u32 $0x200000, s8;
	s16 =	sadd.s32 s6, s15;
	[dreg:$0xf] =	wrdreg s23  }
0xe: {  	s19 =	sor.u32 $0x300000, s8;
	s18 =	sadd.s32 s6, s17;
	[dreg:$0x7] =	wrdreg s16  }
0xf: {  	s4 =	sor.u32 $0x400, s8;
	s10 =	sadd.s32 s6, s19;
	[dreg:$0x8] =	wrdreg s18  }
0x10: {  	s7 =	sadd.s32 s7, s4;
	[dreg:$0x9] =	wrdreg s10  }
0x11: {  	s20 =	sadd.s32 $0x100400, s9;
	[dreg:$0xa] =	wrdreg s7  }
0x12: {  	s4 =	sadd.s32 s6, s4;
	[dreg:$0xb] =	wrdreg s20  }
0x13: {  	s21 =	sadd.s32 $0x200400, s9;
	[dreg:$0xc] =	wrdreg s4  }
0x14: {  	s3 =	sshrl.u32 s1, $0x1;
	s22 =	sadd.s32 $0x300400, s9;
	[dreg:$0xd] =	wrdreg s21  }
0x15: {  	s13 =	ssub.s32 s1, s3;
	s1 =	sadd.s32 s28, s15;
	[dreg:$0xe] =	wrdreg s22  }
.Ltmp0:
0x16: {  	s24 =	sadd.s32 s28, s17;
	[dreg:$0x10] =	wrdreg s1;
	(pc) =	sbr.rel .LBB2_1-.Ltmp0, $4  }
0x17: {  	s26 =	sadd.s32 $0x300000, s28;
	s25 =	sadd.s32 s28, s19;
	[dreg:$0x11] =	wrdreg s24  }
0x18: {  	s0 =	smax.u32 s13, $0x1;
	s14 =	simm.s32 $0x9;
	[dreg:$0x12] =	wrdreg s25  }
0x19: {  	s22 =	sadd.s32 $0x200000, s28;
	[dreg:$0x16] =	wrdreg s0;
	s16 =	simm.s32 $0xA  }
0x1a: {  	s18 =	simm.s32 $0xB;
	s20 =	simm.s32 $0xC;
	s1 =	simm.s32 $0x0  }
.LBB2_36:
0x1b: {  	_ =	swait.ge [sflag:s14], $0x2000  }
0x1c: {  	[sflag:s14] =	ssyncset.done $0x0  }
0x1d: {  	[sflag:s14] =	ssyncadd.s32 $0xFFFFE000  }
0x1e: {  	_ =	swait.ge [sflag:s16], $0x2000  }
0x1f: {  	[sflag:s16] =	ssyncset.done $0x0  }
0x20: {  	[sflag:s16] =	ssyncadd.s32 $0xFFFFE000  }
0x21: {  	_ =	swait.ge [sflag:s18], $0x2000  }
0x22: {  	[sflag:s18] =	ssyncset.done $0x0  }
0x23: {  	[sflag:s18] =	ssyncadd.s32 $0xFFFFE000  }
0x24: {  	_ =	swait.ge [sflag:s20], $0x2000  }
0x25: {  	s1 =	rddreg [dreg:$0x18]  }
0x26: {  	s0 =	rddreg [dreg:$0x16];
	s1 =	sadd.s32 $0x1, s1  }
0x27: {  	p0 =	sne.s32 s1, s0  }
.Ltmp1:
0x28: {  	_ = 	snop;
	(pc) =	sbr.rel @!p0 .LBB2_37-.Ltmp1, $3  }
0x29: {  	_ =	sdelay $0x1  }
0x2a: {  	[sflag:s20] =	ssyncset.done $0x0  }
0x2b: {  	[sflag:s20] =	ssyncadd.s32 $0xFFFFE000  }
.LBB2_1:
0x2c: {  	[dreg:$0x18] =	wrdreg s1  }
0x2d: {  	s0 =	rddreg [dreg:$0x5];
	s21 =	simm.s32 $0x18000  }
0x2e: {  	[tilespmem:s21], [sflag:$0xD] =	stream.linear.gather [hbm4b:s0+s5], $0x2000, $0x38;
	[tilespmem:$0x1C000] =	vst v63  }
0x2f: {  	s23 =	rddreg [dreg:$0x6]  }
0x30: {  	[tilespmem:s5], [sflag:$0x1] =	stream.linear.gather [hbm4b:s23+s5], $0x2000, $0x38;
	[tilespmem:$0x1C000] =	vst v63  }
0x31: {  	s24 =	rddreg [dreg:$0x7];
	s25 =	simm.s32 $0x4000  }
0x32: {  	[tilespmem:s25], [sflag:$0x3] =	stream.linear.gather [hbm4b:s24+s5], $0x2000, $0x38;
	[tilespmem:$0x1C000] =	vst v63  }
0x33: {  	s29 =	rddreg [dreg:$0x8];
	s30 =	simm.s32 $0x8000  }
0x34: {  	[tilespmem:s30], [sflag:$0x5] =	stream.linear.gather [hbm4b:s29+s5], $0x2000, $0x38;
	[tilespmem:$0x1C000] =	vst v63  }
0x35: {  	s2 =	rddreg [dreg:$0x9];
	s3 =	simm.s32 $0xC000  }
0x36: {  	[tilespmem:s3], [sflag:$0x7] =	stream.linear.gather [hbm4b:s2+s5], $0x2000, $0x38;
	[tilespmem:$0x1C000] =	vst v63  }
0x37: {  	s4 =	rddreg [dreg:$0xa];
	s6 =	simm.s32 $0x1A000  }
0x38: {  	[tilespmem:s6], [sflag:$0xE] =	stream.linear.gather [hbm4b:s4+s5], $0x2000, $0x38;
	[tilespmem:$0x1C000] =	vst v63  }
0x39: {  	s7 =	rddreg [dreg:$0xc];
	s8 =	simm.s32 $0x2000  }
0x3a: {  	[tilespmem:s8], [sflag:$0x2] =	stream.linear.gather [hbm4b:s7+s5], $0x2000, $0x38;
	[tilespmem:$0x1C000] =	vst v63  }
0x3b: {  	s9 =	rddreg [dreg:$0xb];
	s10 =	simm.s32 $0x6000  }
0x3c: {  	[tilespmem:s10], [sflag:$0x4] =	stream.linear.gather [hbm4b:s9+s5], $0x2000, $0x38;
	[tilespmem:$0x1C000] =	vst v63  }
0x3d: {  	s11 =	rddreg [dreg:$0xd];
	s12 =	simm.s32 $0xA000  }
0x3e: {  	[tilespmem:s12], [sflag:$0x6] =	stream.linear.gather [hbm4b:s11+s5], $0x2000, $0x38;
	[tilespmem:$0x1C000] =	vst v63  }
0x3f: {  	s13 =	rddreg [dreg:$0xe];
	s15 =	simm.s32 $0xE000  }
0x40: {  	[tilespmem:s15], [sflag:$0x8] =	stream.linear.gather [hbm4b:s13+s5], $0x2000, $0x38;
	[tilespmem:$0x1C000] =	vst v63  }
0x41: {  	s17 =	rddreg [dreg:$0xf];
	s19 =	simm.s32 $0x10000  }
0x42: {  	[hbm4b:s17+s5] =	stream.linear.scatter [tilespmem:s19], [sflag:$0x9], $0x2000, $0x38;
	[tilespmem:$0x1C000] =	vst v63  }
0x43: {  	s21 =	rddreg [dreg:$0x10];
	s23 =	simm.s32 $0x12000  }
0x44: {  	[hbm4b:s21+s5] =	stream.linear.scatter [tilespmem:s23], [sflag:$0xA], $0x2000, $0x38;
	[tilespmem:$0x1C000] =	vst v63  }
0x45: {  	s24 =	rddreg [dreg:$0x11];
	s25 =	simm.s32 $0x14000  }
0x46: {  	[hbm4b:s24+s5] =	stream.linear.scatter [tilespmem:s25], [sflag:$0xB], $0x2000, $0x38;
	[tilespmem:$0x1C000] =	vst v63  }
0x47: {  	s31 =	simm.s32 $0x0;
	s29 =	rddreg [dreg:$0x12];
	s30 =	simm.s32 $0x16000  }
0x48: {  	[hbm4b:s29+s5] =	stream.linear.scatter [tilespmem:s30], [sflag:$0xC], $0x2000, $0x38;
	[tilespmem:$0x1C000] =	vst v63  }
.LBB2_2:
0x49: {  	s0 =	simm.s32 $0xD  }
0x4a: {  	_ =	swait.ge [sflag:s0], $0x2000  }
0x4b: {  	[sflag:s0] =	ssyncset.done $0x0  }
0x4c: {  	s12 =	simm.s32 $0x1;
	[sflag:s0] =	ssyncadd.s32 $0xFFFFE000  }
0x4d: {  	_ =	swait.ge [sflag:s12], $0x2000  }
0x4e: {  	[sflag:s12] =	ssyncset.done $0x0  }
0x4f: {  	[sflag:s12] =	ssyncadd.s32 $0xFFFFE000  }
0x50: {  	_ =	swait.ge [sflag:s14], $0x2000  }
0x51: {  	[sflag:s14] =	ssyncset.done $0x0  }
0x52: {  	s13 =	simm.s32 $0x3;
	[sflag:s14] =	ssyncadd.s32 $0xFFFFE000  }
0x53: {  	_ =	swait.ge [sflag:s13], $0x2000  }
0x54: {  	[sflag:s13] =	ssyncset.done $0x0  }
0x55: {  	[sflag:s13] =	ssyncadd.s32 $0xFFFFE000  }
0x56: {  	_ =	swait.ge [sflag:s16], $0x2000  }
0x57: {  	[sflag:s16] =	ssyncset.done $0x0  }
0x58: {  	s15 =	simm.s32 $0x5;
	[sflag:s16] =	ssyncadd.s32 $0xFFFFE000  }
0x59: {  	_ =	swait.ge [sflag:s15], $0x2000  }
0x5a: {  	[sflag:s15] =	ssyncset.done $0x0  }
0x5b: {  	[sflag:s15] =	ssyncadd.s32 $0xFFFFE000  }
0x5c: {  	_ =	swait.ge [sflag:s18], $0x2000  }
0x5d: {  	[sflag:s18] =	ssyncset.done $0x0  }
0x5e: {  	s17 =	simm.s32 $0x7;
	[sflag:s18] =	ssyncadd.s32 $0xFFFFE000  }
0x5f: {  	_ =	swait.ge [sflag:s17], $0x2000  }
0x60: {  	[sflag:s17] =	ssyncset.done $0x0  }
0x61: {  	[sflag:s17] =	ssyncadd.s32 $0xFFFFE000  }
0x62: {  	_ =	swait.ge [sflag:s20], $0x2000  }
0x63: {  	[sflag:s20] =	ssyncset.done $0x0  }
0x64: {  	s19 =	simm.s32 $0x18040;
	[sflag:s20] =	ssyncadd.s32 $0xFFFFE000  }
0x65: {  	s1 =	simm.s32 $0x40;
	v0 =	vld [tilespmem:s19+$0x30]  }
0x66: {  	v1 =	vld [tilespmem:s1+$0x30]  }
0x67: {  	v2 =	vld [tilespmem:s1+$0xFFFFFFC0]  }
0x68: {  	v3 =	vld [tilespmem:s19+$0xFFFFFFD0]  }
0x69: {  	v4 =	vld [tilespmem:s1+$0xFFFFFFD0]  }
0x6a: {  	v5 =	vld [tilespmem:s19+$0xFFFFFFE0]  }
0x6b: {  	v6 =	vld [tilespmem:s1+$0xFFFFFFE0]  }
0x6c: {  	v7 =	vld [tilespmem:s19+$0xFFFFFFF0]  }
0x6d: {  	v8 =	vld [tilespmem:s1+$0xFFFFFFF0]  }
0x6e: {  	v9 =	vld [tilespmem:s19+$0x0]  }
0x6f: {  	v10 =	vld [tilespmem:s1+$0x0]  }
0x70: {  	v11 =	vld [tilespmem:s19+$0x10]  }
0x71: {  	v12 =	vld [tilespmem:s1+$0x10]  }
0x72: {  	s25 =	simm.s32 $0x18440;
	v13 =	vld [tilespmem:s19+$0x20]  }
0x73: {  	v17 =	vld [tilespmem:s25+$0x30];
	v1 =	vadd.f32 v1, v0  }
0x74: {  	s2 =	simm.s32 $0x10040;
	v19 =	vld [tilespmem:s25+$0xFFFFFFD0]  }
0x75: {  	s3 =	simm.s32 $0x4040;
	[tilespmem:s2+$0x30] =	vst v1;
	v1 =	vadd.f32 v4, v3;
	v4 =	vld [tilespmem:s1+$0x20]  }
0x76: {  	v15 =	vadd.f32 v6, v5;
	v14 =	vld [tilespmem:s3+$0x30]  }
0x77: {  	v6 =	vld [tilespmem:s19+$0xFFFFFFC0];
	[tilespmem:s2+$0xFFFFFFD0] =	vst v1;
	v1 =	vadd.f32 v8, v7  }
0x78: {  	[tilespmem:s2+$0xFFFFFFE0] =	vst v15;
	v8 =	vadd.f32 v10, v9;
	v10 =	vld [tilespmem:s3+$0xFFFFFFD0]  }
0x79: {  	[tilespmem:s2+$0xFFFFFFF0] =	vst v1;
	v1 =	vadd.f32 v12, v11;
	v12 =	vld [tilespmem:s3+$0xFFFFFFE0]  }
0x7a: {  	[tilespmem:s2+$0x0] =	vst v8;
	v8 =	vld [tilespmem:s3+$0xFFFFFFF0];
	v4 =	vadd.f32 v4, v13  }
0x7b: {  	v14 =	vadd.f32 v14, v0;
	[tilespmem:s2+$0x10] =	vst v1;
	v1 =	vld [tilespmem:s3+$0x0]  }
0x7c: {  	s21 =	simm.s32 $0x12040;
	v2 =	vadd.f32 v2, v6;
	v15 =	vld [tilespmem:s3+$0x10];
	[tilespmem:s2+$0x20] =	vst v4  }
0x7d: {  	s4 =	simm.s32 $0x8040;
	[tilespmem:s21+$0x30] =	vst v14;
	v4 =	vadd.f32 v10, v3;
	v10 =	vld [tilespmem:s3+$0x20]  }
0x7e: {  	[tilespmem:s2+$0xFFFFFFC0] =	vst v2;
	v14 =	vld [tilespmem:s4+$0x30]  }
0x7f: {  	v2 =	vadd.f32 v12, v5;
	v12 =	vld [tilespmem:s3+$0xFFFFFFC0];
	s3 =	simm.s32 $0x440  }
0x80: {  	v20 =	vld [tilespmem:s3+$0xFFFFFFD0]  }
0x81: {  	[tilespmem:s21+$0xFFFFFFD0] =	vst v4;
	v4 =	vadd.f32 v8, v7;
	v21 =	vld [tilespmem:s3+$0xFFFFFFE0]  }
0x82: {  	v8 =	vld [tilespmem:s4+$0xFFFFFFD0];
	[tilespmem:s21+$0xFFFFFFE0] =	vst v2;
	v1 =	vadd.f32 v1, v9  }
0x83: {  	v2 =	vld [tilespmem:s4+$0xFFFFFFE0];
	[tilespmem:s21+$0xFFFFFFF0] =	vst v4;
	v4 =	vadd.f32 v15, v11  }
0x84: {  	v15 =	vld [tilespmem:s4+$0xFFFFFFF0];
	[tilespmem:s21+$0x0] =	vst v1;
	v1 =	vadd.f32 v10, v13  }
0x85: {  	v10 =	vadd.f32 v14, v0;
	v14 =	vld [tilespmem:s4+$0x0];
	[tilespmem:s21+$0x10] =	vst v4  }
0x86: {  	s23 =	simm.s32 $0x14040;
	v4 =	vadd.f32 v12, v6;
	v12 =	vld [tilespmem:s4+$0x10];
	[tilespmem:s21+$0x20] =	vst v1  }
0x87: {  	s24 =	simm.s32 $0xC040;
	[tilespmem:s23+$0x30] =	vst v10;
	v1 =	vadd.f32 v8, v3;
	v8 =	vld [tilespmem:s4+$0x20]  }
0x88: {  	[tilespmem:s21+$0xFFFFFFC0] =	vst v4;
	v10 =	vld [tilespmem:s24+$0x30];
	v2 =	vadd.f32 v2, v5  }
0x89: {  	v4 =	vld [tilespmem:s4+$0xFFFFFFC0];
	[tilespmem:s23+$0xFFFFFFD0] =	vst v1;
	v1 =	vadd.f32 v15, v7  }
0x8a: {  	v15 =	vld [tilespmem:s24+$0xFFFFFFD0];
	[tilespmem:s23+$0xFFFFFFE0] =	vst v2;
	v2 =	vadd.f32 v14, v9  }
0x8b: {  	v14 =	vld [tilespmem:s24+$0xFFFFFFE0];
	[tilespmem:s23+$0xFFFFFFF0] =	vst v1  }
0x8c: {  	v1 =	vadd.f32 v12, v11;
	v12 =	vld [tilespmem:s24+$0xFFFFFFF0];
	[tilespmem:s23+$0x0] =	vst v2  }
0x8d: {  	v2 =	vadd.f32 v8, v13;
	v8 =	vld [tilespmem:s24+$0x0]  }
0x8e: {  	[tilespmem:s23+$0x10] =	vst v1;
	v10 =	vadd.f32 v10, v0;
	v0 =	vld [tilespmem:s25+$0xFFFFFFE0]  }
0x8f: {  	v1 =	vld [tilespmem:s24+$0x10]  }
0x90: {  	s6 =	simm.s32 $0x16040;
	v4 =	vadd.f32 v4, v6;
	[tilespmem:s23+$0x20] =	vst v2;
	v2 =	vld [tilespmem:s3+$0x30]  }
0x91: {  	v16 =	vld [tilespmem:s24+$0x20];
	[tilespmem:s6+$0x30] =	vst v10;
	v3 =	vadd.f32 v15, v3  }
0x92: {  	v10 =	vld [tilespmem:s3+$0xFFFFFFF0];
	[tilespmem:s23+$0xFFFFFFC0] =	vst v4;
	v4 =	vadd.f32 v14, v5  }
0x93: {  	[tilespmem:s6+$0xFFFFFFD0] =	vst v3;
	v5 =	vadd.f32 v12, v7;
	v3 =	vld [tilespmem:s25+$0x0]  }
0x94: {  	[tilespmem:s6+$0xFFFFFFE0] =	vst v4;
	v7 =	vadd.f32 v8, v9;
	v8 =	vld [tilespmem:s3+$0x0]  }
0x95: {  	v4 =	vld [tilespmem:s25+$0x10];
	v22 =	vadd.f32 v2, v17;
	[tilespmem:s6+$0xFFFFFFF0] =	vst v5  }
0x96: {  	s7 =	simm.s32 $0x10440;
	v2 =	vld [tilespmem:s25+$0xFFFFFFF0];
	v1 =	vadd.f32 v1, v11;
	[tilespmem:s6+$0x0] =	vst v7  }
0x97: {  	s9 =	simm.s32 $0x4440;
	v9 =	vld [tilespmem:s3+$0x10];
	v7 =	vadd.f32 v16, v13;
	[tilespmem:s7+$0x30] =	vst v22  }
0x98: {  	v13 =	vadd.f32 v21, v0;
	[tilespmem:s6+$0x10] =	vst v1;
	v14 =	vld [tilespmem:s9+$0x30]  }
0x99: {  	v18 =	vld [tilespmem:s3+$0xFFFFFFC0];
	[tilespmem:s6+$0x20] =	vst v7;
	v7 =	vadd.f32 v20, v19  }
0x9a: {  	v12 =	vld [tilespmem:s3+$0x20];
	[tilespmem:s7+$0xFFFFFFE0] =	vst v13;
	v8 =	vadd.f32 v8, v3  }
0x9b: {  	v5 =	vld [tilespmem:s25+$0x20];
	[tilespmem:s7+$0xFFFFFFD0] =	vst v7;
	v7 =	vadd.f32 v10, v2  }
0x9c: {  	v1 =	vld [tilespmem:s25+$0xFFFFFFC0];
	[tilespmem:s7+$0x0] =	vst v8  }
0x9d: {  	[tilespmem:s7+$0xFFFFFFF0] =	vst v7;
	v7 =	vadd.f32 v9, v4;
	v9 =	vld [tilespmem:s9+$0xFFFFFFE0];
	v11 =	vadd.f32 v14, v17  }
0x9e: {  	s12 =	simm.s32 $0x12440;
	v13 =	vld [tilespmem:s9+$0x0]  }
0x9f: {  	s13 =	simm.s32 $0x8440;
	[tilespmem:s12+$0x30] =	vst v11;
	v11 =	vld [tilespmem:s9+$0xFFFFFFD0]  }
0xa0: {  	v10 =	vld [tilespmem:s13+$0x30]  }
0xa1: {  	v12 =	vadd.f32 v12, v5;
	v8 =	vld [tilespmem:s9+$0xFFFFFFF0]  }
0xa2: {  	[tilespmem:s7+$0x10] =	vst v7;
	v7 =	vadd.f32 v18, v1  }
0xa3: {  	[tilespmem:s7+$0x20] =	vst v12;
	v14 =	vld [tilespmem:s9+$0x10];
	v9 =	vadd.f32 v9, v0  }
0xa4: {  	[tilespmem:s7+$0xFFFFFFC0] =	vst v7;
	v7 =	vadd.f32 v11, v19;
	v11 =	vld [tilespmem:s9+$0x20]  }
0xa5: {  	v12 =	vld [tilespmem:s9+$0xFFFFFFC0];
	[tilespmem:s12+$0xFFFFFFE0] =	vst v9;
	v10 =	vadd.f32 v10, v17  }
0xa6: {  	s19 =	simm.s32 $0x14440;
	v9 =	vadd.f32 v13, v3;
	v13 =	vld [tilespmem:s13+$0xFFFFFFE0];
	[tilespmem:s12+$0xFFFFFFD0] =	vst v7;
	v7 =	vadd.f32 v8, v2  }
0xa7: {  	s8 =	simm.s32 $0xC440;
	[tilespmem:s19+$0x30] =	vst v10;
	v10 =	vld [tilespmem:s13+$0xFFFFFFD0]  }
0xa8: {  	v8 =	vld [tilespmem:s8+$0x30];
	[tilespmem:s12+$0xFFFFFFF0] =	vst v7;
	v7 =	vadd.f32 v14, v4  }
0xa9: {  	[tilespmem:s12+$0x0] =	vst v9;
	v14 =	vld [tilespmem:s13+$0xFFFFFFF0];
	v9 =	vadd.f32 v11, v5  }
0xaa: {  	v11 =	vadd.f32 v12, v1;
	v12 =	vld [tilespmem:s13+$0x0];
	[tilespmem:s12+$0x10] =	vst v7  }
0xab: {  	v13 =	vadd.f32 v13, v0;
	v7 =	vld [tilespmem:s13+$0x10];
	[tilespmem:s12+$0x20] =	vst v9  }
0xac: {  	[tilespmem:s12+$0xFFFFFFC0] =	vst v11;
	v9 =	vadd.f32 v10, v19;
	v10 =	vld [tilespmem:s13+$0x20]  }
0xad: {  	[tilespmem:s19+$0xFFFFFFE0] =	vst v13;
	v11 =	vld [tilespmem:s13+$0xFFFFFFC0];
	v8 =	vadd.f32 v8, v17  }
0xae: {  	s4 =	simm.s32 $0x16440;
	[tilespmem:s19+$0xFFFFFFD0] =	vst v9;
	v9 =	vadd.f32 v14, v2;
	v14 =	vld [tilespmem:s24+$0xFFFFFFC0]  }
0xaf: {  	v12 =	vadd.f32 v12, v3;
	[tilespmem:s4+$0x30] =	vst v8;
	v15 =	vld [tilespmem:s8+$0xFFFFFFD0]  }
0xb0: {  	v8 =	vld [tilespmem:s8+$0xFFFFFFE0];
	[tilespmem:s19+$0xFFFFFFF0] =	vst v9;
	v13 =	vadd.f32 v7, v4  }
0xb1: {  	s29 =	simm.s32 $0xF0;
	s10 =	simm.s32 $0x80F0;
	s11 =	simm.s32 $0x120F0;
	[tilespmem:s19+$0x0] =	vst v12;
	v7 =	vld [tilespmem:s8+$0xFFFFFFF0];
	v12 =	vadd.f32 v10, v5  }
0xb2: {  	s30 =	simm.s32 $0x80;
	s0 =	simm.s32 $0x160F0;
	s15 =	simm.s32 $0x40F0;
	v11 =	vadd.f32 v11, v1;
	v9 =	vld [tilespmem:s8+$0x0];
	[tilespmem:s19+$0x10] =	vst v13  }
0xb3: {  	s17 =	simm.s32 $0x100F0;
	s1 =	simm.s32 $0xC0F0;
	s2 =	simm.s32 $0x140F0;
	v10 =	vld [tilespmem:s8+$0x10];
	[tilespmem:s19+$0x20] =	vst v12;
	v12 =	vadd.f32 v14, v6  }
0xb4: {  	s23 =	simm.s32 $0xC440;
	s25 =	simm.s32 $0x180F0;
	s24 =	simm.s32 $0x18840;
	[tilespmem:s19+$0xFFFFFFC0] =	vst v11;
	v6 =	vadd.f32 v15, v19;
	v11 =	vld [tilespmem:s8+$0x20]  }
.LBB2_3:
0xb5: {  	v13 =	vld [tilespmem:s24+$0x30];
	v0 =	vadd.f32 v8, v0;
	s3 =	sadd.s32 $0x400, s3;
	[tilespmem:s6+$0xFFFFFFC0] =	vst v12;
	s6 =	smov.u32 s4  }
0xb6: {  	s30 =	sadd.s32 $0x80, s30;
	v8 =	vld [tilespmem:s3+$0x30];
	[tilespmem:s4+$0xFFFFFFD0] =	vst v6;
	v2 =	vadd.f32 v7, v2  }
0xb7: {  	p0 =	slt.u32 s30, $0x380;
	v7 =	vld [tilespmem:s3+$0xFFFFFFC0];
	[tilespmem:s4+$0xFFFFFFE0] =	vst v0;
	v0 =	vadd.f32 v9, v3  }
0xb8: {  	v6 =	vld [tilespmem:s24+$0xFFFFFFD0];
	[tilespmem:s4+$0xFFFFFFF0] =	vst v2;
	v2 =	vadd.f32 v10, v4  }
0xb9: {  	v3 =	vld [tilespmem:s3+$0xFFFFFFD0];
	[tilespmem:s4+$0x0] =	vst v0;
	v4 =	vadd.f32 v11, v5  }
0xba: {  	v0 =	vld [tilespmem:s24+$0xFFFFFFE0];
	[tilespmem:s4+$0x10] =	vst v2  }
0xbb: {  	v5 =	vld [tilespmem:s3+$0xFFFFFFE0];
	v8 =	vadd.f32 v8, v13;
	[tilespmem:s4+$0x20] =	vst v4  }
0xbc: {  	s7 =	sadd.s32 $0x400, s7;
	v2 =	vld [tilespmem:s24+$0xFFFFFFF0]  }
0xbd: {  	s9 =	sadd.s32 $0x400, s9;
	v9 =	vld [tilespmem:s3+$0xFFFFFFF0];
	[tilespmem:s7+$0x30] =	vst v8  }
0xbe: {  	v4 =	vadd.f32 v3, v6;
	v8 =	vld [tilespmem:s9+$0x30]  }
0xbf: {  	v3 =	vld [tilespmem:s24+$0x0]  }
0xc0: {  	[tilespmem:s7+$0xFFFFFFD0] =	vst v4;
	v5 =	vadd.f32 v5, v0;
	v10 =	vld [tilespmem:s3+$0x0]  }
0xc1: {  	v4 =	vld [tilespmem:s24+$0x10]  }
0xc2: {  	[tilespmem:s7+$0xFFFFFFE0] =	vst v5;
	v9 =	vadd.f32 v9, v2;
	v11 =	vld [tilespmem:s3+$0x10]  }
0xc3: {  	v5 =	vld [tilespmem:s24+$0x20];
	v8 =	vadd.f32 v8, v13  }
0xc4: {  	s12 =	sadd.s32 $0x400, s12;
	[tilespmem:s7+$0xFFFFFFF0] =	vst v9;
	v9 =	vld [tilespmem:s3+$0x20]  }
0xc5: {  	s13 =	sadd.s32 $0x400, s13;
	v14 =	vld [tilespmem:s24+$0xFFFFFFC0];
	v10 =	vadd.f32 v10, v3;
	[tilespmem:s12+$0x30] =	vst v8  }
0xc6: {  	v8 =	vld [tilespmem:s13+$0x30]  }
0xc7: {  	v12 =	vld [tilespmem:s9+$0xFFFFFFD0];
	[tilespmem:s7+$0x0] =	vst v10;
	v10 =	vadd.f32 v11, v4  }
0xc8: {  	v11 =	vld [tilespmem:s9+$0xFFFFFFE0]  }
0xc9: {  	v15 =	vld [tilespmem:s9+$0xFFFFFFF0];
	[tilespmem:s7+$0x10] =	vst v10;
	v9 =	vadd.f32 v9, v5  }
0xca: {  	v7 =	vadd.f32 v7, v14;
	v10 =	vld [tilespmem:s9+$0x0]  }
0xcb: {  	v16 =	vld [tilespmem:s9+$0x10];
	[tilespmem:s7+$0x20] =	vst v9;
	v8 =	vadd.f32 v8, v13  }
0xcc: {  	s19 =	sadd.s32 $0x400, s19;
	[tilespmem:s7+$0xFFFFFFC0] =	vst v7;
	v7 =	vadd.f32 v12, v6;
	v9 =	vld [tilespmem:s9+$0x20]  }
0xcd: {  	s8 =	sadd.s32 $0x400, s8;
	v12 =	vld [tilespmem:s9+$0xFFFFFFC0];
	v11 =	vadd.f32 v11, v0;
	[tilespmem:s19+$0x30] =	vst v8  }
0xce: {  	[tilespmem:s12+$0xFFFFFFD0] =	vst v7;
	v7 =	vadd.f32 v15, v2;
	v8 =	vld [tilespmem:s8+$0x30]  }
0xcf: {  	v15 =	vld [tilespmem:s13+$0xFFFFFFD0];
	[tilespmem:s12+$0xFFFFFFE0] =	vst v11;
	v10 =	vadd.f32 v10, v3  }
0xd0: {  	v11 =	vld [tilespmem:s13+$0xFFFFFFE0];
	[tilespmem:s12+$0xFFFFFFF0] =	vst v7;
	v7 =	vadd.f32 v16, v4  }
0xd1: {  	v16 =	vld [tilespmem:s13+$0xFFFFFFF0];
	[tilespmem:s12+$0x0] =	vst v10;
	v9 =	vadd.f32 v9, v5  }
0xd2: {  	v10 =	vadd.f32 v12, v14;
	v12 =	vld [tilespmem:s13+$0x0];
	[tilespmem:s12+$0x10] =	vst v7  }
0xd3: {  	v7 =	vld [tilespmem:s13+$0x10];
	[tilespmem:s12+$0x20] =	vst v9;
	v8 =	vadd.f32 v8, v13  }
0xd4: {  	s4 =	sadd.s32 $0x400, s4;
	[tilespmem:s12+$0xFFFFFFC0] =	vst v10;
	v9 =	vadd.f32 v15, v6;
	v10 =	vld [tilespmem:s13+$0x20]  }
0xd5: {  	v13 =	vld [tilespmem:s13+$0xFFFFFFC0];
	v11 =	vadd.f32 v11, v0;
	[tilespmem:s4+$0x30] =	vst v8  }
0xd6: {  	[tilespmem:s19+$0xFFFFFFD0] =	vst v9;
	v9 =	vadd.f32 v16, v2;
	v15 =	vld [tilespmem:s23+$0xFFFFFFC0];
	s23 =	smov.u32 s8  }
0xd7: {  	v16 =	vld [tilespmem:s8+$0xFFFFFFD0];
	[tilespmem:s19+$0xFFFFFFE0] =	vst v11;
	v11 =	vadd.f32 v12, v3  }
.Ltmp2:
0xd8: {  	v8 =	vld [tilespmem:s8+$0xFFFFFFE0];
	[tilespmem:s19+$0xFFFFFFF0] =	vst v9;
	v12 =	vadd.f32 v7, v4;
	(pc) =	sbr.rel @p0 .LBB2_3-.Ltmp2, $4  }
0xd9: {  	v7 =	vld [tilespmem:s8+$0xFFFFFFF0];
	[tilespmem:s19+$0x0] =	vst v11;
	v11 =	vadd.f32 v10, v5  }
0xda: {  	v13 =	vadd.f32 v13, v14;
	v9 =	vld [tilespmem:s8+$0x0];
	[tilespmem:s19+$0x10] =	vst v12  }
0xdb: {  	v10 =	vld [tilespmem:s8+$0x10];
	[tilespmem:s19+$0x20] =	vst v11;
	v12 =	vadd.f32 v15, v1;
	v1 =	vmov v14  }
0xdc: {  	s24 =	sadd.s32 $0x400, s24;
	[tilespmem:s19+$0xFFFFFFC0] =	vst v13;
	v6 =	vadd.f32 v16, v6;
	v11 =	vld [tilespmem:s8+$0x20]  }
0xdd: {  	v0 =	vadd.f32 v8, v0;
	[tilespmem:s6+$0xFFFFFFC0] =	vst v12;
	v8 =	vld [tilespmem:s23+$0xFFFFFFC0]  }
0xde: {  	[tilespmem:s4+$0xFFFFFFD0] =	vst v6;
	v2 =	vadd.f32 v7, v2  }
0xdf: {  	[tilespmem:s4+$0xFFFFFFE0] =	vst v0;
	v0 =	vadd.f32 v9, v3  }
0xe0: {  	[tilespmem:s4+$0xFFFFFFF0] =	vst v2;
	v2 =	vadd.f32 v10, v4  }
0xe1: {  	[tilespmem:s4+$0x0] =	vst v0;
	v0 =	vadd.f32 v11, v5  }
0xe2: {  	[tilespmem:s4+$0x10] =	vst v2;
	v1 =	vadd.f32 v8, v1  }
0xe3: {  	[tilespmem:s4+$0x20] =	vst v0  }
0xe4: {  	[tilespmem:s4+$0xFFFFFFC0] =	vst v1  }
0xe5: {  	v0 =	vld [tilespmem:s25+$0x0]  }
0xe6: {  	v1 =	vld [tilespmem:s29+$0x0]  }
0xe7: {  	v2 =	vld [tilespmem:s29+$0xFFFFFF90]  }
0xe8: {  	v3 =	vld [tilespmem:s25+$0xFFFFFFA0]  }
0xe9: {  	v4 =	vld [tilespmem:s29+$0xFFFFFFA0]  }
0xea: {  	v5 =	vld [tilespmem:s25+$0xFFFFFFB0]  }
0xeb: {  	v6 =	vld [tilespmem:s29+$0xFFFFFFB0]  }
0xec: {  	v7 =	vld [tilespmem:s25+$0xFFFFFFC0]  }
0xed: {  	v8 =	vld [tilespmem:s29+$0xFFFFFFC0]  }
0xee: {  	v9 =	vld [tilespmem:s25+$0xFFFFFFD0]  }
0xef: {  	v10 =	vld [tilespmem:s29+$0xFFFFFFD0]  }
0xf0: {  	v11 =	vld [tilespmem:s25+$0xFFFFFFE0]  }
0xf1: {  	v12 =	vld [tilespmem:s29+$0xFFFFFFE0]  }
0xf2: {  	s3 =	simm.s32 $0x184F0;
	v13 =	vld [tilespmem:s25+$0xFFFFFFF0]  }
0xf3: {  	s6 =	simm.s32 $0x4F0;
	v18 =	vld [tilespmem:s3+$0x0]  }
0xf4: {  	v19 =	vld [tilespmem:s6+$0xFFFFFF90]  }
0xf5: {  	v20 =	vld [tilespmem:s3+$0xFFFFFFA0];
	v1 =	vadd.f32 v1, v0  }
0xf6: {  	v21 =	vld [tilespmem:s6+$0xFFFFFFA0]  }
0xf7: {  	[tilespmem:s17+$0x0] =	vst v1;
	v1 =	vadd.f32 v4, v3;
	v4 =	vld [tilespmem:s29+$0xFFFFFFF0]  }
0xf8: {  	v15 =	vadd.f32 v6, v5;
	v14 =	vld [tilespmem:s15+$0x0]  }
0xf9: {  	v6 =	vld [tilespmem:s25+$0xFFFFFF90];
	[tilespmem:s17+$0xFFFFFFA0] =	vst v1;
	v1 =	vadd.f32 v8, v7  }
0xfa: {  	[tilespmem:s17+$0xFFFFFFB0] =	vst v15;
	v8 =	vadd.f32 v10, v9;
	v10 =	vld [tilespmem:s15+$0xFFFFFFA0]  }
0xfb: {  	[tilespmem:s17+$0xFFFFFFC0] =	vst v1;
	v1 =	vadd.f32 v12, v11;
	v12 =	vld [tilespmem:s15+$0xFFFFFFB0]  }
0xfc: {  	[tilespmem:s17+$0xFFFFFFD0] =	vst v8;
	v8 =	vld [tilespmem:s15+$0xFFFFFFC0];
	v4 =	vadd.f32 v4, v13  }
0xfd: {  	v14 =	vadd.f32 v14, v0;
	[tilespmem:s17+$0xFFFFFFE0] =	vst v1;
	v1 =	vld [tilespmem:s15+$0xFFFFFFD0]  }
0xfe: {  	v2 =	vadd.f32 v2, v6;
	v15 =	vld [tilespmem:s15+$0xFFFFFFE0];
	[tilespmem:s17+$0xFFFFFFF0] =	vst v4  }
0xff: {  	[tilespmem:s11+$0x0] =	vst v14;
	v4 =	vadd.f32 v10, v3;
	v10 =	vld [tilespmem:s15+$0xFFFFFFF0]  }
0x100: {  	[tilespmem:s17+$0xFFFFFF90] =	vst v2;
	v14 =	vld [tilespmem:s10+$0x0];
	v2 =	vadd.f32 v12, v5  }
0x101: {  	v12 =	vld [tilespmem:s15+$0xFFFFFF90];
	[tilespmem:s11+$0xFFFFFFA0] =	vst v4;
	v4 =	vadd.f32 v8, v7  }
0x102: {  	v8 =	vld [tilespmem:s10+$0xFFFFFFA0];
	[tilespmem:s11+$0xFFFFFFB0] =	vst v2;
	v1 =	vadd.f32 v1, v9  }
0x103: {  	v2 =	vld [tilespmem:s10+$0xFFFFFFB0];
	[tilespmem:s11+$0xFFFFFFC0] =	vst v4;
	v4 =	vadd.f32 v15, v11  }
0x104: {  	v15 =	vld [tilespmem:s10+$0xFFFFFFC0];
	[tilespmem:s11+$0xFFFFFFD0] =	vst v1;
	v1 =	vadd.f32 v10, v13  }
0x105: {  	v10 =	vadd.f32 v14, v0;
	v14 =	vld [tilespmem:s10+$0xFFFFFFD0];
	[tilespmem:s11+$0xFFFFFFE0] =	vst v4  }
0x106: {  	v4 =	vadd.f32 v12, v6;
	v12 =	vld [tilespmem:s10+$0xFFFFFFE0];
	[tilespmem:s11+$0xFFFFFFF0] =	vst v1  }
0x107: {  	[tilespmem:s2+$0x0] =	vst v10;
	v1 =	vadd.f32 v8, v3;
	v8 =	vld [tilespmem:s10+$0xFFFFFFF0]  }
0x108: {  	[tilespmem:s11+$0xFFFFFF90] =	vst v4;
	v10 =	vld [tilespmem:s1+$0x0];
	v2 =	vadd.f32 v2, v5  }
0x109: {  	v4 =	vld [tilespmem:s10+$0xFFFFFF90];
	[tilespmem:s2+$0xFFFFFFA0] =	vst v1;
	v1 =	vadd.f32 v15, v7  }
0x10a: {  	v15 =	vld [tilespmem:s1+$0xFFFFFFA0];
	[tilespmem:s2+$0xFFFFFFB0] =	vst v2;
	v2 =	vadd.f32 v14, v9  }
0x10b: {  	v14 =	vld [tilespmem:s1+$0xFFFFFFB0];
	[tilespmem:s2+$0xFFFFFFC0] =	vst v1  }
0x10c: {  	v1 =	vadd.f32 v12, v11;
	v12 =	vld [tilespmem:s1+$0xFFFFFFC0];
	[tilespmem:s2+$0xFFFFFFD0] =	vst v2  }
0x10d: {  	v2 =	vadd.f32 v8, v13;
	v8 =	vld [tilespmem:s1+$0xFFFFFFD0]  }
0x10e: {  	[tilespmem:s2+$0xFFFFFFE0] =	vst v1;
	v1 =	vld [tilespmem:s3+$0xFFFFFFB0]  }
0x10f: {  	[tilespmem:s2+$0xFFFFFFF0] =	vst v2;
	v2 =	vld [tilespmem:s6+$0x0]  }
0x110: {  	v0 =	vadd.f32 v10, v0;
	v10 =	vld [tilespmem:s6+$0xFFFFFFB0]  }
0x111: {  	v16 =	vld [tilespmem:s1+$0xFFFFFFE0]  }
0x112: {  	v17 =	vld [tilespmem:s1+$0xFFFFFFF0];
	v3 =	vadd.f32 v15, v3  }
0x113: {  	[tilespmem:s0+$0x0] =	vst v0;
	v0 =	vadd.f32 v4, v6;
	v15 =	vld [tilespmem:s6+$0xFFFFFFC0]  }
0x114: {  	[tilespmem:s0+$0xFFFFFFA0] =	vst v3;
	v3 =	vld [tilespmem:s3+$0xFFFFFFD0];
	v22 =	vadd.f32 v2, v18  }
0x115: {  	s7 =	simm.s32 $0x104F0;
	[tilespmem:s2+$0xFFFFFF90] =	vst v0;
	v0 =	vadd.f32 v14, v5;
	v4 =	vadd.f32 v12, v7;
	v7 =	vld [tilespmem:s6+$0xFFFFFFD0]  }
0x116: {  	s9 =	simm.s32 $0x44F0;
	v12 =	vld [tilespmem:s6+$0xFFFFFFF0];
	[tilespmem:s7+$0x0] =	vst v22  }
0x117: {  	v10 =	vadd.f32 v10, v1;
	[tilespmem:s0+$0xFFFFFFB0] =	vst v0;
	v14 =	vld [tilespmem:s9+$0x0]  }
0x118: {  	v2 =	vld [tilespmem:s3+$0xFFFFFFC0];
	v0 =	vadd.f32 v8, v9;
	[tilespmem:s0+$0xFFFFFFC0] =	vst v4  }
0x119: {  	v5 =	vadd.f32 v16, v11;
	v4 =	vld [tilespmem:s3+$0xFFFFFFE0];
	[tilespmem:s7+$0xFFFFFFB0] =	vst v10  }
0x11a: {  	v8 =	vld [tilespmem:s6+$0xFFFFFFE0];
	[tilespmem:s0+$0xFFFFFFD0] =	vst v0;
	v0 =	vadd.f32 v17, v13  }
0x11b: {  	v11 =	vadd.f32 v21, v20;
	[tilespmem:s0+$0xFFFFFFE0] =	vst v5;
	v5 =	vld [tilespmem:s3+$0xFFFFFFF0]  }
0x11c: {  	[tilespmem:s0+$0xFFFFFFF0] =	vst v0;
	v0 =	vld [tilespmem:s3+$0xFFFFFF90];
	v9 =	vadd.f32 v14, v18  }
0x11d: {  	s12 =	simm.s32 $0x124F0;
	[tilespmem:s7+$0xFFFFFFA0] =	vst v11;
	v7 =	vadd.f32 v7, v3  }
0x11e: {  	s13 =	simm.s32 $0x84F0;
	v10 =	vld [tilespmem:s9+$0xFFFFFFA0];
	[tilespmem:s12+$0x0] =	vst v9;
	v9 =	vadd.f32 v15, v2  }
0x11f: {  	v8 =	vadd.f32 v8, v4;
	[tilespmem:s7+$0xFFFFFFD0] =	vst v7;
	v11 =	vld [tilespmem:s13+$0x0]  }
0x120: {  	v12 =	vadd.f32 v12, v5;
	[tilespmem:s7+$0xFFFFFFC0] =	vst v9;
	v9 =	vld [tilespmem:s9+$0xFFFFFFB0]  }
0x121: {  	[tilespmem:s7+$0xFFFFFFE0] =	vst v8;
	v8 =	vadd.f32 v19, v0;
	v7 =	vld [tilespmem:s9+$0xFFFFFFC0]  }
0x122: {  	v13 =	vld [tilespmem:s9+$0xFFFFFFD0];
	[tilespmem:s7+$0xFFFFFFF0] =	vst v12  }
0x123: {  	v14 =	vld [tilespmem:s9+$0xFFFFFFE0];
	[tilespmem:s7+$0xFFFFFF90] =	vst v8;
	v8 =	vadd.f32 v10, v20  }
0x124: {  	v10 =	vld [tilespmem:s9+$0xFFFFFFF0];
	v11 =	vadd.f32 v11, v18  }
0x125: {  	s19 =	simm.s32 $0x144F0;
	v12 =	vld [tilespmem:s9+$0xFFFFFF90];
	[tilespmem:s12+$0xFFFFFFA0] =	vst v8;
	v9 =	vadd.f32 v9, v1  }
0x126: {  	s8 =	simm.s32 $0xC4F0;
	[tilespmem:s19+$0x0] =	vst v11;
	v7 =	vadd.f32 v7, v2;
	v11 =	vld [tilespmem:s13+$0xFFFFFFA0]  }
0x127: {  	v8 =	vld [tilespmem:s8+$0x0];
	[tilespmem:s12+$0xFFFFFFB0] =	vst v9;
	v9 =	vadd.f32 v13, v3  }
0x128: {  	v13 =	vld [tilespmem:s13+$0xFFFFFFB0];
	[tilespmem:s12+$0xFFFFFFC0] =	vst v7;
	v7 =	vadd.f32 v14, v4  }
0x129: {  	v14 =	vld [tilespmem:s13+$0xFFFFFFC0];
	[tilespmem:s12+$0xFFFFFFD0] =	vst v9;
	v9 =	vadd.f32 v10, v5  }
0x12a: {  	v10 =	vadd.f32 v12, v0;
	v12 =	vld [tilespmem:s13+$0xFFFFFFD0];
	[tilespmem:s12+$0xFFFFFFE0] =	vst v7  }
0x12b: {  	v7 =	vld [tilespmem:s13+$0xFFFFFFE0];
	[tilespmem:s12+$0xFFFFFFF0] =	vst v9;
	v9 =	vadd.f32 v11, v20  }
0x12c: {  	[tilespmem:s12+$0xFFFFFF90] =	vst v10;
	v8 =	vadd.f32 v8, v18;
	v10 =	vld [tilespmem:s13+$0xFFFFFFF0]  }
0x12d: {  	s29 =	simm.s32 $0x164F0;
	v11 =	vld [tilespmem:s13+$0xFFFFFF90];
	v13 =	vadd.f32 v13, v1;
	[tilespmem:s19+$0xFFFFFFA0] =	vst v9  }
0x12e: {  	[tilespmem:s29+$0x0] =	vst v8;
	v9 =	vadd.f32 v14, v2;
	v14 =	vld [tilespmem:s1+$0xFFFFFF90]  }
0x12f: {  	v15 =	vld [tilespmem:s8+$0xFFFFFFA0];
	[tilespmem:s19+$0xFFFFFFB0] =	vst v13;
	v12 =	vadd.f32 v12, v3  }
0x130: {  	v8 =	vld [tilespmem:s8+$0xFFFFFFB0];
	[tilespmem:s19+$0xFFFFFFC0] =	vst v9;
	v13 =	vadd.f32 v7, v4  }
0x131: {  	s30 =	simm.s32 $0x80;
	s24 =	simm.s32 $0x188F0;
	s23 =	simm.s32 $0xC4F0;
	v7 =	vld [tilespmem:s8+$0xFFFFFFC0];
	[tilespmem:s19+$0xFFFFFFD0] =	vst v12;
	v12 =	vadd.f32 v10, v5  }
0x132: {  	s4 =	simm.s32 $0x170;
	s25 =	simm.s32 $0x18170;
	s17 =	simm.s32 $0x10170;
	v11 =	vadd.f32 v11, v0;
	v9 =	vld [tilespmem:s8+$0xFFFFFFD0];
	[tilespmem:s19+$0xFFFFFFE0] =	vst v13  }
0x133: {  	s15 =	simm.s32 $0x4170;
	s11 =	simm.s32 $0x8170;
	s10 =	simm.s32 $0x12170;
	v10 =	vld [tilespmem:s8+$0xFFFFFFE0];
	[tilespmem:s19+$0xFFFFFFF0] =	vst v12;
	v12 =	vadd.f32 v14, v6  }
0x134: {  	s2 =	simm.s32 $0x16170;
	s3 =	simm.s32 $0x14170;
	s1 =	simm.s32 $0xC170;
	[tilespmem:s19+$0xFFFFFF90] =	vst v11;
	v6 =	vadd.f32 v15, v20;
	v11 =	vld [tilespmem:s8+$0xFFFFFFF0]  }
.LBB2_5:
0x135: {  	v13 =	vld [tilespmem:s24+$0x0];
	v1 =	vadd.f32 v8, v1;
	s6 =	sadd.s32 $0x400, s6;
	[tilespmem:s0+$0xFFFFFF90] =	vst v12;
	s0 =	smov.u32 s29  }
0x136: {  	s30 =	sadd.s32 $0x80, s30;
	v8 =	vld [tilespmem:s6+$0x0];
	[tilespmem:s29+$0xFFFFFFA0] =	vst v6;
	v2 =	vadd.f32 v7, v2  }
0x137: {  	p0 =	slt.u32 s30, $0x380;
	v7 =	vld [tilespmem:s6+$0xFFFFFF90];
	[tilespmem:s29+$0xFFFFFFB0] =	vst v1;
	v1 =	vadd.f32 v9, v3  }
0x138: {  	v6 =	vld [tilespmem:s24+$0xFFFFFFA0];
	[tilespmem:s29+$0xFFFFFFC0] =	vst v2;
	v2 =	vadd.f32 v10, v4  }
0x139: {  	v3 =	vld [tilespmem:s6+$0xFFFFFFA0];
	[tilespmem:s29+$0xFFFFFFD0] =	vst v1;
	v4 =	vadd.f32 v11, v5  }
0x13a: {  	v1 =	vld [tilespmem:s24+$0xFFFFFFB0];
	[tilespmem:s29+$0xFFFFFFE0] =	vst v2  }
0x13b: {  	v5 =	vld [tilespmem:s6+$0xFFFFFFB0];
	v8 =	vadd.f32 v8, v13;
	[tilespmem:s29+$0xFFFFFFF0] =	vst v4  }
0x13c: {  	s7 =	sadd.s32 $0x400, s7;
	v2 =	vld [tilespmem:s24+$0xFFFFFFC0]  }
0x13d: {  	s9 =	sadd.s32 $0x400, s9;
	v9 =	vld [tilespmem:s6+$0xFFFFFFC0];
	[tilespmem:s7+$0x0] =	vst v8  }
0x13e: {  	v4 =	vadd.f32 v3, v6;
	v8 =	vld [tilespmem:s9+$0x0]  }
0x13f: {  	v3 =	vld [tilespmem:s24+$0xFFFFFFD0]  }
0x140: {  	[tilespmem:s7+$0xFFFFFFA0] =	vst v4;
	v5 =	vadd.f32 v5, v1;
	v10 =	vld [tilespmem:s6+$0xFFFFFFD0]  }
0x141: {  	v4 =	vld [tilespmem:s24+$0xFFFFFFE0]  }
0x142: {  	[tilespmem:s7+$0xFFFFFFB0] =	vst v5;
	v9 =	vadd.f32 v9, v2;
	v11 =	vld [tilespmem:s6+$0xFFFFFFE0]  }
0x143: {  	v5 =	vld [tilespmem:s24+$0xFFFFFFF0];
	v8 =	vadd.f32 v8, v13  }
0x144: {  	s12 =	sadd.s32 $0x400, s12;
	[tilespmem:s7+$0xFFFFFFC0] =	vst v9;
	v9 =	vld [tilespmem:s6+$0xFFFFFFF0]  }
0x145: {  	s13 =	sadd.s32 $0x400, s13;
	v14 =	vld [tilespmem:s24+$0xFFFFFF90];
	v10 =	vadd.f32 v10, v3;
	[tilespmem:s12+$0x0] =	vst v8  }
0x146: {  	v8 =	vld [tilespmem:s13+$0x0]  }
0x147: {  	v12 =	vld [tilespmem:s9+$0xFFFFFFA0];
	[tilespmem:s7+$0xFFFFFFD0] =	vst v10;
	v10 =	vadd.f32 v11, v4  }
0x148: {  	v11 =	vld [tilespmem:s9+$0xFFFFFFB0]  }
0x149: {  	v15 =	vld [tilespmem:s9+$0xFFFFFFC0];
	[tilespmem:s7+$0xFFFFFFE0] =	vst v10;
	v9 =	vadd.f32 v9, v5  }
0x14a: {  	v7 =	vadd.f32 v7, v14;
	v10 =	vld [tilespmem:s9+$0xFFFFFFD0]  }
0x14b: {  	v16 =	vld [tilespmem:s9+$0xFFFFFFE0];
	[tilespmem:s7+$0xFFFFFFF0] =	vst v9;
	v8 =	vadd.f32 v8, v13  }
0x14c: {  	s19 =	sadd.s32 $0x400, s19;
	[tilespmem:s7+$0xFFFFFF90] =	vst v7;
	v7 =	vadd.f32 v12, v6;
	v9 =	vld [tilespmem:s9+$0xFFFFFFF0]  }
0x14d: {  	s8 =	sadd.s32 $0x400, s8;
	v12 =	vld [tilespmem:s9+$0xFFFFFF90];
	v11 =	vadd.f32 v11, v1;
	[tilespmem:s19+$0x0] =	vst v8  }
0x14e: {  	[tilespmem:s12+$0xFFFFFFA0] =	vst v7;
	v7 =	vadd.f32 v15, v2;
	v8 =	vld [tilespmem:s8+$0x0]  }
0x14f: {  	v15 =	vld [tilespmem:s13+$0xFFFFFFA0];
	[tilespmem:s12+$0xFFFFFFB0] =	vst v11;
	v10 =	vadd.f32 v10, v3  }
0x150: {  	v11 =	vld [tilespmem:s13+$0xFFFFFFB0];
	[tilespmem:s12+$0xFFFFFFC0] =	vst v7;
	v7 =	vadd.f32 v16, v4  }
0x151: {  	v16 =	vld [tilespmem:s13+$0xFFFFFFC0];
	[tilespmem:s12+$0xFFFFFFD0] =	vst v10;
	v9 =	vadd.f32 v9, v5  }
0x152: {  	v10 =	vadd.f32 v12, v14;
	v12 =	vld [tilespmem:s13+$0xFFFFFFD0];
	[tilespmem:s12+$0xFFFFFFE0] =	vst v7  }
0x153: {  	v7 =	vld [tilespmem:s13+$0xFFFFFFE0];
	[tilespmem:s12+$0xFFFFFFF0] =	vst v9;
	v8 =	vadd.f32 v8, v13  }
0x154: {  	s29 =	sadd.s32 $0x400, s29;
	[tilespmem:s12+$0xFFFFFF90] =	vst v10;
	v9 =	vadd.f32 v15, v6;
	v10 =	vld [tilespmem:s13+$0xFFFFFFF0]  }
0x155: {  	v13 =	vld [tilespmem:s13+$0xFFFFFF90];
	v11 =	vadd.f32 v11, v1;
	[tilespmem:s29+$0x0] =	vst v8  }
0x156: {  	[tilespmem:s19+$0xFFFFFFA0] =	vst v9;
	v9 =	vadd.f32 v16, v2;
	v15 =	vld [tilespmem:s23+$0xFFFFFF90];
	s23 =	smov.u32 s8  }
0x157: {  	v16 =	vld [tilespmem:s8+$0xFFFFFFA0];
	[tilespmem:s19+$0xFFFFFFB0] =	vst v11;
	v11 =	vadd.f32 v12, v3  }
.Ltmp3:
0x158: {  	v8 =	vld [tilespmem:s8+$0xFFFFFFB0];
	[tilespmem:s19+$0xFFFFFFC0] =	vst v9;
	v12 =	vadd.f32 v7, v4;
	(pc) =	sbr.rel @p0 .LBB2_5-.Ltmp3, $4  }
0x159: {  	v7 =	vld [tilespmem:s8+$0xFFFFFFC0];
	[tilespmem:s19+$0xFFFFFFD0] =	vst v11;
	v11 =	vadd.f32 v10, v5  }
0x15a: {  	v13 =	vadd.f32 v13, v14;
	v9 =	vld [tilespmem:s8+$0xFFFFFFD0];
	[tilespmem:s19+$0xFFFFFFE0] =	vst v12  }
0x15b: {  	v10 =	vld [tilespmem:s8+$0xFFFFFFE0];
	[tilespmem:s19+$0xFFFFFFF0] =	vst v11;
	v12 =	vadd.f32 v15, v0;
	v0 =	vmov v14  }
0x15c: {  	s24 =	sadd.s32 $0x400, s24;
	[tilespmem:s19+$0xFFFFFF90] =	vst v13;
	v6 =	vadd.f32 v16, v6;
	v11 =	vld [tilespmem:s8+$0xFFFFFFF0]  }
0x15d: {  	v1 =	vadd.f32 v8, v1;
	[tilespmem:s0+$0xFFFFFF90] =	vst v12;
	v8 =	vld [tilespmem:s23+$0xFFFFFF90]  }
0x15e: {  	[tilespmem:s29+$0xFFFFFFA0] =	vst v6;
	v2 =	vadd.f32 v7, v2  }
0x15f: {  	[tilespmem:s29+$0xFFFFFFB0] =	vst v1;
	v1 =	vadd.f32 v9, v3  }
0x160: {  	[tilespmem:s29+$0xFFFFFFC0] =	vst v2;
	v2 =	vadd.f32 v10, v4  }
0x161: {  	[tilespmem:s29+$0xFFFFFFD0] =	vst v1;
	v1 =	vadd.f32 v11, v5  }
0x162: {  	[tilespmem:s29+$0xFFFFFFE0] =	vst v2;
	v0 =	vadd.f32 v8, v0  }
0x163: {  	[tilespmem:s29+$0xFFFFFFF0] =	vst v1  }
0x164: {  	[tilespmem:s29+$0xFFFFFF90] =	vst v0  }
0x165: {  	v0 =	vld [tilespmem:s25+$0x0]  }
0x166: {  	v1 =	vld [tilespmem:s4+$0x0]  }
0x167: {  	v2 =	vld [tilespmem:s4+$0xFFFFFF90]  }
0x168: {  	v3 =	vld [tilespmem:s25+$0xFFFFFFA0]  }
0x169: {  	v4 =	vld [tilespmem:s4+$0xFFFFFFA0]  }
0x16a: {  	v5 =	vld [tilespmem:s25+$0xFFFFFFB0]  }
0x16b: {  	v6 =	vld [tilespmem:s4+$0xFFFFFFB0]  }
0x16c: {  	v7 =	vld [tilespmem:s25+$0xFFFFFFC0]  }
0x16d: {  	v8 =	vld [tilespmem:s4+$0xFFFFFFC0]  }
0x16e: {  	v9 =	vld [tilespmem:s25+$0xFFFFFFD0]  }
0x16f: {  	v10 =	vld [tilespmem:s4+$0xFFFFFFD0]  }
0x170: {  	v11 =	vld [tilespmem:s25+$0xFFFFFFE0]  }
0x171: {  	v12 =	vld [tilespmem:s4+$0xFFFFFFE0]  }
0x172: {  	s6 =	simm.s32 $0x570;
	v13 =	vld [tilespmem:s25+$0xFFFFFFF0]  }
0x173: {  	v19 =	vld [tilespmem:s6+$0xFFFFFF90]  }
0x174: {  	v21 =	vld [tilespmem:s6+$0xFFFFFFA0]  }
0x175: {  	v1 =	vadd.f32 v1, v0;
	v15 =	vadd.f32 v6, v5;
	v6 =	vld [tilespmem:s25+$0xFFFFFF90];
	s25 =	simm.s32 $0x18570  }
0x176: {  	v18 =	vld [tilespmem:s25+$0x0]  }
0x177: {  	[tilespmem:s17+$0x0] =	vst v1;
	v1 =	vadd.f32 v4, v3;
	v4 =	vld [tilespmem:s4+$0xFFFFFFF0]  }
0x178: {  	v14 =	vld [tilespmem:s15+$0x0]  }
0x179: {  	v20 =	vld [tilespmem:s25+$0xFFFFFFA0];
	[tilespmem:s17+$0xFFFFFFA0] =	vst v1;
	v1 =	vadd.f32 v8, v7  }
0x17a: {  	[tilespmem:s17+$0xFFFFFFB0] =	vst v15;
	v8 =	vadd.f32 v10, v9;
	v10 =	vld [tilespmem:s15+$0xFFFFFFA0]  }
0x17b: {  	[tilespmem:s17+$0xFFFFFFC0] =	vst v1;
	v1 =	vadd.f32 v12, v11;
	v12 =	vld [tilespmem:s15+$0xFFFFFFB0]  }
0x17c: {  	[tilespmem:s17+$0xFFFFFFD0] =	vst v8;
	v8 =	vld [tilespmem:s15+$0xFFFFFFC0];
	v4 =	vadd.f32 v4, v13  }
0x17d: {  	v14 =	vadd.f32 v14, v0;
	[tilespmem:s17+$0xFFFFFFE0] =	vst v1;
	v1 =	vld [tilespmem:s15+$0xFFFFFFD0]  }
0x17e: {  	v2 =	vadd.f32 v2, v6;
	v15 =	vld [tilespmem:s15+$0xFFFFFFE0];
	[tilespmem:s17+$0xFFFFFFF0] =	vst v4  }
0x17f: {  	[tilespmem:s10+$0x0] =	vst v14;
	v4 =	vadd.f32 v10, v3;
	v10 =	vld [tilespmem:s15+$0xFFFFFFF0]  }
0x180: {  	[tilespmem:s17+$0xFFFFFF90] =	vst v2;
	v14 =	vld [tilespmem:s11+$0x0];
	v2 =	vadd.f32 v12, v5  }
0x181: {  	v12 =	vld [tilespmem:s15+$0xFFFFFF90];
	[tilespmem:s10+$0xFFFFFFA0] =	vst v4;
	v4 =	vadd.f32 v8, v7  }
0x182: {  	v8 =	vld [tilespmem:s11+$0xFFFFFFA0];
	[tilespmem:s10+$0xFFFFFFB0] =	vst v2;
	v1 =	vadd.f32 v1, v9  }
0x183: {  	v2 =	vld [tilespmem:s11+$0xFFFFFFB0];
	[tilespmem:s10+$0xFFFFFFC0] =	vst v4;
	v4 =	vadd.f32 v15, v11  }
0x184: {  	v15 =	vld [tilespmem:s11+$0xFFFFFFC0];
	[tilespmem:s10+$0xFFFFFFD0] =	vst v1;
	v1 =	vadd.f32 v10, v13  }
0x185: {  	v10 =	vadd.f32 v14, v0;
	v14 =	vld [tilespmem:s11+$0xFFFFFFD0];
	[tilespmem:s10+$0xFFFFFFE0] =	vst v4  }
0x186: {  	v4 =	vadd.f32 v12, v6;
	v12 =	vld [tilespmem:s11+$0xFFFFFFE0];
	[tilespmem:s10+$0xFFFFFFF0] =	vst v1  }
0x187: {  	[tilespmem:s3+$0x0] =	vst v10;
	v1 =	vadd.f32 v8, v3;
	v8 =	vld [tilespmem:s11+$0xFFFFFFF0]  }
0x188: {  	[tilespmem:s10+$0xFFFFFF90] =	vst v4;
	v10 =	vld [tilespmem:s1+$0x0];
	v2 =	vadd.f32 v2, v5  }
0x189: {  	v4 =	vld [tilespmem:s11+$0xFFFFFF90];
	[tilespmem:s3+$0xFFFFFFA0] =	vst v1;
	v1 =	vadd.f32 v15, v7  }
0x18a: {  	v15 =	vld [tilespmem:s1+$0xFFFFFFA0];
	[tilespmem:s3+$0xFFFFFFB0] =	vst v2;
	v2 =	vadd.f32 v14, v9  }
0x18b: {  	v14 =	vld [tilespmem:s1+$0xFFFFFFB0];
	[tilespmem:s3+$0xFFFFFFC0] =	vst v1  }
0x18c: {  	v1 =	vadd.f32 v12, v11;
	v12 =	vld [tilespmem:s1+$0xFFFFFFC0];
	[tilespmem:s3+$0xFFFFFFD0] =	vst v2  }
0x18d: {  	v2 =	vadd.f32 v8, v13;
	v8 =	vld [tilespmem:s1+$0xFFFFFFD0]  }
0x18e: {  	[tilespmem:s3+$0xFFFFFFE0] =	vst v1;
	v1 =	vld [tilespmem:s25+$0xFFFFFFB0]  }
0x18f: {  	[tilespmem:s3+$0xFFFFFFF0] =	vst v2;
	v2 =	vld [tilespmem:s6+$0x0]  }
0x190: {  	v0 =	vadd.f32 v10, v0;
	v10 =	vld [tilespmem:s6+$0xFFFFFFB0]  }
0x191: {  	v16 =	vld [tilespmem:s1+$0xFFFFFFE0]  }
0x192: {  	v17 =	vld [tilespmem:s1+$0xFFFFFFF0];
	v3 =	vadd.f32 v15, v3  }
0x193: {  	[tilespmem:s2+$0x0] =	vst v0;
	v0 =	vadd.f32 v4, v6;
	v15 =	vld [tilespmem:s6+$0xFFFFFFC0]  }
0x194: {  	[tilespmem:s2+$0xFFFFFFA0] =	vst v3;
	v3 =	vld [tilespmem:s25+$0xFFFFFFD0];
	v22 =	vadd.f32 v2, v18  }
0x195: {  	s7 =	simm.s32 $0x10570;
	[tilespmem:s3+$0xFFFFFF90] =	vst v0;
	v0 =	vadd.f32 v14, v5;
	v4 =	vadd.f32 v12, v7;
	v7 =	vld [tilespmem:s6+$0xFFFFFFD0]  }
0x196: {  	s9 =	simm.s32 $0x4570;
	v12 =	vld [tilespmem:s6+$0xFFFFFFF0];
	[tilespmem:s7+$0x0] =	vst v22  }
0x197: {  	v10 =	vadd.f32 v10, v1;
	[tilespmem:s2+$0xFFFFFFB0] =	vst v0;
	v14 =	vld [tilespmem:s9+$0x0]  }
0x198: {  	v2 =	vld [tilespmem:s25+$0xFFFFFFC0];
	v0 =	vadd.f32 v8, v9;
	[tilespmem:s2+$0xFFFFFFC0] =	vst v4  }
0x199: {  	v5 =	vadd.f32 v16, v11;
	v4 =	vld [tilespmem:s25+$0xFFFFFFE0];
	[tilespmem:s7+$0xFFFFFFB0] =	vst v10  }
0x19a: {  	v8 =	vld [tilespmem:s6+$0xFFFFFFE0];
	[tilespmem:s2+$0xFFFFFFD0] =	vst v0;
	v0 =	vadd.f32 v17, v13  }
0x19b: {  	v11 =	vadd.f32 v21, v20;
	[tilespmem:s2+$0xFFFFFFE0] =	vst v5;
	v5 =	vld [tilespmem:s25+$0xFFFFFFF0]  }
0x19c: {  	[tilespmem:s2+$0xFFFFFFF0] =	vst v0;
	v0 =	vld [tilespmem:s25+$0xFFFFFF90];
	v9 =	vadd.f32 v14, v18  }
0x19d: {  	s12 =	simm.s32 $0x12570;
	[tilespmem:s7+$0xFFFFFFA0] =	vst v11;
	v7 =	vadd.f32 v7, v3  }
0x19e: {  	s13 =	simm.s32 $0x8570;
	v10 =	vld [tilespmem:s9+$0xFFFFFFA0];
	[tilespmem:s12+$0x0] =	vst v9;
	v9 =	vadd.f32 v15, v2  }
0x19f: {  	v8 =	vadd.f32 v8, v4;
	[tilespmem:s7+$0xFFFFFFD0] =	vst v7;
	v11 =	vld [tilespmem:s13+$0x0]  }
0x1a0: {  	v12 =	vadd.f32 v12, v5;
	[tilespmem:s7+$0xFFFFFFC0] =	vst v9;
	v9 =	vld [tilespmem:s9+$0xFFFFFFB0]  }
0x1a1: {  	[tilespmem:s7+$0xFFFFFFE0] =	vst v8;
	v8 =	vadd.f32 v19, v0;
	v7 =	vld [tilespmem:s9+$0xFFFFFFC0]  }
0x1a2: {  	v13 =	vld [tilespmem:s9+$0xFFFFFFD0];
	[tilespmem:s7+$0xFFFFFFF0] =	vst v12  }
0x1a3: {  	v14 =	vld [tilespmem:s9+$0xFFFFFFE0];
	[tilespmem:s7+$0xFFFFFF90] =	vst v8;
	v8 =	vadd.f32 v10, v20  }
0x1a4: {  	v10 =	vld [tilespmem:s9+$0xFFFFFFF0];
	v11 =	vadd.f32 v11, v18  }
0x1a5: {  	s19 =	simm.s32 $0x14570;
	v12 =	vld [tilespmem:s9+$0xFFFFFF90];
	[tilespmem:s12+$0xFFFFFFA0] =	vst v8;
	v9 =	vadd.f32 v9, v1  }
0x1a6: {  	s8 =	simm.s32 $0xC570;
	[tilespmem:s19+$0x0] =	vst v11;
	v7 =	vadd.f32 v7, v2;
	v11 =	vld [tilespmem:s13+$0xFFFFFFA0]  }
0x1a7: {  	v8 =	vld [tilespmem:s8+$0x0];
	[tilespmem:s12+$0xFFFFFFB0] =	vst v9;
	v9 =	vadd.f32 v13, v3  }
0x1a8: {  	v13 =	vld [tilespmem:s13+$0xFFFFFFB0];
	[tilespmem:s12+$0xFFFFFFC0] =	vst v7;
	v7 =	vadd.f32 v14, v4  }
0x1a9: {  	v14 =	vld [tilespmem:s13+$0xFFFFFFC0];
	[tilespmem:s12+$0xFFFFFFD0] =	vst v9;
	v9 =	vadd.f32 v10, v5  }
0x1aa: {  	v10 =	vadd.f32 v12, v0;
	v12 =	vld [tilespmem:s13+$0xFFFFFFD0];
	[tilespmem:s12+$0xFFFFFFE0] =	vst v7  }
0x1ab: {  	v7 =	vld [tilespmem:s13+$0xFFFFFFE0];
	[tilespmem:s12+$0xFFFFFFF0] =	vst v9;
	v9 =	vadd.f32 v11, v20  }
0x1ac: {  	[tilespmem:s12+$0xFFFFFF90] =	vst v10;
	v8 =	vadd.f32 v8, v18;
	v10 =	vld [tilespmem:s13+$0xFFFFFFF0]  }
0x1ad: {  	s4 =	simm.s32 $0x16570;
	v11 =	vld [tilespmem:s13+$0xFFFFFF90];
	v13 =	vadd.f32 v13, v1;
	[tilespmem:s19+$0xFFFFFFA0] =	vst v9  }
0x1ae: {  	[tilespmem:s4+$0x0] =	vst v8;
	v9 =	vadd.f32 v14, v2;
	v14 =	vld [tilespmem:s1+$0xFFFFFF90]  }
0x1af: {  	v15 =	vld [tilespmem:s8+$0xFFFFFFA0];
	[tilespmem:s19+$0xFFFFFFB0] =	vst v13;
	v12 =	vadd.f32 v12, v3  }
0x1b0: {  	v8 =	vld [tilespmem:s8+$0xFFFFFFB0];
	[tilespmem:s19+$0xFFFFFFC0] =	vst v9;
	v13 =	vadd.f32 v7, v4  }
0x1b1: {  	s0 =	simm.s32 $0x161F0;
	s30 =	simm.s32 $0x80;
	s24 =	simm.s32 $0x18970;
	v7 =	vld [tilespmem:s8+$0xFFFFFFC0];
	[tilespmem:s19+$0xFFFFFFD0] =	vst v12;
	v12 =	vadd.f32 v10, v5  }
0x1b2: {  	s23 =	simm.s32 $0xC570;
	s29 =	simm.s32 $0x1F0;
	s17 =	simm.s32 $0x101F0;
	v11 =	vadd.f32 v11, v0;
	v9 =	vld [tilespmem:s8+$0xFFFFFFD0];
	[tilespmem:s19+$0xFFFFFFE0] =	vst v13  }
0x1b3: {  	s15 =	simm.s32 $0x41F0;
	s10 =	simm.s32 $0x81F0;
	s11 =	simm.s32 $0x121F0;
	v10 =	vld [tilespmem:s8+$0xFFFFFFE0];
	[tilespmem:s19+$0xFFFFFFF0] =	vst v12;
	v12 =	vadd.f32 v14, v6  }
0x1b4: {  	s3 =	simm.s32 $0x141F0;
	s25 =	simm.s32 $0x181F0;
	s1 =	simm.s32 $0xC1F0;
	[tilespmem:s19+$0xFFFFFF90] =	vst v11;
	v6 =	vadd.f32 v15, v20;
	v11 =	vld [tilespmem:s8+$0xFFFFFFF0]  }
.LBB2_7:
0x1b5: {  	v13 =	vld [tilespmem:s24+$0x0];
	v1 =	vadd.f32 v8, v1;
	s6 =	sadd.s32 $0x400, s6;
	[tilespmem:s2+$0xFFFFFF90] =	vst v12;
	s2 =	smov.u32 s4  }
0x1b6: {  	s30 =	sadd.s32 $0x80, s30;
	v8 =	vld [tilespmem:s6+$0x0];
	[tilespmem:s4+$0xFFFFFFA0] =	vst v6;
	v2 =	vadd.f32 v7, v2  }
0x1b7: {  	p0 =	slt.u32 s30, $0x380;
	v7 =	vld [tilespmem:s6+$0xFFFFFF90];
	[tilespmem:s4+$0xFFFFFFB0] =	vst v1;
	v1 =	vadd.f32 v9, v3  }
0x1b8: {  	v6 =	vld [tilespmem:s24+$0xFFFFFFA0];
	[tilespmem:s4+$0xFFFFFFC0] =	vst v2;
	v2 =	vadd.f32 v10, v4  }
0x1b9: {  	v3 =	vld [tilespmem:s6+$0xFFFFFFA0];
	[tilespmem:s4+$0xFFFFFFD0] =	vst v1;
	v4 =	vadd.f32 v11, v5  }
0x1ba: {  	v1 =	vld [tilespmem:s24+$0xFFFFFFB0];
	[tilespmem:s4+$0xFFFFFFE0] =	vst v2  }
0x1bb: {  	v5 =	vld [tilespmem:s6+$0xFFFFFFB0];
	v8 =	vadd.f32 v8, v13;
	[tilespmem:s4+$0xFFFFFFF0] =	vst v4  }
0x1bc: {  	s7 =	sadd.s32 $0x400, s7;
	v2 =	vld [tilespmem:s24+$0xFFFFFFC0]  }
0x1bd: {  	s9 =	sadd.s32 $0x400, s9;
	v9 =	vld [tilespmem:s6+$0xFFFFFFC0];
	[tilespmem:s7+$0x0] =	vst v8  }
0x1be: {  	v4 =	vadd.f32 v3, v6;
	v8 =	vld [tilespmem:s9+$0x0]  }
0x1bf: {  	v3 =	vld [tilespmem:s24+$0xFFFFFFD0]  }
0x1c0: {  	[tilespmem:s7+$0xFFFFFFA0] =	vst v4;
	v5 =	vadd.f32 v5, v1;
	v10 =	vld [tilespmem:s6+$0xFFFFFFD0]  }
0x1c1: {  	v4 =	vld [tilespmem:s24+$0xFFFFFFE0]  }
0x1c2: {  	[tilespmem:s7+$0xFFFFFFB0] =	vst v5;
	v9 =	vadd.f32 v9, v2;
	v11 =	vld [tilespmem:s6+$0xFFFFFFE0]  }
0x1c3: {  	v5 =	vld [tilespmem:s24+$0xFFFFFFF0];
	v8 =	vadd.f32 v8, v13  }
0x1c4: {  	s12 =	sadd.s32 $0x400, s12;
	[tilespmem:s7+$0xFFFFFFC0] =	vst v9;
	v9 =	vld [tilespmem:s6+$0xFFFFFFF0]  }
0x1c5: {  	s13 =	sadd.s32 $0x400, s13;
	v14 =	vld [tilespmem:s24+$0xFFFFFF90];
	v10 =	vadd.f32 v10, v3;
	[tilespmem:s12+$0x0] =	vst v8  }
0x1c6: {  	v8 =	vld [tilespmem:s13+$0x0]  }
0x1c7: {  	v12 =	vld [tilespmem:s9+$0xFFFFFFA0];
	[tilespmem:s7+$0xFFFFFFD0] =	vst v10;
	v10 =	vadd.f32 v11, v4  }
0x1c8: {  	v11 =	vld [tilespmem:s9+$0xFFFFFFB0]  }
0x1c9: {  	v15 =	vld [tilespmem:s9+$0xFFFFFFC0];
	[tilespmem:s7+$0xFFFFFFE0] =	vst v10;
	v9 =	vadd.f32 v9, v5  }
0x1ca: {  	v7 =	vadd.f32 v7, v14;
	v10 =	vld [tilespmem:s9+$0xFFFFFFD0]  }
0x1cb: {  	v16 =	vld [tilespmem:s9+$0xFFFFFFE0];
	[tilespmem:s7+$0xFFFFFFF0] =	vst v9;
	v8 =	vadd.f32 v8, v13  }
0x1cc: {  	s19 =	sadd.s32 $0x400, s19;
	[tilespmem:s7+$0xFFFFFF90] =	vst v7;
	v7 =	vadd.f32 v12, v6;
	v9 =	vld [tilespmem:s9+$0xFFFFFFF0]  }
0x1cd: {  	s8 =	sadd.s32 $0x400, s8;
	v12 =	vld [tilespmem:s9+$0xFFFFFF90];
	v11 =	vadd.f32 v11, v1;
	[tilespmem:s19+$0x0] =	vst v8  }
0x1ce: {  	[tilespmem:s12+$0xFFFFFFA0] =	vst v7;
	v7 =	vadd.f32 v15, v2;
	v8 =	vld [tilespmem:s8+$0x0]  }
0x1cf: {  	v15 =	vld [tilespmem:s13+$0xFFFFFFA0];
	[tilespmem:s12+$0xFFFFFFB0] =	vst v11;
	v10 =	vadd.f32 v10, v3  }
0x1d0: {  	v11 =	vld [tilespmem:s13+$0xFFFFFFB0];
	[tilespmem:s12+$0xFFFFFFC0] =	vst v7;
	v7 =	vadd.f32 v16, v4  }
0x1d1: {  	v16 =	vld [tilespmem:s13+$0xFFFFFFC0];
	[tilespmem:s12+$0xFFFFFFD0] =	vst v10;
	v9 =	vadd.f32 v9, v5  }
0x1d2: {  	v10 =	vadd.f32 v12, v14;
	v12 =	vld [tilespmem:s13+$0xFFFFFFD0];
	[tilespmem:s12+$0xFFFFFFE0] =	vst v7  }
0x1d3: {  	v7 =	vld [tilespmem:s13+$0xFFFFFFE0];
	[tilespmem:s12+$0xFFFFFFF0] =	vst v9;
	v8 =	vadd.f32 v8, v13  }
0x1d4: {  	s4 =	sadd.s32 $0x400, s4;
	[tilespmem:s12+$0xFFFFFF90] =	vst v10;
	v9 =	vadd.f32 v15, v6;
	v10 =	vld [tilespmem:s13+$0xFFFFFFF0]  }
0x1d5: {  	v13 =	vld [tilespmem:s13+$0xFFFFFF90];
	v11 =	vadd.f32 v11, v1;
	[tilespmem:s4+$0x0] =	vst v8  }
0x1d6: {  	[tilespmem:s19+$0xFFFFFFA0] =	vst v9;
	v9 =	vadd.f32 v16, v2;
	v15 =	vld [tilespmem:s23+$0xFFFFFF90];
	s23 =	smov.u32 s8  }
0x1d7: {  	v16 =	vld [tilespmem:s8+$0xFFFFFFA0];
	[tilespmem:s19+$0xFFFFFFB0] =	vst v11;
	v11 =	vadd.f32 v12, v3  }
.Ltmp4:
0x1d8: {  	v8 =	vld [tilespmem:s8+$0xFFFFFFB0];
	[tilespmem:s19+$0xFFFFFFC0] =	vst v9;
	v12 =	vadd.f32 v7, v4;
	(pc) =	sbr.rel @p0 .LBB2_7-.Ltmp4, $4  }
0x1d9: {  	v7 =	vld [tilespmem:s8+$0xFFFFFFC0];
	[tilespmem:s19+$0xFFFFFFD0] =	vst v11;
	v11 =	vadd.f32 v10, v5  }
0x1da: {  	v13 =	vadd.f32 v13, v14;
	v9 =	vld [tilespmem:s8+$0xFFFFFFD0];
	[tilespmem:s19+$0xFFFFFFE0] =	vst v12  }
0x1db: {  	v10 =	vld [tilespmem:s8+$0xFFFFFFE0];
	[tilespmem:s19+$0xFFFFFFF0] =	vst v11;
	v12 =	vadd.f32 v15, v0;
	v0 =	vmov v14  }
0x1dc: {  	s24 =	sadd.s32 $0x400, s24;
	[tilespmem:s19+$0xFFFFFF90] =	vst v13;
	v6 =	vadd.f32 v16, v6;
	v11 =	vld [tilespmem:s8+$0xFFFFFFF0]  }
0x1dd: {  	v1 =	vadd.f32 v8, v1;
	[tilespmem:s2+$0xFFFFFF90] =	vst v12;
	v8 =	vld [tilespmem:s23+$0xFFFFFF90]  }
0x1de: {  	[tilespmem:s4+$0xFFFFFFA0] =	vst v6;
	v2 =	vadd.f32 v7, v2  }
0x1df: {  	[tilespmem:s4+$0xFFFFFFB0] =	vst v1;
	v1 =	vadd.f32 v9, v3  }
0x1e0: {  	[tilespmem:s4+$0xFFFFFFC0] =	vst v2;
	v2 =	vadd.f32 v10, v4  }
0x1e1: {  	[tilespmem:s4+$0xFFFFFFD0] =	vst v1;
	v1 =	vadd.f32 v11, v5  }
0x1e2: {  	[tilespmem:s4+$0xFFFFFFE0] =	vst v2;
	v0 =	vadd.f32 v8, v0  }
0x1e3: {  	[tilespmem:s4+$0xFFFFFFF0] =	vst v1  }
0x1e4: {  	[tilespmem:s4+$0xFFFFFF90] =	vst v0  }
0x1e5: {  	v0 =	vld [tilespmem:s25+$0x0]  }
0x1e6: {  	v1 =	vld [tilespmem:s29+$0x0]  }
0x1e7: {  	v2 =	vld [tilespmem:s29+$0xFFFFFF90]  }
0x1e8: {  	v3 =	vld [tilespmem:s25+$0xFFFFFFA0]  }
0x1e9: {  	v4 =	vld [tilespmem:s29+$0xFFFFFFA0]  }
0x1ea: {  	v5 =	vld [tilespmem:s25+$0xFFFFFFB0]  }
0x1eb: {  	v6 =	vld [tilespmem:s29+$0xFFFFFFB0]  }
0x1ec: {  	v7 =	vld [tilespmem:s25+$0xFFFFFFC0]  }
0x1ed: {  	v8 =	vld [tilespmem:s29+$0xFFFFFFC0]  }
0x1ee: {  	v9 =	vld [tilespmem:s25+$0xFFFFFFD0]  }
0x1ef: {  	v10 =	vld [tilespmem:s29+$0xFFFFFFD0]  }
0x1f0: {  	v11 =	vld [tilespmem:s25+$0xFFFFFFE0]  }
0x1f1: {  	v12 =	vld [tilespmem:s29+$0xFFFFFFE0]  }
0x1f2: {  	s6 =	simm.s32 $0x5F0;
	v13 =	vld [tilespmem:s25+$0xFFFFFFF0]  }
0x1f3: {  	v19 =	vld [tilespmem:s6+$0xFFFFFF90]  }
0x1f4: {  	v21 =	vld [tilespmem:s6+$0xFFFFFFA0]  }
0x1f5: {  	v1 =	vadd.f32 v1, v0;
	v15 =	vadd.f32 v6, v5;
	v6 =	vld [tilespmem:s25+$0xFFFFFF90];
	s25 =	simm.s32 $0x185F0  }
0x1f6: {  	v18 =	vld [tilespmem:s25+$0x0]  }
0x1f7: {  	[tilespmem:s17+$0x0] =	vst v1;
	v1 =	vadd.f32 v4, v3;
	v4 =	vld [tilespmem:s29+$0xFFFFFFF0]  }
0x1f8: {  	v14 =	vld [tilespmem:s15+$0x0]  }
0x1f9: {  	v20 =	vld [tilespmem:s25+$0xFFFFFFA0];
	[tilespmem:s17+$0xFFFFFFA0] =	vst v1;
	v1 =	vadd.f32 v8, v7  }
0x1fa: {  	[tilespmem:s17+$0xFFFFFFB0] =	vst v15;
	v8 =	vadd.f32 v10, v9;
	v10 =	vld [tilespmem:s15+$0xFFFFFFA0]  }
0x1fb: {  	[tilespmem:s17+$0xFFFFFFC0] =	vst v1;
	v1 =	vadd.f32 v12, v11;
	v12 =	vld [tilespmem:s15+$0xFFFFFFB0]  }
0x1fc: {  	[tilespmem:s17+$0xFFFFFFD0] =	vst v8;
	v8 =	vld [tilespmem:s15+$0xFFFFFFC0];
	v4 =	vadd.f32 v4, v13  }
0x1fd: {  	v14 =	vadd.f32 v14, v0;
	[tilespmem:s17+$0xFFFFFFE0] =	vst v1;
	v1 =	vld [tilespmem:s15+$0xFFFFFFD0]  }
0x1fe: {  	v2 =	vadd.f32 v2, v6;
	v15 =	vld [tilespmem:s15+$0xFFFFFFE0];
	[tilespmem:s17+$0xFFFFFFF0] =	vst v4  }
0x1ff: {  	[tilespmem:s11+$0x0] =	vst v14;
	v4 =	vadd.f32 v10, v3;
	v10 =	vld [tilespmem:s15+$0xFFFFFFF0]  }
0x200: {  	[tilespmem:s17+$0xFFFFFF90] =	vst v2;
	v14 =	vld [tilespmem:s10+$0x0];
	v2 =	vadd.f32 v12, v5  }
0x201: {  	v12 =	vld [tilespmem:s15+$0xFFFFFF90];
	[tilespmem:s11+$0xFFFFFFA0] =	vst v4;
	v4 =	vadd.f32 v8, v7  }
0x202: {  	v8 =	vld [tilespmem:s10+$0xFFFFFFA0];
	[tilespmem:s11+$0xFFFFFFB0] =	vst v2;
	v1 =	vadd.f32 v1, v9  }
0x203: {  	v2 =	vld [tilespmem:s10+$0xFFFFFFB0];
	[tilespmem:s11+$0xFFFFFFC0] =	vst v4;
	v4 =	vadd.f32 v15, v11  }
0x204: {  	v15 =	vld [tilespmem:s10+$0xFFFFFFC0];
	[tilespmem:s11+$0xFFFFFFD0] =	vst v1;
	v1 =	vadd.f32 v10, v13  }
0x205: {  	v10 =	vadd.f32 v14, v0;
	v14 =	vld [tilespmem:s10+$0xFFFFFFD0];
	[tilespmem:s11+$0xFFFFFFE0] =	vst v4  }
0x206: {  	v4 =	vadd.f32 v12, v6;
	v12 =	vld [tilespmem:s10+$0xFFFFFFE0];
	[tilespmem:s11+$0xFFFFFFF0] =	vst v1  }
0x207: {  	[tilespmem:s3+$0x0] =	vst v10;
	v1 =	vadd.f32 v8, v3;
	v8 =	vld [tilespmem:s10+$0xFFFFFFF0]  }
0x208: {  	[tilespmem:s11+$0xFFFFFF90] =	vst v4;
	v10 =	vld [tilespmem:s1+$0x0];
	v2 =	vadd.f32 v2, v5  }
0x209: {  	v4 =	vld [tilespmem:s10+$0xFFFFFF90];
	[tilespmem:s3+$0xFFFFFFA0] =	vst v1;
	v1 =	vadd.f32 v15, v7  }
0x20a: {  	v15 =	vld [tilespmem:s1+$0xFFFFFFA0];
	[tilespmem:s3+$0xFFFFFFB0] =	vst v2;
	v2 =	vadd.f32 v14, v9  }
0x20b: {  	v14 =	vld [tilespmem:s1+$0xFFFFFFB0];
	[tilespmem:s3+$0xFFFFFFC0] =	vst v1  }
0x20c: {  	v1 =	vadd.f32 v12, v11;
	v12 =	vld [tilespmem:s1+$0xFFFFFFC0];
	[tilespmem:s3+$0xFFFFFFD0] =	vst v2  }
0x20d: {  	v2 =	vadd.f32 v8, v13;
	v8 =	vld [tilespmem:s1+$0xFFFFFFD0]  }
0x20e: {  	[tilespmem:s3+$0xFFFFFFE0] =	vst v1;
	v1 =	vld [tilespmem:s25+$0xFFFFFFB0]  }
0x20f: {  	[tilespmem:s3+$0xFFFFFFF0] =	vst v2;
	v2 =	vld [tilespmem:s6+$0x0]  }
0x210: {  	v0 =	vadd.f32 v10, v0;
	v10 =	vld [tilespmem:s6+$0xFFFFFFB0]  }
0x211: {  	v16 =	vld [tilespmem:s1+$0xFFFFFFE0]  }
0x212: {  	v17 =	vld [tilespmem:s1+$0xFFFFFFF0];
	v3 =	vadd.f32 v15, v3  }
0x213: {  	[tilespmem:s0+$0x0] =	vst v0;
	v0 =	vadd.f32 v4, v6;
	v15 =	vld [tilespmem:s6+$0xFFFFFFC0]  }
0x214: {  	[tilespmem:s0+$0xFFFFFFA0] =	vst v3;
	v3 =	vld [tilespmem:s25+$0xFFFFFFD0];
	v22 =	vadd.f32 v2, v18  }
0x215: {  	s7 =	simm.s32 $0x105F0;
	[tilespmem:s3+$0xFFFFFF90] =	vst v0;
	v0 =	vadd.f32 v14, v5;
	v4 =	vadd.f32 v12, v7;
	v7 =	vld [tilespmem:s6+$0xFFFFFFD0]  }
0x216: {  	s9 =	simm.s32 $0x45F0;
	v12 =	vld [tilespmem:s6+$0xFFFFFFF0];
	[tilespmem:s7+$0x0] =	vst v22  }
0x217: {  	v10 =	vadd.f32 v10, v1;
	[tilespmem:s0+$0xFFFFFFB0] =	vst v0;
	v14 =	vld [tilespmem:s9+$0x0]  }
0x218: {  	v2 =	vld [tilespmem:s25+$0xFFFFFFC0];
	v0 =	vadd.f32 v8, v9;
	[tilespmem:s0+$0xFFFFFFC0] =	vst v4  }
0x219: {  	v5 =	vadd.f32 v16, v11;
	v4 =	vld [tilespmem:s25+$0xFFFFFFE0];
	[tilespmem:s7+$0xFFFFFFB0] =	vst v10  }
0x21a: {  	v8 =	vld [tilespmem:s6+$0xFFFFFFE0];
	[tilespmem:s0+$0xFFFFFFD0] =	vst v0;
	v0 =	vadd.f32 v17, v13  }
0x21b: {  	v11 =	vadd.f32 v21, v20;
	[tilespmem:s0+$0xFFFFFFE0] =	vst v5;
	v5 =	vld [tilespmem:s25+$0xFFFFFFF0]  }
0x21c: {  	[tilespmem:s0+$0xFFFFFFF0] =	vst v0;
	v0 =	vld [tilespmem:s25+$0xFFFFFF90];
	v9 =	vadd.f32 v14, v18  }
0x21d: {  	s12 =	simm.s32 $0x125F0;
	[tilespmem:s7+$0xFFFFFFA0] =	vst v11;
	v7 =	vadd.f32 v7, v3  }
0x21e: {  	s13 =	simm.s32 $0x85F0;
	v10 =	vld [tilespmem:s9+$0xFFFFFFA0];
	[tilespmem:s12+$0x0] =	vst v9;
	v9 =	vadd.f32 v15, v2  }
0x21f: {  	v8 =	vadd.f32 v8, v4;
	[tilespmem:s7+$0xFFFFFFD0] =	vst v7;
	v11 =	vld [tilespmem:s13+$0x0]  }
0x220: {  	v12 =	vadd.f32 v12, v5;
	[tilespmem:s7+$0xFFFFFFC0] =	vst v9;
	v9 =	vld [tilespmem:s9+$0xFFFFFFB0]  }
0x221: {  	[tilespmem:s7+$0xFFFFFFE0] =	vst v8;
	v8 =	vadd.f32 v19, v0;
	v7 =	vld [tilespmem:s9+$0xFFFFFFC0]  }
0x222: {  	v13 =	vld [tilespmem:s9+$0xFFFFFFD0];
	[tilespmem:s7+$0xFFFFFFF0] =	vst v12  }
0x223: {  	v14 =	vld [tilespmem:s9+$0xFFFFFFE0];
	[tilespmem:s7+$0xFFFFFF90] =	vst v8;
	v8 =	vadd.f32 v10, v20  }
0x224: {  	v10 =	vld [tilespmem:s9+$0xFFFFFFF0];
	v11 =	vadd.f32 v11, v18  }
0x225: {  	s19 =	simm.s32 $0x145F0;
	v12 =	vld [tilespmem:s9+$0xFFFFFF90];
	[tilespmem:s12+$0xFFFFFFA0] =	vst v8;
	v9 =	vadd.f32 v9, v1  }
0x226: {  	s8 =	simm.s32 $0xC5F0;
	[tilespmem:s19+$0x0] =	vst v11;
	v7 =	vadd.f32 v7, v2;
	v11 =	vld [tilespmem:s13+$0xFFFFFFA0]  }
0x227: {  	v8 =	vld [tilespmem:s8+$0x0];
	[tilespmem:s12+$0xFFFFFFB0] =	vst v9;
	v9 =	vadd.f32 v13, v3  }
0x228: {  	v13 =	vld [tilespmem:s13+$0xFFFFFFB0];
	[tilespmem:s12+$0xFFFFFFC0] =	vst v7;
	v7 =	vadd.f32 v14, v4  }
0x229: {  	v14 =	vld [tilespmem:s13+$0xFFFFFFC0];
	[tilespmem:s12+$0xFFFFFFD0] =	vst v9;
	v9 =	vadd.f32 v10, v5  }
0x22a: {  	v10 =	vadd.f32 v12, v0;
	v12 =	vld [tilespmem:s13+$0xFFFFFFD0];
	[tilespmem:s12+$0xFFFFFFE0] =	vst v7  }
0x22b: {  	v7 =	vld [tilespmem:s13+$0xFFFFFFE0];
	[tilespmem:s12+$0xFFFFFFF0] =	vst v9;
	v9 =	vadd.f32 v11, v20  }
0x22c: {  	[tilespmem:s12+$0xFFFFFF90] =	vst v10;
	v8 =	vadd.f32 v8, v18;
	v10 =	vld [tilespmem:s13+$0xFFFFFFF0]  }
0x22d: {  	s29 =	simm.s32 $0x165F0;
	v11 =	vld [tilespmem:s13+$0xFFFFFF90];
	v13 =	vadd.f32 v13, v1;
	[tilespmem:s19+$0xFFFFFFA0] =	vst v9  }
0x22e: {  	[tilespmem:s29+$0x0] =	vst v8;
	v9 =	vadd.f32 v14, v2;
	v14 =	vld [tilespmem:s1+$0xFFFFFF90]  }
0x22f: {  	v15 =	vld [tilespmem:s8+$0xFFFFFFA0];
	[tilespmem:s19+$0xFFFFFFB0] =	vst v13;
	v12 =	vadd.f32 v12, v3  }
0x230: {  	v8 =	vld [tilespmem:s8+$0xFFFFFFB0];
	[tilespmem:s19+$0xFFFFFFC0] =	vst v9;
	v13 =	vadd.f32 v7, v4  }
0x231: {  	s2 =	simm.s32 $0x16270;
	s30 =	simm.s32 $0x80;
	s24 =	simm.s32 $0x189F0;
	v7 =	vld [tilespmem:s8+$0xFFFFFFC0];
	[tilespmem:s19+$0xFFFFFFD0] =	vst v12;
	v12 =	vadd.f32 v10, v5  }
0x232: {  	s23 =	simm.s32 $0xC5F0;
	s4 =	simm.s32 $0x270;
	s17 =	simm.s32 $0x10270;
	v11 =	vadd.f32 v11, v0;
	v9 =	vld [tilespmem:s8+$0xFFFFFFD0];
	[tilespmem:s19+$0xFFFFFFE0] =	vst v13  }
0x233: {  	s15 =	simm.s32 $0x4270;
	s11 =	simm.s32 $0x8270;
	s10 =	simm.s32 $0x12270;
	v10 =	vld [tilespmem:s8+$0xFFFFFFE0];
	[tilespmem:s19+$0xFFFFFFF0] =	vst v12;
	v12 =	vadd.f32 v14, v6  }
0x234: {  	s3 =	simm.s32 $0x14270;
	s25 =	simm.s32 $0x18270;
	s1 =	simm.s32 $0xC270;
	[tilespmem:s19+$0xFFFFFF90] =	vst v11;
	v6 =	vadd.f32 v15, v20;
	v11 =	vld [tilespmem:s8+$0xFFFFFFF0]  }
.LBB2_9:
0x235: {  	v13 =	vld [tilespmem:s24+$0x0];
	v1 =	vadd.f32 v8, v1;
	s6 =	sadd.s32 $0x400, s6;
	[tilespmem:s0+$0xFFFFFF90] =	vst v12;
	s0 =	smov.u32 s29  }
0x236: {  	s30 =	sadd.s32 $0x80, s30;
	v8 =	vld [tilespmem:s6+$0x0];
	[tilespmem:s29+$0xFFFFFFA0] =	vst v6;
	v2 =	vadd.f32 v7, v2  }
0x237: {  	p0 =	slt.u32 s30, $0x380;
	v7 =	vld [tilespmem:s6+$0xFFFFFF90];
	[tilespmem:s29+$0xFFFFFFB0] =	vst v1;
	v1 =	vadd.f32 v9, v3  }
0x238: {  	v6 =	vld [tilespmem:s24+$0xFFFFFFA0];
	[tilespmem:s29+$0xFFFFFFC0] =	vst v2;
	v2 =	vadd.f32 v10, v4  }
0x239: {  	v3 =	vld [tilespmem:s6+$0xFFFFFFA0];
	[tilespmem:s29+$0xFFFFFFD0] =	vst v1;
	v4 =	vadd.f32 v11, v5  }
0x23a: {  	v1 =	vld [tilespmem:s24+$0xFFFFFFB0];
	[tilespmem:s29+$0xFFFFFFE0] =	vst v2  }
0x23b: {  	v5 =	vld [tilespmem:s6+$0xFFFFFFB0];
	v8 =	vadd.f32 v8, v13;
	[tilespmem:s29+$0xFFFFFFF0] =	vst v4  }
0x23c: {  	s7 =	sadd.s32 $0x400, s7;
	v2 =	vld [tilespmem:s24+$0xFFFFFFC0]  }
0x23d: {  	s9 =	sadd.s32 $0x400, s9;
	v9 =	vld [tilespmem:s6+$0xFFFFFFC0];
	[tilespmem:s7+$0x0] =	vst v8  }
0x23e: {  	v4 =	vadd.f32 v3, v6;
	v8 =	vld [tilespmem:s9+$0x0]  }
0x23f: {  	v3 =	vld [tilespmem:s24+$0xFFFFFFD0]  }
0x240: {  	[tilespmem:s7+$0xFFFFFFA0] =	vst v4;
	v5 =	vadd.f32 v5, v1;
	v10 =	vld [tilespmem:s6+$0xFFFFFFD0]  }
0x241: {  	v4 =	vld [tilespmem:s24+$0xFFFFFFE0]  }
0x242: {  	[tilespmem:s7+$0xFFFFFFB0] =	vst v5;
	v9 =	vadd.f32 v9, v2;
	v11 =	vld [tilespmem:s6+$0xFFFFFFE0]  }
0x243: {  	v5 =	vld [tilespmem:s24+$0xFFFFFFF0];
	v8 =	vadd.f32 v8, v13  }
0x244: {  	s12 =	sadd.s32 $0x400, s12;
	[tilespmem:s7+$0xFFFFFFC0] =	vst v9;
	v9 =	vld [tilespmem:s6+$0xFFFFFFF0]  }
0x245: {  	s13 =	sadd.s32 $0x400, s13;
	v14 =	vld [tilespmem:s24+$0xFFFFFF90];
	v10 =	vadd.f32 v10, v3;
	[tilespmem:s12+$0x0] =	vst v8  }
0x246: {  	v8 =	vld [tilespmem:s13+$0x0]  }
0x247: {  	v12 =	vld [tilespmem:s9+$0xFFFFFFA0];
	[tilespmem:s7+$0xFFFFFFD0] =	vst v10;
	v10 =	vadd.f32 v11, v4  }
0x248: {  	v11 =	vld [tilespmem:s9+$0xFFFFFFB0]  }
0x249: {  	v15 =	vld [tilespmem:s9+$0xFFFFFFC0];
	[tilespmem:s7+$0xFFFFFFE0] =	vst v10;
	v9 =	vadd.f32 v9, v5  }
0x24a: {  	v7 =	vadd.f32 v7, v14;
	v10 =	vld [tilespmem:s9+$0xFFFFFFD0]  }
0x24b: {  	v16 =	vld [tilespmem:s9+$0xFFFFFFE0];
	[tilespmem:s7+$0xFFFFFFF0] =	vst v9;
	v8 =	vadd.f32 v8, v13  }
0x24c: {  	s19 =	sadd.s32 $0x400, s19;
	[tilespmem:s7+$0xFFFFFF90] =	vst v7;
	v7 =	vadd.f32 v12, v6;
	v9 =	vld [tilespmem:s9+$0xFFFFFFF0]  }
0x24d: {  	s8 =	sadd.s32 $0x400, s8;
	v12 =	vld [tilespmem:s9+$0xFFFFFF90];
	v11 =	vadd.f32 v11, v1;
	[tilespmem:s19+$0x0] =	vst v8  }
0x24e: {  	[tilespmem:s12+$0xFFFFFFA0] =	vst v7;
	v7 =	vadd.f32 v15, v2;
	v8 =	vld [tilespmem:s8+$0x0]  }
0x24f: {  	v15 =	vld [tilespmem:s13+$0xFFFFFFA0];
	[tilespmem:s12+$0xFFFFFFB0] =	vst v11;
	v10 =	vadd.f32 v10, v3  }
0x250: {  	v11 =	vld [tilespmem:s13+$0xFFFFFFB0];
	[tilespmem:s12+$0xFFFFFFC0] =	vst v7;
	v7 =	vadd.f32 v16, v4  }
0x251: {  	v16 =	vld [tilespmem:s13+$0xFFFFFFC0];
	[tilespmem:s12+$0xFFFFFFD0] =	vst v10;
	v9 =	vadd.f32 v9, v5  }
0x252: {  	v10 =	vadd.f32 v12, v14;
	v12 =	vld [tilespmem:s13+$0xFFFFFFD0];
	[tilespmem:s12+$0xFFFFFFE0] =	vst v7  }
0x253: {  	v7 =	vld [tilespmem:s13+$0xFFFFFFE0];
	[tilespmem:s12+$0xFFFFFFF0] =	vst v9;
	v8 =	vadd.f32 v8, v13  }
0x254: {  	s29 =	sadd.s32 $0x400, s29;
	[tilespmem:s12+$0xFFFFFF90] =	vst v10;
	v9 =	vadd.f32 v15, v6;
	v10 =	vld [tilespmem:s13+$0xFFFFFFF0]  }
0x255: {  	v13 =	vld [tilespmem:s13+$0xFFFFFF90];
	v11 =	vadd.f32 v11, v1;
	[tilespmem:s29+$0x0] =	vst v8  }
0x256: {  	[tilespmem:s19+$0xFFFFFFA0] =	vst v9;
	v9 =	vadd.f32 v16, v2;
	v15 =	vld [tilespmem:s23+$0xFFFFFF90];
	s23 =	smov.u32 s8  }
0x257: {  	v16 =	vld [tilespmem:s8+$0xFFFFFFA0];
	[tilespmem:s19+$0xFFFFFFB0] =	vst v11;
	v11 =	vadd.f32 v12, v3  }
.Ltmp5:
0x258: {  	v8 =	vld [tilespmem:s8+$0xFFFFFFB0];
	[tilespmem:s19+$0xFFFFFFC0] =	vst v9;
	v12 =	vadd.f32 v7, v4;
	(pc) =	sbr.rel @p0 .LBB2_9-.Ltmp5, $4  }
0x259: {  	v7 =	vld [tilespmem:s8+$0xFFFFFFC0];
	[tilespmem:s19+$0xFFFFFFD0] =	vst v11;
	v11 =	vadd.f32 v10, v5  }
0x25a: {  	v13 =	vadd.f32 v13, v14;
	v9 =	vld [tilespmem:s8+$0xFFFFFFD0];
	[tilespmem:s19+$0xFFFFFFE0] =	vst v12  }
0x25b: {  	v10 =	vld [tilespmem:s8+$0xFFFFFFE0];
	[tilespmem:s19+$0xFFFFFFF0] =	vst v11;
	v12 =	vadd.f32 v15, v0;
	v0 =	vmov v14  }
0x25c: {  	s24 =	sadd.s32 $0x400, s24;
	[tilespmem:s19+$0xFFFFFF90] =	vst v13;
	v6 =	vadd.f32 v16, v6;
	v11 =	vld [tilespmem:s8+$0xFFFFFFF0]  }
0x25d: {  	v1 =	vadd.f32 v8, v1;
	[tilespmem:s0+$0xFFFFFF90] =	vst v12;
	v8 =	vld [tilespmem:s23+$0xFFFFFF90]  }
0x25e: {  	[tilespmem:s29+$0xFFFFFFA0] =	vst v6;
	v2 =	vadd.f32 v7, v2  }
0x25f: {  	[tilespmem:s29+$0xFFFFFFB0] =	vst v1;
	v1 =	vadd.f32 v9, v3  }
0x260: {  	[tilespmem:s29+$0xFFFFFFC0] =	vst v2;
	v2 =	vadd.f32 v10, v4  }
0x261: {  	[tilespmem:s29+$0xFFFFFFD0] =	vst v1;
	v1 =	vadd.f32 v11, v5  }
0x262: {  	[tilespmem:s29+$0xFFFFFFE0] =	vst v2;
	v0 =	vadd.f32 v8, v0  }
0x263: {  	[tilespmem:s29+$0xFFFFFFF0] =	vst v1  }
0x264: {  	[tilespmem:s29+$0xFFFFFF90] =	vst v0  }
0x265: {  	v0 =	vld [tilespmem:s25+$0x0]  }
0x266: {  	v1 =	vld [tilespmem:s4+$0x0]  }
0x267: {  	v2 =	vld [tilespmem:s4+$0xFFFFFF90]  }
0x268: {  	v3 =	vld [tilespmem:s25+$0xFFFFFFA0]  }
0x269: {  	v4 =	vld [tilespmem:s4+$0xFFFFFFA0]  }
0x26a: {  	v5 =	vld [tilespmem:s25+$0xFFFFFFB0]  }
0x26b: {  	v6 =	vld [tilespmem:s4+$0xFFFFFFB0]  }
0x26c: {  	v7 =	vld [tilespmem:s25+$0xFFFFFFC0]  }
0x26d: {  	v8 =	vld [tilespmem:s4+$0xFFFFFFC0]  }
0x26e: {  	v9 =	vld [tilespmem:s25+$0xFFFFFFD0]  }
0x26f: {  	v10 =	vld [tilespmem:s4+$0xFFFFFFD0]  }
0x270: {  	v11 =	vld [tilespmem:s25+$0xFFFFFFE0]  }
0x271: {  	v12 =	vld [tilespmem:s4+$0xFFFFFFE0]  }
0x272: {  	s6 =	simm.s32 $0x670;
	v13 =	vld [tilespmem:s25+$0xFFFFFFF0]  }
0x273: {  	v19 =	vld [tilespmem:s6+$0xFFFFFF90]  }
0x274: {  	v21 =	vld [tilespmem:s6+$0xFFFFFFA0]  }
0x275: {  	v1 =	vadd.f32 v1, v0;
	v15 =	vadd.f32 v6, v5;
	v6 =	vld [tilespmem:s25+$0xFFFFFF90];
	s25 =	simm.s32 $0x18670  }
0x276: {  	v18 =	vld [tilespmem:s25+$0x0]  }
0x277: {  	[tilespmem:s17+$0x0] =	vst v1;
	v1 =	vadd.f32 v4, v3;
	v4 =	vld [tilespmem:s4+$0xFFFFFFF0]  }
0x278: {  	v14 =	vld [tilespmem:s15+$0x0]  }
0x279: {  	v20 =	vld [tilespmem:s25+$0xFFFFFFA0];
	[tilespmem:s17+$0xFFFFFFA0] =	vst v1;
	v1 =	vadd.f32 v8, v7  }
0x27a: {  	[tilespmem:s17+$0xFFFFFFB0] =	vst v15;
	v8 =	vadd.f32 v10, v9;
	v10 =	vld [tilespmem:s15+$0xFFFFFFA0]  }
0x27b: {  	[tilespmem:s17+$0xFFFFFFC0] =	vst v1;
	v1 =	vadd.f32 v12, v11;
	v12 =	vld [tilespmem:s15+$0xFFFFFFB0]  }
0x27c: {  	[tilespmem:s17+$0xFFFFFFD0] =	vst v8;
	v8 =	vld [tilespmem:s15+$0xFFFFFFC0];
	v4 =	vadd.f32 v4, v13  }
0x27d: {  	v14 =	vadd.f32 v14, v0;
	[tilespmem:s17+$0xFFFFFFE0] =	vst v1;
	v1 =	vld [tilespmem:s15+$0xFFFFFFD0]  }
0x27e: {  	v2 =	vadd.f32 v2, v6;
	v15 =	vld [tilespmem:s15+$0xFFFFFFE0];
	[tilespmem:s17+$0xFFFFFFF0] =	vst v4  }
0x27f: {  	[tilespmem:s10+$0x0] =	vst v14;
	v4 =	vadd.f32 v10, v3;
	v10 =	vld [tilespmem:s15+$0xFFFFFFF0]  }
0x280: {  	[tilespmem:s17+$0xFFFFFF90] =	vst v2;
	v14 =	vld [tilespmem:s11+$0x0];
	v2 =	vadd.f32 v12, v5  }
0x281: {  	v12 =	vld [tilespmem:s15+$0xFFFFFF90];
	[tilespmem:s10+$0xFFFFFFA0] =	vst v4;
	v4 =	vadd.f32 v8, v7  }
0x282: {  	v8 =	vld [tilespmem:s11+$0xFFFFFFA0];
	[tilespmem:s10+$0xFFFFFFB0] =	vst v2;
	v1 =	vadd.f32 v1, v9  }
0x283: {  	v2 =	vld [tilespmem:s11+$0xFFFFFFB0];
	[tilespmem:s10+$0xFFFFFFC0] =	vst v4;
	v4 =	vadd.f32 v15, v11  }
0x284: {  	v15 =	vld [tilespmem:s11+$0xFFFFFFC0];
	[tilespmem:s10+$0xFFFFFFD0] =	vst v1;
	v1 =	vadd.f32 v10, v13  }
0x285: {  	v10 =	vadd.f32 v14, v0;
	v14 =	vld [tilespmem:s11+$0xFFFFFFD0];
	[tilespmem:s10+$0xFFFFFFE0] =	vst v4  }
0x286: {  	v4 =	vadd.f32 v12, v6;
	v12 =	vld [tilespmem:s11+$0xFFFFFFE0];
	[tilespmem:s10+$0xFFFFFFF0] =	vst v1  }
0x287: {  	[tilespmem:s3+$0x0] =	vst v10;
	v1 =	vadd.f32 v8, v3;
	v8 =	vld [tilespmem:s11+$0xFFFFFFF0]  }
0x288: {  	[tilespmem:s10+$0xFFFFFF90] =	vst v4;
	v10 =	vld [tilespmem:s1+$0x0];
	v2 =	vadd.f32 v2, v5  }
0x289: {  	v4 =	vld [tilespmem:s11+$0xFFFFFF90];
	[tilespmem:s3+$0xFFFFFFA0] =	vst v1;
	v1 =	vadd.f32 v15, v7  }
0x28a: {  	v15 =	vld [tilespmem:s1+$0xFFFFFFA0];
	[tilespmem:s3+$0xFFFFFFB0] =	vst v2;
	v2 =	vadd.f32 v14, v9  }
0x28b: {  	v14 =	vld [tilespmem:s1+$0xFFFFFFB0];
	[tilespmem:s3+$0xFFFFFFC0] =	vst v1  }
0x28c: {  	v1 =	vadd.f32 v12, v11;
	v12 =	vld [tilespmem:s1+$0xFFFFFFC0];
	[tilespmem:s3+$0xFFFFFFD0] =	vst v2  }
0x28d: {  	v2 =	vadd.f32 v8, v13;
	v8 =	vld [tilespmem:s1+$0xFFFFFFD0]  }
0x28e: {  	[tilespmem:s3+$0xFFFFFFE0] =	vst v1;
	v1 =	vld [tilespmem:s25+$0xFFFFFFB0]  }
0x28f: {  	[tilespmem:s3+$0xFFFFFFF0] =	vst v2;
	v2 =	vld [tilespmem:s6+$0x0]  }
0x290: {  	v0 =	vadd.f32 v10, v0;
	v10 =	vld [tilespmem:s6+$0xFFFFFFB0]  }
0x291: {  	v16 =	vld [tilespmem:s1+$0xFFFFFFE0]  }
0x292: {  	v17 =	vld [tilespmem:s1+$0xFFFFFFF0];
	v3 =	vadd.f32 v15, v3  }
0x293: {  	[tilespmem:s2+$0x0] =	vst v0;
	v0 =	vadd.f32 v4, v6;
	v15 =	vld [tilespmem:s6+$0xFFFFFFC0]  }
0x294: {  	[tilespmem:s2+$0xFFFFFFA0] =	vst v3;
	v3 =	vld [tilespmem:s25+$0xFFFFFFD0];
	v22 =	vadd.f32 v2, v18  }
0x295: {  	s7 =	simm.s32 $0x10670;
	[tilespmem:s3+$0xFFFFFF90] =	vst v0;
	v0 =	vadd.f32 v14, v5;
	v4 =	vadd.f32 v12, v7;
	v7 =	vld [tilespmem:s6+$0xFFFFFFD0]  }
0x296: {  	s9 =	simm.s32 $0x4670;
	v12 =	vld [tilespmem:s6+$0xFFFFFFF0];
	[tilespmem:s7+$0x0] =	vst v22  }
0x297: {  	v10 =	vadd.f32 v10, v1;
	[tilespmem:s2+$0xFFFFFFB0] =	vst v0;
	v14 =	vld [tilespmem:s9+$0x0]  }
0x298: {  	v2 =	vld [tilespmem:s25+$0xFFFFFFC0];
	v0 =	vadd.f32 v8, v9;
	[tilespmem:s2+$0xFFFFFFC0] =	vst v4  }
0x299: {  	v5 =	vadd.f32 v16, v11;
	v4 =	vld [tilespmem:s25+$0xFFFFFFE0];
	[tilespmem:s7+$0xFFFFFFB0] =	vst v10  }
0x29a: {  	v8 =	vld [tilespmem:s6+$0xFFFFFFE0];
	[tilespmem:s2+$0xFFFFFFD0] =	vst v0;
	v0 =	vadd.f32 v17, v13  }
0x29b: {  	v11 =	vadd.f32 v21, v20;
	[tilespmem:s2+$0xFFFFFFE0] =	vst v5;
	v5 =	vld [tilespmem:s25+$0xFFFFFFF0]  }
0x29c: {  	[tilespmem:s2+$0xFFFFFFF0] =	vst v0;
	v0 =	vld [tilespmem:s25+$0xFFFFFF90];
	v9 =	vadd.f32 v14, v18  }
0x29d: {  	s12 =	simm.s32 $0x12670;
	[tilespmem:s7+$0xFFFFFFA0] =	vst v11;
	v7 =	vadd.f32 v7, v3  }
0x29e: {  	s13 =	simm.s32 $0x8670;
	v10 =	vld [tilespmem:s9+$0xFFFFFFA0];
	[tilespmem:s12+$0x0] =	vst v9;
	v9 =	vadd.f32 v15, v2  }
0x29f: {  	v8 =	vadd.f32 v8, v4;
	[tilespmem:s7+$0xFFFFFFD0] =	vst v7;
	v11 =	vld [tilespmem:s13+$0x0]  }
0x2a0: {  	v12 =	vadd.f32 v12, v5;
	[tilespmem:s7+$0xFFFFFFC0] =	vst v9;
	v9 =	vld [tilespmem:s9+$0xFFFFFFB0]  }
0x2a1: {  	[tilespmem:s7+$0xFFFFFFE0] =	vst v8;
	v8 =	vadd.f32 v19, v0;
	v7 =	vld [tilespmem:s9+$0xFFFFFFC0]  }
0x2a2: {  	v13 =	vld [tilespmem:s9+$0xFFFFFFD0];
	[tilespmem:s7+$0xFFFFFFF0] =	vst v12  }
0x2a3: {  	v14 =	vld [tilespmem:s9+$0xFFFFFFE0];
	[tilespmem:s7+$0xFFFFFF90] =	vst v8;
	v8 =	vadd.f32 v10, v20  }
0x2a4: {  	v10 =	vld [tilespmem:s9+$0xFFFFFFF0];
	v11 =	vadd.f32 v11, v18  }
0x2a5: {  	s19 =	simm.s32 $0x14670;
	v12 =	vld [tilespmem:s9+$0xFFFFFF90];
	[tilespmem:s12+$0xFFFFFFA0] =	vst v8;
	v9 =	vadd.f32 v9, v1  }
0x2a6: {  	s8 =	simm.s32 $0xC670;
	[tilespmem:s19+$0x0] =	vst v11;
	v7 =	vadd.f32 v7, v2;
	v11 =	vld [tilespmem:s13+$0xFFFFFFA0]  }
0x2a7: {  	v8 =	vld [tilespmem:s8+$0x0];
	[tilespmem:s12+$0xFFFFFFB0] =	vst v9;
	v9 =	vadd.f32 v13, v3  }
0x2a8: {  	v13 =	vld [tilespmem:s13+$0xFFFFFFB0];
	[tilespmem:s12+$0xFFFFFFC0] =	vst v7;
	v7 =	vadd.f32 v14, v4  }
0x2a9: {  	v14 =	vld [tilespmem:s13+$0xFFFFFFC0];
	[tilespmem:s12+$0xFFFFFFD0] =	vst v9;
	v9 =	vadd.f32 v10, v5  }
0x2aa: {  	v10 =	vadd.f32 v12, v0;
	v12 =	vld [tilespmem:s13+$0xFFFFFFD0];
	[tilespmem:s12+$0xFFFFFFE0] =	vst v7  }
0x2ab: {  	v7 =	vld [tilespmem:s13+$0xFFFFFFE0];
	[tilespmem:s12+$0xFFFFFFF0] =	vst v9;
	v9 =	vadd.f32 v11, v20  }
0x2ac: {  	[tilespmem:s12+$0xFFFFFF90] =	vst v10;
	v8 =	vadd.f32 v8, v18;
	v10 =	vld [tilespmem:s13+$0xFFFFFFF0]  }
0x2ad: {  	s4 =	simm.s32 $0x16670;
	v11 =	vld [tilespmem:s13+$0xFFFFFF90];
	v13 =	vadd.f32 v13, v1;
	[tilespmem:s19+$0xFFFFFFA0] =	vst v9  }
0x2ae: {  	[tilespmem:s4+$0x0] =	vst v8;
	v9 =	vadd.f32 v14, v2;
	v14 =	vld [tilespmem:s1+$0xFFFFFF90]  }
0x2af: {  	v15 =	vld [tilespmem:s8+$0xFFFFFFA0];
	[tilespmem:s19+$0xFFFFFFB0] =	vst v13;
	v12 =	vadd.f32 v12, v3  }
0x2b0: {  	v8 =	vld [tilespmem:s8+$0xFFFFFFB0];
	[tilespmem:s19+$0xFFFFFFC0] =	vst v9;
	v13 =	vadd.f32 v7, v4  }
0x2b1: {  	s0 =	simm.s32 $0x162F0;
	s30 =	simm.s32 $0x80;
	s24 =	simm.s32 $0x18A70;
	v7 =	vld [tilespmem:s8+$0xFFFFFFC0];
	[tilespmem:s19+$0xFFFFFFD0] =	vst v12;
	v12 =	vadd.f32 v10, v5  }
0x2b2: {  	s23 =	simm.s32 $0xC670;
	s29 =	simm.s32 $0x2F0;
	s17 =	simm.s32 $0x102F0;
	v11 =	vadd.f32 v11, v0;
	v9 =	vld [tilespmem:s8+$0xFFFFFFD0];
	[tilespmem:s19+$0xFFFFFFE0] =	vst v13  }
0x2b3: {  	s15 =	simm.s32 $0x42F0;
	s10 =	simm.s32 $0x82F0;
	s11 =	simm.s32 $0x122F0;
	v10 =	vld [tilespmem:s8+$0xFFFFFFE0];
	[tilespmem:s19+$0xFFFFFFF0] =	vst v12;
	v12 =	vadd.f32 v14, v6  }
0x2b4: {  	s3 =	simm.s32 $0x142F0;
	s25 =	simm.s32 $0x182F0;
	s1 =	simm.s32 $0xC2F0;
	[tilespmem:s19+$0xFFFFFF90] =	vst v11;
	v6 =	vadd.f32 v15, v20;
	v11 =	vld [tilespmem:s8+$0xFFFFFFF0]  }
.LBB2_11:
0x2b5: {  	v13 =	vld [tilespmem:s24+$0x0];
	v1 =	vadd.f32 v8, v1;
	s6 =	sadd.s32 $0x400, s6;
	[tilespmem:s2+$0xFFFFFF90] =	vst v12;
	s2 =	smov.u32 s4  }
0x2b6: {  	s30 =	sadd.s32 $0x80, s30;
	v8 =	vld [tilespmem:s6+$0x0];
	[tilespmem:s4+$0xFFFFFFA0] =	vst v6;
	v2 =	vadd.f32 v7, v2  }
0x2b7: {  	p0 =	slt.u32 s30, $0x380;
	v7 =	vld [tilespmem:s6+$0xFFFFFF90];
	[tilespmem:s4+$0xFFFFFFB0] =	vst v1;
	v1 =	vadd.f32 v9, v3  }
0x2b8: {  	v6 =	vld [tilespmem:s24+$0xFFFFFFA0];
	[tilespmem:s4+$0xFFFFFFC0] =	vst v2;
	v2 =	vadd.f32 v10, v4  }
0x2b9: {  	v3 =	vld [tilespmem:s6+$0xFFFFFFA0];
	[tilespmem:s4+$0xFFFFFFD0] =	vst v1;
	v4 =	vadd.f32 v11, v5  }
0x2ba: {  	v1 =	vld [tilespmem:s24+$0xFFFFFFB0];
	[tilespmem:s4+$0xFFFFFFE0] =	vst v2  }
0x2bb: {  	v5 =	vld [tilespmem:s6+$0xFFFFFFB0];
	v8 =	vadd.f32 v8, v13;
	[tilespmem:s4+$0xFFFFFFF0] =	vst v4  }
0x2bc: {  	s7 =	sadd.s32 $0x400, s7;
	v2 =	vld [tilespmem:s24+$0xFFFFFFC0]  }
0x2bd: {  	s9 =	sadd.s32 $0x400, s9;
	v9 =	vld [tilespmem:s6+$0xFFFFFFC0];
	[tilespmem:s7+$0x0] =	vst v8  }
0x2be: {  	v4 =	vadd.f32 v3, v6;
	v8 =	vld [tilespmem:s9+$0x0]  }
0x2bf: {  	v3 =	vld [tilespmem:s24+$0xFFFFFFD0]  }
0x2c0: {  	[tilespmem:s7+$0xFFFFFFA0] =	vst v4;
	v5 =	vadd.f32 v5, v1;
	v10 =	vld [tilespmem:s6+$0xFFFFFFD0]  }
0x2c1: {  	v4 =	vld [tilespmem:s24+$0xFFFFFFE0]  }
0x2c2: {  	[tilespmem:s7+$0xFFFFFFB0] =	vst v5;
	v9 =	vadd.f32 v9, v2;
	v11 =	vld [tilespmem:s6+$0xFFFFFFE0]  }
0x2c3: {  	v5 =	vld [tilespmem:s24+$0xFFFFFFF0];
	v8 =	vadd.f32 v8, v13  }
0x2c4: {  	s12 =	sadd.s32 $0x400, s12;
	[tilespmem:s7+$0xFFFFFFC0] =	vst v9;
	v9 =	vld [tilespmem:s6+$0xFFFFFFF0]  }
0x2c5: {  	s13 =	sadd.s32 $0x400, s13;
	v14 =	vld [tilespmem:s24+$0xFFFFFF90];
	v10 =	vadd.f32 v10, v3;
	[tilespmem:s12+$0x0] =	vst v8  }
0x2c6: {  	v8 =	vld [tilespmem:s13+$0x0]  }
0x2c7: {  	v12 =	vld [tilespmem:s9+$0xFFFFFFA0];
	[tilespmem:s7+$0xFFFFFFD0] =	vst v10;
	v10 =	vadd.f32 v11, v4  }
0x2c8: {  	v11 =	vld [tilespmem:s9+$0xFFFFFFB0]  }
0x2c9: {  	v15 =	vld [tilespmem:s9+$0xFFFFFFC0];
	[tilespmem:s7+$0xFFFFFFE0] =	vst v10;
	v9 =	vadd.f32 v9, v5  }
0x2ca: {  	v7 =	vadd.f32 v7, v14;
	v10 =	vld [tilespmem:s9+$0xFFFFFFD0]  }
0x2cb: {  	v16 =	vld [tilespmem:s9+$0xFFFFFFE0];
	[tilespmem:s7+$0xFFFFFFF0] =	vst v9;
	v8 =	vadd.f32 v8, v13  }
0x2cc: {  	s19 =	sadd.s32 $0x400, s19;
	[tilespmem:s7+$0xFFFFFF90] =	vst v7;
	v7 =	vadd.f32 v12, v6;
	v9 =	vld [tilespmem:s9+$0xFFFFFFF0]  }
0x2cd: {  	s8 =	sadd.s32 $0x400, s8;
	v12 =	vld [tilespmem:s9+$0xFFFFFF90];
	v11 =	vadd.f32 v11, v1;
	[tilespmem:s19+$0x0] =	vst v8  }
0x2ce: {  	[tilespmem:s12+$0xFFFFFFA0] =	vst v7;
	v7 =	vadd.f32 v15, v2;
	v8 =	vld [tilespmem:s8+$0x0]  }
0x2cf: {  	v15 =	vld [tilespmem:s13+$0xFFFFFFA0];
	[tilespmem:s12+$0xFFFFFFB0] =	vst v11;
	v10 =	vadd.f32 v10, v3  }
0x2d0: {  	v11 =	vld [tilespmem:s13+$0xFFFFFFB0];
	[tilespmem:s12+$0xFFFFFFC0] =	vst v7;
	v7 =	vadd.f32 v16, v4  }
0x2d1: {  	v16 =	vld [tilespmem:s13+$0xFFFFFFC0];
	[tilespmem:s12+$0xFFFFFFD0] =	vst v10;
	v9 =	vadd.f32 v9, v5  }
0x2d2: {  	v10 =	vadd.f32 v12, v14;
	v12 =	vld [tilespmem:s13+$0xFFFFFFD0];
	[tilespmem:s12+$0xFFFFFFE0] =	vst v7  }
0x2d3: {  	v7 =	vld [tilespmem:s13+$0xFFFFFFE0];
	[tilespmem:s12+$0xFFFFFFF0] =	vst v9;
	v8 =	vadd.f32 v8, v13  }
0x2d4: {  	s4 =	sadd.s32 $0x400, s4;
	[tilespmem:s12+$0xFFFFFF90] =	vst v10;
	v9 =	vadd.f32 v15, v6;
	v10 =	vld [tilespmem:s13+$0xFFFFFFF0]  }
0x2d5: {  	v13 =	vld [tilespmem:s13+$0xFFFFFF90];
	v11 =	vadd.f32 v11, v1;
	[tilespmem:s4+$0x0] =	vst v8  }
0x2d6: {  	[tilespmem:s19+$0xFFFFFFA0] =	vst v9;
	v9 =	vadd.f32 v16, v2;
	v15 =	vld [tilespmem:s23+$0xFFFFFF90];
	s23 =	smov.u32 s8  }
0x2d7: {  	v16 =	vld [tilespmem:s8+$0xFFFFFFA0];
	[tilespmem:s19+$0xFFFFFFB0] =	vst v11;
	v11 =	vadd.f32 v12, v3  }
.Ltmp6:
0x2d8: {  	v8 =	vld [tilespmem:s8+$0xFFFFFFB0];
	[tilespmem:s19+$0xFFFFFFC0] =	vst v9;
	v12 =	vadd.f32 v7, v4;
	(pc) =	sbr.rel @p0 .LBB2_11-.Ltmp6, $4  }
0x2d9: {  	v7 =	vld [tilespmem:s8+$0xFFFFFFC0];
	[tilespmem:s19+$0xFFFFFFD0] =	vst v11;
	v11 =	vadd.f32 v10, v5  }
0x2da: {  	v13 =	vadd.f32 v13, v14;
	v9 =	vld [tilespmem:s8+$0xFFFFFFD0];
	[tilespmem:s19+$0xFFFFFFE0] =	vst v12  }
0x2db: {  	v10 =	vld [tilespmem:s8+$0xFFFFFFE0];
	[tilespmem:s19+$0xFFFFFFF0] =	vst v11;
	v12 =	vadd.f32 v15, v0;
	v0 =	vmov v14  }
0x2dc: {  	s24 =	sadd.s32 $0x400, s24;
	[tilespmem:s19+$0xFFFFFF90] =	vst v13;
	v6 =	vadd.f32 v16, v6;
	v11 =	vld [tilespmem:s8+$0xFFFFFFF0]  }
0x2dd: {  	v1 =	vadd.f32 v8, v1;
	[tilespmem:s2+$0xFFFFFF90] =	vst v12;
	v8 =	vld [tilespmem:s23+$0xFFFFFF90]  }
0x2de: {  	[tilespmem:s4+$0xFFFFFFA0] =	vst v6;
	v2 =	vadd.f32 v7, v2  }
0x2df: {  	[tilespmem:s4+$0xFFFFFFB0] =	vst v1;
	v1 =	vadd.f32 v9, v3  }
0x2e0: {  	[tilespmem:s4+$0xFFFFFFC0] =	vst v2;
	v2 =	vadd.f32 v10, v4  }
0x2e1: {  	[tilespmem:s4+$0xFFFFFFD0] =	vst v1;
	v1 =	vadd.f32 v11, v5  }
0x2e2: {  	[tilespmem:s4+$0xFFFFFFE0] =	vst v2;
	v0 =	vadd.f32 v8, v0  }
0x2e3: {  	[tilespmem:s4+$0xFFFFFFF0] =	vst v1  }
0x2e4: {  	[tilespmem:s4+$0xFFFFFF90] =	vst v0  }
0x2e5: {  	v0 =	vld [tilespmem:s25+$0x0]  }
0x2e6: {  	v1 =	vld [tilespmem:s29+$0x0]  }
0x2e7: {  	v2 =	vld [tilespmem:s29+$0xFFFFFF90]  }
0x2e8: {  	v3 =	vld [tilespmem:s25+$0xFFFFFFA0]  }
0x2e9: {  	v4 =	vld [tilespmem:s29+$0xFFFFFFA0]  }
0x2ea: {  	v5 =	vld [tilespmem:s25+$0xFFFFFFB0]  }
0x2eb: {  	v6 =	vld [tilespmem:s29+$0xFFFFFFB0]  }
0x2ec: {  	v7 =	vld [tilespmem:s25+$0xFFFFFFC0]  }
0x2ed: {  	v8 =	vld [tilespmem:s29+$0xFFFFFFC0]  }
0x2ee: {  	v9 =	vld [tilespmem:s25+$0xFFFFFFD0]  }
0x2ef: {  	v10 =	vld [tilespmem:s29+$0xFFFFFFD0]  }
0x2f0: {  	v11 =	vld [tilespmem:s25+$0xFFFFFFE0]  }
0x2f1: {  	v12 =	vld [tilespmem:s29+$0xFFFFFFE0]  }
0x2f2: {  	s6 =	simm.s32 $0x6F0;
	v13 =	vld [tilespmem:s25+$0xFFFFFFF0]  }
0x2f3: {  	v19 =	vld [tilespmem:s6+$0xFFFFFF90]  }
0x2f4: {  	v21 =	vld [tilespmem:s6+$0xFFFFFFA0]  }
0x2f5: {  	v1 =	vadd.f32 v1, v0;
	v15 =	vadd.f32 v6, v5;
	v6 =	vld [tilespmem:s25+$0xFFFFFF90];
	s25 =	simm.s32 $0x186F0  }
0x2f6: {  	v18 =	vld [tilespmem:s25+$0x0]  }
0x2f7: {  	[tilespmem:s17+$0x0] =	vst v1;
	v1 =	vadd.f32 v4, v3;
	v4 =	vld [tilespmem:s29+$0xFFFFFFF0]  }
0x2f8: {  	v14 =	vld [tilespmem:s15+$0x0]  }
0x2f9: {  	v20 =	vld [tilespmem:s25+$0xFFFFFFA0];
	[tilespmem:s17+$0xFFFFFFA0] =	vst v1;
	v1 =	vadd.f32 v8, v7  }
0x2fa: {  	[tilespmem:s17+$0xFFFFFFB0] =	vst v15;
	v8 =	vadd.f32 v10, v9;
	v10 =	vld [tilespmem:s15+$0xFFFFFFA0]  }
0x2fb: {  	[tilespmem:s17+$0xFFFFFFC0] =	vst v1;
	v1 =	vadd.f32 v12, v11;
	v12 =	vld [tilespmem:s15+$0xFFFFFFB0]  }
0x2fc: {  	[tilespmem:s17+$0xFFFFFFD0] =	vst v8;
	v8 =	vld [tilespmem:s15+$0xFFFFFFC0];
	v4 =	vadd.f32 v4, v13  }
0x2fd: {  	v14 =	vadd.f32 v14, v0;
	[tilespmem:s17+$0xFFFFFFE0] =	vst v1;
	v1 =	vld [tilespmem:s15+$0xFFFFFFD0]  }
0x2fe: {  	v2 =	vadd.f32 v2, v6;
	v15 =	vld [tilespmem:s15+$0xFFFFFFE0];
	[tilespmem:s17+$0xFFFFFFF0] =	vst v4  }
0x2ff: {  	[tilespmem:s11+$0x0] =	vst v14;
	v4 =	vadd.f32 v10, v3;
	v10 =	vld [tilespmem:s15+$0xFFFFFFF0]  }
0x300: {  	[tilespmem:s17+$0xFFFFFF90] =	vst v2;
	v14 =	vld [tilespmem:s10+$0x0];
	v2 =	vadd.f32 v12, v5  }
0x301: {  	v12 =	vld [tilespmem:s15+$0xFFFFFF90];
	[tilespmem:s11+$0xFFFFFFA0] =	vst v4;
	v4 =	vadd.f32 v8, v7  }
0x302: {  	v8 =	vld [tilespmem:s10+$0xFFFFFFA0];
	[tilespmem:s11+$0xFFFFFFB0] =	vst v2;
	v1 =	vadd.f32 v1, v9  }
0x303: {  	v2 =	vld [tilespmem:s10+$0xFFFFFFB0];
	[tilespmem:s11+$0xFFFFFFC0] =	vst v4;
	v4 =	vadd.f32 v15, v11  }
0x304: {  	v15 =	vld [tilespmem:s10+$0xFFFFFFC0];
	[tilespmem:s11+$0xFFFFFFD0] =	vst v1;
	v1 =	vadd.f32 v10, v13  }
0x305: {  	v10 =	vadd.f32 v14, v0;
	v14 =	vld [tilespmem:s10+$0xFFFFFFD0];
	[tilespmem:s11+$0xFFFFFFE0] =	vst v4  }
0x306: {  	v4 =	vadd.f32 v12, v6;
	v12 =	vld [tilespmem:s10+$0xFFFFFFE0];
	[tilespmem:s11+$0xFFFFFFF0] =	vst v1  }
0x307: {  	[tilespmem:s3+$0x0] =	vst v10;
	v1 =	vadd.f32 v8, v3;
	v8 =	vld [tilespmem:s10+$0xFFFFFFF0]  }
0x308: {  	[tilespmem:s11+$0xFFFFFF90] =	vst v4;
	v10 =	vld [tilespmem:s1+$0x0];
	v2 =	vadd.f32 v2, v5  }
0x309: {  	v4 =	vld [tilespmem:s10+$0xFFFFFF90];
	[tilespmem:s3+$0xFFFFFFA0] =	vst v1;
	v1 =	vadd.f32 v15, v7  }
0x30a: {  	v15 =	vld [tilespmem:s1+$0xFFFFFFA0];
	[tilespmem:s3+$0xFFFFFFB0] =	vst v2;
	v2 =	vadd.f32 v14, v9  }
0x30b: {  	v14 =	vld [tilespmem:s1+$0xFFFFFFB0];
	[tilespmem:s3+$0xFFFFFFC0] =	vst v1  }
0x30c: {  	v1 =	vadd.f32 v12, v11;
	v12 =	vld [tilespmem:s1+$0xFFFFFFC0];
	[tilespmem:s3+$0xFFFFFFD0] =	vst v2  }
0x30d: {  	v2 =	vadd.f32 v8, v13;
	v8 =	vld [tilespmem:s1+$0xFFFFFFD0]  }
0x30e: {  	[tilespmem:s3+$0xFFFFFFE0] =	vst v1;
	v1 =	vld [tilespmem:s25+$0xFFFFFFB0]  }
0x30f: {  	[tilespmem:s3+$0xFFFFFFF0] =	vst v2;
	v2 =	vld [tilespmem:s6+$0x0]  }
0x310: {  	v0 =	vadd.f32 v10, v0;
	v10 =	vld [tilespmem:s6+$0xFFFFFFB0]  }
0x311: {  	v16 =	vld [tilespmem:s1+$0xFFFFFFE0]  }
0x312: {  	v17 =	vld [tilespmem:s1+$0xFFFFFFF0];
	v3 =	vadd.f32 v15, v3  }
0x313: {  	[tilespmem:s0+$0x0] =	vst v0;
	v0 =	vadd.f32 v4, v6;
	v15 =	vld [tilespmem:s6+$0xFFFFFFC0]  }
0x314: {  	[tilespmem:s0+$0xFFFFFFA0] =	vst v3;
	v3 =	vld [tilespmem:s25+$0xFFFFFFD0];
	v22 =	vadd.f32 v2, v18  }
0x315: {  	s7 =	simm.s32 $0x106F0;
	[tilespmem:s3+$0xFFFFFF90] =	vst v0;
	v0 =	vadd.f32 v14, v5;
	v4 =	vadd.f32 v12, v7;
	v7 =	vld [tilespmem:s6+$0xFFFFFFD0]  }
0x316: {  	s9 =	simm.s32 $0x46F0;
	v12 =	vld [tilespmem:s6+$0xFFFFFFF0];
	[tilespmem:s7+$0x0] =	vst v22  }
0x317: {  	v10 =	vadd.f32 v10, v1;
	[tilespmem:s0+$0xFFFFFFB0] =	vst v0;
	v14 =	vld [tilespmem:s9+$0x0]  }
0x318: {  	v2 =	vld [tilespmem:s25+$0xFFFFFFC0];
	v0 =	vadd.f32 v8, v9;
	[tilespmem:s0+$0xFFFFFFC0] =	vst v4  }
0x319: {  	v5 =	vadd.f32 v16, v11;
	v4 =	vld [tilespmem:s25+$0xFFFFFFE0];
	[tilespmem:s7+$0xFFFFFFB0] =	vst v10  }
0x31a: {  	v8 =	vld [tilespmem:s6+$0xFFFFFFE0];
	[tilespmem:s0+$0xFFFFFFD0] =	vst v0;
	v0 =	vadd.f32 v17, v13  }
0x31b: {  	v11 =	vadd.f32 v21, v20;
	[tilespmem:s0+$0xFFFFFFE0] =	vst v5;
	v5 =	vld [tilespmem:s25+$0xFFFFFFF0]  }
0x31c: {  	[tilespmem:s0+$0xFFFFFFF0] =	vst v0;
	v0 =	vld [tilespmem:s25+$0xFFFFFF90];
	v9 =	vadd.f32 v14, v18  }
0x31d: {  	s12 =	simm.s32 $0x126F0;
	[tilespmem:s7+$0xFFFFFFA0] =	vst v11;
	v7 =	vadd.f32 v7, v3  }
0x31e: {  	s13 =	simm.s32 $0x86F0;
	v10 =	vld [tilespmem:s9+$0xFFFFFFA0];
	[tilespmem:s12+$0x0] =	vst v9;
	v9 =	vadd.f32 v15, v2  }
0x31f: {  	v8 =	vadd.f32 v8, v4;
	[tilespmem:s7+$0xFFFFFFD0] =	vst v7;
	v11 =	vld [tilespmem:s13+$0x0]  }
0x320: {  	v12 =	vadd.f32 v12, v5;
	[tilespmem:s7+$0xFFFFFFC0] =	vst v9;
	v9 =	vld [tilespmem:s9+$0xFFFFFFB0]  }
0x321: {  	[tilespmem:s7+$0xFFFFFFE0] =	vst v8;
	v8 =	vadd.f32 v19, v0;
	v7 =	vld [tilespmem:s9+$0xFFFFFFC0]  }
0x322: {  	v13 =	vld [tilespmem:s9+$0xFFFFFFD0];
	[tilespmem:s7+$0xFFFFFFF0] =	vst v12  }
0x323: {  	v14 =	vld [tilespmem:s9+$0xFFFFFFE0];
	[tilespmem:s7+$0xFFFFFF90] =	vst v8;
	v8 =	vadd.f32 v10, v20  }
0x324: {  	v10 =	vld [tilespmem:s9+$0xFFFFFFF0];
	v11 =	vadd.f32 v11, v18  }
0x325: {  	s19 =	simm.s32 $0x146F0;
	v12 =	vld [tilespmem:s9+$0xFFFFFF90];
	[tilespmem:s12+$0xFFFFFFA0] =	vst v8;
	v9 =	vadd.f32 v9, v1  }
0x326: {  	s8 =	simm.s32 $0xC6F0;
	[tilespmem:s19+$0x0] =	vst v11;
	v7 =	vadd.f32 v7, v2;
	v11 =	vld [tilespmem:s13+$0xFFFFFFA0]  }
0x327: {  	v8 =	vld [tilespmem:s8+$0x0];
	[tilespmem:s12+$0xFFFFFFB0] =	vst v9;
	v9 =	vadd.f32 v13, v3  }
0x328: {  	v13 =	vld [tilespmem:s13+$0xFFFFFFB0];
	[tilespmem:s12+$0xFFFFFFC0] =	vst v7;
	v7 =	vadd.f32 v14, v4  }
0x329: {  	v14 =	vld [tilespmem:s13+$0xFFFFFFC0];
	[tilespmem:s12+$0xFFFFFFD0] =	vst v9;
	v9 =	vadd.f32 v10, v5  }
0x32a: {  	v10 =	vadd.f32 v12, v0;
	v12 =	vld [tilespmem:s13+$0xFFFFFFD0];
	[tilespmem:s12+$0xFFFFFFE0] =	vst v7  }
0x32b: {  	v7 =	vld [tilespmem:s13+$0xFFFFFFE0];
	[tilespmem:s12+$0xFFFFFFF0] =	vst v9;
	v9 =	vadd.f32 v11, v20  }
0x32c: {  	[tilespmem:s12+$0xFFFFFF90] =	vst v10;
	v8 =	vadd.f32 v8, v18;
	v10 =	vld [tilespmem:s13+$0xFFFFFFF0]  }
0x32d: {  	s29 =	simm.s32 $0x166F0;
	v11 =	vld [tilespmem:s13+$0xFFFFFF90];
	v13 =	vadd.f32 v13, v1;
	[tilespmem:s19+$0xFFFFFFA0] =	vst v9  }
0x32e: {  	[tilespmem:s29+$0x0] =	vst v8;
	v9 =	vadd.f32 v14, v2;
	v14 =	vld [tilespmem:s1+$0xFFFFFF90]  }
0x32f: {  	v15 =	vld [tilespmem:s8+$0xFFFFFFA0];
	[tilespmem:s19+$0xFFFFFFB0] =	vst v13;
	v12 =	vadd.f32 v12, v3  }
0x330: {  	v8 =	vld [tilespmem:s8+$0xFFFFFFB0];
	[tilespmem:s19+$0xFFFFFFC0] =	vst v9;
	v13 =	vadd.f32 v7, v4  }
0x331: {  	s2 =	simm.s32 $0x16370;
	s30 =	simm.s32 $0x80;
	s24 =	simm.s32 $0x18AF0;
	v7 =	vld [tilespmem:s8+$0xFFFFFFC0];
	[tilespmem:s19+$0xFFFFFFD0] =	vst v12;
	v12 =	vadd.f32 v10, v5  }
0x332: {  	s23 =	simm.s32 $0xC6F0;
	s4 =	simm.s32 $0x370;
	s17 =	simm.s32 $0x10370;
	v11 =	vadd.f32 v11, v0;
	v9 =	vld [tilespmem:s8+$0xFFFFFFD0];
	[tilespmem:s19+$0xFFFFFFE0] =	vst v13  }
0x333: {  	s15 =	simm.s32 $0x4370;
	s11 =	simm.s32 $0x8370;
	s10 =	simm.s32 $0x12370;
	v10 =	vld [tilespmem:s8+$0xFFFFFFE0];
	[tilespmem:s19+$0xFFFFFFF0] =	vst v12;
	v12 =	vadd.f32 v14, v6  }
0x334: {  	s3 =	simm.s32 $0x14370;
	s25 =	simm.s32 $0x18370;
	s1 =	simm.s32 $0xC370;
	[tilespmem:s19+$0xFFFFFF90] =	vst v11;
	v6 =	vadd.f32 v15, v20;
	v11 =	vld [tilespmem:s8+$0xFFFFFFF0]  }
.LBB2_13:
0x335: {  	v13 =	vld [tilespmem:s24+$0x0];
	v1 =	vadd.f32 v8, v1;
	s6 =	sadd.s32 $0x400, s6;
	[tilespmem:s0+$0xFFFFFF90] =	vst v12;
	s0 =	smov.u32 s29  }
0x336: {  	s30 =	sadd.s32 $0x80, s30;
	v8 =	vld [tilespmem:s6+$0x0];
	[tilespmem:s29+$0xFFFFFFA0] =	vst v6;
	v2 =	vadd.f32 v7, v2  }
0x337: {  	p0 =	slt.u32 s30, $0x380;
	v7 =	vld [tilespmem:s6+$0xFFFFFF90];
	[tilespmem:s29+$0xFFFFFFB0] =	vst v1;
	v1 =	vadd.f32 v9, v3  }
0x338: {  	v6 =	vld [tilespmem:s24+$0xFFFFFFA0];
	[tilespmem:s29+$0xFFFFFFC0] =	vst v2;
	v2 =	vadd.f32 v10, v4  }
0x339: {  	v3 =	vld [tilespmem:s6+$0xFFFFFFA0];
	[tilespmem:s29+$0xFFFFFFD0] =	vst v1;
	v4 =	vadd.f32 v11, v5  }
0x33a: {  	v1 =	vld [tilespmem:s24+$0xFFFFFFB0];
	[tilespmem:s29+$0xFFFFFFE0] =	vst v2  }
0x33b: {  	v5 =	vld [tilespmem:s6+$0xFFFFFFB0];
	v8 =	vadd.f32 v8, v13;
	[tilespmem:s29+$0xFFFFFFF0] =	vst v4  }
0x33c: {  	s7 =	sadd.s32 $0x400, s7;
	v2 =	vld [tilespmem:s24+$0xFFFFFFC0]  }
0x33d: {  	s9 =	sadd.s32 $0x400, s9;
	v9 =	vld [tilespmem:s6+$0xFFFFFFC0];
	[tilespmem:s7+$0x0] =	vst v8  }
0x33e: {  	v4 =	vadd.f32 v3, v6;
	v8 =	vld [tilespmem:s9+$0x0]  }
0x33f: {  	v3 =	vld [tilespmem:s24+$0xFFFFFFD0]  }
0x340: {  	[tilespmem:s7+$0xFFFFFFA0] =	vst v4;
	v5 =	vadd.f32 v5, v1;
	v10 =	vld [tilespmem:s6+$0xFFFFFFD0]  }
0x341: {  	v4 =	vld [tilespmem:s24+$0xFFFFFFE0]  }
0x342: {  	[tilespmem:s7+$0xFFFFFFB0] =	vst v5;
	v9 =	vadd.f32 v9, v2;
	v11 =	vld [tilespmem:s6+$0xFFFFFFE0]  }
0x343: {  	v5 =	vld [tilespmem:s24+$0xFFFFFFF0];
	v8 =	vadd.f32 v8, v13  }
0x344: {  	s12 =	sadd.s32 $0x400, s12;
	[tilespmem:s7+$0xFFFFFFC0] =	vst v9;
	v9 =	vld [tilespmem:s6+$0xFFFFFFF0]  }
0x345: {  	s13 =	sadd.s32 $0x400, s13;
	v14 =	vld [tilespmem:s24+$0xFFFFFF90];
	v10 =	vadd.f32 v10, v3;
	[tilespmem:s12+$0x0] =	vst v8  }
0x346: {  	v8 =	vld [tilespmem:s13+$0x0]  }
0x347: {  	v12 =	vld [tilespmem:s9+$0xFFFFFFA0];
	[tilespmem:s7+$0xFFFFFFD0] =	vst v10;
	v10 =	vadd.f32 v11, v4  }
0x348: {  	v11 =	vld [tilespmem:s9+$0xFFFFFFB0]  }
0x349: {  	v15 =	vld [tilespmem:s9+$0xFFFFFFC0];
	[tilespmem:s7+$0xFFFFFFE0] =	vst v10;
	v9 =	vadd.f32 v9, v5  }
0x34a: {  	v7 =	vadd.f32 v7, v14;
	v10 =	vld [tilespmem:s9+$0xFFFFFFD0]  }
0x34b: {  	v16 =	vld [tilespmem:s9+$0xFFFFFFE0];
	[tilespmem:s7+$0xFFFFFFF0] =	vst v9;
	v8 =	vadd.f32 v8, v13  }
0x34c: {  	s19 =	sadd.s32 $0x400, s19;
	[tilespmem:s7+$0xFFFFFF90] =	vst v7;
	v7 =	vadd.f32 v12, v6;
	v9 =	vld [tilespmem:s9+$0xFFFFFFF0]  }
0x34d: {  	s8 =	sadd.s32 $0x400, s8;
	v12 =	vld [tilespmem:s9+$0xFFFFFF90];
	v11 =	vadd.f32 v11, v1;
	[tilespmem:s19+$0x0] =	vst v8  }
0x34e: {  	[tilespmem:s12+$0xFFFFFFA0] =	vst v7;
	v7 =	vadd.f32 v15, v2;
	v8 =	vld [tilespmem:s8+$0x0]  }
0x34f: {  	v15 =	vld [tilespmem:s13+$0xFFFFFFA0];
	[tilespmem:s12+$0xFFFFFFB0] =	vst v11;
	v10 =	vadd.f32 v10, v3  }
0x350: {  	v11 =	vld [tilespmem:s13+$0xFFFFFFB0];
	[tilespmem:s12+$0xFFFFFFC0] =	vst v7;
	v7 =	vadd.f32 v16, v4  }
0x351: {  	v16 =	vld [tilespmem:s13+$0xFFFFFFC0];
	[tilespmem:s12+$0xFFFFFFD0] =	vst v10;
	v9 =	vadd.f32 v9, v5  }
0x352: {  	v10 =	vadd.f32 v12, v14;
	v12 =	vld [tilespmem:s13+$0xFFFFFFD0];
	[tilespmem:s12+$0xFFFFFFE0] =	vst v7  }
0x353: {  	v7 =	vld [tilespmem:s13+$0xFFFFFFE0];
	[tilespmem:s12+$0xFFFFFFF0] =	vst v9;
	v8 =	vadd.f32 v8, v13  }
0x354: {  	s29 =	sadd.s32 $0x400, s29;
	[tilespmem:s12+$0xFFFFFF90] =	vst v10;
	v9 =	vadd.f32 v15, v6;
	v10 =	vld [tilespmem:s13+$0xFFFFFFF0]  }
0x355: {  	v13 =	vld [tilespmem:s13+$0xFFFFFF90];
	v11 =	vadd.f32 v11, v1;
	[tilespmem:s29+$0x0] =	vst v8  }
0x356: {  	[tilespmem:s19+$0xFFFFFFA0] =	vst v9;
	v9 =	vadd.f32 v16, v2;
	v15 =	vld [tilespmem:s23+$0xFFFFFF90];
	s23 =	smov.u32 s8  }
0x357: {  	v16 =	vld [tilespmem:s8+$0xFFFFFFA0];
	[tilespmem:s19+$0xFFFFFFB0] =	vst v11;
	v11 =	vadd.f32 v12, v3  }
.Ltmp7:
0x358: {  	v8 =	vld [tilespmem:s8+$0xFFFFFFB0];
	[tilespmem:s19+$0xFFFFFFC0] =	vst v9;
	v12 =	vadd.f32 v7, v4;
	(pc) =	sbr.rel @p0 .LBB2_13-.Ltmp7, $4  }
0x359: {  	v7 =	vld [tilespmem:s8+$0xFFFFFFC0];
	[tilespmem:s19+$0xFFFFFFD0] =	vst v11;
	v11 =	vadd.f32 v10, v5  }
0x35a: {  	v13 =	vadd.f32 v13, v14;
	v9 =	vld [tilespmem:s8+$0xFFFFFFD0];
	[tilespmem:s19+$0xFFFFFFE0] =	vst v12  }
0x35b: {  	v10 =	vld [tilespmem:s8+$0xFFFFFFE0];
	[tilespmem:s19+$0xFFFFFFF0] =	vst v11;
	v12 =	vadd.f32 v15, v0;
	v0 =	vmov v14  }
0x35c: {  	s24 =	sadd.s32 $0x400, s24;
	[tilespmem:s19+$0xFFFFFF90] =	vst v13;
	v6 =	vadd.f32 v16, v6;
	v11 =	vld [tilespmem:s8+$0xFFFFFFF0]  }
0x35d: {  	v1 =	vadd.f32 v8, v1;
	[tilespmem:s0+$0xFFFFFF90] =	vst v12;
	v8 =	vld [tilespmem:s23+$0xFFFFFF90]  }
0x35e: {  	[tilespmem:s29+$0xFFFFFFA0] =	vst v6;
	v2 =	vadd.f32 v7, v2  }
0x35f: {  	[tilespmem:s29+$0xFFFFFFB0] =	vst v1;
	v1 =	vadd.f32 v9, v3  }
0x360: {  	[tilespmem:s29+$0xFFFFFFC0] =	vst v2;
	v2 =	vadd.f32 v10, v4  }
0x361: {  	[tilespmem:s29+$0xFFFFFFD0] =	vst v1;
	v1 =	vadd.f32 v11, v5  }
0x362: {  	[tilespmem:s29+$0xFFFFFFE0] =	vst v2;
	v0 =	vadd.f32 v8, v0  }
0x363: {  	[tilespmem:s29+$0xFFFFFFF0] =	vst v1  }
0x364: {  	[tilespmem:s29+$0xFFFFFF90] =	vst v0  }
0x365: {  	v0 =	vld [tilespmem:s25+$0x0]  }
0x366: {  	v1 =	vld [tilespmem:s4+$0x0]  }
0x367: {  	v2 =	vld [tilespmem:s4+$0xFFFFFF90]  }
0x368: {  	v3 =	vld [tilespmem:s25+$0xFFFFFFA0]  }
0x369: {  	v4 =	vld [tilespmem:s4+$0xFFFFFFA0]  }
0x36a: {  	v5 =	vld [tilespmem:s25+$0xFFFFFFB0]  }
0x36b: {  	v6 =	vld [tilespmem:s4+$0xFFFFFFB0]  }
0x36c: {  	v7 =	vld [tilespmem:s25+$0xFFFFFFC0]  }
0x36d: {  	v8 =	vld [tilespmem:s4+$0xFFFFFFC0]  }
0x36e: {  	v9 =	vld [tilespmem:s25+$0xFFFFFFD0]  }
0x36f: {  	v10 =	vld [tilespmem:s4+$0xFFFFFFD0]  }
0x370: {  	v11 =	vld [tilespmem:s25+$0xFFFFFFE0]  }
0x371: {  	v12 =	vld [tilespmem:s4+$0xFFFFFFE0]  }
0x372: {  	s6 =	simm.s32 $0x770;
	v13 =	vld [tilespmem:s25+$0xFFFFFFF0]  }
0x373: {  	v19 =	vld [tilespmem:s6+$0xFFFFFF90]  }
0x374: {  	v21 =	vld [tilespmem:s6+$0xFFFFFFA0]  }
0x375: {  	v1 =	vadd.f32 v1, v0;
	v15 =	vadd.f32 v6, v5;
	v6 =	vld [tilespmem:s25+$0xFFFFFF90];
	s25 =	simm.s32 $0x18770  }
0x376: {  	v18 =	vld [tilespmem:s25+$0x0]  }
0x377: {  	[tilespmem:s17+$0x0] =	vst v1;
	v1 =	vadd.f32 v4, v3;
	v4 =	vld [tilespmem:s4+$0xFFFFFFF0]  }
0x378: {  	v14 =	vld [tilespmem:s15+$0x0]  }
0x379: {  	v20 =	vld [tilespmem:s25+$0xFFFFFFA0];
	[tilespmem:s17+$0xFFFFFFA0] =	vst v1;
	v1 =	vadd.f32 v8, v7  }
0x37a: {  	[tilespmem:s17+$0xFFFFFFB0] =	vst v15;
	v8 =	vadd.f32 v10, v9;
	v10 =	vld [tilespmem:s15+$0xFFFFFFA0]  }
0x37b: {  	[tilespmem:s17+$0xFFFFFFC0] =	vst v1;
	v1 =	vadd.f32 v12, v11;
	v12 =	vld [tilespmem:s15+$0xFFFFFFB0]  }
0x37c: {  	[tilespmem:s17+$0xFFFFFFD0] =	vst v8;
	v8 =	vld [tilespmem:s15+$0xFFFFFFC0];
	v4 =	vadd.f32 v4, v13  }
0x37d: {  	v14 =	vadd.f32 v14, v0;
	[tilespmem:s17+$0xFFFFFFE0] =	vst v1;
	v1 =	vld [tilespmem:s15+$0xFFFFFFD0]  }
0x37e: {  	v2 =	vadd.f32 v2, v6;
	v15 =	vld [tilespmem:s15+$0xFFFFFFE0];
	[tilespmem:s17+$0xFFFFFFF0] =	vst v4  }
0x37f: {  	[tilespmem:s10+$0x0] =	vst v14;
	v4 =	vadd.f32 v10, v3;
	v10 =	vld [tilespmem:s15+$0xFFFFFFF0]  }
0x380: {  	[tilespmem:s17+$0xFFFFFF90] =	vst v2;
	v14 =	vld [tilespmem:s11+$0x0];
	v2 =	vadd.f32 v12, v5  }
0x381: {  	v12 =	vld [tilespmem:s15+$0xFFFFFF90];
	[tilespmem:s10+$0xFFFFFFA0] =	vst v4;
	v4 =	vadd.f32 v8, v7  }
0x382: {  	v8 =	vld [tilespmem:s11+$0xFFFFFFA0];
	[tilespmem:s10+$0xFFFFFFB0] =	vst v2;
	v1 =	vadd.f32 v1, v9  }
0x383: {  	v2 =	vld [tilespmem:s11+$0xFFFFFFB0];
	[tilespmem:s10+$0xFFFFFFC0] =	vst v4;
	v4 =	vadd.f32 v15, v11  }
0x384: {  	v15 =	vld [tilespmem:s11+$0xFFFFFFC0];
	[tilespmem:s10+$0xFFFFFFD0] =	vst v1;
	v1 =	vadd.f32 v10, v13  }
0x385: {  	v10 =	vadd.f32 v14, v0;
	v14 =	vld [tilespmem:s11+$0xFFFFFFD0];
	[tilespmem:s10+$0xFFFFFFE0] =	vst v4  }
0x386: {  	v4 =	vadd.f32 v12, v6;
	v12 =	vld [tilespmem:s11+$0xFFFFFFE0];
	[tilespmem:s10+$0xFFFFFFF0] =	vst v1  }
0x387: {  	[tilespmem:s3+$0x0] =	vst v10;
	v1 =	vadd.f32 v8, v3;
	v8 =	vld [tilespmem:s11+$0xFFFFFFF0]  }
0x388: {  	[tilespmem:s10+$0xFFFFFF90] =	vst v4;
	v10 =	vld [tilespmem:s1+$0x0];
	v2 =	vadd.f32 v2, v5  }
0x389: {  	v4 =	vld [tilespmem:s11+$0xFFFFFF90];
	[tilespmem:s3+$0xFFFFFFA0] =	vst v1;
	v1 =	vadd.f32 v15, v7  }
0x38a: {  	v15 =	vld [tilespmem:s1+$0xFFFFFFA0];
	[tilespmem:s3+$0xFFFFFFB0] =	vst v2;
	v2 =	vadd.f32 v14, v9  }
0x38b: {  	v14 =	vld [tilespmem:s1+$0xFFFFFFB0];
	[tilespmem:s3+$0xFFFFFFC0] =	vst v1  }
0x38c: {  	v1 =	vadd.f32 v12, v11;
	v12 =	vld [tilespmem:s1+$0xFFFFFFC0];
	[tilespmem:s3+$0xFFFFFFD0] =	vst v2  }
0x38d: {  	v2 =	vadd.f32 v8, v13;
	v8 =	vld [tilespmem:s1+$0xFFFFFFD0]  }
0x38e: {  	[tilespmem:s3+$0xFFFFFFE0] =	vst v1;
	v1 =	vld [tilespmem:s25+$0xFFFFFFB0]  }
0x38f: {  	[tilespmem:s3+$0xFFFFFFF0] =	vst v2;
	v2 =	vld [tilespmem:s6+$0x0]  }
0x390: {  	v0 =	vadd.f32 v10, v0;
	v10 =	vld [tilespmem:s6+$0xFFFFFFB0]  }
0x391: {  	v16 =	vld [tilespmem:s1+$0xFFFFFFE0]  }
0x392: {  	v17 =	vld [tilespmem:s1+$0xFFFFFFF0];
	v3 =	vadd.f32 v15, v3  }
0x393: {  	[tilespmem:s2+$0x0] =	vst v0;
	v0 =	vadd.f32 v4, v6;
	v15 =	vld [tilespmem:s6+$0xFFFFFFC0]  }
0x394: {  	[tilespmem:s2+$0xFFFFFFA0] =	vst v3;
	v3 =	vld [tilespmem:s25+$0xFFFFFFD0];
	v22 =	vadd.f32 v2, v18  }
0x395: {  	s7 =	simm.s32 $0x10770;
	[tilespmem:s3+$0xFFFFFF90] =	vst v0;
	v0 =	vadd.f32 v14, v5;
	v4 =	vadd.f32 v12, v7;
	v7 =	vld [tilespmem:s6+$0xFFFFFFD0]  }
0x396: {  	s9 =	simm.s32 $0x4770;
	v12 =	vld [tilespmem:s6+$0xFFFFFFF0];
	[tilespmem:s7+$0x0] =	vst v22  }
0x397: {  	v10 =	vadd.f32 v10, v1;
	[tilespmem:s2+$0xFFFFFFB0] =	vst v0;
	v14 =	vld [tilespmem:s9+$0x0]  }
0x398: {  	v2 =	vld [tilespmem:s25+$0xFFFFFFC0];
	v0 =	vadd.f32 v8, v9;
	[tilespmem:s2+$0xFFFFFFC0] =	vst v4  }
0x399: {  	v5 =	vadd.f32 v16, v11;
	v4 =	vld [tilespmem:s25+$0xFFFFFFE0];
	[tilespmem:s7+$0xFFFFFFB0] =	vst v10  }
0x39a: {  	v8 =	vld [tilespmem:s6+$0xFFFFFFE0];
	[tilespmem:s2+$0xFFFFFFD0] =	vst v0;
	v0 =	vadd.f32 v17, v13  }
0x39b: {  	v11 =	vadd.f32 v21, v20;
	[tilespmem:s2+$0xFFFFFFE0] =	vst v5;
	v5 =	vld [tilespmem:s25+$0xFFFFFFF0]  }
0x39c: {  	[tilespmem:s2+$0xFFFFFFF0] =	vst v0;
	v0 =	vld [tilespmem:s25+$0xFFFFFF90];
	v9 =	vadd.f32 v14, v18  }
0x39d: {  	s12 =	simm.s32 $0x12770;
	[tilespmem:s7+$0xFFFFFFA0] =	vst v11;
	v7 =	vadd.f32 v7, v3  }
0x39e: {  	s13 =	simm.s32 $0x8770;
	v10 =	vld [tilespmem:s9+$0xFFFFFFA0];
	[tilespmem:s12+$0x0] =	vst v9;
	v9 =	vadd.f32 v15, v2  }
0x39f: {  	v8 =	vadd.f32 v8, v4;
	[tilespmem:s7+$0xFFFFFFD0] =	vst v7;
	v11 =	vld [tilespmem:s13+$0x0]  }
0x3a0: {  	v12 =	vadd.f32 v12, v5;
	[tilespmem:s7+$0xFFFFFFC0] =	vst v9;
	v9 =	vld [tilespmem:s9+$0xFFFFFFB0]  }
0x3a1: {  	[tilespmem:s7+$0xFFFFFFE0] =	vst v8;
	v8 =	vadd.f32 v19, v0;
	v7 =	vld [tilespmem:s9+$0xFFFFFFC0]  }
0x3a2: {  	v13 =	vld [tilespmem:s9+$0xFFFFFFD0];
	[tilespmem:s7+$0xFFFFFFF0] =	vst v12  }
0x3a3: {  	v14 =	vld [tilespmem:s9+$0xFFFFFFE0];
	[tilespmem:s7+$0xFFFFFF90] =	vst v8;
	v8 =	vadd.f32 v10, v20  }
0x3a4: {  	v10 =	vld [tilespmem:s9+$0xFFFFFFF0];
	v11 =	vadd.f32 v11, v18  }
0x3a5: {  	s19 =	simm.s32 $0x14770;
	v12 =	vld [tilespmem:s9+$0xFFFFFF90];
	[tilespmem:s12+$0xFFFFFFA0] =	vst v8;
	v9 =	vadd.f32 v9, v1  }
0x3a6: {  	s8 =	simm.s32 $0xC770;
	[tilespmem:s19+$0x0] =	vst v11;
	v7 =	vadd.f32 v7, v2;
	v11 =	vld [tilespmem:s13+$0xFFFFFFA0]  }
0x3a7: {  	v8 =	vld [tilespmem:s8+$0x0];
	[tilespmem:s12+$0xFFFFFFB0] =	vst v9;
	v9 =	vadd.f32 v13, v3  }
0x3a8: {  	v13 =	vld [tilespmem:s13+$0xFFFFFFB0];
	[tilespmem:s12+$0xFFFFFFC0] =	vst v7;
	v7 =	vadd.f32 v14, v4  }
0x3a9: {  	v14 =	vld [tilespmem:s13+$0xFFFFFFC0];
	[tilespmem:s12+$0xFFFFFFD0] =	vst v9;
	v9 =	vadd.f32 v10, v5  }
0x3aa: {  	v10 =	vadd.f32 v12, v0;
	v12 =	vld [tilespmem:s13+$0xFFFFFFD0];
	[tilespmem:s12+$0xFFFFFFE0] =	vst v7  }
0x3ab: {  	v7 =	vld [tilespmem:s13+$0xFFFFFFE0];
	[tilespmem:s12+$0xFFFFFFF0] =	vst v9;
	v9 =	vadd.f32 v11, v20  }
0x3ac: {  	[tilespmem:s12+$0xFFFFFF90] =	vst v10;
	v8 =	vadd.f32 v8, v18;
	v10 =	vld [tilespmem:s13+$0xFFFFFFF0]  }
0x3ad: {  	s4 =	simm.s32 $0x16770;
	v11 =	vld [tilespmem:s13+$0xFFFFFF90];
	v13 =	vadd.f32 v13, v1;
	[tilespmem:s19+$0xFFFFFFA0] =	vst v9  }
0x3ae: {  	[tilespmem:s4+$0x0] =	vst v8;
	v9 =	vadd.f32 v14, v2;
	v14 =	vld [tilespmem:s1+$0xFFFFFF90]  }
0x3af: {  	v15 =	vld [tilespmem:s8+$0xFFFFFFA0];
	[tilespmem:s19+$0xFFFFFFB0] =	vst v13;
	v12 =	vadd.f32 v12, v3  }
0x3b0: {  	v8 =	vld [tilespmem:s8+$0xFFFFFFB0];
	[tilespmem:s19+$0xFFFFFFC0] =	vst v9;
	v13 =	vadd.f32 v7, v4  }
0x3b1: {  	s0 =	simm.s32 $0x163F0;
	s30 =	simm.s32 $0x80;
	s24 =	simm.s32 $0x18B70;
	v7 =	vld [tilespmem:s8+$0xFFFFFFC0];
	[tilespmem:s19+$0xFFFFFFD0] =	vst v12;
	v12 =	vadd.f32 v10, v5  }
0x3b2: {  	s23 =	simm.s32 $0xC770;
	s29 =	simm.s32 $0x3F0;
	s17 =	simm.s32 $0x103F0;
	v11 =	vadd.f32 v11, v0;
	v9 =	vld [tilespmem:s8+$0xFFFFFFD0];
	[tilespmem:s19+$0xFFFFFFE0] =	vst v13  }
0x3b3: {  	s15 =	simm.s32 $0x43F0;
	s10 =	simm.s32 $0x83F0;
	s11 =	simm.s32 $0x123F0;
	v10 =	vld [tilespmem:s8+$0xFFFFFFE0];
	[tilespmem:s19+$0xFFFFFFF0] =	vst v12;
	v12 =	vadd.f32 v14, v6  }
0x3b4: {  	s3 =	simm.s32 $0x143F0;
	s25 =	simm.s32 $0x183F0;
	s1 =	simm.s32 $0xC3F0;
	[tilespmem:s19+$0xFFFFFF90] =	vst v11;
	v6 =	vadd.f32 v15, v20;
	v11 =	vld [tilespmem:s8+$0xFFFFFFF0]  }
.LBB2_15:
0x3b5: {  	v13 =	vld [tilespmem:s24+$0x0];
	v1 =	vadd.f32 v8, v1;
	s6 =	sadd.s32 $0x400, s6;
	[tilespmem:s2+$0xFFFFFF90] =	vst v12;
	s2 =	smov.u32 s4  }
0x3b6: {  	s30 =	sadd.s32 $0x80, s30;
	v8 =	vld [tilespmem:s6+$0x0];
	[tilespmem:s4+$0xFFFFFFA0] =	vst v6;
	v2 =	vadd.f32 v7, v2  }
0x3b7: {  	p0 =	slt.u32 s30, $0x380;
	v7 =	vld [tilespmem:s6+$0xFFFFFF90];
	[tilespmem:s4+$0xFFFFFFB0] =	vst v1;
	v1 =	vadd.f32 v9, v3  }
0x3b8: {  	v6 =	vld [tilespmem:s24+$0xFFFFFFA0];
	[tilespmem:s4+$0xFFFFFFC0] =	vst v2;
	v2 =	vadd.f32 v10, v4  }
0x3b9: {  	v3 =	vld [tilespmem:s6+$0xFFFFFFA0];
	[tilespmem:s4+$0xFFFFFFD0] =	vst v1;
	v4 =	vadd.f32 v11, v5  }
0x3ba: {  	v1 =	vld [tilespmem:s24+$0xFFFFFFB0];
	[tilespmem:s4+$0xFFFFFFE0] =	vst v2  }
0x3bb: {  	v5 =	vld [tilespmem:s6+$0xFFFFFFB0];
	v8 =	vadd.f32 v8, v13;
	[tilespmem:s4+$0xFFFFFFF0] =	vst v4  }
0x3bc: {  	s7 =	sadd.s32 $0x400, s7;
	v2 =	vld [tilespmem:s24+$0xFFFFFFC0]  }
0x3bd: {  	s9 =	sadd.s32 $0x400, s9;
	v9 =	vld [tilespmem:s6+$0xFFFFFFC0];
	[tilespmem:s7+$0x0] =	vst v8  }
0x3be: {  	v4 =	vadd.f32 v3, v6;
	v8 =	vld [tilespmem:s9+$0x0]  }
0x3bf: {  	v3 =	vld [tilespmem:s24+$0xFFFFFFD0]  }
0x3c0: {  	[tilespmem:s7+$0xFFFFFFA0] =	vst v4;
	v5 =	vadd.f32 v5, v1;
	v10 =	vld [tilespmem:s6+$0xFFFFFFD0]  }
0x3c1: {  	v4 =	vld [tilespmem:s24+$0xFFFFFFE0]  }
0x3c2: {  	[tilespmem:s7+$0xFFFFFFB0] =	vst v5;
	v9 =	vadd.f32 v9, v2;
	v11 =	vld [tilespmem:s6+$0xFFFFFFE0]  }
0x3c3: {  	v5 =	vld [tilespmem:s24+$0xFFFFFFF0];
	v8 =	vadd.f32 v8, v13  }
0x3c4: {  	s12 =	sadd.s32 $0x400, s12;
	[tilespmem:s7+$0xFFFFFFC0] =	vst v9;
	v9 =	vld [tilespmem:s6+$0xFFFFFFF0]  }
0x3c5: {  	s13 =	sadd.s32 $0x400, s13;
	v14 =	vld [tilespmem:s24+$0xFFFFFF90];
	v10 =	vadd.f32 v10, v3;
	[tilespmem:s12+$0x0] =	vst v8  }
0x3c6: {  	v8 =	vld [tilespmem:s13+$0x0]  }
0x3c7: {  	v12 =	vld [tilespmem:s9+$0xFFFFFFA0];
	[tilespmem:s7+$0xFFFFFFD0] =	vst v10;
	v10 =	vadd.f32 v11, v4  }
0x3c8: {  	v11 =	vld [tilespmem:s9+$0xFFFFFFB0]  }
0x3c9: {  	v15 =	vld [tilespmem:s9+$0xFFFFFFC0];
	[tilespmem:s7+$0xFFFFFFE0] =	vst v10;
	v9 =	vadd.f32 v9, v5  }
0x3ca: {  	v7 =	vadd.f32 v7, v14;
	v10 =	vld [tilespmem:s9+$0xFFFFFFD0]  }
0x3cb: {  	v16 =	vld [tilespmem:s9+$0xFFFFFFE0];
	[tilespmem:s7+$0xFFFFFFF0] =	vst v9;
	v8 =	vadd.f32 v8, v13  }
0x3cc: {  	s19 =	sadd.s32 $0x400, s19;
	[tilespmem:s7+$0xFFFFFF90] =	vst v7;
	v7 =	vadd.f32 v12, v6;
	v9 =	vld [tilespmem:s9+$0xFFFFFFF0]  }
0x3cd: {  	s8 =	sadd.s32 $0x400, s8;
	v12 =	vld [tilespmem:s9+$0xFFFFFF90];
	v11 =	vadd.f32 v11, v1;
	[tilespmem:s19+$0x0] =	vst v8  }
0x3ce: {  	[tilespmem:s12+$0xFFFFFFA0] =	vst v7;
	v7 =	vadd.f32 v15, v2;
	v8 =	vld [tilespmem:s8+$0x0]  }
0x3cf: {  	v15 =	vld [tilespmem:s13+$0xFFFFFFA0];
	[tilespmem:s12+$0xFFFFFFB0] =	vst v11;
	v10 =	vadd.f32 v10, v3  }
0x3d0: {  	v11 =	vld [tilespmem:s13+$0xFFFFFFB0];
	[tilespmem:s12+$0xFFFFFFC0] =	vst v7;
	v7 =	vadd.f32 v16, v4  }
0x3d1: {  	v16 =	vld [tilespmem:s13+$0xFFFFFFC0];
	[tilespmem:s12+$0xFFFFFFD0] =	vst v10;
	v9 =	vadd.f32 v9, v5  }
0x3d2: {  	v10 =	vadd.f32 v12, v14;
	v12 =	vld [tilespmem:s13+$0xFFFFFFD0];
	[tilespmem:s12+$0xFFFFFFE0] =	vst v7  }
0x3d3: {  	v7 =	vld [tilespmem:s13+$0xFFFFFFE0];
	[tilespmem:s12+$0xFFFFFFF0] =	vst v9;
	v8 =	vadd.f32 v8, v13  }
0x3d4: {  	s4 =	sadd.s32 $0x400, s4;
	[tilespmem:s12+$0xFFFFFF90] =	vst v10;
	v9 =	vadd.f32 v15, v6;
	v10 =	vld [tilespmem:s13+$0xFFFFFFF0]  }
0x3d5: {  	v13 =	vld [tilespmem:s13+$0xFFFFFF90];
	v11 =	vadd.f32 v11, v1;
	[tilespmem:s4+$0x0] =	vst v8  }
0x3d6: {  	[tilespmem:s19+$0xFFFFFFA0] =	vst v9;
	v9 =	vadd.f32 v16, v2;
	v15 =	vld [tilespmem:s23+$0xFFFFFF90];
	s23 =	smov.u32 s8  }
0x3d7: {  	v16 =	vld [tilespmem:s8+$0xFFFFFFA0];
	[tilespmem:s19+$0xFFFFFFB0] =	vst v11;
	v11 =	vadd.f32 v12, v3  }
.Ltmp8:
0x3d8: {  	v8 =	vld [tilespmem:s8+$0xFFFFFFB0];
	[tilespmem:s19+$0xFFFFFFC0] =	vst v9;
	v12 =	vadd.f32 v7, v4;
	(pc) =	sbr.rel @p0 .LBB2_15-.Ltmp8, $4  }
0x3d9: {  	v7 =	vld [tilespmem:s8+$0xFFFFFFC0];
	[tilespmem:s19+$0xFFFFFFD0] =	vst v11;
	v11 =	vadd.f32 v10, v5  }
0x3da: {  	v13 =	vadd.f32 v13, v14;
	v9 =	vld [tilespmem:s8+$0xFFFFFFD0];
	[tilespmem:s19+$0xFFFFFFE0] =	vst v12  }
0x3db: {  	v10 =	vld [tilespmem:s8+$0xFFFFFFE0];
	[tilespmem:s19+$0xFFFFFFF0] =	vst v11;
	v12 =	vadd.f32 v15, v0;
	v0 =	vmov v14  }
0x3dc: {  	s24 =	sadd.s32 $0x400, s24;
	[tilespmem:s19+$0xFFFFFF90] =	vst v13;
	v6 =	vadd.f32 v16, v6;
	v11 =	vld [tilespmem:s8+$0xFFFFFFF0]  }
0x3dd: {  	v1 =	vadd.f32 v8, v1;
	[tilespmem:s2+$0xFFFFFF90] =	vst v12;
	v8 =	vld [tilespmem:s23+$0xFFFFFF90]  }
0x3de: {  	[tilespmem:s4+$0xFFFFFFA0] =	vst v6;
	v2 =	vadd.f32 v7, v2  }
0x3df: {  	[tilespmem:s4+$0xFFFFFFB0] =	vst v1;
	v1 =	vadd.f32 v9, v3  }
0x3e0: {  	[tilespmem:s4+$0xFFFFFFC0] =	vst v2;
	v2 =	vadd.f32 v10, v4  }
0x3e1: {  	[tilespmem:s4+$0xFFFFFFD0] =	vst v1;
	v1 =	vadd.f32 v11, v5  }
0x3e2: {  	[tilespmem:s4+$0xFFFFFFE0] =	vst v2;
	v0 =	vadd.f32 v8, v0  }
0x3e3: {  	[tilespmem:s4+$0xFFFFFFF0] =	vst v1  }
0x3e4: {  	[tilespmem:s4+$0xFFFFFF90] =	vst v0  }
0x3e5: {  	v0 =	vld [tilespmem:s25+$0x0]  }
0x3e6: {  	v1 =	vld [tilespmem:s29+$0x0]  }
0x3e7: {  	v2 =	vld [tilespmem:s29+$0xFFFFFF90]  }
0x3e8: {  	v3 =	vld [tilespmem:s25+$0xFFFFFFA0]  }
0x3e9: {  	v4 =	vld [tilespmem:s29+$0xFFFFFFA0]  }
0x3ea: {  	v5 =	vld [tilespmem:s25+$0xFFFFFFB0]  }
0x3eb: {  	v6 =	vld [tilespmem:s29+$0xFFFFFFB0]  }
0x3ec: {  	v7 =	vld [tilespmem:s25+$0xFFFFFFC0]  }
0x3ed: {  	v8 =	vld [tilespmem:s29+$0xFFFFFFC0]  }
0x3ee: {  	v9 =	vld [tilespmem:s25+$0xFFFFFFD0]  }
0x3ef: {  	v10 =	vld [tilespmem:s29+$0xFFFFFFD0]  }
0x3f0: {  	v11 =	vld [tilespmem:s25+$0xFFFFFFE0]  }
0x3f1: {  	v12 =	vld [tilespmem:s29+$0xFFFFFFE0]  }
0x3f2: {  	s30 =	simm.s32 $0x187F0;
	v13 =	vld [tilespmem:s25+$0xFFFFFFF0]  }
0x3f3: {  	s2 =	simm.s32 $0x7F0;
	v18 =	vld [tilespmem:s30+$0x0]  }
0x3f4: {  	v19 =	vld [tilespmem:s2+$0xFFFFFF90]  }
0x3f5: {  	v20 =	vld [tilespmem:s30+$0xFFFFFFA0];
	v1 =	vadd.f32 v1, v0  }
0x3f6: {  	v21 =	vld [tilespmem:s2+$0xFFFFFFA0]  }
0x3f7: {  	[tilespmem:s17+$0x0] =	vst v1;
	v1 =	vadd.f32 v4, v3;
	v4 =	vld [tilespmem:s29+$0xFFFFFFF0]  }
0x3f8: {  	v15 =	vadd.f32 v6, v5;
	v14 =	vld [tilespmem:s15+$0x0]  }
0x3f9: {  	v6 =	vld [tilespmem:s25+$0xFFFFFF90];
	[tilespmem:s17+$0xFFFFFFA0] =	vst v1;
	v1 =	vadd.f32 v8, v7  }
0x3fa: {  	[tilespmem:s17+$0xFFFFFFB0] =	vst v15;
	v8 =	vadd.f32 v10, v9;
	v10 =	vld [tilespmem:s15+$0xFFFFFFA0]  }
0x3fb: {  	[tilespmem:s17+$0xFFFFFFC0] =	vst v1;
	v1 =	vadd.f32 v12, v11;
	v12 =	vld [tilespmem:s15+$0xFFFFFFB0]  }
0x3fc: {  	[tilespmem:s17+$0xFFFFFFD0] =	vst v8;
	v8 =	vld [tilespmem:s15+$0xFFFFFFC0];
	v4 =	vadd.f32 v4, v13  }
0x3fd: {  	v14 =	vadd.f32 v14, v0;
	[tilespmem:s17+$0xFFFFFFE0] =	vst v1;
	v1 =	vld [tilespmem:s15+$0xFFFFFFD0]  }
0x3fe: {  	v2 =	vadd.f32 v2, v6;
	v15 =	vld [tilespmem:s15+$0xFFFFFFE0];
	[tilespmem:s17+$0xFFFFFFF0] =	vst v4  }
0x3ff: {  	[tilespmem:s11+$0x0] =	vst v14;
	v4 =	vadd.f32 v10, v3;
	v10 =	vld [tilespmem:s15+$0xFFFFFFF0]  }
0x400: {  	[tilespmem:s17+$0xFFFFFF90] =	vst v2;
	v14 =	vld [tilespmem:s10+$0x0];
	v2 =	vadd.f32 v12, v5  }
0x401: {  	v12 =	vld [tilespmem:s15+$0xFFFFFF90];
	[tilespmem:s11+$0xFFFFFFA0] =	vst v4;
	v4 =	vadd.f32 v8, v7  }
0x402: {  	v8 =	vld [tilespmem:s10+$0xFFFFFFA0];
	[tilespmem:s11+$0xFFFFFFB0] =	vst v2;
	v1 =	vadd.f32 v1, v9  }
0x403: {  	v2 =	vld [tilespmem:s10+$0xFFFFFFB0];
	[tilespmem:s11+$0xFFFFFFC0] =	vst v4;
	v4 =	vadd.f32 v15, v11  }
0x404: {  	v15 =	vld [tilespmem:s10+$0xFFFFFFC0];
	[tilespmem:s11+$0xFFFFFFD0] =	vst v1;
	v1 =	vadd.f32 v10, v13  }
0x405: {  	v10 =	vadd.f32 v14, v0;
	v14 =	vld [tilespmem:s10+$0xFFFFFFD0];
	[tilespmem:s11+$0xFFFFFFE0] =	vst v4  }
0x406: {  	v4 =	vadd.f32 v12, v6;
	v12 =	vld [tilespmem:s10+$0xFFFFFFE0];
	[tilespmem:s11+$0xFFFFFFF0] =	vst v1  }
0x407: {  	[tilespmem:s3+$0x0] =	vst v10;
	v1 =	vadd.f32 v8, v3;
	v8 =	vld [tilespmem:s10+$0xFFFFFFF0]  }
0x408: {  	[tilespmem:s11+$0xFFFFFF90] =	vst v4;
	v10 =	vld [tilespmem:s1+$0x0];
	v2 =	vadd.f32 v2, v5  }
0x409: {  	v4 =	vld [tilespmem:s10+$0xFFFFFF90];
	[tilespmem:s3+$0xFFFFFFA0] =	vst v1;
	v1 =	vadd.f32 v15, v7  }
0x40a: {  	v15 =	vld [tilespmem:s1+$0xFFFFFFA0];
	[tilespmem:s3+$0xFFFFFFB0] =	vst v2;
	v2 =	vadd.f32 v14, v9  }
0x40b: {  	v14 =	vld [tilespmem:s1+$0xFFFFFFB0];
	[tilespmem:s3+$0xFFFFFFC0] =	vst v1  }
0x40c: {  	v1 =	vadd.f32 v12, v11;
	v12 =	vld [tilespmem:s1+$0xFFFFFFC0];
	[tilespmem:s3+$0xFFFFFFD0] =	vst v2  }
0x40d: {  	v2 =	vadd.f32 v8, v13;
	v8 =	vld [tilespmem:s1+$0xFFFFFFD0]  }
0x40e: {  	[tilespmem:s3+$0xFFFFFFE0] =	vst v1;
	v1 =	vld [tilespmem:s30+$0xFFFFFFB0]  }
0x40f: {  	[tilespmem:s3+$0xFFFFFFF0] =	vst v2;
	v2 =	vld [tilespmem:s2+$0x0]  }
0x410: {  	v0 =	vadd.f32 v10, v0;
	v10 =	vld [tilespmem:s2+$0xFFFFFFB0]  }
0x411: {  	v16 =	vld [tilespmem:s1+$0xFFFFFFE0]  }
0x412: {  	v17 =	vld [tilespmem:s1+$0xFFFFFFF0];
	v3 =	vadd.f32 v15, v3  }
0x413: {  	[tilespmem:s0+$0x0] =	vst v0;
	v0 =	vadd.f32 v4, v6;
	v15 =	vld [tilespmem:s2+$0xFFFFFFC0]  }
0x414: {  	[tilespmem:s0+$0xFFFFFFA0] =	vst v3;
	v3 =	vld [tilespmem:s30+$0xFFFFFFD0];
	v22 =	vadd.f32 v2, v18  }
0x415: {  	s6 =	simm.s32 $0x107F0;
	[tilespmem:s3+$0xFFFFFF90] =	vst v0;
	v0 =	vadd.f32 v14, v5;
	v4 =	vadd.f32 v12, v7;
	v7 =	vld [tilespmem:s2+$0xFFFFFFD0]  }
0x416: {  	s7 =	simm.s32 $0x47F0;
	v12 =	vld [tilespmem:s2+$0xFFFFFFF0];
	[tilespmem:s6+$0x0] =	vst v22  }
0x417: {  	v10 =	vadd.f32 v10, v1;
	[tilespmem:s0+$0xFFFFFFB0] =	vst v0;
	v14 =	vld [tilespmem:s7+$0x0]  }
0x418: {  	v2 =	vld [tilespmem:s30+$0xFFFFFFC0];
	v0 =	vadd.f32 v8, v9;
	[tilespmem:s0+$0xFFFFFFC0] =	vst v4  }
0x419: {  	v5 =	vadd.f32 v16, v11;
	v4 =	vld [tilespmem:s30+$0xFFFFFFE0];
	[tilespmem:s6+$0xFFFFFFB0] =	vst v10  }
0x41a: {  	v8 =	vld [tilespmem:s2+$0xFFFFFFE0];
	[tilespmem:s0+$0xFFFFFFD0] =	vst v0;
	v0 =	vadd.f32 v17, v13  }
0x41b: {  	v11 =	vadd.f32 v21, v20;
	[tilespmem:s0+$0xFFFFFFE0] =	vst v5;
	v5 =	vld [tilespmem:s30+$0xFFFFFFF0]  }
0x41c: {  	[tilespmem:s0+$0xFFFFFFF0] =	vst v0;
	v0 =	vld [tilespmem:s30+$0xFFFFFF90];
	v9 =	vadd.f32 v14, v18  }
0x41d: {  	s3 =	simm.s32 $0x127F0;
	[tilespmem:s6+$0xFFFFFFA0] =	vst v11;
	v7 =	vadd.f32 v7, v3  }
0x41e: {  	s9 =	simm.s32 $0x87F0;
	v10 =	vld [tilespmem:s7+$0xFFFFFFA0];
	[tilespmem:s3+$0x0] =	vst v9;
	v9 =	vadd.f32 v15, v2  }
0x41f: {  	v8 =	vadd.f32 v8, v4;
	[tilespmem:s6+$0xFFFFFFD0] =	vst v7;
	v11 =	vld [tilespmem:s9+$0x0]  }
0x420: {  	v12 =	vadd.f32 v12, v5;
	[tilespmem:s6+$0xFFFFFFC0] =	vst v9;
	v9 =	vld [tilespmem:s7+$0xFFFFFFB0]  }
0x421: {  	[tilespmem:s6+$0xFFFFFFE0] =	vst v8;
	v8 =	vadd.f32 v19, v0;
	v7 =	vld [tilespmem:s7+$0xFFFFFFC0]  }
0x422: {  	v13 =	vld [tilespmem:s7+$0xFFFFFFD0];
	[tilespmem:s6+$0xFFFFFFF0] =	vst v12  }
0x423: {  	v14 =	vld [tilespmem:s7+$0xFFFFFFE0];
	[tilespmem:s6+$0xFFFFFF90] =	vst v8;
	v8 =	vadd.f32 v10, v20  }
0x424: {  	v10 =	vld [tilespmem:s7+$0xFFFFFFF0];
	v11 =	vadd.f32 v11, v18  }
0x425: {  	s4 =	simm.s32 $0x147F0;
	v12 =	vld [tilespmem:s7+$0xFFFFFF90];
	[tilespmem:s3+$0xFFFFFFA0] =	vst v8;
	v9 =	vadd.f32 v9, v1  }
0x426: {  	s8 =	simm.s32 $0xC7F0;
	[tilespmem:s4+$0x0] =	vst v11;
	v7 =	vadd.f32 v7, v2;
	v11 =	vld [tilespmem:s9+$0xFFFFFFA0]  }
0x427: {  	v8 =	vld [tilespmem:s8+$0x0];
	[tilespmem:s3+$0xFFFFFFB0] =	vst v9;
	v9 =	vadd.f32 v13, v3  }
0x428: {  	v13 =	vld [tilespmem:s9+$0xFFFFFFB0];
	[tilespmem:s3+$0xFFFFFFC0] =	vst v7;
	v7 =	vadd.f32 v14, v4  }
0x429: {  	v14 =	vld [tilespmem:s9+$0xFFFFFFC0];
	[tilespmem:s3+$0xFFFFFFD0] =	vst v9;
	v9 =	vadd.f32 v10, v5  }
0x42a: {  	v10 =	vadd.f32 v12, v0;
	v12 =	vld [tilespmem:s9+$0xFFFFFFD0];
	[tilespmem:s3+$0xFFFFFFE0] =	vst v7  }
0x42b: {  	v7 =	vld [tilespmem:s9+$0xFFFFFFE0];
	[tilespmem:s3+$0xFFFFFFF0] =	vst v9;
	v9 =	vadd.f32 v11, v20  }
0x42c: {  	[tilespmem:s3+$0xFFFFFF90] =	vst v10;
	v8 =	vadd.f32 v8, v18;
	v11 =	vld [tilespmem:s9+$0xFFFFFFF0]  }
0x42d: {  	s10 =	simm.s32 $0x167F0;
	v15 =	vld [tilespmem:s9+$0xFFFFFF90];
	v10 =	vadd.f32 v13, v1;
	[tilespmem:s4+$0xFFFFFFA0] =	vst v9  }
0x42e: {  	v13 =	vld [tilespmem:s1+$0xFFFFFF90];
	[tilespmem:s10+$0x0] =	vst v8;
	v8 =	vadd.f32 v14, v2  }
0x42f: {  	v14 =	vld [tilespmem:s8+$0xFFFFFFA0];
	[tilespmem:s4+$0xFFFFFFB0] =	vst v10;
	v9 =	vadd.f32 v12, v3  }
0x430: {  	v10 =	vld [tilespmem:s8+$0xFFFFFFB0];
	[tilespmem:s4+$0xFFFFFFC0] =	vst v8;
	v8 =	vadd.f32 v7, v4  }
0x431: {  	v7 =	vld [tilespmem:s8+$0xFFFFFFC0];
	[tilespmem:s4+$0xFFFFFFD0] =	vst v9;
	v11 =	vadd.f32 v11, v5  }
0x432: {  	v15 =	vadd.f32 v15, v0;
	v9 =	vld [tilespmem:s8+$0xFFFFFFD0];
	[tilespmem:s4+$0xFFFFFFE0] =	vst v8  }
0x433: {  	v12 =	vadd.f32 v13, v6;
	v8 =	vld [tilespmem:s8+$0xFFFFFFE0];
	[tilespmem:s4+$0xFFFFFFF0] =	vst v11  }
0x434: {  	s12 =	simm.s32 $0x18BF0;
	s11 =	simm.s32 $0xC7F0;
	s1 =	simm.s32 $0x80;
	[tilespmem:s4+$0xFFFFFF90] =	vst v15;
	v6 =	vadd.f32 v14, v20;
	v11 =	vld [tilespmem:s8+$0xFFFFFFF0]  }
.LBB2_17:
0x435: {  	v13 =	vld [tilespmem:s12+$0x0];
	v1 =	vadd.f32 v10, v1;
	s2 =	sadd.s32 $0x400, s2;
	[tilespmem:s0+$0xFFFFFF90] =	vst v12;
	s0 =	smov.u32 s10  }
0x436: {  	s1 =	sadd.s32 $0x80, s1;
	v10 =	vld [tilespmem:s2+$0x0];
	[tilespmem:s10+$0xFFFFFFA0] =	vst v6;
	v2 =	vadd.f32 v7, v2  }
0x437: {  	p0 =	slt.u32 s1, $0x380;
	v7 =	vld [tilespmem:s2+$0xFFFFFF90];
	[tilespmem:s10+$0xFFFFFFB0] =	vst v1;
	v1 =	vadd.f32 v9, v3  }
0x438: {  	v6 =	vld [tilespmem:s12+$0xFFFFFFA0];
	[tilespmem:s10+$0xFFFFFFC0] =	vst v2;
	v2 =	vadd.f32 v8, v4  }
0x439: {  	v3 =	vld [tilespmem:s2+$0xFFFFFFA0];
	[tilespmem:s10+$0xFFFFFFD0] =	vst v1;
	v4 =	vadd.f32 v11, v5  }
0x43a: {  	v1 =	vld [tilespmem:s12+$0xFFFFFFB0];
	[tilespmem:s10+$0xFFFFFFE0] =	vst v2  }
0x43b: {  	v5 =	vld [tilespmem:s2+$0xFFFFFFB0];
	v8 =	vadd.f32 v10, v13;
	[tilespmem:s10+$0xFFFFFFF0] =	vst v4  }
0x43c: {  	s6 =	sadd.s32 $0x400, s6;
	v2 =	vld [tilespmem:s12+$0xFFFFFFC0]  }
0x43d: {  	s7 =	sadd.s32 $0x400, s7;
	v9 =	vld [tilespmem:s2+$0xFFFFFFC0];
	[tilespmem:s6+$0x0] =	vst v8  }
0x43e: {  	v4 =	vadd.f32 v3, v6;
	v8 =	vld [tilespmem:s7+$0x0]  }
0x43f: {  	v3 =	vld [tilespmem:s12+$0xFFFFFFD0]  }
0x440: {  	[tilespmem:s6+$0xFFFFFFA0] =	vst v4;
	v5 =	vadd.f32 v5, v1;
	v10 =	vld [tilespmem:s2+$0xFFFFFFD0]  }
0x441: {  	v4 =	vld [tilespmem:s12+$0xFFFFFFE0]  }
0x442: {  	[tilespmem:s6+$0xFFFFFFB0] =	vst v5;
	v9 =	vadd.f32 v9, v2;
	v11 =	vld [tilespmem:s2+$0xFFFFFFE0]  }
0x443: {  	v5 =	vld [tilespmem:s12+$0xFFFFFFF0];
	v8 =	vadd.f32 v8, v13  }
0x444: {  	s3 =	sadd.s32 $0x400, s3;
	[tilespmem:s6+$0xFFFFFFC0] =	vst v9;
	v9 =	vld [tilespmem:s2+$0xFFFFFFF0]  }
0x445: {  	s9 =	sadd.s32 $0x400, s9;
	v14 =	vld [tilespmem:s12+$0xFFFFFF90];
	v10 =	vadd.f32 v10, v3;
	[tilespmem:s3+$0x0] =	vst v8  }
0x446: {  	v8 =	vld [tilespmem:s9+$0x0]  }
0x447: {  	v12 =	vld [tilespmem:s7+$0xFFFFFFA0];
	[tilespmem:s6+$0xFFFFFFD0] =	vst v10;
	v10 =	vadd.f32 v11, v4  }
0x448: {  	v11 =	vld [tilespmem:s7+$0xFFFFFFB0]  }
0x449: {  	v15 =	vld [tilespmem:s7+$0xFFFFFFC0];
	[tilespmem:s6+$0xFFFFFFE0] =	vst v10;
	v9 =	vadd.f32 v9, v5  }
0x44a: {  	v7 =	vadd.f32 v7, v14;
	v10 =	vld [tilespmem:s7+$0xFFFFFFD0]  }
0x44b: {  	v16 =	vld [tilespmem:s7+$0xFFFFFFE0];
	[tilespmem:s6+$0xFFFFFFF0] =	vst v9;
	v8 =	vadd.f32 v8, v13  }
0x44c: {  	s4 =	sadd.s32 $0x400, s4;
	[tilespmem:s6+$0xFFFFFF90] =	vst v7;
	v7 =	vadd.f32 v12, v6;
	v9 =	vld [tilespmem:s7+$0xFFFFFFF0]  }
0x44d: {  	s8 =	sadd.s32 $0x400, s8;
	v12 =	vld [tilespmem:s7+$0xFFFFFF90];
	v11 =	vadd.f32 v11, v1;
	[tilespmem:s4+$0x0] =	vst v8  }
0x44e: {  	[tilespmem:s3+$0xFFFFFFA0] =	vst v7;
	v7 =	vadd.f32 v15, v2;
	v8 =	vld [tilespmem:s8+$0x0]  }
0x44f: {  	v15 =	vld [tilespmem:s9+$0xFFFFFFA0];
	[tilespmem:s3+$0xFFFFFFB0] =	vst v11;
	v10 =	vadd.f32 v10, v3  }
0x450: {  	v11 =	vld [tilespmem:s9+$0xFFFFFFB0];
	[tilespmem:s3+$0xFFFFFFC0] =	vst v7;
	v7 =	vadd.f32 v16, v4  }
0x451: {  	v16 =	vld [tilespmem:s9+$0xFFFFFFC0];
	[tilespmem:s3+$0xFFFFFFD0] =	vst v10;
	v9 =	vadd.f32 v9, v5  }
0x452: {  	v10 =	vadd.f32 v12, v14;
	v12 =	vld [tilespmem:s9+$0xFFFFFFD0];
	[tilespmem:s3+$0xFFFFFFE0] =	vst v7  }
0x453: {  	v7 =	vld [tilespmem:s9+$0xFFFFFFE0];
	[tilespmem:s3+$0xFFFFFFF0] =	vst v9;
	v8 =	vadd.f32 v8, v13  }
0x454: {  	s10 =	sadd.s32 $0x400, s10;
	[tilespmem:s3+$0xFFFFFF90] =	vst v10;
	v9 =	vadd.f32 v15, v6;
	v13 =	vld [tilespmem:s9+$0xFFFFFFF0]  }
0x455: {  	v15 =	vld [tilespmem:s9+$0xFFFFFF90];
	v10 =	vadd.f32 v11, v1;
	[tilespmem:s10+$0x0] =	vst v8  }
0x456: {  	[tilespmem:s4+$0xFFFFFFA0] =	vst v9;
	v8 =	vadd.f32 v16, v2;
	v11 =	vld [tilespmem:s11+$0xFFFFFF90];
	s11 =	smov.u32 s8  }
0x457: {  	v16 =	vld [tilespmem:s8+$0xFFFFFFA0];
	[tilespmem:s4+$0xFFFFFFB0] =	vst v10;
	v9 =	vadd.f32 v12, v3  }
.Ltmp9:
0x458: {  	v10 =	vld [tilespmem:s8+$0xFFFFFFB0];
	[tilespmem:s4+$0xFFFFFFC0] =	vst v8;
	v8 =	vadd.f32 v7, v4;
	(pc) =	sbr.rel @p0 .LBB2_17-.Ltmp9, $4  }
0x459: {  	v7 =	vld [tilespmem:s8+$0xFFFFFFC0];
	[tilespmem:s4+$0xFFFFFFD0] =	vst v9;
	v12 =	vadd.f32 v13, v5  }
0x45a: {  	v13 =	vadd.f32 v15, v14;
	v9 =	vld [tilespmem:s8+$0xFFFFFFD0];
	[tilespmem:s4+$0xFFFFFFE0] =	vst v8  }
0x45b: {  	v8 =	vld [tilespmem:s8+$0xFFFFFFE0];
	[tilespmem:s4+$0xFFFFFFF0] =	vst v12;
	v12 =	vadd.f32 v11, v0;
	v0 =	vmov v14  }
0x45c: {  	s12 =	sadd.s32 $0x400, s12;
	[tilespmem:s4+$0xFFFFFF90] =	vst v13;
	v6 =	vadd.f32 v16, v6;
	v11 =	vld [tilespmem:s8+$0xFFFFFFF0]  }
0x45d: {  	v1 =	vadd.f32 v10, v1;
	[tilespmem:s0+$0xFFFFFF90] =	vst v12  }
0x45e: {  	v10 =	vld [tilespmem:s11+$0xFFFFFF90];
	[tilespmem:s10+$0xFFFFFFA0] =	vst v6;
	v2 =	vadd.f32 v7, v2  }
0x45f: {  	[tilespmem:s10+$0xFFFFFFB0] =	vst v1;
	v1 =	vadd.f32 v9, v3  }
0x460: {  	[tilespmem:s10+$0xFFFFFFC0] =	vst v2;
	v2 =	vadd.f32 v8, v4  }
0x461: {  	[tilespmem:s10+$0xFFFFFFD0] =	vst v1;
	v1 =	vadd.f32 v11, v5  }
0x462: {  	[tilespmem:s10+$0xFFFFFFE0] =	vst v2  }
0x463: {  	v0 =	vadd.f32 v10, v0;
	[tilespmem:s10+$0xFFFFFFF0] =	vst v1  }
0x464: {  	s24 =	sshll.u32 s31, $0xB;
	s1 =	rddreg [dreg:$0x4]  }
0x465: {  	s21 =	smov.u32 s28;
	[tilespmem:s10+$0xFFFFFF90] =	vst v0;
	s0 =	sor.u32 s1, s24  }
0x466: {  	s2 =	simm.s32 $0x10000;
	s25 =	rddreg [dreg:$0x13];
	s1 =	sadd.s32 s28, s0  }
0x467: {  	[hbm4b:s1+s5] =	stream.linear.scatter [tilespmem:s2], [sflag:$0x9], $0x2000, $0x38;
	[tilespmem:$0x1C000] =	vst v63  }
0x468: {  	s4 =	simm.s32 $0x14000;
	s28 =	simm.s32 $0x12000;
	s1 =	sadd.s32 s0, s25  }
0x469: {  	[hbm4b:s1+s5] =	stream.linear.scatter [tilespmem:s28], [sflag:$0xA], $0x2000, $0x38;
	[tilespmem:$0x1C000] =	vst v63  }
0x46a: {  	s7 =	simm.s32 $0x16000;
	p0 =	seq.s32 s31, $0xF;
	s3 =	sadd.s32 s0, s22  }
0x46b: {  	[hbm4b:s3+s5] =	stream.linear.scatter [tilespmem:s4], [sflag:$0xB], $0x2000, $0x38;
	[tilespmem:$0x1C000] =	vst v63  }
0x46c: {  	s6 =	sadd.s32 s0, s26;
	s2 =	rddreg [dreg:$0x1];
	s1 =	sadd.s32 @!p0 $0x800, s0  }
0x46d: {  	[hbm4b:s6+s5] =	stream.linear.scatter [tilespmem:s7], [sflag:$0xC], $0x2000, $0x38;
	[tilespmem:$0x1C000] =	vst v63  }
0x46e: {  	s2 =	sadd.s32 @!p0 s2, s1;
	s3 =	simm.s32 @!p0 $0x0;
	s4 =	simm.s32 @!p0 $0x18000  }
0x46f: {  	[tilespmem:s4], [sflag:$0xD] =	stream.linear.gather @!p0 [hbm4b:s2+s3], $0x2000, $0x38;
	[tilespmem:$0x1C000] =	vst v63  }
0x470: {  	s2 =	rddreg [dreg:$0x0]  }
0x471: {  	s1 =	sadd.s32 @!p0 s2, s1  }
0x472: {  	[tilespmem:s3], [sflag:$0x1] =	stream.linear.gather @!p0 [hbm4b:s1+s3], $0x2000, $0x38;
	[tilespmem:$0x1C000] =	vst v63  }
0x473: {  	s1 =	rddreg [dreg:$0x14]  }
0x474: {  	s2 =	simm.s32 @!p0 $0x4000;
	s1 =	sadd.s32 @!p0 s0, s1  }
0x475: {  	[tilespmem:s2], [sflag:$0x3] =	stream.linear.gather @!p0 [hbm4b:s1+s3], $0x2000, $0x38;
	[tilespmem:$0x1C000] =	vst v63  }
0x476: {  	s1 =	rddreg [dreg:$0x15]  }
0x477: {  	s2 =	simm.s32 @!p0 $0x8000;
	s1 =	sadd.s32 @!p0 s0, s1  }
0x478: {  	[tilespmem:s2], [sflag:$0x5] =	stream.linear.gather @!p0 [hbm4b:s1+s3], $0x2000, $0x38;
	[tilespmem:$0x1C000] =	vst v63  }
0x479: {  	s1 =	rddreg [dreg:$0x17]  }
0x47a: {  	s8 =	simm.s32 $0xE;
	s2 =	simm.s32 @!p0 $0xC000;
	s1 =	sadd.s32 @!p0 s0, s1  }
0x47b: {  	[tilespmem:s2], [sflag:$0x7] =	stream.linear.gather @!p0 [hbm4b:s1+s3], $0x2000, $0x38;
	[tilespmem:$0x1C000] =	vst v63  }
0x47c: {  	_ =	swait.ge [sflag:s8], $0x2000  }
0x47d: {  	[sflag:s8] =	ssyncset.done $0x0  }
0x47e: {  	s9 =	simm.s32 $0x2;
	[sflag:s8] =	ssyncadd.s32 $0xFFFFE000  }
0x47f: {  	_ =	swait.ge [sflag:s9], $0x2000  }
0x480: {  	[sflag:s9] =	ssyncset.done $0x0  }
0x481: {  	[sflag:s9] =	ssyncadd.s32 $0xFFFFE000  }
0x482: {  	_ =	swait.ge [sflag:s14], $0x2000  }
0x483: {  	[sflag:s14] =	ssyncset.done $0x0  }
0x484: {  	s10 =	simm.s32 $0x4;
	[sflag:s14] =	ssyncadd.s32 $0xFFFFE000  }
0x485: {  	_ =	swait.ge [sflag:s10], $0x2000  }
0x486: {  	[sflag:s10] =	ssyncset.done $0x0  }
0x487: {  	[sflag:s10] =	ssyncadd.s32 $0xFFFFE000  }
0x488: {  	_ =	swait.ge [sflag:s16], $0x2000  }
0x489: {  	[sflag:s16] =	ssyncset.done $0x0  }
0x48a: {  	s11 =	simm.s32 $0x6;
	[sflag:s16] =	ssyncadd.s32 $0xFFFFE000  }
0x48b: {  	_ =	swait.ge [sflag:s11], $0x2000  }
0x48c: {  	[sflag:s11] =	ssyncset.done $0x0  }
0x48d: {  	[sflag:s11] =	ssyncadd.s32 $0xFFFFE000  }
0x48e: {  	_ =	swait.ge [sflag:s18], $0x2000  }
0x48f: {  	[sflag:s18] =	ssyncset.done $0x0  }
0x490: {  	s12 =	simm.s32 $0x8;
	[sflag:s18] =	ssyncadd.s32 $0xFFFFE000  }
0x491: {  	_ =	swait.ge [sflag:s12], $0x2000  }
0x492: {  	[sflag:s12] =	ssyncset.done $0x0  }
0x493: {  	[sflag:s12] =	ssyncadd.s32 $0xFFFFE000  }
0x494: {  	_ =	swait.ge [sflag:s20], $0x2000  }
0x495: {  	[sflag:s20] =	ssyncset.done $0x0  }
0x496: {  	s13 =	simm.s32 $0x1A040;
	[sflag:s20] =	ssyncadd.s32 $0xFFFFE000  }
0x497: {  	s15 =	simm.s32 $0x2040;
	v0 =	vld [tilespmem:s13+$0x30]  }
0x498: {  	v1 =	vld [tilespmem:s15+$0x30]  }
0x499: {  	v2 =	vld [tilespmem:s15+$0xFFFFFFC0]  }
0x49a: {  	v3 =	vld [tilespmem:s13+$0xFFFFFFD0]  }
0x49b: {  	v4 =	vld [tilespmem:s15+$0xFFFFFFD0]  }
0x49c: {  	v5 =	vld [tilespmem:s13+$0xFFFFFFE0]  }
0x49d: {  	v6 =	vld [tilespmem:s15+$0xFFFFFFE0]  }
0x49e: {  	v7 =	vld [tilespmem:s13+$0xFFFFFFF0]  }
0x49f: {  	v8 =	vld [tilespmem:s15+$0xFFFFFFF0]  }
0x4a0: {  	v9 =	vld [tilespmem:s13+$0x0]  }
0x4a1: {  	v10 =	vld [tilespmem:s15+$0x0]  }
0x4a2: {  	v11 =	vld [tilespmem:s13+$0x10]  }
0x4a3: {  	v12 =	vld [tilespmem:s15+$0x10]  }
0x4a4: {  	s28 =	simm.s32 $0x1A440;
	v13 =	vld [tilespmem:s13+$0x20]  }
0x4a5: {  	s3 =	simm.s32 $0x2440;
	v17 =	vld [tilespmem:s28+$0x30]  }
0x4a6: {  	v18 =	vld [tilespmem:s3+$0xFFFFFFC0]  }
0x4a7: {  	v19 =	vld [tilespmem:s28+$0xFFFFFFD0]  }
0x4a8: {  	v20 =	vld [tilespmem:s3+$0xFFFFFFD0];
	v1 =	vadd.f32 v1, v0  }
0x4a9: {  	s17 =	simm.s32 $0x10040;
	v21 =	vld [tilespmem:s3+$0xFFFFFFE0]  }
0x4aa: {  	s19 =	simm.s32 $0x6040;
	[tilespmem:s17+$0x30] =	vst v1;
	v1 =	vadd.f32 v4, v3;
	v4 =	vld [tilespmem:s15+$0x20]  }
0x4ab: {  	v15 =	vadd.f32 v6, v5;
	v14 =	vld [tilespmem:s19+$0x30]  }
0x4ac: {  	v6 =	vld [tilespmem:s13+$0xFFFFFFC0];
	[tilespmem:s17+$0xFFFFFFD0] =	vst v1;
	v1 =	vadd.f32 v8, v7  }
0x4ad: {  	[tilespmem:s17+$0xFFFFFFE0] =	vst v15;
	v8 =	vadd.f32 v10, v9;
	v10 =	vld [tilespmem:s19+$0xFFFFFFD0]  }
0x4ae: {  	[tilespmem:s17+$0xFFFFFFF0] =	vst v1;
	v1 =	vadd.f32 v12, v11;
	v12 =	vld [tilespmem:s19+$0xFFFFFFE0]  }
0x4af: {  	[tilespmem:s17+$0x0] =	vst v8;
	v8 =	vld [tilespmem:s19+$0xFFFFFFF0];
	v4 =	vadd.f32 v4, v13  }
0x4b0: {  	v14 =	vadd.f32 v14, v0;
	[tilespmem:s17+$0x10] =	vst v1;
	v1 =	vld [tilespmem:s19+$0x0]  }
0x4b1: {  	s23 =	simm.s32 $0x12040;
	v2 =	vadd.f32 v2, v6;
	v15 =	vld [tilespmem:s19+$0x10];
	[tilespmem:s17+$0x20] =	vst v4  }
0x4b2: {  	s6 =	simm.s32 $0xA040;
	[tilespmem:s23+$0x30] =	vst v14;
	v4 =	vadd.f32 v10, v3;
	v10 =	vld [tilespmem:s19+$0x20]  }
0x4b3: {  	[tilespmem:s17+$0xFFFFFFC0] =	vst v2;
	v14 =	vld [tilespmem:s6+$0x30];
	v2 =	vadd.f32 v12, v5  }
0x4b4: {  	v12 =	vld [tilespmem:s19+$0xFFFFFFC0];
	[tilespmem:s23+$0xFFFFFFD0] =	vst v4;
	v4 =	vadd.f32 v8, v7  }
0x4b5: {  	v8 =	vld [tilespmem:s6+$0xFFFFFFD0];
	[tilespmem:s23+$0xFFFFFFE0] =	vst v2;
	v1 =	vadd.f32 v1, v9  }
0x4b6: {  	v2 =	vld [tilespmem:s6+$0xFFFFFFE0];
	[tilespmem:s23+$0xFFFFFFF0] =	vst v4;
	v4 =	vadd.f32 v15, v11  }
0x4b7: {  	v15 =	vld [tilespmem:s6+$0xFFFFFFF0];
	[tilespmem:s23+$0x0] =	vst v1;
	v1 =	vadd.f32 v10, v13  }
0x4b8: {  	v10 =	vadd.f32 v14, v0;
	v14 =	vld [tilespmem:s6+$0x0];
	[tilespmem:s23+$0x10] =	vst v4  }
0x4b9: {  	s24 =	simm.s32 $0x14040;
	v4 =	vadd.f32 v12, v6;
	v12 =	vld [tilespmem:s6+$0x10];
	[tilespmem:s23+$0x20] =	vst v1  }
0x4ba: {  	s25 =	simm.s32 $0xE040;
	[tilespmem:s24+$0x30] =	vst v10;
	v1 =	vadd.f32 v8, v3;
	v8 =	vld [tilespmem:s6+$0x20]  }
0x4bb: {  	[tilespmem:s23+$0xFFFFFFC0] =	vst v4;
	v10 =	vld [tilespmem:s25+$0x30];
	v2 =	vadd.f32 v2, v5  }
0x4bc: {  	v4 =	vld [tilespmem:s6+$0xFFFFFFC0];
	[tilespmem:s24+$0xFFFFFFD0] =	vst v1;
	v1 =	vadd.f32 v15, v7  }
0x4bd: {  	v15 =	vld [tilespmem:s25+$0xFFFFFFD0];
	[tilespmem:s24+$0xFFFFFFE0] =	vst v2;
	v2 =	vadd.f32 v14, v9  }
0x4be: {  	v14 =	vld [tilespmem:s25+$0xFFFFFFE0];
	[tilespmem:s24+$0xFFFFFFF0] =	vst v1  }
0x4bf: {  	v1 =	vadd.f32 v12, v11;
	v12 =	vld [tilespmem:s25+$0xFFFFFFF0];
	[tilespmem:s24+$0x0] =	vst v2;
	v2 =	vadd.f32 v8, v13  }
0x4c0: {  	v8 =	vld [tilespmem:s25+$0x0]  }
0x4c1: {  	[tilespmem:s24+$0x20] =	vst v2;
	v2 =	vld [tilespmem:s3+$0x30]  }
0x4c2: {  	[tilespmem:s24+$0x10] =	vst v1;
	v10 =	vadd.f32 v10, v0;
	v0 =	vld [tilespmem:s28+$0xFFFFFFE0]  }
0x4c3: {  	v1 =	vld [tilespmem:s25+$0x10]  }
0x4c4: {  	s6 =	simm.s32 $0x16040;
	v16 =	vld [tilespmem:s25+$0x20];
	v3 =	vadd.f32 v15, v3  }
0x4c5: {  	v4 =	vadd.f32 v4, v6;
	[tilespmem:s6+$0x30] =	vst v10;
	v10 =	vld [tilespmem:s3+$0xFFFFFFF0]  }
0x4c6: {  	[tilespmem:s6+$0xFFFFFFD0] =	vst v3;
	v3 =	vld [tilespmem:s28+$0x0];
	v22 =	vadd.f32 v2, v17  }
0x4c7: {  	s7 =	simm.s32 $0x10440;
	[tilespmem:s24+$0xFFFFFFC0] =	vst v4;
	v4 =	vadd.f32 v14, v5;
	v5 =	vadd.f32 v12, v7;
	v12 =	vld [tilespmem:s3+$0x20]  }
0x4c8: {  	s9 =	simm.s32 $0x6440;
	v7 =	vadd.f32 v8, v9;
	v8 =	vld [tilespmem:s3+$0x0];
	[tilespmem:s7+$0x30] =	vst v22  }
0x4c9: {  	[tilespmem:s6+$0xFFFFFFE0] =	vst v4;
	v14 =	vld [tilespmem:s9+$0x30]  }
0x4ca: {  	v2 =	vld [tilespmem:s28+$0xFFFFFFF0];
	[tilespmem:s6+$0xFFFFFFF0] =	vst v5;
	v1 =	vadd.f32 v1, v11  }
0x4cb: {  	v4 =	vld [tilespmem:s28+$0x10];
	[tilespmem:s6+$0x0] =	vst v7;
	v7 =	vadd.f32 v16, v13  }
0x4cc: {  	v9 =	vld [tilespmem:s3+$0x10];
	v13 =	vadd.f32 v21, v0;
	[tilespmem:s6+$0x10] =	vst v1  }
0x4cd: {  	v5 =	vld [tilespmem:s28+$0x20];
	[tilespmem:s6+$0x20] =	vst v7;
	v7 =	vadd.f32 v20, v19  }
0x4ce: {  	v1 =	vld [tilespmem:s28+$0xFFFFFFC0];
	[tilespmem:s7+$0xFFFFFFE0] =	vst v13;
	v11 =	vadd.f32 v14, v17  }
0x4cf: {  	s11 =	simm.s32 $0x12440;
	[tilespmem:s7+$0xFFFFFFD0] =	vst v7;
	v7 =	vadd.f32 v10, v2  }
0x4d0: {  	s12 =	simm.s32 $0xA440;
	v8 =	vadd.f32 v8, v3;
	[tilespmem:s11+$0x30] =	vst v11;
	v11 =	vld [tilespmem:s9+$0xFFFFFFD0]  }
0x4d1: {  	[tilespmem:s7+$0xFFFFFFF0] =	vst v7;
	v7 =	vadd.f32 v9, v4;
	v10 =	vld [tilespmem:s12+$0x30]  }
0x4d2: {  	v12 =	vadd.f32 v12, v5;
	[tilespmem:s7+$0x0] =	vst v8;
	v9 =	vld [tilespmem:s9+$0xFFFFFFE0]  }
0x4d3: {  	v8 =	vld [tilespmem:s9+$0xFFFFFFF0];
	[tilespmem:s7+$0x10] =	vst v7;
	v7 =	vadd.f32 v18, v1  }
0x4d4: {  	v13 =	vld [tilespmem:s9+$0x0];
	[tilespmem:s7+$0x20] =	vst v12  }
0x4d5: {  	v14 =	vld [tilespmem:s9+$0x10];
	[tilespmem:s7+$0xFFFFFFC0] =	vst v7;
	v7 =	vadd.f32 v11, v19  }
0x4d6: {  	v11 =	vld [tilespmem:s9+$0x20];
	v10 =	vadd.f32 v10, v17  }
0x4d7: {  	s15 =	simm.s32 $0x14440;
	v12 =	vld [tilespmem:s9+$0xFFFFFFC0];
	v9 =	vadd.f32 v9, v0;
	[tilespmem:s11+$0xFFFFFFD0] =	vst v7  }
0x4d8: {  	s8 =	simm.s32 $0xE440;
	v7 =	vadd.f32 v8, v2;
	[tilespmem:s15+$0x30] =	vst v10;
	v10 =	vld [tilespmem:s12+$0xFFFFFFD0]  }
0x4d9: {  	[tilespmem:s11+$0xFFFFFFE0] =	vst v9;
	v9 =	vadd.f32 v13, v3;
	v8 =	vld [tilespmem:s8+$0x30]  }
0x4da: {  	v13 =	vld [tilespmem:s12+$0xFFFFFFE0];
	[tilespmem:s11+$0xFFFFFFF0] =	vst v7;
	v7 =	vadd.f32 v14, v4  }
0x4db: {  	[tilespmem:s11+$0x0] =	vst v9;
	v14 =	vld [tilespmem:s12+$0xFFFFFFF0];
	v9 =	vadd.f32 v11, v5  }
0x4dc: {  	v11 =	vadd.f32 v12, v1;
	v12 =	vld [tilespmem:s12+$0x0];
	[tilespmem:s11+$0x10] =	vst v7  }
0x4dd: {  	v7 =	vld [tilespmem:s12+$0x10];
	[tilespmem:s11+$0x20] =	vst v9;
	v9 =	vadd.f32 v10, v19  }
0x4de: {  	[tilespmem:s11+$0xFFFFFFC0] =	vst v11;
	v10 =	vld [tilespmem:s12+$0x20];
	v8 =	vadd.f32 v8, v17  }
0x4df: {  	s4 =	simm.s32 $0x16440;
	v13 =	vadd.f32 v13, v0;
	v11 =	vld [tilespmem:s12+$0xFFFFFFC0];
	[tilespmem:s15+$0xFFFFFFD0] =	vst v9  }
0x4e0: {  	[tilespmem:s4+$0x30] =	vst v8;
	v8 =	vadd.f32 v14, v2;
	v14 =	vld [tilespmem:s25+$0xFFFFFFC0]  }
0x4e1: {  	[tilespmem:s15+$0xFFFFFFE0] =	vst v13;
	v12 =	vadd.f32 v12, v3;
	v15 =	vld [tilespmem:s8+$0xFFFFFFD0]  }
0x4e2: {  	v9 =	vld [tilespmem:s8+$0xFFFFFFE0];
	v13 =	vadd.f32 v7, v4;
	[tilespmem:s15+$0xFFFFFFF0] =	vst v8  }
0x4e3: {  	[tilespmem:s15+$0x0] =	vst v12;
	v12 =	vadd.f32 v10, v5;
	v7 =	vld [tilespmem:s8+$0xFFFFFFF0]  }
0x4e4: {  	s30 =	simm.s32 $0x1A840;
	s29 =	simm.s32 $0xE440;
	v11 =	vadd.f32 v11, v1;
	v8 =	vld [tilespmem:s8+$0x0];
	[tilespmem:s15+$0x10] =	vst v13  }
0x4e5: {  	s1 =	simm.s32 $0xE0F0;
	s10 =	simm.s32 $0xA0F0;
	s13 =	simm.s32 $0x60F0;
	v10 =	vld [tilespmem:s8+$0x10];
	[tilespmem:s15+$0x20] =	vst v12;
	v12 =	vadd.f32 v14, v6  }
0x4e6: {  	s17 =	simm.s32 $0x1A0F0;
	s19 =	simm.s32 $0x20F0;
	s25 =	simm.s32 $0x80;
	[tilespmem:s15+$0xFFFFFFC0] =	vst v11;
	v6 =	vadd.f32 v15, v19;
	v11 =	vld [tilespmem:s8+$0x20]  }
.LBB2_19:
0x4e7: {  	v13 =	vld [tilespmem:s30+$0x30];
	v0 =	vadd.f32 v9, v0;
	s3 =	sadd.s32 $0x400, s3;
	[tilespmem:s6+$0xFFFFFFC0] =	vst v12;
	s6 =	smov.u32 s4  }
0x4e8: {  	s25 =	sadd.s32 $0x80, s25;
	v9 =	vld [tilespmem:s3+$0x30];
	[tilespmem:s4+$0xFFFFFFD0] =	vst v6;
	v2 =	vadd.f32 v7, v2  }
0x4e9: {  	p1 =	slt.u32 s25, $0x380;
	v7 =	vld [tilespmem:s3+$0xFFFFFFC0];
	[tilespmem:s4+$0xFFFFFFE0] =	vst v0;
	v0 =	vadd.f32 v8, v3  }
0x4ea: {  	v6 =	vld [tilespmem:s30+$0xFFFFFFD0];
	[tilespmem:s4+$0xFFFFFFF0] =	vst v2;
	v2 =	vadd.f32 v10, v4  }
0x4eb: {  	v3 =	vld [tilespmem:s3+$0xFFFFFFD0];
	[tilespmem:s4+$0x0] =	vst v0;
	v4 =	vadd.f32 v11, v5  }
0x4ec: {  	v0 =	vld [tilespmem:s30+$0xFFFFFFE0];
	[tilespmem:s4+$0x10] =	vst v2  }
0x4ed: {  	v5 =	vld [tilespmem:s3+$0xFFFFFFE0];
	v8 =	vadd.f32 v9, v13;
	[tilespmem:s4+$0x20] =	vst v4  }
0x4ee: {  	s7 =	sadd.s32 $0x400, s7;
	v2 =	vld [tilespmem:s30+$0xFFFFFFF0]  }
0x4ef: {  	s9 =	sadd.s32 $0x400, s9;
	v9 =	vld [tilespmem:s3+$0xFFFFFFF0];
	[tilespmem:s7+$0x30] =	vst v8  }
0x4f0: {  	v4 =	vadd.f32 v3, v6;
	v8 =	vld [tilespmem:s9+$0x30]  }
0x4f1: {  	v3 =	vld [tilespmem:s30+$0x0]  }
0x4f2: {  	[tilespmem:s7+$0xFFFFFFD0] =	vst v4;
	v5 =	vadd.f32 v5, v0;
	v10 =	vld [tilespmem:s3+$0x0]  }
0x4f3: {  	v4 =	vld [tilespmem:s30+$0x10]  }
0x4f4: {  	[tilespmem:s7+$0xFFFFFFE0] =	vst v5;
	v9 =	vadd.f32 v9, v2;
	v11 =	vld [tilespmem:s3+$0x10]  }
0x4f5: {  	v5 =	vld [tilespmem:s30+$0x20];
	v8 =	vadd.f32 v8, v13  }
0x4f6: {  	s11 =	sadd.s32 $0x400, s11;
	[tilespmem:s7+$0xFFFFFFF0] =	vst v9;
	v9 =	vld [tilespmem:s3+$0x20]  }
0x4f7: {  	s12 =	sadd.s32 $0x400, s12;
	v14 =	vld [tilespmem:s30+$0xFFFFFFC0];
	v10 =	vadd.f32 v10, v3;
	[tilespmem:s11+$0x30] =	vst v8  }
0x4f8: {  	v8 =	vld [tilespmem:s12+$0x30]  }
0x4f9: {  	v12 =	vld [tilespmem:s9+$0xFFFFFFD0];
	[tilespmem:s7+$0x0] =	vst v10;
	v10 =	vadd.f32 v11, v4  }
0x4fa: {  	v11 =	vld [tilespmem:s9+$0xFFFFFFE0]  }
0x4fb: {  	v15 =	vld [tilespmem:s9+$0xFFFFFFF0];
	[tilespmem:s7+$0x10] =	vst v10;
	v9 =	vadd.f32 v9, v5  }
0x4fc: {  	v7 =	vadd.f32 v7, v14;
	v10 =	vld [tilespmem:s9+$0x0]  }
0x4fd: {  	v16 =	vld [tilespmem:s9+$0x10];
	[tilespmem:s7+$0x20] =	vst v9;
	v8 =	vadd.f32 v8, v13  }
0x4fe: {  	s15 =	sadd.s32 $0x400, s15;
	[tilespmem:s7+$0xFFFFFFC0] =	vst v7;
	v7 =	vadd.f32 v12, v6;
	v9 =	vld [tilespmem:s9+$0x20]  }
0x4ff: {  	s8 =	sadd.s32 $0x400, s8;
	v12 =	vld [tilespmem:s9+$0xFFFFFFC0];
	v11 =	vadd.f32 v11, v0;
	[tilespmem:s15+$0x30] =	vst v8  }
0x500: {  	[tilespmem:s11+$0xFFFFFFD0] =	vst v7;
	v7 =	vadd.f32 v15, v2;
	v8 =	vld [tilespmem:s8+$0x30]  }
0x501: {  	v15 =	vld [tilespmem:s12+$0xFFFFFFD0];
	[tilespmem:s11+$0xFFFFFFE0] =	vst v11;
	v10 =	vadd.f32 v10, v3  }
0x502: {  	v11 =	vld [tilespmem:s12+$0xFFFFFFE0];
	[tilespmem:s11+$0xFFFFFFF0] =	vst v7;
	v7 =	vadd.f32 v16, v4  }
0x503: {  	v16 =	vld [tilespmem:s12+$0xFFFFFFF0];
	[tilespmem:s11+$0x0] =	vst v10;
	v9 =	vadd.f32 v9, v5  }
0x504: {  	v10 =	vadd.f32 v12, v14;
	v12 =	vld [tilespmem:s12+$0x0];
	[tilespmem:s11+$0x10] =	vst v7  }
0x505: {  	s28 =	simm.s32 $0x100F0;
	v7 =	vld [tilespmem:s12+$0x10];
	[tilespmem:s11+$0x20] =	vst v9;
	v8 =	vadd.f32 v8, v13  }
0x506: {  	s24 =	simm.s32 $0x120F0;
	s4 =	sadd.s32 $0x400, s4;
	[tilespmem:s11+$0xFFFFFFC0] =	vst v10;
	v9 =	vadd.f32 v15, v6;
	v10 =	vld [tilespmem:s12+$0x20]  }
0x507: {  	s2 =	simm.s32 $0x160F0;
	s23 =	simm.s32 $0x140F0;
	v13 =	vld [tilespmem:s12+$0xFFFFFFC0];
	v11 =	vadd.f32 v11, v0;
	[tilespmem:s4+$0x30] =	vst v8  }
0x508: {  	[tilespmem:s15+$0xFFFFFFD0] =	vst v9;
	v8 =	vadd.f32 v16, v2;
	v15 =	vld [tilespmem:s29+$0xFFFFFFC0];
	s29 =	smov.u32 s8  }
0x509: {  	v16 =	vld [tilespmem:s8+$0xFFFFFFD0];
	[tilespmem:s15+$0xFFFFFFE0] =	vst v11;
	v11 =	vadd.f32 v12, v3  }
.Ltmp10:
0x50a: {  	v9 =	vld [tilespmem:s8+$0xFFFFFFE0];
	[tilespmem:s15+$0xFFFFFFF0] =	vst v8;
	v12 =	vadd.f32 v7, v4;
	(pc) =	sbr.rel @p1 .LBB2_19-.Ltmp10, $4  }
0x50b: {  	v7 =	vld [tilespmem:s8+$0xFFFFFFF0];
	[tilespmem:s15+$0x0] =	vst v11;
	v11 =	vadd.f32 v10, v5  }
0x50c: {  	v13 =	vadd.f32 v13, v14;
	v8 =	vld [tilespmem:s8+$0x0];
	[tilespmem:s15+$0x10] =	vst v12  }
0x50d: {  	v10 =	vld [tilespmem:s8+$0x10];
	[tilespmem:s15+$0x20] =	vst v11;
	v12 =	vadd.f32 v15, v1;
	v1 =	vmov v14  }
0x50e: {  	s30 =	sadd.s32 $0x400, s30;
	[tilespmem:s15+$0xFFFFFFC0] =	vst v13;
	v6 =	vadd.f32 v16, v6;
	v11 =	vld [tilespmem:s8+$0x20]  }
0x50f: {  	v0 =	vadd.f32 v9, v0;
	[tilespmem:s6+$0xFFFFFFC0] =	vst v12;
	v9 =	vld [tilespmem:s29+$0xFFFFFFC0]  }
0x510: {  	[tilespmem:s4+$0xFFFFFFD0] =	vst v6;
	v2 =	vadd.f32 v7, v2  }
0x511: {  	[tilespmem:s4+$0xFFFFFFE0] =	vst v0;
	v0 =	vadd.f32 v8, v3  }
0x512: {  	[tilespmem:s4+$0xFFFFFFF0] =	vst v2;
	v2 =	vadd.f32 v10, v4  }
0x513: {  	[tilespmem:s4+$0x0] =	vst v0;
	v0 =	vadd.f32 v11, v5  }
0x514: {  	[tilespmem:s4+$0x10] =	vst v2;
	v1 =	vadd.f32 v9, v1  }
0x515: {  	[tilespmem:s4+$0x20] =	vst v0  }
0x516: {  	[tilespmem:s4+$0xFFFFFFC0] =	vst v1  }
0x517: {  	v0 =	vld [tilespmem:s17+$0x0]  }
0x518: {  	v1 =	vld [tilespmem:s19+$0x0]  }
0x519: {  	v2 =	vld [tilespmem:s19+$0xFFFFFF90]  }
0x51a: {  	v3 =	vld [tilespmem:s17+$0xFFFFFFA0]  }
0x51b: {  	v4 =	vld [tilespmem:s19+$0xFFFFFFA0]  }
0x51c: {  	v5 =	vld [tilespmem:s17+$0xFFFFFFB0]  }
0x51d: {  	v6 =	vld [tilespmem:s19+$0xFFFFFFB0]  }
0x51e: {  	v7 =	vld [tilespmem:s17+$0xFFFFFFC0]  }
0x51f: {  	v8 =	vld [tilespmem:s19+$0xFFFFFFC0]  }
0x520: {  	v9 =	vld [tilespmem:s17+$0xFFFFFFD0]  }
0x521: {  	v10 =	vld [tilespmem:s19+$0xFFFFFFD0]  }
0x522: {  	v11 =	vld [tilespmem:s17+$0xFFFFFFE0]  }
0x523: {  	v12 =	vld [tilespmem:s19+$0xFFFFFFE0]  }
0x524: {  	s3 =	simm.s32 $0x1A4F0;
	v13 =	vld [tilespmem:s17+$0xFFFFFFF0]  }
0x525: {  	s6 =	simm.s32 $0x24F0;
	v18 =	vld [tilespmem:s3+$0x0]  }
0x526: {  	v19 =	vld [tilespmem:s6+$0xFFFFFF90]  }
0x527: {  	v20 =	vld [tilespmem:s3+$0xFFFFFFA0];
	v1 =	vadd.f32 v1, v0  }
0x528: {  	v21 =	vld [tilespmem:s6+$0xFFFFFFA0]  }
0x529: {  	[tilespmem:s28+$0x0] =	vst v1;
	v1 =	vadd.f32 v4, v3;
	v4 =	vld [tilespmem:s19+$0xFFFFFFF0]  }
0x52a: {  	v15 =	vadd.f32 v6, v5;
	v14 =	vld [tilespmem:s13+$0x0]  }
0x52b: {  	v6 =	vld [tilespmem:s17+$0xFFFFFF90];
	[tilespmem:s28+$0xFFFFFFA0] =	vst v1;
	v1 =	vadd.f32 v8, v7  }
0x52c: {  	[tilespmem:s28+$0xFFFFFFB0] =	vst v15;
	v8 =	vadd.f32 v10, v9;
	v10 =	vld [tilespmem:s13+$0xFFFFFFA0]  }
0x52d: {  	[tilespmem:s28+$0xFFFFFFC0] =	vst v1;
	v1 =	vadd.f32 v12, v11;
	v12 =	vld [tilespmem:s13+$0xFFFFFFB0]  }
0x52e: {  	[tilespmem:s28+$0xFFFFFFD0] =	vst v8;
	v8 =	vld [tilespmem:s13+$0xFFFFFFC0];
	v4 =	vadd.f32 v4, v13  }
0x52f: {  	v14 =	vadd.f32 v14, v0;
	[tilespmem:s28+$0xFFFFFFE0] =	vst v1;
	v1 =	vld [tilespmem:s13+$0xFFFFFFD0]  }
0x530: {  	v2 =	vadd.f32 v2, v6;
	v15 =	vld [tilespmem:s13+$0xFFFFFFE0];
	[tilespmem:s28+$0xFFFFFFF0] =	vst v4  }
0x531: {  	[tilespmem:s24+$0x0] =	vst v14;
	v4 =	vadd.f32 v10, v3;
	v10 =	vld [tilespmem:s13+$0xFFFFFFF0]  }
0x532: {  	[tilespmem:s28+$0xFFFFFF90] =	vst v2;
	v14 =	vld [tilespmem:s10+$0x0];
	v2 =	vadd.f32 v12, v5  }
0x533: {  	v12 =	vld [tilespmem:s13+$0xFFFFFF90];
	[tilespmem:s24+$0xFFFFFFA0] =	vst v4;
	v4 =	vadd.f32 v8, v7  }
0x534: {  	v8 =	vld [tilespmem:s10+$0xFFFFFFA0];
	[tilespmem:s24+$0xFFFFFFB0] =	vst v2;
	v1 =	vadd.f32 v1, v9  }
0x535: {  	v2 =	vld [tilespmem:s10+$0xFFFFFFB0];
	[tilespmem:s24+$0xFFFFFFC0] =	vst v4;
	v4 =	vadd.f32 v15, v11  }
0x536: {  	v15 =	vld [tilespmem:s10+$0xFFFFFFC0];
	[tilespmem:s24+$0xFFFFFFD0] =	vst v1;
	v1 =	vadd.f32 v10, v13  }
0x537: {  	v10 =	vadd.f32 v14, v0;
	v14 =	vld [tilespmem:s10+$0xFFFFFFD0];
	[tilespmem:s24+$0xFFFFFFE0] =	vst v4  }
0x538: {  	v4 =	vadd.f32 v12, v6;
	v12 =	vld [tilespmem:s10+$0xFFFFFFE0];
	[tilespmem:s24+$0xFFFFFFF0] =	vst v1  }
0x539: {  	[tilespmem:s23+$0x0] =	vst v10;
	v1 =	vadd.f32 v8, v3;
	v8 =	vld [tilespmem:s10+$0xFFFFFFF0]  }
0x53a: {  	[tilespmem:s24+$0xFFFFFF90] =	vst v4;
	v10 =	vld [tilespmem:s1+$0x0];
	v2 =	vadd.f32 v2, v5  }
0x53b: {  	v4 =	vld [tilespmem:s10+$0xFFFFFF90];
	[tilespmem:s23+$0xFFFFFFA0] =	vst v1;
	v1 =	vadd.f32 v15, v7  }
0x53c: {  	v15 =	vld [tilespmem:s1+$0xFFFFFFA0];
	[tilespmem:s23+$0xFFFFFFB0] =	vst v2;
	v2 =	vadd.f32 v14, v9  }
0x53d: {  	v14 =	vld [tilespmem:s1+$0xFFFFFFB0];
	[tilespmem:s23+$0xFFFFFFC0] =	vst v1  }
0x53e: {  	v1 =	vadd.f32 v12, v11;
	v12 =	vld [tilespmem:s1+$0xFFFFFFC0];
	[tilespmem:s23+$0xFFFFFFD0] =	vst v2  }
0x53f: {  	v2 =	vadd.f32 v8, v13;
	v8 =	vld [tilespmem:s1+$0xFFFFFFD0]  }
0x540: {  	[tilespmem:s23+$0xFFFFFFE0] =	vst v1;
	v1 =	vld [tilespmem:s3+$0xFFFFFFB0]  }
0x541: {  	[tilespmem:s23+$0xFFFFFFF0] =	vst v2;
	v2 =	vld [tilespmem:s6+$0x0]  }
0x542: {  	v0 =	vadd.f32 v10, v0;
	v10 =	vld [tilespmem:s6+$0xFFFFFFB0]  }
0x543: {  	v16 =	vld [tilespmem:s1+$0xFFFFFFE0]  }
0x544: {  	v17 =	vld [tilespmem:s1+$0xFFFFFFF0];
	v3 =	vadd.f32 v15, v3  }
0x545: {  	[tilespmem:s2+$0x0] =	vst v0;
	v0 =	vadd.f32 v4, v6;
	v15 =	vld [tilespmem:s6+$0xFFFFFFC0]  }
0x546: {  	[tilespmem:s2+$0xFFFFFFA0] =	vst v3;
	v3 =	vld [tilespmem:s3+$0xFFFFFFD0];
	v22 =	vadd.f32 v2, v18  }
0x547: {  	s7 =	simm.s32 $0x104F0;
	[tilespmem:s23+$0xFFFFFF90] =	vst v0;
	v0 =	vadd.f32 v14, v5;
	v4 =	vadd.f32 v12, v7;
	v7 =	vld [tilespmem:s6+$0xFFFFFFD0]  }
0x548: {  	s9 =	simm.s32 $0x64F0;
	v12 =	vld [tilespmem:s6+$0xFFFFFFF0];
	[tilespmem:s7+$0x0] =	vst v22  }
0x549: {  	v10 =	vadd.f32 v10, v1;
	[tilespmem:s2+$0xFFFFFFB0] =	vst v0;
	v14 =	vld [tilespmem:s9+$0x0]  }
0x54a: {  	v2 =	vld [tilespmem:s3+$0xFFFFFFC0];
	v0 =	vadd.f32 v8, v9;
	[tilespmem:s2+$0xFFFFFFC0] =	vst v4  }
0x54b: {  	v5 =	vadd.f32 v16, v11;
	v4 =	vld [tilespmem:s3+$0xFFFFFFE0];
	[tilespmem:s7+$0xFFFFFFB0] =	vst v10  }
0x54c: {  	v8 =	vld [tilespmem:s6+$0xFFFFFFE0];
	[tilespmem:s2+$0xFFFFFFD0] =	vst v0;
	v0 =	vadd.f32 v17, v13  }
0x54d: {  	v11 =	vadd.f32 v21, v20;
	[tilespmem:s2+$0xFFFFFFE0] =	vst v5;
	v5 =	vld [tilespmem:s3+$0xFFFFFFF0]  }
0x54e: {  	[tilespmem:s2+$0xFFFFFFF0] =	vst v0;
	v0 =	vld [tilespmem:s3+$0xFFFFFF90];
	v9 =	vadd.f32 v14, v18  }
0x54f: {  	s11 =	simm.s32 $0x124F0;
	[tilespmem:s7+$0xFFFFFFA0] =	vst v11;
	v7 =	vadd.f32 v7, v3  }
0x550: {  	s12 =	simm.s32 $0xA4F0;
	v10 =	vld [tilespmem:s9+$0xFFFFFFA0];
	[tilespmem:s11+$0x0] =	vst v9;
	v9 =	vadd.f32 v15, v2  }
0x551: {  	v8 =	vadd.f32 v8, v4;
	[tilespmem:s7+$0xFFFFFFD0] =	vst v7;
	v11 =	vld [tilespmem:s12+$0x0]  }
0x552: {  	v12 =	vadd.f32 v12, v5;
	[tilespmem:s7+$0xFFFFFFC0] =	vst v9;
	v9 =	vld [tilespmem:s9+$0xFFFFFFB0]  }
0x553: {  	[tilespmem:s7+$0xFFFFFFE0] =	vst v8;
	v8 =	vadd.f32 v19, v0;
	v7 =	vld [tilespmem:s9+$0xFFFFFFC0]  }
0x554: {  	v13 =	vld [tilespmem:s9+$0xFFFFFFD0];
	[tilespmem:s7+$0xFFFFFFF0] =	vst v12  }
0x555: {  	v14 =	vld [tilespmem:s9+$0xFFFFFFE0];
	[tilespmem:s7+$0xFFFFFF90] =	vst v8;
	v8 =	vadd.f32 v10, v20  }
0x556: {  	v10 =	vld [tilespmem:s9+$0xFFFFFFF0];
	v11 =	vadd.f32 v11, v18  }
0x557: {  	s15 =	simm.s32 $0x144F0;
	v12 =	vld [tilespmem:s9+$0xFFFFFF90];
	[tilespmem:s11+$0xFFFFFFA0] =	vst v8;
	v9 =	vadd.f32 v9, v1  }
0x558: {  	s8 =	simm.s32 $0xE4F0;
	[tilespmem:s15+$0x0] =	vst v11;
	v7 =	vadd.f32 v7, v2;
	v11 =	vld [tilespmem:s12+$0xFFFFFFA0]  }
0x559: {  	v8 =	vld [tilespmem:s8+$0x0];
	[tilespmem:s11+$0xFFFFFFB0] =	vst v9;
	v9 =	vadd.f32 v13, v3  }
0x55a: {  	v13 =	vld [tilespmem:s12+$0xFFFFFFB0];
	[tilespmem:s11+$0xFFFFFFC0] =	vst v7;
	v7 =	vadd.f32 v14, v4  }
0x55b: {  	v14 =	vld [tilespmem:s12+$0xFFFFFFC0];
	[tilespmem:s11+$0xFFFFFFD0] =	vst v9;
	v9 =	vadd.f32 v10, v5  }
0x55c: {  	v10 =	vadd.f32 v12, v0;
	v12 =	vld [tilespmem:s12+$0xFFFFFFD0];
	[tilespmem:s11+$0xFFFFFFE0] =	vst v7  }
0x55d: {  	v7 =	vld [tilespmem:s12+$0xFFFFFFE0];
	[tilespmem:s11+$0xFFFFFFF0] =	vst v9;
	v9 =	vadd.f32 v11, v20  }
0x55e: {  	[tilespmem:s11+$0xFFFFFF90] =	vst v10;
	v8 =	vadd.f32 v8, v18;
	v10 =	vld [tilespmem:s12+$0xFFFFFFF0]  }
0x55f: {  	s19 =	simm.s32 $0x164F0;
	v11 =	vld [tilespmem:s12+$0xFFFFFF90];
	v13 =	vadd.f32 v13, v1;
	[tilespmem:s15+$0xFFFFFFA0] =	vst v9  }
0x560: {  	[tilespmem:s19+$0x0] =	vst v8;
	v8 =	vadd.f32 v14, v2;
	v14 =	vld [tilespmem:s1+$0xFFFFFF90]  }
0x561: {  	v15 =	vld [tilespmem:s8+$0xFFFFFFA0];
	[tilespmem:s15+$0xFFFFFFB0] =	vst v13;
	v12 =	vadd.f32 v12, v3  }
0x562: {  	v9 =	vld [tilespmem:s8+$0xFFFFFFB0];
	[tilespmem:s15+$0xFFFFFFC0] =	vst v8;
	v13 =	vadd.f32 v7, v4  }
0x563: {  	v7 =	vld [tilespmem:s8+$0xFFFFFFC0];
	[tilespmem:s15+$0xFFFFFFD0] =	vst v12;
	v12 =	vadd.f32 v10, v5  }
0x564: {  	s25 =	simm.s32 $0x80;
	s30 =	simm.s32 $0x1A8F0;
	v11 =	vadd.f32 v11, v0;
	v8 =	vld [tilespmem:s8+$0xFFFFFFD0];
	[tilespmem:s15+$0xFFFFFFE0] =	vst v13  }
0x565: {  	s29 =	simm.s32 $0xE4F0;
	s4 =	simm.s32 $0x2170;
	s17 =	simm.s32 $0x1A170;
	v10 =	vld [tilespmem:s8+$0xFFFFFFE0];
	[tilespmem:s15+$0xFFFFFFF0] =	vst v12;
	v12 =	vadd.f32 v14, v6  }
0x566: {  	s13 =	simm.s32 $0x6170;
	s10 =	simm.s32 $0xA170;
	s3 =	simm.s32 $0xE170;
	[tilespmem:s15+$0xFFFFFF90] =	vst v11;
	v6 =	vadd.f32 v15, v20;
	v11 =	vld [tilespmem:s8+$0xFFFFFFF0]  }
.LBB2_21:
0x567: {  	v13 =	vld [tilespmem:s30+$0x0];
	v1 =	vadd.f32 v9, v1;
	s6 =	sadd.s32 $0x400, s6;
	[tilespmem:s2+$0xFFFFFF90] =	vst v12;
	s2 =	smov.u32 s19  }
0x568: {  	s25 =	sadd.s32 $0x80, s25;
	v9 =	vld [tilespmem:s6+$0x0];
	[tilespmem:s19+$0xFFFFFFA0] =	vst v6;
	v2 =	vadd.f32 v7, v2  }
0x569: {  	p1 =	slt.u32 s25, $0x380;
	v7 =	vld [tilespmem:s6+$0xFFFFFF90];
	[tilespmem:s19+$0xFFFFFFB0] =	vst v1;
	v1 =	vadd.f32 v8, v3  }
0x56a: {  	v6 =	vld [tilespmem:s30+$0xFFFFFFA0];
	[tilespmem:s19+$0xFFFFFFC0] =	vst v2;
	v2 =	vadd.f32 v10, v4  }
0x56b: {  	v3 =	vld [tilespmem:s6+$0xFFFFFFA0];
	[tilespmem:s19+$0xFFFFFFD0] =	vst v1;
	v4 =	vadd.f32 v11, v5  }
0x56c: {  	v1 =	vld [tilespmem:s30+$0xFFFFFFB0];
	[tilespmem:s19+$0xFFFFFFE0] =	vst v2  }
0x56d: {  	v5 =	vld [tilespmem:s6+$0xFFFFFFB0];
	v8 =	vadd.f32 v9, v13;
	[tilespmem:s19+$0xFFFFFFF0] =	vst v4  }
0x56e: {  	s7 =	sadd.s32 $0x400, s7;
	v2 =	vld [tilespmem:s30+$0xFFFFFFC0]  }
0x56f: {  	s9 =	sadd.s32 $0x400, s9;
	v9 =	vld [tilespmem:s6+$0xFFFFFFC0];
	[tilespmem:s7+$0x0] =	vst v8  }
0x570: {  	v4 =	vadd.f32 v3, v6;
	v8 =	vld [tilespmem:s9+$0x0]  }
0x571: {  	v3 =	vld [tilespmem:s30+$0xFFFFFFD0]  }
0x572: {  	[tilespmem:s7+$0xFFFFFFA0] =	vst v4;
	v5 =	vadd.f32 v5, v1;
	v10 =	vld [tilespmem:s6+$0xFFFFFFD0]  }
0x573: {  	v4 =	vld [tilespmem:s30+$0xFFFFFFE0]  }
0x574: {  	[tilespmem:s7+$0xFFFFFFB0] =	vst v5;
	v9 =	vadd.f32 v9, v2;
	v11 =	vld [tilespmem:s6+$0xFFFFFFE0]  }
0x575: {  	v5 =	vld [tilespmem:s30+$0xFFFFFFF0];
	v8 =	vadd.f32 v8, v13  }
0x576: {  	s11 =	sadd.s32 $0x400, s11;
	[tilespmem:s7+$0xFFFFFFC0] =	vst v9;
	v9 =	vld [tilespmem:s6+$0xFFFFFFF0]  }
0x577: {  	s12 =	sadd.s32 $0x400, s12;
	v14 =	vld [tilespmem:s30+$0xFFFFFF90];
	v10 =	vadd.f32 v10, v3;
	[tilespmem:s11+$0x0] =	vst v8  }
0x578: {  	v8 =	vld [tilespmem:s12+$0x0]  }
0x579: {  	v12 =	vld [tilespmem:s9+$0xFFFFFFA0];
	[tilespmem:s7+$0xFFFFFFD0] =	vst v10;
	v10 =	vadd.f32 v11, v4  }
0x57a: {  	v11 =	vld [tilespmem:s9+$0xFFFFFFB0]  }
0x57b: {  	v15 =	vld [tilespmem:s9+$0xFFFFFFC0];
	[tilespmem:s7+$0xFFFFFFE0] =	vst v10;
	v9 =	vadd.f32 v9, v5  }
0x57c: {  	v7 =	vadd.f32 v7, v14;
	v10 =	vld [tilespmem:s9+$0xFFFFFFD0]  }
0x57d: {  	v16 =	vld [tilespmem:s9+$0xFFFFFFE0];
	[tilespmem:s7+$0xFFFFFFF0] =	vst v9;
	v8 =	vadd.f32 v8, v13  }
0x57e: {  	s15 =	sadd.s32 $0x400, s15;
	[tilespmem:s7+$0xFFFFFF90] =	vst v7;
	v7 =	vadd.f32 v12, v6;
	v9 =	vld [tilespmem:s9+$0xFFFFFFF0]  }
0x57f: {  	s8 =	sadd.s32 $0x400, s8;
	v12 =	vld [tilespmem:s9+$0xFFFFFF90];
	v11 =	vadd.f32 v11, v1;
	[tilespmem:s15+$0x0] =	vst v8  }
0x580: {  	[tilespmem:s11+$0xFFFFFFA0] =	vst v7;
	v7 =	vadd.f32 v15, v2;
	v8 =	vld [tilespmem:s8+$0x0]  }
0x581: {  	v15 =	vld [tilespmem:s12+$0xFFFFFFA0];
	[tilespmem:s11+$0xFFFFFFB0] =	vst v11;
	v10 =	vadd.f32 v10, v3  }
0x582: {  	v11 =	vld [tilespmem:s12+$0xFFFFFFB0];
	[tilespmem:s11+$0xFFFFFFC0] =	vst v7;
	v7 =	vadd.f32 v16, v4  }
0x583: {  	v16 =	vld [tilespmem:s12+$0xFFFFFFC0];
	[tilespmem:s11+$0xFFFFFFD0] =	vst v10;
	v9 =	vadd.f32 v9, v5  }
0x584: {  	v10 =	vadd.f32 v12, v14;
	v12 =	vld [tilespmem:s12+$0xFFFFFFD0];
	[tilespmem:s11+$0xFFFFFFE0] =	vst v7  }
0x585: {  	s24 =	simm.s32 $0x12170;
	s28 =	simm.s32 $0x10170;
	v7 =	vld [tilespmem:s12+$0xFFFFFFE0];
	[tilespmem:s11+$0xFFFFFFF0] =	vst v9;
	v8 =	vadd.f32 v8, v13  }
0x586: {  	s23 =	simm.s32 $0x14170;
	s19 =	sadd.s32 $0x400, s19;
	[tilespmem:s11+$0xFFFFFF90] =	vst v10;
	v9 =	vadd.f32 v15, v6;
	v10 =	vld [tilespmem:s12+$0xFFFFFFF0]  }
0x587: {  	s1 =	simm.s32 $0x16170;
	v13 =	vld [tilespmem:s12+$0xFFFFFF90];
	v11 =	vadd.f32 v11, v1;
	[tilespmem:s19+$0x0] =	vst v8  }
0x588: {  	[tilespmem:s15+$0xFFFFFFA0] =	vst v9;
	v8 =	vadd.f32 v16, v2;
	v15 =	vld [tilespmem:s29+$0xFFFFFF90];
	s29 =	smov.u32 s8  }
0x589: {  	v16 =	vld [tilespmem:s8+$0xFFFFFFA0];
	[tilespmem:s15+$0xFFFFFFB0] =	vst v11;
	v11 =	vadd.f32 v12, v3  }
.Ltmp11:
0x58a: {  	v9 =	vld [tilespmem:s8+$0xFFFFFFB0];
	[tilespmem:s15+$0xFFFFFFC0] =	vst v8;
	v12 =	vadd.f32 v7, v4;
	(pc) =	sbr.rel @p1 .LBB2_21-.Ltmp11, $4  }
0x58b: {  	v7 =	vld [tilespmem:s8+$0xFFFFFFC0];
	[tilespmem:s15+$0xFFFFFFD0] =	vst v11;
	v11 =	vadd.f32 v10, v5  }
0x58c: {  	v13 =	vadd.f32 v13, v14;
	v8 =	vld [tilespmem:s8+$0xFFFFFFD0];
	[tilespmem:s15+$0xFFFFFFE0] =	vst v12  }
0x58d: {  	v10 =	vld [tilespmem:s8+$0xFFFFFFE0];
	[tilespmem:s15+$0xFFFFFFF0] =	vst v11;
	v12 =	vadd.f32 v15, v0;
	v0 =	vmov v14  }
0x58e: {  	s30 =	sadd.s32 $0x400, s30;
	[tilespmem:s15+$0xFFFFFF90] =	vst v13;
	v6 =	vadd.f32 v16, v6;
	v11 =	vld [tilespmem:s8+$0xFFFFFFF0]  }
0x58f: {  	v1 =	vadd.f32 v9, v1;
	[tilespmem:s2+$0xFFFFFF90] =	vst v12;
	v9 =	vld [tilespmem:s29+$0xFFFFFF90]  }
0x590: {  	[tilespmem:s19+$0xFFFFFFA0] =	vst v6;
	v2 =	vadd.f32 v7, v2  }
0x591: {  	[tilespmem:s19+$0xFFFFFFB0] =	vst v1;
	v1 =	vadd.f32 v8, v3  }
0x592: {  	[tilespmem:s19+$0xFFFFFFC0] =	vst v2;
	v2 =	vadd.f32 v10, v4  }
0x593: {  	[tilespmem:s19+$0xFFFFFFD0] =	vst v1;
	v1 =	vadd.f32 v11, v5  }
0x594: {  	[tilespmem:s19+$0xFFFFFFE0] =	vst v2;
	v0 =	vadd.f32 v9, v0  }
0x595: {  	[tilespmem:s19+$0xFFFFFFF0] =	vst v1  }
0x596: {  	[tilespmem:s19+$0xFFFFFF90] =	vst v0  }
0x597: {  	v0 =	vld [tilespmem:s17+$0x0]  }
0x598: {  	v1 =	vld [tilespmem:s4+$0x0]  }
0x599: {  	v2 =	vld [tilespmem:s4+$0xFFFFFF90]  }
0x59a: {  	v3 =	vld [tilespmem:s17+$0xFFFFFFA0]  }
0x59b: {  	v4 =	vld [tilespmem:s4+$0xFFFFFFA0]  }
0x59c: {  	v5 =	vld [tilespmem:s17+$0xFFFFFFB0]  }
0x59d: {  	v6 =	vld [tilespmem:s4+$0xFFFFFFB0]  }
0x59e: {  	v7 =	vld [tilespmem:s17+$0xFFFFFFC0]  }
0x59f: {  	v8 =	vld [tilespmem:s4+$0xFFFFFFC0]  }
0x5a0: {  	v9 =	vld [tilespmem:s17+$0xFFFFFFD0]  }
0x5a1: {  	v10 =	vld [tilespmem:s4+$0xFFFFFFD0]  }
0x5a2: {  	v11 =	vld [tilespmem:s17+$0xFFFFFFE0]  }
0x5a3: {  	v12 =	vld [tilespmem:s4+$0xFFFFFFE0]  }
0x5a4: {  	s6 =	simm.s32 $0x2570;
	v13 =	vld [tilespmem:s17+$0xFFFFFFF0]  }
0x5a5: {  	v19 =	vld [tilespmem:s6+$0xFFFFFF90];
	v1 =	vadd.f32 v1, v0  }
0x5a6: {  	v21 =	vld [tilespmem:s6+$0xFFFFFFA0]  }
0x5a7: {  	[tilespmem:s28+$0x0] =	vst v1;
	v1 =	vadd.f32 v4, v3;
	v4 =	vld [tilespmem:s4+$0xFFFFFFF0]  }
0x5a8: {  	v15 =	vadd.f32 v6, v5;
	v6 =	vld [tilespmem:s17+$0xFFFFFF90]  }
0x5a9: {  	v14 =	vld [tilespmem:s13+$0x0];
	[tilespmem:s28+$0xFFFFFFA0] =	vst v1;
	v1 =	vadd.f32 v8, v7  }
0x5aa: {  	[tilespmem:s28+$0xFFFFFFB0] =	vst v15;
	v8 =	vadd.f32 v10, v9;
	v10 =	vld [tilespmem:s13+$0xFFFFFFA0]  }
0x5ab: {  	[tilespmem:s28+$0xFFFFFFC0] =	vst v1;
	v1 =	vadd.f32 v12, v11;
	v12 =	vld [tilespmem:s13+$0xFFFFFFB0]  }
0x5ac: {  	[tilespmem:s28+$0xFFFFFFD0] =	vst v8;
	v8 =	vld [tilespmem:s13+$0xFFFFFFC0];
	v4 =	vadd.f32 v4, v13  }
0x5ad: {  	v2 =	vadd.f32 v2, v6;
	[tilespmem:s28+$0xFFFFFFE0] =	vst v1;
	v1 =	vld [tilespmem:s13+$0xFFFFFFD0]  }
0x5ae: {  	v15 =	vld [tilespmem:s13+$0xFFFFFFE0];
	[tilespmem:s28+$0xFFFFFFF0] =	vst v4  }
0x5af: {  	[tilespmem:s28+$0xFFFFFF90] =	vst v2;
	v14 =	vadd.f32 v14, v0;
	s28 =	simm.s32 $0x1A570;
	v4 =	vadd.f32 v10, v3;
	v10 =	vld [tilespmem:s13+$0xFFFFFFF0]  }
0x5b0: {  	v18 =	vld [tilespmem:s28+$0x0]  }
0x5b1: {  	[tilespmem:s24+$0x0] =	vst v14;
	v20 =	vld [tilespmem:s28+$0xFFFFFFA0]  }
0x5b2: {  	v14 =	vld [tilespmem:s10+$0x0];
	v2 =	vadd.f32 v12, v5  }
0x5b3: {  	v12 =	vld [tilespmem:s13+$0xFFFFFF90];
	[tilespmem:s24+$0xFFFFFFA0] =	vst v4;
	v4 =	vadd.f32 v8, v7  }
0x5b4: {  	v8 =	vld [tilespmem:s10+$0xFFFFFFA0];
	[tilespmem:s24+$0xFFFFFFB0] =	vst v2;
	v1 =	vadd.f32 v1, v9  }
0x5b5: {  	v2 =	vld [tilespmem:s10+$0xFFFFFFB0];
	[tilespmem:s24+$0xFFFFFFC0] =	vst v4;
	v4 =	vadd.f32 v15, v11  }
0x5b6: {  	v15 =	vld [tilespmem:s10+$0xFFFFFFC0];
	[tilespmem:s24+$0xFFFFFFD0] =	vst v1;
	v1 =	vadd.f32 v10, v13  }
0x5b7: {  	v10 =	vadd.f32 v14, v0;
	v14 =	vld [tilespmem:s10+$0xFFFFFFD0];
	[tilespmem:s24+$0xFFFFFFE0] =	vst v4  }
0x5b8: {  	v4 =	vadd.f32 v12, v6;
	v12 =	vld [tilespmem:s10+$0xFFFFFFE0];
	[tilespmem:s24+$0xFFFFFFF0] =	vst v1  }
0x5b9: {  	[tilespmem:s23+$0x0] =	vst v10;
	v1 =	vadd.f32 v8, v3;
	v8 =	vld [tilespmem:s10+$0xFFFFFFF0]  }
0x5ba: {  	[tilespmem:s24+$0xFFFFFF90] =	vst v4;
	v10 =	vld [tilespmem:s3+$0x0];
	v2 =	vadd.f32 v2, v5  }
0x5bb: {  	v4 =	vld [tilespmem:s10+$0xFFFFFF90];
	[tilespmem:s23+$0xFFFFFFA0] =	vst v1;
	v1 =	vadd.f32 v15, v7  }
0x5bc: {  	v15 =	vld [tilespmem:s3+$0xFFFFFFA0];
	[tilespmem:s23+$0xFFFFFFB0] =	vst v2;
	v2 =	vadd.f32 v14, v9  }
0x5bd: {  	v14 =	vld [tilespmem:s3+$0xFFFFFFB0];
	[tilespmem:s23+$0xFFFFFFC0] =	vst v1  }
0x5be: {  	v1 =	vadd.f32 v12, v11;
	v12 =	vld [tilespmem:s3+$0xFFFFFFC0];
	[tilespmem:s23+$0xFFFFFFD0] =	vst v2  }
0x5bf: {  	v2 =	vadd.f32 v8, v13;
	v8 =	vld [tilespmem:s3+$0xFFFFFFD0]  }
0x5c0: {  	[tilespmem:s23+$0xFFFFFFE0] =	vst v1;
	v1 =	vld [tilespmem:s28+$0xFFFFFFB0]  }
0x5c1: {  	[tilespmem:s23+$0xFFFFFFF0] =	vst v2;
	v2 =	vld [tilespmem:s6+$0x0]  }
0x5c2: {  	v0 =	vadd.f32 v10, v0;
	v10 =	vld [tilespmem:s6+$0xFFFFFFB0]  }
0x5c3: {  	v16 =	vld [tilespmem:s3+$0xFFFFFFE0]  }
0x5c4: {  	v17 =	vld [tilespmem:s3+$0xFFFFFFF0];
	v3 =	vadd.f32 v15, v3  }
0x5c5: {  	[tilespmem:s1+$0x0] =	vst v0;
	v0 =	vadd.f32 v4, v6;
	v15 =	vld [tilespmem:s6+$0xFFFFFFC0]  }
0x5c6: {  	[tilespmem:s1+$0xFFFFFFA0] =	vst v3;
	v3 =	vld [tilespmem:s28+$0xFFFFFFD0];
	v22 =	vadd.f32 v2, v18  }
0x5c7: {  	s7 =	simm.s32 $0x10570;
	[tilespmem:s23+$0xFFFFFF90] =	vst v0;
	v0 =	vadd.f32 v14, v5;
	v4 =	vadd.f32 v12, v7;
	v7 =	vld [tilespmem:s6+$0xFFFFFFD0]  }
0x5c8: {  	s9 =	simm.s32 $0x6570;
	v12 =	vld [tilespmem:s6+$0xFFFFFFF0];
	[tilespmem:s7+$0x0] =	vst v22  }
0x5c9: {  	v10 =	vadd.f32 v10, v1;
	[tilespmem:s1+$0xFFFFFFB0] =	vst v0;
	v14 =	vld [tilespmem:s9+$0x0]  }
0x5ca: {  	v2 =	vld [tilespmem:s28+$0xFFFFFFC0];
	v0 =	vadd.f32 v8, v9;
	[tilespmem:s1+$0xFFFFFFC0] =	vst v4  }
0x5cb: {  	v5 =	vadd.f32 v16, v11;
	v4 =	vld [tilespmem:s28+$0xFFFFFFE0];
	[tilespmem:s7+$0xFFFFFFB0] =	vst v10  }
0x5cc: {  	v8 =	vld [tilespmem:s6+$0xFFFFFFE0];
	[tilespmem:s1+$0xFFFFFFD0] =	vst v0;
	v0 =	vadd.f32 v17, v13  }
0x5cd: {  	v11 =	vadd.f32 v21, v20;
	[tilespmem:s1+$0xFFFFFFE0] =	vst v5;
	v5 =	vld [tilespmem:s28+$0xFFFFFFF0]  }
0x5ce: {  	[tilespmem:s1+$0xFFFFFFF0] =	vst v0;
	v0 =	vld [tilespmem:s28+$0xFFFFFF90];
	v9 =	vadd.f32 v14, v18  }
0x5cf: {  	s11 =	simm.s32 $0x12570;
	[tilespmem:s7+$0xFFFFFFA0] =	vst v11;
	v7 =	vadd.f32 v7, v3  }
0x5d0: {  	s12 =	simm.s32 $0xA570;
	v10 =	vld [tilespmem:s9+$0xFFFFFFA0];
	[tilespmem:s11+$0x0] =	vst v9;
	v9 =	vadd.f32 v15, v2  }
0x5d1: {  	v8 =	vadd.f32 v8, v4;
	[tilespmem:s7+$0xFFFFFFD0] =	vst v7;
	v11 =	vld [tilespmem:s12+$0x0]  }
0x5d2: {  	v12 =	vadd.f32 v12, v5;
	[tilespmem:s7+$0xFFFFFFC0] =	vst v9;
	v9 =	vld [tilespmem:s9+$0xFFFFFFB0]  }
0x5d3: {  	[tilespmem:s7+$0xFFFFFFE0] =	vst v8;
	v8 =	vadd.f32 v19, v0;
	v7 =	vld [tilespmem:s9+$0xFFFFFFC0]  }
0x5d4: {  	v13 =	vld [tilespmem:s9+$0xFFFFFFD0];
	[tilespmem:s7+$0xFFFFFFF0] =	vst v12  }
0x5d5: {  	v14 =	vld [tilespmem:s9+$0xFFFFFFE0];
	[tilespmem:s7+$0xFFFFFF90] =	vst v8;
	v8 =	vadd.f32 v10, v20  }
0x5d6: {  	v10 =	vld [tilespmem:s9+$0xFFFFFFF0];
	v11 =	vadd.f32 v11, v18  }
0x5d7: {  	s15 =	simm.s32 $0x14570;
	v12 =	vld [tilespmem:s9+$0xFFFFFF90];
	[tilespmem:s11+$0xFFFFFFA0] =	vst v8;
	v9 =	vadd.f32 v9, v1  }
0x5d8: {  	s8 =	simm.s32 $0xE570;
	[tilespmem:s15+$0x0] =	vst v11;
	v7 =	vadd.f32 v7, v2;
	v11 =	vld [tilespmem:s12+$0xFFFFFFA0]  }
0x5d9: {  	v8 =	vld [tilespmem:s8+$0x0];
	[tilespmem:s11+$0xFFFFFFB0] =	vst v9;
	v9 =	vadd.f32 v13, v3  }
0x5da: {  	v13 =	vld [tilespmem:s12+$0xFFFFFFB0];
	[tilespmem:s11+$0xFFFFFFC0] =	vst v7;
	v7 =	vadd.f32 v14, v4  }
0x5db: {  	v14 =	vld [tilespmem:s12+$0xFFFFFFC0];
	[tilespmem:s11+$0xFFFFFFD0] =	vst v9;
	v9 =	vadd.f32 v10, v5  }
0x5dc: {  	v10 =	vadd.f32 v12, v0;
	v12 =	vld [tilespmem:s12+$0xFFFFFFD0];
	[tilespmem:s11+$0xFFFFFFE0] =	vst v7  }
0x5dd: {  	v7 =	vld [tilespmem:s12+$0xFFFFFFE0];
	[tilespmem:s11+$0xFFFFFFF0] =	vst v9;
	v9 =	vadd.f32 v11, v20  }
0x5de: {  	[tilespmem:s11+$0xFFFFFF90] =	vst v10;
	v8 =	vadd.f32 v8, v18;
	v10 =	vld [tilespmem:s12+$0xFFFFFFF0]  }
0x5df: {  	s4 =	simm.s32 $0x16570;
	v11 =	vld [tilespmem:s12+$0xFFFFFF90];
	v13 =	vadd.f32 v13, v1;
	[tilespmem:s15+$0xFFFFFFA0] =	vst v9  }
0x5e0: {  	[tilespmem:s4+$0x0] =	vst v8;
	v8 =	vadd.f32 v14, v2;
	v14 =	vld [tilespmem:s3+$0xFFFFFF90]  }
0x5e1: {  	v15 =	vld [tilespmem:s8+$0xFFFFFFA0];
	[tilespmem:s15+$0xFFFFFFB0] =	vst v13;
	v12 =	vadd.f32 v12, v3  }
0x5e2: {  	v9 =	vld [tilespmem:s8+$0xFFFFFFB0];
	[tilespmem:s15+$0xFFFFFFC0] =	vst v8;
	v13 =	vadd.f32 v7, v4  }
0x5e3: {  	v7 =	vld [tilespmem:s8+$0xFFFFFFC0];
	[tilespmem:s15+$0xFFFFFFD0] =	vst v12;
	v12 =	vadd.f32 v10, v5  }
0x5e4: {  	s25 =	simm.s32 $0x80;
	s30 =	simm.s32 $0x1A970;
	v11 =	vadd.f32 v11, v0;
	v8 =	vld [tilespmem:s8+$0xFFFFFFD0];
	[tilespmem:s15+$0xFFFFFFE0] =	vst v13  }
0x5e5: {  	s29 =	simm.s32 $0xE570;
	s19 =	simm.s32 $0x21F0;
	s17 =	simm.s32 $0x1A1F0;
	v10 =	vld [tilespmem:s8+$0xFFFFFFE0];
	[tilespmem:s15+$0xFFFFFFF0] =	vst v12;
	v12 =	vadd.f32 v14, v6  }
0x5e6: {  	s13 =	simm.s32 $0x61F0;
	s10 =	simm.s32 $0xA1F0;
	s3 =	simm.s32 $0xE1F0;
	[tilespmem:s15+$0xFFFFFF90] =	vst v11;
	v6 =	vadd.f32 v15, v20;
	v11 =	vld [tilespmem:s8+$0xFFFFFFF0]  }
.LBB2_23:
0x5e7: {  	v13 =	vld [tilespmem:s30+$0x0];
	v1 =	vadd.f32 v9, v1;
	s6 =	sadd.s32 $0x400, s6;
	[tilespmem:s1+$0xFFFFFF90] =	vst v12;
	s1 =	smov.u32 s4  }
0x5e8: {  	s25 =	sadd.s32 $0x80, s25;
	v9 =	vld [tilespmem:s6+$0x0];
	[tilespmem:s4+$0xFFFFFFA0] =	vst v6;
	v2 =	vadd.f32 v7, v2  }
0x5e9: {  	p1 =	slt.u32 s25, $0x380;
	v7 =	vld [tilespmem:s6+$0xFFFFFF90];
	[tilespmem:s4+$0xFFFFFFB0] =	vst v1;
	v1 =	vadd.f32 v8, v3  }
0x5ea: {  	v6 =	vld [tilespmem:s30+$0xFFFFFFA0];
	[tilespmem:s4+$0xFFFFFFC0] =	vst v2;
	v2 =	vadd.f32 v10, v4  }
0x5eb: {  	v3 =	vld [tilespmem:s6+$0xFFFFFFA0];
	[tilespmem:s4+$0xFFFFFFD0] =	vst v1;
	v4 =	vadd.f32 v11, v5  }
0x5ec: {  	v1 =	vld [tilespmem:s30+$0xFFFFFFB0];
	[tilespmem:s4+$0xFFFFFFE0] =	vst v2  }
0x5ed: {  	v5 =	vld [tilespmem:s6+$0xFFFFFFB0];
	v8 =	vadd.f32 v9, v13;
	[tilespmem:s4+$0xFFFFFFF0] =	vst v4  }
0x5ee: {  	s7 =	sadd.s32 $0x400, s7;
	v2 =	vld [tilespmem:s30+$0xFFFFFFC0]  }
0x5ef: {  	s9 =	sadd.s32 $0x400, s9;
	v9 =	vld [tilespmem:s6+$0xFFFFFFC0];
	[tilespmem:s7+$0x0] =	vst v8  }
0x5f0: {  	v4 =	vadd.f32 v3, v6;
	v8 =	vld [tilespmem:s9+$0x0]  }
0x5f1: {  	v3 =	vld [tilespmem:s30+$0xFFFFFFD0]  }
0x5f2: {  	[tilespmem:s7+$0xFFFFFFA0] =	vst v4;
	v5 =	vadd.f32 v5, v1;
	v10 =	vld [tilespmem:s6+$0xFFFFFFD0]  }
0x5f3: {  	v4 =	vld [tilespmem:s30+$0xFFFFFFE0]  }
0x5f4: {  	[tilespmem:s7+$0xFFFFFFB0] =	vst v5;
	v9 =	vadd.f32 v9, v2;
	v11 =	vld [tilespmem:s6+$0xFFFFFFE0]  }
0x5f5: {  	v5 =	vld [tilespmem:s30+$0xFFFFFFF0];
	v8 =	vadd.f32 v8, v13  }
0x5f6: {  	s11 =	sadd.s32 $0x400, s11;
	[tilespmem:s7+$0xFFFFFFC0] =	vst v9;
	v9 =	vld [tilespmem:s6+$0xFFFFFFF0]  }
0x5f7: {  	s12 =	sadd.s32 $0x400, s12;
	v14 =	vld [tilespmem:s30+$0xFFFFFF90];
	v10 =	vadd.f32 v10, v3;
	[tilespmem:s11+$0x0] =	vst v8  }
0x5f8: {  	v8 =	vld [tilespmem:s12+$0x0]  }
0x5f9: {  	v12 =	vld [tilespmem:s9+$0xFFFFFFA0];
	[tilespmem:s7+$0xFFFFFFD0] =	vst v10;
	v10 =	vadd.f32 v11, v4  }
0x5fa: {  	v11 =	vld [tilespmem:s9+$0xFFFFFFB0]  }
0x5fb: {  	v15 =	vld [tilespmem:s9+$0xFFFFFFC0];
	[tilespmem:s7+$0xFFFFFFE0] =	vst v10;
	v9 =	vadd.f32 v9, v5  }
0x5fc: {  	v7 =	vadd.f32 v7, v14;
	v10 =	vld [tilespmem:s9+$0xFFFFFFD0]  }
0x5fd: {  	v16 =	vld [tilespmem:s9+$0xFFFFFFE0];
	[tilespmem:s7+$0xFFFFFFF0] =	vst v9;
	v8 =	vadd.f32 v8, v13  }
0x5fe: {  	s15 =	sadd.s32 $0x400, s15;
	[tilespmem:s7+$0xFFFFFF90] =	vst v7;
	v7 =	vadd.f32 v12, v6;
	v9 =	vld [tilespmem:s9+$0xFFFFFFF0]  }
0x5ff: {  	s8 =	sadd.s32 $0x400, s8;
	v12 =	vld [tilespmem:s9+$0xFFFFFF90];
	v11 =	vadd.f32 v11, v1;
	[tilespmem:s15+$0x0] =	vst v8  }
0x600: {  	[tilespmem:s11+$0xFFFFFFA0] =	vst v7;
	v7 =	vadd.f32 v15, v2;
	v8 =	vld [tilespmem:s8+$0x0]  }
0x601: {  	v15 =	vld [tilespmem:s12+$0xFFFFFFA0];
	[tilespmem:s11+$0xFFFFFFB0] =	vst v11;
	v10 =	vadd.f32 v10, v3  }
0x602: {  	v11 =	vld [tilespmem:s12+$0xFFFFFFB0];
	[tilespmem:s11+$0xFFFFFFC0] =	vst v7;
	v7 =	vadd.f32 v16, v4  }
0x603: {  	v16 =	vld [tilespmem:s12+$0xFFFFFFC0];
	[tilespmem:s11+$0xFFFFFFD0] =	vst v10;
	v9 =	vadd.f32 v9, v5  }
0x604: {  	v10 =	vadd.f32 v12, v14;
	v12 =	vld [tilespmem:s12+$0xFFFFFFD0];
	[tilespmem:s11+$0xFFFFFFE0] =	vst v7  }
0x605: {  	s28 =	simm.s32 $0x101F0;
	v7 =	vld [tilespmem:s12+$0xFFFFFFE0];
	[tilespmem:s11+$0xFFFFFFF0] =	vst v9;
	v8 =	vadd.f32 v8, v13  }
0x606: {  	s24 =	simm.s32 $0x121F0;
	s4 =	sadd.s32 $0x400, s4;
	[tilespmem:s11+$0xFFFFFF90] =	vst v10;
	v9 =	vadd.f32 v15, v6;
	v10 =	vld [tilespmem:s12+$0xFFFFFFF0]  }
0x607: {  	s2 =	simm.s32 $0x161F0;
	s23 =	simm.s32 $0x141F0;
	v13 =	vld [tilespmem:s12+$0xFFFFFF90];
	v11 =	vadd.f32 v11, v1;
	[tilespmem:s4+$0x0] =	vst v8  }
0x608: {  	[tilespmem:s15+$0xFFFFFFA0] =	vst v9;
	v8 =	vadd.f32 v16, v2;
	v15 =	vld [tilespmem:s29+$0xFFFFFF90];
	s29 =	smov.u32 s8  }
0x609: {  	v16 =	vld [tilespmem:s8+$0xFFFFFFA0];
	[tilespmem:s15+$0xFFFFFFB0] =	vst v11;
	v11 =	vadd.f32 v12, v3  }
.Ltmp12:
0x60a: {  	v9 =	vld [tilespmem:s8+$0xFFFFFFB0];
	[tilespmem:s15+$0xFFFFFFC0] =	vst v8;
	v12 =	vadd.f32 v7, v4;
	(pc) =	sbr.rel @p1 .LBB2_23-.Ltmp12, $4  }
0x60b: {  	v7 =	vld [tilespmem:s8+$0xFFFFFFC0];
	[tilespmem:s15+$0xFFFFFFD0] =	vst v11;
	v11 =	vadd.f32 v10, v5  }
0x60c: {  	v13 =	vadd.f32 v13, v14;
	v8 =	vld [tilespmem:s8+$0xFFFFFFD0];
	[tilespmem:s15+$0xFFFFFFE0] =	vst v12  }
0x60d: {  	v10 =	vld [tilespmem:s8+$0xFFFFFFE0];
	[tilespmem:s15+$0xFFFFFFF0] =	vst v11;
	v12 =	vadd.f32 v15, v0;
	v0 =	vmov v14  }
0x60e: {  	s30 =	sadd.s32 $0x400, s30;
	[tilespmem:s15+$0xFFFFFF90] =	vst v13;
	v6 =	vadd.f32 v16, v6;
	v11 =	vld [tilespmem:s8+$0xFFFFFFF0]  }
0x60f: {  	v1 =	vadd.f32 v9, v1;
	[tilespmem:s1+$0xFFFFFF90] =	vst v12;
	v9 =	vld [tilespmem:s29+$0xFFFFFF90]  }
0x610: {  	[tilespmem:s4+$0xFFFFFFA0] =	vst v6;
	v2 =	vadd.f32 v7, v2  }
0x611: {  	[tilespmem:s4+$0xFFFFFFB0] =	vst v1;
	v1 =	vadd.f32 v8, v3  }
0x612: {  	[tilespmem:s4+$0xFFFFFFC0] =	vst v2;
	v2 =	vadd.f32 v10, v4  }
0x613: {  	[tilespmem:s4+$0xFFFFFFD0] =	vst v1;
	v1 =	vadd.f32 v11, v5  }
0x614: {  	[tilespmem:s4+$0xFFFFFFE0] =	vst v2;
	v0 =	vadd.f32 v9, v0  }
0x615: {  	[tilespmem:s4+$0xFFFFFFF0] =	vst v1  }
0x616: {  	[tilespmem:s4+$0xFFFFFF90] =	vst v0  }
0x617: {  	v0 =	vld [tilespmem:s17+$0x0]  }
0x618: {  	v1 =	vld [tilespmem:s19+$0x0]  }
0x619: {  	v2 =	vld [tilespmem:s19+$0xFFFFFF90]  }
0x61a: {  	v3 =	vld [tilespmem:s17+$0xFFFFFFA0]  }
0x61b: {  	v4 =	vld [tilespmem:s19+$0xFFFFFFA0]  }
0x61c: {  	v5 =	vld [tilespmem:s17+$0xFFFFFFB0]  }
0x61d: {  	v6 =	vld [tilespmem:s19+$0xFFFFFFB0]  }
0x61e: {  	v7 =	vld [tilespmem:s17+$0xFFFFFFC0]  }
0x61f: {  	v8 =	vld [tilespmem:s19+$0xFFFFFFC0]  }
0x620: {  	v9 =	vld [tilespmem:s17+$0xFFFFFFD0]  }
0x621: {  	v10 =	vld [tilespmem:s19+$0xFFFFFFD0]  }
0x622: {  	v11 =	vld [tilespmem:s17+$0xFFFFFFE0]  }
0x623: {  	v12 =	vld [tilespmem:s19+$0xFFFFFFE0]  }
0x624: {  	s6 =	simm.s32 $0x25F0;
	v13 =	vld [tilespmem:s17+$0xFFFFFFF0]  }
0x625: {  	v19 =	vld [tilespmem:s6+$0xFFFFFF90];
	v1 =	vadd.f32 v1, v0  }
0x626: {  	v21 =	vld [tilespmem:s6+$0xFFFFFFA0]  }
0x627: {  	[tilespmem:s28+$0x0] =	vst v1;
	v1 =	vadd.f32 v4, v3;
	v4 =	vld [tilespmem:s19+$0xFFFFFFF0]  }
0x628: {  	v15 =	vadd.f32 v6, v5;
	v6 =	vld [tilespmem:s17+$0xFFFFFF90]  }
0x629: {  	v14 =	vld [tilespmem:s13+$0x0];
	[tilespmem:s28+$0xFFFFFFA0] =	vst v1;
	v1 =	vadd.f32 v8, v7  }
0x62a: {  	[tilespmem:s28+$0xFFFFFFB0] =	vst v15;
	v8 =	vadd.f32 v10, v9;
	v10 =	vld [tilespmem:s13+$0xFFFFFFA0]  }
0x62b: {  	[tilespmem:s28+$0xFFFFFFC0] =	vst v1;
	v1 =	vadd.f32 v12, v11;
	v12 =	vld [tilespmem:s13+$0xFFFFFFB0]  }
0x62c: {  	[tilespmem:s28+$0xFFFFFFD0] =	vst v8;
	v8 =	vld [tilespmem:s13+$0xFFFFFFC0];
	v4 =	vadd.f32 v4, v13  }
0x62d: {  	v2 =	vadd.f32 v2, v6;
	[tilespmem:s28+$0xFFFFFFE0] =	vst v1;
	v1 =	vld [tilespmem:s13+$0xFFFFFFD0]  }
0x62e: {  	v15 =	vld [tilespmem:s13+$0xFFFFFFE0];
	[tilespmem:s28+$0xFFFFFFF0] =	vst v4  }
0x62f: {  	[tilespmem:s28+$0xFFFFFF90] =	vst v2;
	v14 =	vadd.f32 v14, v0;
	s28 =	simm.s32 $0x1A5F0;
	v4 =	vadd.f32 v10, v3;
	v10 =	vld [tilespmem:s13+$0xFFFFFFF0]  }
0x630: {  	v18 =	vld [tilespmem:s28+$0x0]  }
0x631: {  	[tilespmem:s24+$0x0] =	vst v14;
	v20 =	vld [tilespmem:s28+$0xFFFFFFA0]  }
0x632: {  	v14 =	vld [tilespmem:s10+$0x0];
	v2 =	vadd.f32 v12, v5  }
0x633: {  	v12 =	vld [tilespmem:s13+$0xFFFFFF90];
	[tilespmem:s24+$0xFFFFFFA0] =	vst v4;
	v4 =	vadd.f32 v8, v7  }
0x634: {  	v8 =	vld [tilespmem:s10+$0xFFFFFFA0];
	[tilespmem:s24+$0xFFFFFFB0] =	vst v2;
	v1 =	vadd.f32 v1, v9  }
0x635: {  	v2 =	vld [tilespmem:s10+$0xFFFFFFB0];
	[tilespmem:s24+$0xFFFFFFC0] =	vst v4;
	v4 =	vadd.f32 v15, v11  }
0x636: {  	v15 =	vld [tilespmem:s10+$0xFFFFFFC0];
	[tilespmem:s24+$0xFFFFFFD0] =	vst v1;
	v1 =	vadd.f32 v10, v13  }
0x637: {  	v10 =	vadd.f32 v14, v0;
	v14 =	vld [tilespmem:s10+$0xFFFFFFD0];
	[tilespmem:s24+$0xFFFFFFE0] =	vst v4  }
0x638: {  	v4 =	vadd.f32 v12, v6;
	v12 =	vld [tilespmem:s10+$0xFFFFFFE0];
	[tilespmem:s24+$0xFFFFFFF0] =	vst v1  }
0x639: {  	[tilespmem:s23+$0x0] =	vst v10;
	v1 =	vadd.f32 v8, v3;
	v8 =	vld [tilespmem:s10+$0xFFFFFFF0]  }
0x63a: {  	[tilespmem:s24+$0xFFFFFF90] =	vst v4;
	v10 =	vld [tilespmem:s3+$0x0];
	v2 =	vadd.f32 v2, v5  }
0x63b: {  	v4 =	vld [tilespmem:s10+$0xFFFFFF90];
	[tilespmem:s23+$0xFFFFFFA0] =	vst v1;
	v1 =	vadd.f32 v15, v7  }
0x63c: {  	v15 =	vld [tilespmem:s3+$0xFFFFFFA0];
	[tilespmem:s23+$0xFFFFFFB0] =	vst v2;
	v2 =	vadd.f32 v14, v9  }
0x63d: {  	v14 =	vld [tilespmem:s3+$0xFFFFFFB0];
	[tilespmem:s23+$0xFFFFFFC0] =	vst v1  }
0x63e: {  	v1 =	vadd.f32 v12, v11;
	v12 =	vld [tilespmem:s3+$0xFFFFFFC0];
	[tilespmem:s23+$0xFFFFFFD0] =	vst v2  }
0x63f: {  	v2 =	vadd.f32 v8, v13;
	v8 =	vld [tilespmem:s3+$0xFFFFFFD0]  }
0x640: {  	[tilespmem:s23+$0xFFFFFFE0] =	vst v1;
	v1 =	vld [tilespmem:s28+$0xFFFFFFB0]  }
0x641: {  	[tilespmem:s23+$0xFFFFFFF0] =	vst v2;
	v2 =	vld [tilespmem:s6+$0x0]  }
0x642: {  	v0 =	vadd.f32 v10, v0;
	v10 =	vld [tilespmem:s6+$0xFFFFFFB0]  }
0x643: {  	v16 =	vld [tilespmem:s3+$0xFFFFFFE0]  }
0x644: {  	v17 =	vld [tilespmem:s3+$0xFFFFFFF0];
	v3 =	vadd.f32 v15, v3  }
0x645: {  	[tilespmem:s2+$0x0] =	vst v0;
	v0 =	vadd.f32 v4, v6;
	v15 =	vld [tilespmem:s6+$0xFFFFFFC0]  }
0x646: {  	[tilespmem:s2+$0xFFFFFFA0] =	vst v3;
	v3 =	vld [tilespmem:s28+$0xFFFFFFD0];
	v22 =	vadd.f32 v2, v18  }
0x647: {  	s7 =	simm.s32 $0x105F0;
	[tilespmem:s23+$0xFFFFFF90] =	vst v0;
	v0 =	vadd.f32 v14, v5;
	v4 =	vadd.f32 v12, v7;
	v7 =	vld [tilespmem:s6+$0xFFFFFFD0]  }
0x648: {  	s9 =	simm.s32 $0x65F0;
	v12 =	vld [tilespmem:s6+$0xFFFFFFF0];
	[tilespmem:s7+$0x0] =	vst v22  }
0x649: {  	v10 =	vadd.f32 v10, v1;
	[tilespmem:s2+$0xFFFFFFB0] =	vst v0;
	v14 =	vld [tilespmem:s9+$0x0]  }
0x64a: {  	v2 =	vld [tilespmem:s28+$0xFFFFFFC0];
	v0 =	vadd.f32 v8, v9;
	[tilespmem:s2+$0xFFFFFFC0] =	vst v4  }
0x64b: {  	v5 =	vadd.f32 v16, v11;
	v4 =	vld [tilespmem:s28+$0xFFFFFFE0];
	[tilespmem:s7+$0xFFFFFFB0] =	vst v10  }
0x64c: {  	v8 =	vld [tilespmem:s6+$0xFFFFFFE0];
	[tilespmem:s2+$0xFFFFFFD0] =	vst v0;
	v0 =	vadd.f32 v17, v13  }
0x64d: {  	v11 =	vadd.f32 v21, v20;
	[tilespmem:s2+$0xFFFFFFE0] =	vst v5;
	v5 =	vld [tilespmem:s28+$0xFFFFFFF0]  }
0x64e: {  	[tilespmem:s2+$0xFFFFFFF0] =	vst v0;
	v0 =	vld [tilespmem:s28+$0xFFFFFF90];
	v9 =	vadd.f32 v14, v18  }
0x64f: {  	s11 =	simm.s32 $0x125F0;
	[tilespmem:s7+$0xFFFFFFA0] =	vst v11;
	v7 =	vadd.f32 v7, v3  }
0x650: {  	s12 =	simm.s32 $0xA5F0;
	v10 =	vld [tilespmem:s9+$0xFFFFFFA0];
	[tilespmem:s11+$0x0] =	vst v9;
	v9 =	vadd.f32 v15, v2  }
0x651: {  	v8 =	vadd.f32 v8, v4;
	[tilespmem:s7+$0xFFFFFFD0] =	vst v7;
	v11 =	vld [tilespmem:s12+$0x0]  }
0x652: {  	v12 =	vadd.f32 v12, v5;
	[tilespmem:s7+$0xFFFFFFC0] =	vst v9;
	v9 =	vld [tilespmem:s9+$0xFFFFFFB0]  }
0x653: {  	[tilespmem:s7+$0xFFFFFFE0] =	vst v8;
	v8 =	vadd.f32 v19, v0;
	v7 =	vld [tilespmem:s9+$0xFFFFFFC0]  }
0x654: {  	v13 =	vld [tilespmem:s9+$0xFFFFFFD0];
	[tilespmem:s7+$0xFFFFFFF0] =	vst v12  }
0x655: {  	v14 =	vld [tilespmem:s9+$0xFFFFFFE0];
	[tilespmem:s7+$0xFFFFFF90] =	vst v8;
	v8 =	vadd.f32 v10, v20  }
0x656: {  	v10 =	vld [tilespmem:s9+$0xFFFFFFF0];
	v11 =	vadd.f32 v11, v18  }
0x657: {  	s15 =	simm.s32 $0x145F0;
	v12 =	vld [tilespmem:s9+$0xFFFFFF90];
	[tilespmem:s11+$0xFFFFFFA0] =	vst v8;
	v9 =	vadd.f32 v9, v1  }
0x658: {  	s8 =	simm.s32 $0xE5F0;
	[tilespmem:s15+$0x0] =	vst v11;
	v7 =	vadd.f32 v7, v2;
	v11 =	vld [tilespmem:s12+$0xFFFFFFA0]  }
0x659: {  	v8 =	vld [tilespmem:s8+$0x0];
	[tilespmem:s11+$0xFFFFFFB0] =	vst v9;
	v9 =	vadd.f32 v13, v3  }
0x65a: {  	v13 =	vld [tilespmem:s12+$0xFFFFFFB0];
	[tilespmem:s11+$0xFFFFFFC0] =	vst v7;
	v7 =	vadd.f32 v14, v4  }
0x65b: {  	v14 =	vld [tilespmem:s12+$0xFFFFFFC0];
	[tilespmem:s11+$0xFFFFFFD0] =	vst v9;
	v9 =	vadd.f32 v10, v5  }
0x65c: {  	v10 =	vadd.f32 v12, v0;
	v12 =	vld [tilespmem:s12+$0xFFFFFFD0];
	[tilespmem:s11+$0xFFFFFFE0] =	vst v7  }
0x65d: {  	v7 =	vld [tilespmem:s12+$0xFFFFFFE0];
	[tilespmem:s11+$0xFFFFFFF0] =	vst v9;
	v9 =	vadd.f32 v11, v20  }
0x65e: {  	[tilespmem:s11+$0xFFFFFF90] =	vst v10;
	v8 =	vadd.f32 v8, v18;
	v10 =	vld [tilespmem:s12+$0xFFFFFFF0]  }
0x65f: {  	s19 =	simm.s32 $0x165F0;
	v11 =	vld [tilespmem:s12+$0xFFFFFF90];
	v13 =	vadd.f32 v13, v1;
	[tilespmem:s15+$0xFFFFFFA0] =	vst v9  }
0x660: {  	[tilespmem:s19+$0x0] =	vst v8;
	v8 =	vadd.f32 v14, v2;
	v14 =	vld [tilespmem:s3+$0xFFFFFF90]  }
0x661: {  	v15 =	vld [tilespmem:s8+$0xFFFFFFA0];
	[tilespmem:s15+$0xFFFFFFB0] =	vst v13;
	v12 =	vadd.f32 v12, v3  }
0x662: {  	v9 =	vld [tilespmem:s8+$0xFFFFFFB0];
	[tilespmem:s15+$0xFFFFFFC0] =	vst v8;
	v13 =	vadd.f32 v7, v4  }
0x663: {  	v7 =	vld [tilespmem:s8+$0xFFFFFFC0];
	[tilespmem:s15+$0xFFFFFFD0] =	vst v12;
	v12 =	vadd.f32 v10, v5  }
0x664: {  	s25 =	simm.s32 $0x80;
	s30 =	simm.s32 $0x1A9F0;
	v11 =	vadd.f32 v11, v0;
	v8 =	vld [tilespmem:s8+$0xFFFFFFD0];
	[tilespmem:s15+$0xFFFFFFE0] =	vst v13  }
0x665: {  	s29 =	simm.s32 $0xE5F0;
	s4 =	simm.s32 $0x2270;
	s17 =	simm.s32 $0x1A270;
	v10 =	vld [tilespmem:s8+$0xFFFFFFE0];
	[tilespmem:s15+$0xFFFFFFF0] =	vst v12;
	v12 =	vadd.f32 v14, v6  }
0x666: {  	s13 =	simm.s32 $0x6270;
	s10 =	simm.s32 $0xA270;
	s3 =	simm.s32 $0xE270;
	[tilespmem:s15+$0xFFFFFF90] =	vst v11;
	v6 =	vadd.f32 v15, v20;
	v11 =	vld [tilespmem:s8+$0xFFFFFFF0]  }
.LBB2_25:
0x667: {  	v13 =	vld [tilespmem:s30+$0x0];
	v1 =	vadd.f32 v9, v1;
	s6 =	sadd.s32 $0x400, s6;
	[tilespmem:s2+$0xFFFFFF90] =	vst v12;
	s2 =	smov.u32 s19  }
0x668: {  	s25 =	sadd.s32 $0x80, s25;
	v9 =	vld [tilespmem:s6+$0x0];
	[tilespmem:s19+$0xFFFFFFA0] =	vst v6;
	v2 =	vadd.f32 v7, v2  }
0x669: {  	p1 =	slt.u32 s25, $0x380;
	v7 =	vld [tilespmem:s6+$0xFFFFFF90];
	[tilespmem:s19+$0xFFFFFFB0] =	vst v1;
	v1 =	vadd.f32 v8, v3  }
0x66a: {  	v6 =	vld [tilespmem:s30+$0xFFFFFFA0];
	[tilespmem:s19+$0xFFFFFFC0] =	vst v2;
	v2 =	vadd.f32 v10, v4  }
0x66b: {  	v3 =	vld [tilespmem:s6+$0xFFFFFFA0];
	[tilespmem:s19+$0xFFFFFFD0] =	vst v1;
	v4 =	vadd.f32 v11, v5  }
0x66c: {  	v1 =	vld [tilespmem:s30+$0xFFFFFFB0];
	[tilespmem:s19+$0xFFFFFFE0] =	vst v2  }
0x66d: {  	v5 =	vld [tilespmem:s6+$0xFFFFFFB0];
	v8 =	vadd.f32 v9, v13;
	[tilespmem:s19+$0xFFFFFFF0] =	vst v4  }
0x66e: {  	s7 =	sadd.s32 $0x400, s7;
	v2 =	vld [tilespmem:s30+$0xFFFFFFC0]  }
0x66f: {  	s9 =	sadd.s32 $0x400, s9;
	v9 =	vld [tilespmem:s6+$0xFFFFFFC0];
	[tilespmem:s7+$0x0] =	vst v8  }
0x670: {  	v4 =	vadd.f32 v3, v6;
	v8 =	vld [tilespmem:s9+$0x0]  }
0x671: {  	v3 =	vld [tilespmem:s30+$0xFFFFFFD0]  }
0x672: {  	[tilespmem:s7+$0xFFFFFFA0] =	vst v4;
	v5 =	vadd.f32 v5, v1;
	v10 =	vld [tilespmem:s6+$0xFFFFFFD0]  }
0x673: {  	v4 =	vld [tilespmem:s30+$0xFFFFFFE0]  }
0x674: {  	[tilespmem:s7+$0xFFFFFFB0] =	vst v5;
	v9 =	vadd.f32 v9, v2;
	v11 =	vld [tilespmem:s6+$0xFFFFFFE0]  }
0x675: {  	v5 =	vld [tilespmem:s30+$0xFFFFFFF0];
	v8 =	vadd.f32 v8, v13  }
0x676: {  	s11 =	sadd.s32 $0x400, s11;
	[tilespmem:s7+$0xFFFFFFC0] =	vst v9;
	v9 =	vld [tilespmem:s6+$0xFFFFFFF0]  }
0x677: {  	s12 =	sadd.s32 $0x400, s12;
	v14 =	vld [tilespmem:s30+$0xFFFFFF90];
	v10 =	vadd.f32 v10, v3;
	[tilespmem:s11+$0x0] =	vst v8  }
0x678: {  	v8 =	vld [tilespmem:s12+$0x0]  }
0x679: {  	v12 =	vld [tilespmem:s9+$0xFFFFFFA0];
	[tilespmem:s7+$0xFFFFFFD0] =	vst v10;
	v10 =	vadd.f32 v11, v4  }
0x67a: {  	v11 =	vld [tilespmem:s9+$0xFFFFFFB0]  }
0x67b: {  	v15 =	vld [tilespmem:s9+$0xFFFFFFC0];
	[tilespmem:s7+$0xFFFFFFE0] =	vst v10;
	v9 =	vadd.f32 v9, v5  }
0x67c: {  	v7 =	vadd.f32 v7, v14;
	v10 =	vld [tilespmem:s9+$0xFFFFFFD0]  }
0x67d: {  	v16 =	vld [tilespmem:s9+$0xFFFFFFE0];
	[tilespmem:s7+$0xFFFFFFF0] =	vst v9;
	v8 =	vadd.f32 v8, v13  }
0x67e: {  	s15 =	sadd.s32 $0x400, s15;
	[tilespmem:s7+$0xFFFFFF90] =	vst v7;
	v7 =	vadd.f32 v12, v6;
	v9 =	vld [tilespmem:s9+$0xFFFFFFF0]  }
0x67f: {  	s8 =	sadd.s32 $0x400, s8;
	v12 =	vld [tilespmem:s9+$0xFFFFFF90];
	v11 =	vadd.f32 v11, v1;
	[tilespmem:s15+$0x0] =	vst v8  }
0x680: {  	[tilespmem:s11+$0xFFFFFFA0] =	vst v7;
	v7 =	vadd.f32 v15, v2;
	v8 =	vld [tilespmem:s8+$0x0]  }
0x681: {  	v15 =	vld [tilespmem:s12+$0xFFFFFFA0];
	[tilespmem:s11+$0xFFFFFFB0] =	vst v11;
	v10 =	vadd.f32 v10, v3  }
0x682: {  	v11 =	vld [tilespmem:s12+$0xFFFFFFB0];
	[tilespmem:s11+$0xFFFFFFC0] =	vst v7;
	v7 =	vadd.f32 v16, v4  }
0x683: {  	v16 =	vld [tilespmem:s12+$0xFFFFFFC0];
	[tilespmem:s11+$0xFFFFFFD0] =	vst v10;
	v9 =	vadd.f32 v9, v5  }
0x684: {  	v10 =	vadd.f32 v12, v14;
	v12 =	vld [tilespmem:s12+$0xFFFFFFD0];
	[tilespmem:s11+$0xFFFFFFE0] =	vst v7  }
0x685: {  	s24 =	simm.s32 $0x12270;
	s28 =	simm.s32 $0x10270;
	v7 =	vld [tilespmem:s12+$0xFFFFFFE0];
	[tilespmem:s11+$0xFFFFFFF0] =	vst v9;
	v8 =	vadd.f32 v8, v13  }
0x686: {  	s23 =	simm.s32 $0x14270;
	s19 =	sadd.s32 $0x400, s19;
	[tilespmem:s11+$0xFFFFFF90] =	vst v10;
	v9 =	vadd.f32 v15, v6;
	v10 =	vld [tilespmem:s12+$0xFFFFFFF0]  }
0x687: {  	s1 =	simm.s32 $0x16270;
	v13 =	vld [tilespmem:s12+$0xFFFFFF90];
	v11 =	vadd.f32 v11, v1;
	[tilespmem:s19+$0x0] =	vst v8  }
0x688: {  	[tilespmem:s15+$0xFFFFFFA0] =	vst v9;
	v8 =	vadd.f32 v16, v2;
	v15 =	vld [tilespmem:s29+$0xFFFFFF90];
	s29 =	smov.u32 s8  }
0x689: {  	v16 =	vld [tilespmem:s8+$0xFFFFFFA0];
	[tilespmem:s15+$0xFFFFFFB0] =	vst v11;
	v11 =	vadd.f32 v12, v3  }
.Ltmp13:
0x68a: {  	v9 =	vld [tilespmem:s8+$0xFFFFFFB0];
	[tilespmem:s15+$0xFFFFFFC0] =	vst v8;
	v12 =	vadd.f32 v7, v4;
	(pc) =	sbr.rel @p1 .LBB2_25-.Ltmp13, $4  }
0x68b: {  	v7 =	vld [tilespmem:s8+$0xFFFFFFC0];
	[tilespmem:s15+$0xFFFFFFD0] =	vst v11;
	v11 =	vadd.f32 v10, v5  }
0x68c: {  	v13 =	vadd.f32 v13, v14;
	v8 =	vld [tilespmem:s8+$0xFFFFFFD0];
	[tilespmem:s15+$0xFFFFFFE0] =	vst v12  }
0x68d: {  	v10 =	vld [tilespmem:s8+$0xFFFFFFE0];
	[tilespmem:s15+$0xFFFFFFF0] =	vst v11;
	v12 =	vadd.f32 v15, v0;
	v0 =	vmov v14  }
0x68e: {  	s30 =	sadd.s32 $0x400, s30;
	[tilespmem:s15+$0xFFFFFF90] =	vst v13;
	v6 =	vadd.f32 v16, v6;
	v11 =	vld [tilespmem:s8+$0xFFFFFFF0]  }
0x68f: {  	v1 =	vadd.f32 v9, v1;
	[tilespmem:s2+$0xFFFFFF90] =	vst v12;
	v9 =	vld [tilespmem:s29+$0xFFFFFF90]  }
0x690: {  	[tilespmem:s19+$0xFFFFFFA0] =	vst v6;
	v2 =	vadd.f32 v7, v2  }
0x691: {  	[tilespmem:s19+$0xFFFFFFB0] =	vst v1;
	v1 =	vadd.f32 v8, v3  }
0x692: {  	[tilespmem:s19+$0xFFFFFFC0] =	vst v2;
	v2 =	vadd.f32 v10, v4  }
0x693: {  	[tilespmem:s19+$0xFFFFFFD0] =	vst v1;
	v1 =	vadd.f32 v11, v5  }
0x694: {  	[tilespmem:s19+$0xFFFFFFE0] =	vst v2;
	v0 =	vadd.f32 v9, v0  }
0x695: {  	[tilespmem:s19+$0xFFFFFFF0] =	vst v1  }
0x696: {  	[tilespmem:s19+$0xFFFFFF90] =	vst v0  }
0x697: {  	v0 =	vld [tilespmem:s17+$0x0]  }
0x698: {  	v1 =	vld [tilespmem:s4+$0x0]  }
0x699: {  	v2 =	vld [tilespmem:s4+$0xFFFFFF90]  }
0x69a: {  	v3 =	vld [tilespmem:s17+$0xFFFFFFA0]  }
0x69b: {  	v4 =	vld [tilespmem:s4+$0xFFFFFFA0]  }
0x69c: {  	v5 =	vld [tilespmem:s17+$0xFFFFFFB0]  }
0x69d: {  	v6 =	vld [tilespmem:s4+$0xFFFFFFB0]  }
0x69e: {  	v7 =	vld [tilespmem:s17+$0xFFFFFFC0]  }
0x69f: {  	v8 =	vld [tilespmem:s4+$0xFFFFFFC0]  }
0x6a0: {  	v9 =	vld [tilespmem:s17+$0xFFFFFFD0]  }
0x6a1: {  	v10 =	vld [tilespmem:s4+$0xFFFFFFD0]  }
0x6a2: {  	v11 =	vld [tilespmem:s17+$0xFFFFFFE0]  }
0x6a3: {  	v12 =	vld [tilespmem:s4+$0xFFFFFFE0]  }
0x6a4: {  	s6 =	simm.s32 $0x2670;
	v13 =	vld [tilespmem:s17+$0xFFFFFFF0]  }
0x6a5: {  	v19 =	vld [tilespmem:s6+$0xFFFFFF90];
	v1 =	vadd.f32 v1, v0  }
0x6a6: {  	v21 =	vld [tilespmem:s6+$0xFFFFFFA0]  }
0x6a7: {  	[tilespmem:s28+$0x0] =	vst v1;
	v1 =	vadd.f32 v4, v3;
	v4 =	vld [tilespmem:s4+$0xFFFFFFF0]  }
0x6a8: {  	v15 =	vadd.f32 v6, v5;
	v6 =	vld [tilespmem:s17+$0xFFFFFF90]  }
0x6a9: {  	v14 =	vld [tilespmem:s13+$0x0];
	[tilespmem:s28+$0xFFFFFFA0] =	vst v1;
	v1 =	vadd.f32 v8, v7  }
0x6aa: {  	[tilespmem:s28+$0xFFFFFFB0] =	vst v15;
	v8 =	vadd.f32 v10, v9;
	v10 =	vld [tilespmem:s13+$0xFFFFFFA0]  }
0x6ab: {  	[tilespmem:s28+$0xFFFFFFC0] =	vst v1;
	v1 =	vadd.f32 v12, v11;
	v12 =	vld [tilespmem:s13+$0xFFFFFFB0]  }
0x6ac: {  	[tilespmem:s28+$0xFFFFFFD0] =	vst v8;
	v8 =	vld [tilespmem:s13+$0xFFFFFFC0];
	v4 =	vadd.f32 v4, v13  }
0x6ad: {  	v2 =	vadd.f32 v2, v6;
	[tilespmem:s28+$0xFFFFFFE0] =	vst v1;
	v1 =	vld [tilespmem:s13+$0xFFFFFFD0]  }
0x6ae: {  	v15 =	vld [tilespmem:s13+$0xFFFFFFE0];
	[tilespmem:s28+$0xFFFFFFF0] =	vst v4  }
0x6af: {  	[tilespmem:s28+$0xFFFFFF90] =	vst v2;
	v14 =	vadd.f32 v14, v0;
	s28 =	simm.s32 $0x1A670;
	v4 =	vadd.f32 v10, v3;
	v10 =	vld [tilespmem:s13+$0xFFFFFFF0]  }
0x6b0: {  	v18 =	vld [tilespmem:s28+$0x0]  }
0x6b1: {  	[tilespmem:s24+$0x0] =	vst v14;
	v20 =	vld [tilespmem:s28+$0xFFFFFFA0]  }
0x6b2: {  	v14 =	vld [tilespmem:s10+$0x0];
	v2 =	vadd.f32 v12, v5  }
0x6b3: {  	v12 =	vld [tilespmem:s13+$0xFFFFFF90];
	[tilespmem:s24+$0xFFFFFFA0] =	vst v4;
	v4 =	vadd.f32 v8, v7  }
0x6b4: {  	v8 =	vld [tilespmem:s10+$0xFFFFFFA0];
	[tilespmem:s24+$0xFFFFFFB0] =	vst v2;
	v1 =	vadd.f32 v1, v9  }
0x6b5: {  	v2 =	vld [tilespmem:s10+$0xFFFFFFB0];
	[tilespmem:s24+$0xFFFFFFC0] =	vst v4;
	v4 =	vadd.f32 v15, v11  }
0x6b6: {  	v15 =	vld [tilespmem:s10+$0xFFFFFFC0];
	[tilespmem:s24+$0xFFFFFFD0] =	vst v1;
	v1 =	vadd.f32 v10, v13  }
0x6b7: {  	v10 =	vadd.f32 v14, v0;
	v14 =	vld [tilespmem:s10+$0xFFFFFFD0];
	[tilespmem:s24+$0xFFFFFFE0] =	vst v4  }
0x6b8: {  	v4 =	vadd.f32 v12, v6;
	v12 =	vld [tilespmem:s10+$0xFFFFFFE0];
	[tilespmem:s24+$0xFFFFFFF0] =	vst v1  }
0x6b9: {  	[tilespmem:s23+$0x0] =	vst v10;
	v1 =	vadd.f32 v8, v3;
	v8 =	vld [tilespmem:s10+$0xFFFFFFF0]  }
0x6ba: {  	[tilespmem:s24+$0xFFFFFF90] =	vst v4;
	v10 =	vld [tilespmem:s3+$0x0];
	v2 =	vadd.f32 v2, v5  }
0x6bb: {  	v4 =	vld [tilespmem:s10+$0xFFFFFF90];
	[tilespmem:s23+$0xFFFFFFA0] =	vst v1;
	v1 =	vadd.f32 v15, v7  }
0x6bc: {  	v15 =	vld [tilespmem:s3+$0xFFFFFFA0];
	[tilespmem:s23+$0xFFFFFFB0] =	vst v2;
	v2 =	vadd.f32 v14, v9  }
0x6bd: {  	v14 =	vld [tilespmem:s3+$0xFFFFFFB0];
	[tilespmem:s23+$0xFFFFFFC0] =	vst v1  }
0x6be: {  	v1 =	vadd.f32 v12, v11;
	v12 =	vld [tilespmem:s3+$0xFFFFFFC0];
	[tilespmem:s23+$0xFFFFFFD0] =	vst v2  }
0x6bf: {  	v2 =	vadd.f32 v8, v13;
	v8 =	vld [tilespmem:s3+$0xFFFFFFD0]  }
0x6c0: {  	[tilespmem:s23+$0xFFFFFFE0] =	vst v1;
	v1 =	vld [tilespmem:s28+$0xFFFFFFB0]  }
0x6c1: {  	[tilespmem:s23+$0xFFFFFFF0] =	vst v2;
	v2 =	vld [tilespmem:s6+$0x0]  }
0x6c2: {  	v0 =	vadd.f32 v10, v0;
	v10 =	vld [tilespmem:s6+$0xFFFFFFB0]  }
0x6c3: {  	v16 =	vld [tilespmem:s3+$0xFFFFFFE0]  }
0x6c4: {  	v17 =	vld [tilespmem:s3+$0xFFFFFFF0];
	v3 =	vadd.f32 v15, v3  }
0x6c5: {  	[tilespmem:s1+$0x0] =	vst v0;
	v0 =	vadd.f32 v4, v6;
	v15 =	vld [tilespmem:s6+$0xFFFFFFC0]  }
0x6c6: {  	[tilespmem:s1+$0xFFFFFFA0] =	vst v3;
	v3 =	vld [tilespmem:s28+$0xFFFFFFD0];
	v22 =	vadd.f32 v2, v18  }
0x6c7: {  	s7 =	simm.s32 $0x10670;
	[tilespmem:s23+$0xFFFFFF90] =	vst v0;
	v0 =	vadd.f32 v14, v5;
	v4 =	vadd.f32 v12, v7;
	v7 =	vld [tilespmem:s6+$0xFFFFFFD0]  }
0x6c8: {  	s9 =	simm.s32 $0x6670;
	v12 =	vld [tilespmem:s6+$0xFFFFFFF0];
	[tilespmem:s7+$0x0] =	vst v22  }
0x6c9: {  	v10 =	vadd.f32 v10, v1;
	[tilespmem:s1+$0xFFFFFFB0] =	vst v0;
	v14 =	vld [tilespmem:s9+$0x0]  }
0x6ca: {  	v2 =	vld [tilespmem:s28+$0xFFFFFFC0];
	v0 =	vadd.f32 v8, v9;
	[tilespmem:s1+$0xFFFFFFC0] =	vst v4  }
0x6cb: {  	v5 =	vadd.f32 v16, v11;
	v4 =	vld [tilespmem:s28+$0xFFFFFFE0];
	[tilespmem:s7+$0xFFFFFFB0] =	vst v10  }
0x6cc: {  	v8 =	vld [tilespmem:s6+$0xFFFFFFE0];
	[tilespmem:s1+$0xFFFFFFD0] =	vst v0;
	v0 =	vadd.f32 v17, v13  }
0x6cd: {  	v11 =	vadd.f32 v21, v20;
	[tilespmem:s1+$0xFFFFFFE0] =	vst v5;
	v5 =	vld [tilespmem:s28+$0xFFFFFFF0]  }
0x6ce: {  	[tilespmem:s1+$0xFFFFFFF0] =	vst v0;
	v0 =	vld [tilespmem:s28+$0xFFFFFF90];
	v9 =	vadd.f32 v14, v18  }
0x6cf: {  	s11 =	simm.s32 $0x12670;
	[tilespmem:s7+$0xFFFFFFA0] =	vst v11;
	v7 =	vadd.f32 v7, v3  }
0x6d0: {  	s12 =	simm.s32 $0xA670;
	v10 =	vld [tilespmem:s9+$0xFFFFFFA0];
	[tilespmem:s11+$0x0] =	vst v9;
	v9 =	vadd.f32 v15, v2  }
0x6d1: {  	v8 =	vadd.f32 v8, v4;
	[tilespmem:s7+$0xFFFFFFD0] =	vst v7;
	v11 =	vld [tilespmem:s12+$0x0]  }
0x6d2: {  	v12 =	vadd.f32 v12, v5;
	[tilespmem:s7+$0xFFFFFFC0] =	vst v9;
	v9 =	vld [tilespmem:s9+$0xFFFFFFB0]  }
0x6d3: {  	[tilespmem:s7+$0xFFFFFFE0] =	vst v8;
	v8 =	vadd.f32 v19, v0;
	v7 =	vld [tilespmem:s9+$0xFFFFFFC0]  }
0x6d4: {  	v13 =	vld [tilespmem:s9+$0xFFFFFFD0];
	[tilespmem:s7+$0xFFFFFFF0] =	vst v12  }
0x6d5: {  	v14 =	vld [tilespmem:s9+$0xFFFFFFE0];
	[tilespmem:s7+$0xFFFFFF90] =	vst v8;
	v8 =	vadd.f32 v10, v20  }
0x6d6: {  	v10 =	vld [tilespmem:s9+$0xFFFFFFF0];
	v11 =	vadd.f32 v11, v18  }
0x6d7: {  	s15 =	simm.s32 $0x14670;
	v12 =	vld [tilespmem:s9+$0xFFFFFF90];
	[tilespmem:s11+$0xFFFFFFA0] =	vst v8;
	v9 =	vadd.f32 v9, v1  }
0x6d8: {  	s8 =	simm.s32 $0xE670;
	[tilespmem:s15+$0x0] =	vst v11;
	v7 =	vadd.f32 v7, v2;
	v11 =	vld [tilespmem:s12+$0xFFFFFFA0]  }
0x6d9: {  	v8 =	vld [tilespmem:s8+$0x0];
	[tilespmem:s11+$0xFFFFFFB0] =	vst v9;
	v9 =	vadd.f32 v13, v3  }
0x6da: {  	v13 =	vld [tilespmem:s12+$0xFFFFFFB0];
	[tilespmem:s11+$0xFFFFFFC0] =	vst v7;
	v7 =	vadd.f32 v14, v4  }
0x6db: {  	v14 =	vld [tilespmem:s12+$0xFFFFFFC0];
	[tilespmem:s11+$0xFFFFFFD0] =	vst v9;
	v9 =	vadd.f32 v10, v5  }
0x6dc: {  	v10 =	vadd.f32 v12, v0;
	v12 =	vld [tilespmem:s12+$0xFFFFFFD0];
	[tilespmem:s11+$0xFFFFFFE0] =	vst v7  }
0x6dd: {  	v7 =	vld [tilespmem:s12+$0xFFFFFFE0];
	[tilespmem:s11+$0xFFFFFFF0] =	vst v9;
	v9 =	vadd.f32 v11, v20  }
0x6de: {  	[tilespmem:s11+$0xFFFFFF90] =	vst v10;
	v8 =	vadd.f32 v8, v18;
	v10 =	vld [tilespmem:s12+$0xFFFFFFF0]  }
0x6df: {  	s4 =	simm.s32 $0x16670;
	v11 =	vld [tilespmem:s12+$0xFFFFFF90];
	v13 =	vadd.f32 v13, v1;
	[tilespmem:s15+$0xFFFFFFA0] =	vst v9  }
0x6e0: {  	[tilespmem:s4+$0x0] =	vst v8;
	v8 =	vadd.f32 v14, v2;
	v14 =	vld [tilespmem:s3+$0xFFFFFF90]  }
0x6e1: {  	v15 =	vld [tilespmem:s8+$0xFFFFFFA0];
	[tilespmem:s15+$0xFFFFFFB0] =	vst v13;
	v12 =	vadd.f32 v12, v3  }
0x6e2: {  	v9 =	vld [tilespmem:s8+$0xFFFFFFB0];
	[tilespmem:s15+$0xFFFFFFC0] =	vst v8;
	v13 =	vadd.f32 v7, v4  }
0x6e3: {  	v7 =	vld [tilespmem:s8+$0xFFFFFFC0];
	[tilespmem:s15+$0xFFFFFFD0] =	vst v12;
	v12 =	vadd.f32 v10, v5  }
0x6e4: {  	s25 =	simm.s32 $0x80;
	s30 =	simm.s32 $0x1AA70;
	v11 =	vadd.f32 v11, v0;
	v8 =	vld [tilespmem:s8+$0xFFFFFFD0];
	[tilespmem:s15+$0xFFFFFFE0] =	vst v13  }
0x6e5: {  	s29 =	simm.s32 $0xE670;
	s19 =	simm.s32 $0x22F0;
	s17 =	simm.s32 $0x1A2F0;
	v10 =	vld [tilespmem:s8+$0xFFFFFFE0];
	[tilespmem:s15+$0xFFFFFFF0] =	vst v12;
	v12 =	vadd.f32 v14, v6  }
0x6e6: {  	s13 =	simm.s32 $0x62F0;
	s10 =	simm.s32 $0xA2F0;
	s3 =	simm.s32 $0xE2F0;
	[tilespmem:s15+$0xFFFFFF90] =	vst v11;
	v6 =	vadd.f32 v15, v20;
	v11 =	vld [tilespmem:s8+$0xFFFFFFF0]  }
.LBB2_27:
0x6e7: {  	v13 =	vld [tilespmem:s30+$0x0];
	v1 =	vadd.f32 v9, v1;
	s6 =	sadd.s32 $0x400, s6;
	[tilespmem:s1+$0xFFFFFF90] =	vst v12;
	s1 =	smov.u32 s4  }
0x6e8: {  	s25 =	sadd.s32 $0x80, s25;
	v9 =	vld [tilespmem:s6+$0x0];
	[tilespmem:s4+$0xFFFFFFA0] =	vst v6;
	v2 =	vadd.f32 v7, v2  }
0x6e9: {  	p1 =	slt.u32 s25, $0x380;
	v7 =	vld [tilespmem:s6+$0xFFFFFF90];
	[tilespmem:s4+$0xFFFFFFB0] =	vst v1;
	v1 =	vadd.f32 v8, v3  }
0x6ea: {  	v6 =	vld [tilespmem:s30+$0xFFFFFFA0];
	[tilespmem:s4+$0xFFFFFFC0] =	vst v2;
	v2 =	vadd.f32 v10, v4  }
0x6eb: {  	v3 =	vld [tilespmem:s6+$0xFFFFFFA0];
	[tilespmem:s4+$0xFFFFFFD0] =	vst v1;
	v4 =	vadd.f32 v11, v5  }
0x6ec: {  	v1 =	vld [tilespmem:s30+$0xFFFFFFB0];
	[tilespmem:s4+$0xFFFFFFE0] =	vst v2  }
0x6ed: {  	v5 =	vld [tilespmem:s6+$0xFFFFFFB0];
	v8 =	vadd.f32 v9, v13;
	[tilespmem:s4+$0xFFFFFFF0] =	vst v4  }
0x6ee: {  	s7 =	sadd.s32 $0x400, s7;
	v2 =	vld [tilespmem:s30+$0xFFFFFFC0]  }
0x6ef: {  	s9 =	sadd.s32 $0x400, s9;
	v9 =	vld [tilespmem:s6+$0xFFFFFFC0];
	[tilespmem:s7+$0x0] =	vst v8  }
0x6f0: {  	v4 =	vadd.f32 v3, v6;
	v8 =	vld [tilespmem:s9+$0x0]  }
0x6f1: {  	v3 =	vld [tilespmem:s30+$0xFFFFFFD0]  }
0x6f2: {  	[tilespmem:s7+$0xFFFFFFA0] =	vst v4;
	v5 =	vadd.f32 v5, v1;
	v10 =	vld [tilespmem:s6+$0xFFFFFFD0]  }
0x6f3: {  	v4 =	vld [tilespmem:s30+$0xFFFFFFE0]  }
0x6f4: {  	[tilespmem:s7+$0xFFFFFFB0] =	vst v5;
	v9 =	vadd.f32 v9, v2;
	v11 =	vld [tilespmem:s6+$0xFFFFFFE0]  }
0x6f5: {  	v5 =	vld [tilespmem:s30+$0xFFFFFFF0];
	v8 =	vadd.f32 v8, v13  }
0x6f6: {  	s11 =	sadd.s32 $0x400, s11;
	[tilespmem:s7+$0xFFFFFFC0] =	vst v9;
	v9 =	vld [tilespmem:s6+$0xFFFFFFF0]  }
0x6f7: {  	s12 =	sadd.s32 $0x400, s12;
	v14 =	vld [tilespmem:s30+$0xFFFFFF90];
	v10 =	vadd.f32 v10, v3;
	[tilespmem:s11+$0x0] =	vst v8  }
0x6f8: {  	v8 =	vld [tilespmem:s12+$0x0]  }
0x6f9: {  	v12 =	vld [tilespmem:s9+$0xFFFFFFA0];
	[tilespmem:s7+$0xFFFFFFD0] =	vst v10;
	v10 =	vadd.f32 v11, v4  }
0x6fa: {  	v11 =	vld [tilespmem:s9+$0xFFFFFFB0]  }
0x6fb: {  	v15 =	vld [tilespmem:s9+$0xFFFFFFC0];
	[tilespmem:s7+$0xFFFFFFE0] =	vst v10;
	v9 =	vadd.f32 v9, v5  }
0x6fc: {  	v7 =	vadd.f32 v7, v14;
	v10 =	vld [tilespmem:s9+$0xFFFFFFD0]  }
0x6fd: {  	v16 =	vld [tilespmem:s9+$0xFFFFFFE0];
	[tilespmem:s7+$0xFFFFFFF0] =	vst v9;
	v8 =	vadd.f32 v8, v13  }
0x6fe: {  	s15 =	sadd.s32 $0x400, s15;
	[tilespmem:s7+$0xFFFFFF90] =	vst v7;
	v7 =	vadd.f32 v12, v6;
	v9 =	vld [tilespmem:s9+$0xFFFFFFF0]  }
0x6ff: {  	s8 =	sadd.s32 $0x400, s8;
	v12 =	vld [tilespmem:s9+$0xFFFFFF90];
	v11 =	vadd.f32 v11, v1;
	[tilespmem:s15+$0x0] =	vst v8  }
0x700: {  	[tilespmem:s11+$0xFFFFFFA0] =	vst v7;
	v7 =	vadd.f32 v15, v2;
	v8 =	vld [tilespmem:s8+$0x0]  }
0x701: {  	v15 =	vld [tilespmem:s12+$0xFFFFFFA0];
	[tilespmem:s11+$0xFFFFFFB0] =	vst v11;
	v10 =	vadd.f32 v10, v3  }
0x702: {  	v11 =	vld [tilespmem:s12+$0xFFFFFFB0];
	[tilespmem:s11+$0xFFFFFFC0] =	vst v7;
	v7 =	vadd.f32 v16, v4  }
0x703: {  	v16 =	vld [tilespmem:s12+$0xFFFFFFC0];
	[tilespmem:s11+$0xFFFFFFD0] =	vst v10;
	v9 =	vadd.f32 v9, v5  }
0x704: {  	v10 =	vadd.f32 v12, v14;
	v12 =	vld [tilespmem:s12+$0xFFFFFFD0];
	[tilespmem:s11+$0xFFFFFFE0] =	vst v7  }
0x705: {  	s28 =	simm.s32 $0x102F0;
	v7 =	vld [tilespmem:s12+$0xFFFFFFE0];
	[tilespmem:s11+$0xFFFFFFF0] =	vst v9;
	v8 =	vadd.f32 v8, v13  }
0x706: {  	s24 =	simm.s32 $0x122F0;
	s4 =	sadd.s32 $0x400, s4;
	[tilespmem:s11+$0xFFFFFF90] =	vst v10;
	v9 =	vadd.f32 v15, v6;
	v10 =	vld [tilespmem:s12+$0xFFFFFFF0]  }
0x707: {  	s2 =	simm.s32 $0x162F0;
	s23 =	simm.s32 $0x142F0;
	v13 =	vld [tilespmem:s12+$0xFFFFFF90];
	v11 =	vadd.f32 v11, v1;
	[tilespmem:s4+$0x0] =	vst v8  }
0x708: {  	[tilespmem:s15+$0xFFFFFFA0] =	vst v9;
	v8 =	vadd.f32 v16, v2;
	v15 =	vld [tilespmem:s29+$0xFFFFFF90];
	s29 =	smov.u32 s8  }
0x709: {  	v16 =	vld [tilespmem:s8+$0xFFFFFFA0];
	[tilespmem:s15+$0xFFFFFFB0] =	vst v11;
	v11 =	vadd.f32 v12, v3  }
.Ltmp14:
0x70a: {  	v9 =	vld [tilespmem:s8+$0xFFFFFFB0];
	[tilespmem:s15+$0xFFFFFFC0] =	vst v8;
	v12 =	vadd.f32 v7, v4;
	(pc) =	sbr.rel @p1 .LBB2_27-.Ltmp14, $4  }
0x70b: {  	v7 =	vld [tilespmem:s8+$0xFFFFFFC0];
	[tilespmem:s15+$0xFFFFFFD0] =	vst v11;
	v11 =	vadd.f32 v10, v5  }
0x70c: {  	v13 =	vadd.f32 v13, v14;
	v8 =	vld [tilespmem:s8+$0xFFFFFFD0];
	[tilespmem:s15+$0xFFFFFFE0] =	vst v12  }
0x70d: {  	v10 =	vld [tilespmem:s8+$0xFFFFFFE0];
	[tilespmem:s15+$0xFFFFFFF0] =	vst v11;
	v12 =	vadd.f32 v15, v0;
	v0 =	vmov v14  }
0x70e: {  	s30 =	sadd.s32 $0x400, s30;
	[tilespmem:s15+$0xFFFFFF90] =	vst v13;
	v6 =	vadd.f32 v16, v6;
	v11 =	vld [tilespmem:s8+$0xFFFFFFF0]  }
0x70f: {  	v1 =	vadd.f32 v9, v1;
	[tilespmem:s1+$0xFFFFFF90] =	vst v12;
	v9 =	vld [tilespmem:s29+$0xFFFFFF90]  }
0x710: {  	[tilespmem:s4+$0xFFFFFFA0] =	vst v6;
	v2 =	vadd.f32 v7, v2  }
0x711: {  	[tilespmem:s4+$0xFFFFFFB0] =	vst v1;
	v1 =	vadd.f32 v8, v3  }
0x712: {  	[tilespmem:s4+$0xFFFFFFC0] =	vst v2;
	v2 =	vadd.f32 v10, v4  }
0x713: {  	[tilespmem:s4+$0xFFFFFFD0] =	vst v1;
	v1 =	vadd.f32 v11, v5  }
0x714: {  	[tilespmem:s4+$0xFFFFFFE0] =	vst v2;
	v0 =	vadd.f32 v9, v0  }
0x715: {  	[tilespmem:s4+$0xFFFFFFF0] =	vst v1  }
0x716: {  	[tilespmem:s4+$0xFFFFFF90] =	vst v0  }
0x717: {  	v0 =	vld [tilespmem:s17+$0x0]  }
0x718: {  	v1 =	vld [tilespmem:s19+$0x0]  }
0x719: {  	v2 =	vld [tilespmem:s19+$0xFFFFFF90]  }
0x71a: {  	v3 =	vld [tilespmem:s17+$0xFFFFFFA0]  }
0x71b: {  	v4 =	vld [tilespmem:s19+$0xFFFFFFA0]  }
0x71c: {  	v5 =	vld [tilespmem:s17+$0xFFFFFFB0]  }
0x71d: {  	v6 =	vld [tilespmem:s19+$0xFFFFFFB0]  }
0x71e: {  	v7 =	vld [tilespmem:s17+$0xFFFFFFC0]  }
0x71f: {  	v8 =	vld [tilespmem:s19+$0xFFFFFFC0]  }
0x720: {  	v9 =	vld [tilespmem:s17+$0xFFFFFFD0]  }
0x721: {  	v10 =	vld [tilespmem:s19+$0xFFFFFFD0]  }
0x722: {  	v11 =	vld [tilespmem:s17+$0xFFFFFFE0]  }
0x723: {  	v12 =	vld [tilespmem:s19+$0xFFFFFFE0]  }
0x724: {  	s6 =	simm.s32 $0x26F0;
	v13 =	vld [tilespmem:s17+$0xFFFFFFF0]  }
0x725: {  	v19 =	vld [tilespmem:s6+$0xFFFFFF90];
	v1 =	vadd.f32 v1, v0  }
0x726: {  	v21 =	vld [tilespmem:s6+$0xFFFFFFA0]  }
0x727: {  	[tilespmem:s28+$0x0] =	vst v1;
	v1 =	vadd.f32 v4, v3;
	v4 =	vld [tilespmem:s19+$0xFFFFFFF0]  }
0x728: {  	v15 =	vadd.f32 v6, v5;
	v6 =	vld [tilespmem:s17+$0xFFFFFF90]  }
0x729: {  	v14 =	vld [tilespmem:s13+$0x0];
	[tilespmem:s28+$0xFFFFFFA0] =	vst v1;
	v1 =	vadd.f32 v8, v7  }
0x72a: {  	[tilespmem:s28+$0xFFFFFFB0] =	vst v15;
	v8 =	vadd.f32 v10, v9;
	v10 =	vld [tilespmem:s13+$0xFFFFFFA0]  }
0x72b: {  	[tilespmem:s28+$0xFFFFFFC0] =	vst v1;
	v1 =	vadd.f32 v12, v11;
	v12 =	vld [tilespmem:s13+$0xFFFFFFB0]  }
0x72c: {  	[tilespmem:s28+$0xFFFFFFD0] =	vst v8;
	v8 =	vld [tilespmem:s13+$0xFFFFFFC0];
	v4 =	vadd.f32 v4, v13  }
0x72d: {  	v2 =	vadd.f32 v2, v6;
	[tilespmem:s28+$0xFFFFFFE0] =	vst v1;
	v1 =	vld [tilespmem:s13+$0xFFFFFFD0]  }
0x72e: {  	v15 =	vld [tilespmem:s13+$0xFFFFFFE0];
	[tilespmem:s28+$0xFFFFFFF0] =	vst v4  }
0x72f: {  	[tilespmem:s28+$0xFFFFFF90] =	vst v2;
	v14 =	vadd.f32 v14, v0;
	s28 =	simm.s32 $0x1A6F0;
	v4 =	vadd.f32 v10, v3;
	v10 =	vld [tilespmem:s13+$0xFFFFFFF0]  }
0x730: {  	v18 =	vld [tilespmem:s28+$0x0]  }
0x731: {  	[tilespmem:s24+$0x0] =	vst v14;
	v20 =	vld [tilespmem:s28+$0xFFFFFFA0]  }
0x732: {  	v14 =	vld [tilespmem:s10+$0x0];
	v2 =	vadd.f32 v12, v5  }
0x733: {  	v12 =	vld [tilespmem:s13+$0xFFFFFF90];
	[tilespmem:s24+$0xFFFFFFA0] =	vst v4;
	v4 =	vadd.f32 v8, v7  }
0x734: {  	v8 =	vld [tilespmem:s10+$0xFFFFFFA0];
	[tilespmem:s24+$0xFFFFFFB0] =	vst v2;
	v1 =	vadd.f32 v1, v9  }
0x735: {  	v2 =	vld [tilespmem:s10+$0xFFFFFFB0];
	[tilespmem:s24+$0xFFFFFFC0] =	vst v4;
	v4 =	vadd.f32 v15, v11  }
0x736: {  	v15 =	vld [tilespmem:s10+$0xFFFFFFC0];
	[tilespmem:s24+$0xFFFFFFD0] =	vst v1;
	v1 =	vadd.f32 v10, v13  }
0x737: {  	v10 =	vadd.f32 v14, v0;
	v14 =	vld [tilespmem:s10+$0xFFFFFFD0];
	[tilespmem:s24+$0xFFFFFFE0] =	vst v4  }
0x738: {  	v4 =	vadd.f32 v12, v6;
	v12 =	vld [tilespmem:s10+$0xFFFFFFE0];
	[tilespmem:s24+$0xFFFFFFF0] =	vst v1  }
0x739: {  	[tilespmem:s23+$0x0] =	vst v10;
	v1 =	vadd.f32 v8, v3;
	v8 =	vld [tilespmem:s10+$0xFFFFFFF0]  }
0x73a: {  	[tilespmem:s24+$0xFFFFFF90] =	vst v4;
	v10 =	vld [tilespmem:s3+$0x0];
	v2 =	vadd.f32 v2, v5  }
0x73b: {  	v4 =	vld [tilespmem:s10+$0xFFFFFF90];
	[tilespmem:s23+$0xFFFFFFA0] =	vst v1;
	v1 =	vadd.f32 v15, v7  }
0x73c: {  	v15 =	vld [tilespmem:s3+$0xFFFFFFA0];
	[tilespmem:s23+$0xFFFFFFB0] =	vst v2;
	v2 =	vadd.f32 v14, v9  }
0x73d: {  	v14 =	vld [tilespmem:s3+$0xFFFFFFB0];
	[tilespmem:s23+$0xFFFFFFC0] =	vst v1  }
0x73e: {  	v1 =	vadd.f32 v12, v11;
	v12 =	vld [tilespmem:s3+$0xFFFFFFC0];
	[tilespmem:s23+$0xFFFFFFD0] =	vst v2  }
0x73f: {  	v2 =	vadd.f32 v8, v13;
	v8 =	vld [tilespmem:s3+$0xFFFFFFD0]  }
0x740: {  	[tilespmem:s23+$0xFFFFFFE0] =	vst v1;
	v1 =	vld [tilespmem:s28+$0xFFFFFFB0]  }
0x741: {  	[tilespmem:s23+$0xFFFFFFF0] =	vst v2;
	v2 =	vld [tilespmem:s6+$0x0]  }
0x742: {  	v0 =	vadd.f32 v10, v0;
	v10 =	vld [tilespmem:s6+$0xFFFFFFB0]  }
0x743: {  	v16 =	vld [tilespmem:s3+$0xFFFFFFE0]  }
0x744: {  	v17 =	vld [tilespmem:s3+$0xFFFFFFF0];
	v3 =	vadd.f32 v15, v3  }
0x745: {  	[tilespmem:s2+$0x0] =	vst v0;
	v0 =	vadd.f32 v4, v6;
	v15 =	vld [tilespmem:s6+$0xFFFFFFC0]  }
0x746: {  	[tilespmem:s2+$0xFFFFFFA0] =	vst v3;
	v3 =	vld [tilespmem:s28+$0xFFFFFFD0];
	v22 =	vadd.f32 v2, v18  }
0x747: {  	s7 =	simm.s32 $0x106F0;
	[tilespmem:s23+$0xFFFFFF90] =	vst v0;
	v0 =	vadd.f32 v14, v5;
	v4 =	vadd.f32 v12, v7;
	v7 =	vld [tilespmem:s6+$0xFFFFFFD0]  }
0x748: {  	s9 =	simm.s32 $0x66F0;
	v12 =	vld [tilespmem:s6+$0xFFFFFFF0];
	[tilespmem:s7+$0x0] =	vst v22  }
0x749: {  	v10 =	vadd.f32 v10, v1;
	[tilespmem:s2+$0xFFFFFFB0] =	vst v0;
	v14 =	vld [tilespmem:s9+$0x0]  }
0x74a: {  	v2 =	vld [tilespmem:s28+$0xFFFFFFC0];
	v0 =	vadd.f32 v8, v9;
	[tilespmem:s2+$0xFFFFFFC0] =	vst v4  }
0x74b: {  	v5 =	vadd.f32 v16, v11;
	v4 =	vld [tilespmem:s28+$0xFFFFFFE0];
	[tilespmem:s7+$0xFFFFFFB0] =	vst v10  }
0x74c: {  	v8 =	vld [tilespmem:s6+$0xFFFFFFE0];
	[tilespmem:s2+$0xFFFFFFD0] =	vst v0;
	v0 =	vadd.f32 v17, v13  }
0x74d: {  	v11 =	vadd.f32 v21, v20;
	[tilespmem:s2+$0xFFFFFFE0] =	vst v5;
	v5 =	vld [tilespmem:s28+$0xFFFFFFF0]  }
0x74e: {  	[tilespmem:s2+$0xFFFFFFF0] =	vst v0;
	v0 =	vld [tilespmem:s28+$0xFFFFFF90];
	v9 =	vadd.f32 v14, v18  }
0x74f: {  	s11 =	simm.s32 $0x126F0;
	[tilespmem:s7+$0xFFFFFFA0] =	vst v11;
	v7 =	vadd.f32 v7, v3  }
0x750: {  	s12 =	simm.s32 $0xA6F0;
	v10 =	vld [tilespmem:s9+$0xFFFFFFA0];
	[tilespmem:s11+$0x0] =	vst v9;
	v9 =	vadd.f32 v15, v2  }
0x751: {  	v8 =	vadd.f32 v8, v4;
	[tilespmem:s7+$0xFFFFFFD0] =	vst v7;
	v11 =	vld [tilespmem:s12+$0x0]  }
0x752: {  	v12 =	vadd.f32 v12, v5;
	[tilespmem:s7+$0xFFFFFFC0] =	vst v9;
	v9 =	vld [tilespmem:s9+$0xFFFFFFB0]  }
0x753: {  	[tilespmem:s7+$0xFFFFFFE0] =	vst v8;
	v8 =	vadd.f32 v19, v0;
	v7 =	vld [tilespmem:s9+$0xFFFFFFC0]  }
0x754: {  	v13 =	vld [tilespmem:s9+$0xFFFFFFD0];
	[tilespmem:s7+$0xFFFFFFF0] =	vst v12  }
0x755: {  	v14 =	vld [tilespmem:s9+$0xFFFFFFE0];
	[tilespmem:s7+$0xFFFFFF90] =	vst v8;
	v8 =	vadd.f32 v10, v20  }
0x756: {  	v10 =	vld [tilespmem:s9+$0xFFFFFFF0];
	v11 =	vadd.f32 v11, v18  }
0x757: {  	s15 =	simm.s32 $0x146F0;
	v12 =	vld [tilespmem:s9+$0xFFFFFF90];
	[tilespmem:s11+$0xFFFFFFA0] =	vst v8;
	v9 =	vadd.f32 v9, v1  }
0x758: {  	s8 =	simm.s32 $0xE6F0;
	[tilespmem:s15+$0x0] =	vst v11;
	v7 =	vadd.f32 v7, v2;
	v11 =	vld [tilespmem:s12+$0xFFFFFFA0]  }
0x759: {  	v8 =	vld [tilespmem:s8+$0x0];
	[tilespmem:s11+$0xFFFFFFB0] =	vst v9;
	v9 =	vadd.f32 v13, v3  }
0x75a: {  	v13 =	vld [tilespmem:s12+$0xFFFFFFB0];
	[tilespmem:s11+$0xFFFFFFC0] =	vst v7;
	v7 =	vadd.f32 v14, v4  }
0x75b: {  	v14 =	vld [tilespmem:s12+$0xFFFFFFC0];
	[tilespmem:s11+$0xFFFFFFD0] =	vst v9;
	v9 =	vadd.f32 v10, v5  }
0x75c: {  	v10 =	vadd.f32 v12, v0;
	v12 =	vld [tilespmem:s12+$0xFFFFFFD0];
	[tilespmem:s11+$0xFFFFFFE0] =	vst v7  }
0x75d: {  	v7 =	vld [tilespmem:s12+$0xFFFFFFE0];
	[tilespmem:s11+$0xFFFFFFF0] =	vst v9;
	v9 =	vadd.f32 v11, v20  }
0x75e: {  	[tilespmem:s11+$0xFFFFFF90] =	vst v10;
	v8 =	vadd.f32 v8, v18;
	v10 =	vld [tilespmem:s12+$0xFFFFFFF0]  }
0x75f: {  	s19 =	simm.s32 $0x166F0;
	v11 =	vld [tilespmem:s12+$0xFFFFFF90];
	v13 =	vadd.f32 v13, v1;
	[tilespmem:s15+$0xFFFFFFA0] =	vst v9  }
0x760: {  	[tilespmem:s19+$0x0] =	vst v8;
	v8 =	vadd.f32 v14, v2;
	v14 =	vld [tilespmem:s3+$0xFFFFFF90]  }
0x761: {  	v15 =	vld [tilespmem:s8+$0xFFFFFFA0];
	[tilespmem:s15+$0xFFFFFFB0] =	vst v13;
	v12 =	vadd.f32 v12, v3  }
0x762: {  	v9 =	vld [tilespmem:s8+$0xFFFFFFB0];
	[tilespmem:s15+$0xFFFFFFC0] =	vst v8;
	v13 =	vadd.f32 v7, v4  }
0x763: {  	v7 =	vld [tilespmem:s8+$0xFFFFFFC0];
	[tilespmem:s15+$0xFFFFFFD0] =	vst v12;
	v12 =	vadd.f32 v10, v5  }
0x764: {  	s25 =	simm.s32 $0x80;
	s30 =	simm.s32 $0x1AAF0;
	v11 =	vadd.f32 v11, v0;
	v8 =	vld [tilespmem:s8+$0xFFFFFFD0];
	[tilespmem:s15+$0xFFFFFFE0] =	vst v13  }
0x765: {  	s29 =	simm.s32 $0xE6F0;
	s4 =	simm.s32 $0x2370;
	s17 =	simm.s32 $0x1A370;
	v10 =	vld [tilespmem:s8+$0xFFFFFFE0];
	[tilespmem:s15+$0xFFFFFFF0] =	vst v12;
	v12 =	vadd.f32 v14, v6  }
0x766: {  	s13 =	simm.s32 $0x6370;
	s10 =	simm.s32 $0xA370;
	s3 =	simm.s32 $0xE370;
	[tilespmem:s15+$0xFFFFFF90] =	vst v11;
	v6 =	vadd.f32 v15, v20;
	v11 =	vld [tilespmem:s8+$0xFFFFFFF0]  }
.LBB2_29:
0x767: {  	v13 =	vld [tilespmem:s30+$0x0];
	v1 =	vadd.f32 v9, v1;
	s6 =	sadd.s32 $0x400, s6;
	[tilespmem:s2+$0xFFFFFF90] =	vst v12;
	s2 =	smov.u32 s19  }
0x768: {  	s25 =	sadd.s32 $0x80, s25;
	v9 =	vld [tilespmem:s6+$0x0];
	[tilespmem:s19+$0xFFFFFFA0] =	vst v6;
	v2 =	vadd.f32 v7, v2  }
0x769: {  	p1 =	slt.u32 s25, $0x380;
	v7 =	vld [tilespmem:s6+$0xFFFFFF90];
	[tilespmem:s19+$0xFFFFFFB0] =	vst v1;
	v1 =	vadd.f32 v8, v3  }
0x76a: {  	v6 =	vld [tilespmem:s30+$0xFFFFFFA0];
	[tilespmem:s19+$0xFFFFFFC0] =	vst v2;
	v2 =	vadd.f32 v10, v4  }
0x76b: {  	v3 =	vld [tilespmem:s6+$0xFFFFFFA0];
	[tilespmem:s19+$0xFFFFFFD0] =	vst v1;
	v4 =	vadd.f32 v11, v5  }
0x76c: {  	v1 =	vld [tilespmem:s30+$0xFFFFFFB0];
	[tilespmem:s19+$0xFFFFFFE0] =	vst v2  }
0x76d: {  	v5 =	vld [tilespmem:s6+$0xFFFFFFB0];
	v8 =	vadd.f32 v9, v13;
	[tilespmem:s19+$0xFFFFFFF0] =	vst v4  }
0x76e: {  	s7 =	sadd.s32 $0x400, s7;
	v2 =	vld [tilespmem:s30+$0xFFFFFFC0]  }
0x76f: {  	s9 =	sadd.s32 $0x400, s9;
	v9 =	vld [tilespmem:s6+$0xFFFFFFC0];
	[tilespmem:s7+$0x0] =	vst v8  }
0x770: {  	v4 =	vadd.f32 v3, v6;
	v8 =	vld [tilespmem:s9+$0x0]  }
0x771: {  	v3 =	vld [tilespmem:s30+$0xFFFFFFD0]  }
0x772: {  	[tilespmem:s7+$0xFFFFFFA0] =	vst v4;
	v5 =	vadd.f32 v5, v1;
	v10 =	vld [tilespmem:s6+$0xFFFFFFD0]  }
0x773: {  	v4 =	vld [tilespmem:s30+$0xFFFFFFE0]  }
0x774: {  	[tilespmem:s7+$0xFFFFFFB0] =	vst v5;
	v9 =	vadd.f32 v9, v2;
	v11 =	vld [tilespmem:s6+$0xFFFFFFE0]  }
0x775: {  	v5 =	vld [tilespmem:s30+$0xFFFFFFF0];
	v8 =	vadd.f32 v8, v13  }
0x776: {  	s11 =	sadd.s32 $0x400, s11;
	[tilespmem:s7+$0xFFFFFFC0] =	vst v9;
	v9 =	vld [tilespmem:s6+$0xFFFFFFF0]  }
0x777: {  	s12 =	sadd.s32 $0x400, s12;
	v14 =	vld [tilespmem:s30+$0xFFFFFF90];
	v10 =	vadd.f32 v10, v3;
	[tilespmem:s11+$0x0] =	vst v8  }
0x778: {  	v8 =	vld [tilespmem:s12+$0x0]  }
0x779: {  	v12 =	vld [tilespmem:s9+$0xFFFFFFA0];
	[tilespmem:s7+$0xFFFFFFD0] =	vst v10;
	v10 =	vadd.f32 v11, v4  }
0x77a: {  	v11 =	vld [tilespmem:s9+$0xFFFFFFB0]  }
0x77b: {  	v15 =	vld [tilespmem:s9+$0xFFFFFFC0];
	[tilespmem:s7+$0xFFFFFFE0] =	vst v10;
	v9 =	vadd.f32 v9, v5  }
0x77c: {  	v7 =	vadd.f32 v7, v14;
	v10 =	vld [tilespmem:s9+$0xFFFFFFD0]  }
0x77d: {  	v16 =	vld [tilespmem:s9+$0xFFFFFFE0];
	[tilespmem:s7+$0xFFFFFFF0] =	vst v9;
	v8 =	vadd.f32 v8, v13  }
0x77e: {  	s15 =	sadd.s32 $0x400, s15;
	[tilespmem:s7+$0xFFFFFF90] =	vst v7;
	v7 =	vadd.f32 v12, v6;
	v9 =	vld [tilespmem:s9+$0xFFFFFFF0]  }
0x77f: {  	s8 =	sadd.s32 $0x400, s8;
	v12 =	vld [tilespmem:s9+$0xFFFFFF90];
	v11 =	vadd.f32 v11, v1;
	[tilespmem:s15+$0x0] =	vst v8  }
0x780: {  	[tilespmem:s11+$0xFFFFFFA0] =	vst v7;
	v7 =	vadd.f32 v15, v2;
	v8 =	vld [tilespmem:s8+$0x0]  }
0x781: {  	v15 =	vld [tilespmem:s12+$0xFFFFFFA0];
	[tilespmem:s11+$0xFFFFFFB0] =	vst v11;
	v10 =	vadd.f32 v10, v3  }
0x782: {  	v11 =	vld [tilespmem:s12+$0xFFFFFFB0];
	[tilespmem:s11+$0xFFFFFFC0] =	vst v7;
	v7 =	vadd.f32 v16, v4  }
0x783: {  	v16 =	vld [tilespmem:s12+$0xFFFFFFC0];
	[tilespmem:s11+$0xFFFFFFD0] =	vst v10;
	v9 =	vadd.f32 v9, v5  }
0x784: {  	v10 =	vadd.f32 v12, v14;
	v12 =	vld [tilespmem:s12+$0xFFFFFFD0];
	[tilespmem:s11+$0xFFFFFFE0] =	vst v7  }
0x785: {  	s24 =	simm.s32 $0x12370;
	s28 =	simm.s32 $0x10370;
	v7 =	vld [tilespmem:s12+$0xFFFFFFE0];
	[tilespmem:s11+$0xFFFFFFF0] =	vst v9;
	v8 =	vadd.f32 v8, v13  }
0x786: {  	s23 =	simm.s32 $0x14370;
	s19 =	sadd.s32 $0x400, s19;
	[tilespmem:s11+$0xFFFFFF90] =	vst v10;
	v9 =	vadd.f32 v15, v6;
	v10 =	vld [tilespmem:s12+$0xFFFFFFF0]  }
0x787: {  	s1 =	simm.s32 $0x16370;
	v13 =	vld [tilespmem:s12+$0xFFFFFF90];
	v11 =	vadd.f32 v11, v1;
	[tilespmem:s19+$0x0] =	vst v8  }
0x788: {  	[tilespmem:s15+$0xFFFFFFA0] =	vst v9;
	v8 =	vadd.f32 v16, v2;
	v15 =	vld [tilespmem:s29+$0xFFFFFF90];
	s29 =	smov.u32 s8  }
0x789: {  	v16 =	vld [tilespmem:s8+$0xFFFFFFA0];
	[tilespmem:s15+$0xFFFFFFB0] =	vst v11;
	v11 =	vadd.f32 v12, v3  }
.Ltmp15:
0x78a: {  	v9 =	vld [tilespmem:s8+$0xFFFFFFB0];
	[tilespmem:s15+$0xFFFFFFC0] =	vst v8;
	v12 =	vadd.f32 v7, v4;
	(pc) =	sbr.rel @p1 .LBB2_29-.Ltmp15, $4  }
0x78b: {  	v7 =	vld [tilespmem:s8+$0xFFFFFFC0];
	[tilespmem:s15+$0xFFFFFFD0] =	vst v11;
	v11 =	vadd.f32 v10, v5  }
0x78c: {  	v13 =	vadd.f32 v13, v14;
	v8 =	vld [tilespmem:s8+$0xFFFFFFD0];
	[tilespmem:s15+$0xFFFFFFE0] =	vst v12  }
0x78d: {  	v10 =	vld [tilespmem:s8+$0xFFFFFFE0];
	[tilespmem:s15+$0xFFFFFFF0] =	vst v11;
	v12 =	vadd.f32 v15, v0;
	v0 =	vmov v14  }
0x78e: {  	s30 =	sadd.s32 $0x400, s30;
	[tilespmem:s15+$0xFFFFFF90] =	vst v13;
	v6 =	vadd.f32 v16, v6;
	v11 =	vld [tilespmem:s8+$0xFFFFFFF0]  }
0x78f: {  	v1 =	vadd.f32 v9, v1;
	[tilespmem:s2+$0xFFFFFF90] =	vst v12;
	v9 =	vld [tilespmem:s29+$0xFFFFFF90]  }
0x790: {  	[tilespmem:s19+$0xFFFFFFA0] =	vst v6;
	v2 =	vadd.f32 v7, v2  }
0x791: {  	[tilespmem:s19+$0xFFFFFFB0] =	vst v1;
	v1 =	vadd.f32 v8, v3  }
0x792: {  	[tilespmem:s19+$0xFFFFFFC0] =	vst v2;
	v2 =	vadd.f32 v10, v4  }
0x793: {  	[tilespmem:s19+$0xFFFFFFD0] =	vst v1;
	v1 =	vadd.f32 v11, v5  }
0x794: {  	[tilespmem:s19+$0xFFFFFFE0] =	vst v2;
	v0 =	vadd.f32 v9, v0  }
0x795: {  	[tilespmem:s19+$0xFFFFFFF0] =	vst v1  }
0x796: {  	[tilespmem:s19+$0xFFFFFF90] =	vst v0  }
0x797: {  	v0 =	vld [tilespmem:s17+$0x0]  }
0x798: {  	v1 =	vld [tilespmem:s4+$0x0]  }
0x799: {  	v2 =	vld [tilespmem:s4+$0xFFFFFF90]  }
0x79a: {  	v3 =	vld [tilespmem:s17+$0xFFFFFFA0]  }
0x79b: {  	v4 =	vld [tilespmem:s4+$0xFFFFFFA0]  }
0x79c: {  	v5 =	vld [tilespmem:s17+$0xFFFFFFB0]  }
0x79d: {  	v6 =	vld [tilespmem:s4+$0xFFFFFFB0]  }
0x79e: {  	v7 =	vld [tilespmem:s17+$0xFFFFFFC0]  }
0x79f: {  	v8 =	vld [tilespmem:s4+$0xFFFFFFC0]  }
0x7a0: {  	v9 =	vld [tilespmem:s17+$0xFFFFFFD0]  }
0x7a1: {  	v10 =	vld [tilespmem:s4+$0xFFFFFFD0]  }
0x7a2: {  	v11 =	vld [tilespmem:s17+$0xFFFFFFE0]  }
0x7a3: {  	v12 =	vld [tilespmem:s4+$0xFFFFFFE0]  }
0x7a4: {  	s6 =	simm.s32 $0x2770;
	v13 =	vld [tilespmem:s17+$0xFFFFFFF0]  }
0x7a5: {  	v19 =	vld [tilespmem:s6+$0xFFFFFF90];
	v1 =	vadd.f32 v1, v0  }
0x7a6: {  	v21 =	vld [tilespmem:s6+$0xFFFFFFA0]  }
0x7a7: {  	[tilespmem:s28+$0x0] =	vst v1;
	v1 =	vadd.f32 v4, v3;
	v4 =	vld [tilespmem:s4+$0xFFFFFFF0]  }
0x7a8: {  	v15 =	vadd.f32 v6, v5;
	v6 =	vld [tilespmem:s17+$0xFFFFFF90]  }
0x7a9: {  	v14 =	vld [tilespmem:s13+$0x0];
	[tilespmem:s28+$0xFFFFFFA0] =	vst v1;
	v1 =	vadd.f32 v8, v7  }
0x7aa: {  	[tilespmem:s28+$0xFFFFFFB0] =	vst v15;
	v8 =	vadd.f32 v10, v9;
	v10 =	vld [tilespmem:s13+$0xFFFFFFA0]  }
0x7ab: {  	[tilespmem:s28+$0xFFFFFFC0] =	vst v1;
	v1 =	vadd.f32 v12, v11;
	v12 =	vld [tilespmem:s13+$0xFFFFFFB0]  }
0x7ac: {  	[tilespmem:s28+$0xFFFFFFD0] =	vst v8;
	v8 =	vld [tilespmem:s13+$0xFFFFFFC0];
	v4 =	vadd.f32 v4, v13  }
0x7ad: {  	v2 =	vadd.f32 v2, v6;
	[tilespmem:s28+$0xFFFFFFE0] =	vst v1;
	v1 =	vld [tilespmem:s13+$0xFFFFFFD0]  }
0x7ae: {  	v15 =	vld [tilespmem:s13+$0xFFFFFFE0];
	[tilespmem:s28+$0xFFFFFFF0] =	vst v4  }
0x7af: {  	[tilespmem:s28+$0xFFFFFF90] =	vst v2;
	v14 =	vadd.f32 v14, v0;
	s28 =	simm.s32 $0x1A770;
	v4 =	vadd.f32 v10, v3;
	v10 =	vld [tilespmem:s13+$0xFFFFFFF0]  }
0x7b0: {  	v18 =	vld [tilespmem:s28+$0x0]  }
0x7b1: {  	[tilespmem:s24+$0x0] =	vst v14;
	v20 =	vld [tilespmem:s28+$0xFFFFFFA0]  }
0x7b2: {  	v14 =	vld [tilespmem:s10+$0x0];
	v2 =	vadd.f32 v12, v5  }
0x7b3: {  	v12 =	vld [tilespmem:s13+$0xFFFFFF90];
	[tilespmem:s24+$0xFFFFFFA0] =	vst v4;
	v4 =	vadd.f32 v8, v7  }
0x7b4: {  	v8 =	vld [tilespmem:s10+$0xFFFFFFA0];
	[tilespmem:s24+$0xFFFFFFB0] =	vst v2;
	v1 =	vadd.f32 v1, v9  }
0x7b5: {  	v2 =	vld [tilespmem:s10+$0xFFFFFFB0];
	[tilespmem:s24+$0xFFFFFFC0] =	vst v4;
	v4 =	vadd.f32 v15, v11  }
0x7b6: {  	v15 =	vld [tilespmem:s10+$0xFFFFFFC0];
	[tilespmem:s24+$0xFFFFFFD0] =	vst v1;
	v1 =	vadd.f32 v10, v13  }
0x7b7: {  	v10 =	vadd.f32 v14, v0;
	v14 =	vld [tilespmem:s10+$0xFFFFFFD0];
	[tilespmem:s24+$0xFFFFFFE0] =	vst v4  }
0x7b8: {  	v4 =	vadd.f32 v12, v6;
	v12 =	vld [tilespmem:s10+$0xFFFFFFE0];
	[tilespmem:s24+$0xFFFFFFF0] =	vst v1  }
0x7b9: {  	[tilespmem:s23+$0x0] =	vst v10;
	v1 =	vadd.f32 v8, v3;
	v8 =	vld [tilespmem:s10+$0xFFFFFFF0]  }
0x7ba: {  	[tilespmem:s24+$0xFFFFFF90] =	vst v4;
	v10 =	vld [tilespmem:s3+$0x0];
	v2 =	vadd.f32 v2, v5  }
0x7bb: {  	v4 =	vld [tilespmem:s10+$0xFFFFFF90];
	[tilespmem:s23+$0xFFFFFFA0] =	vst v1;
	v1 =	vadd.f32 v15, v7  }
0x7bc: {  	v15 =	vld [tilespmem:s3+$0xFFFFFFA0];
	[tilespmem:s23+$0xFFFFFFB0] =	vst v2;
	v2 =	vadd.f32 v14, v9  }
0x7bd: {  	v14 =	vld [tilespmem:s3+$0xFFFFFFB0];
	[tilespmem:s23+$0xFFFFFFC0] =	vst v1  }
0x7be: {  	v1 =	vadd.f32 v12, v11;
	v12 =	vld [tilespmem:s3+$0xFFFFFFC0];
	[tilespmem:s23+$0xFFFFFFD0] =	vst v2  }
0x7bf: {  	v2 =	vadd.f32 v8, v13;
	v8 =	vld [tilespmem:s3+$0xFFFFFFD0]  }
0x7c0: {  	[tilespmem:s23+$0xFFFFFFE0] =	vst v1;
	v1 =	vld [tilespmem:s28+$0xFFFFFFB0]  }
0x7c1: {  	[tilespmem:s23+$0xFFFFFFF0] =	vst v2;
	v2 =	vld [tilespmem:s6+$0x0]  }
0x7c2: {  	v0 =	vadd.f32 v10, v0;
	v10 =	vld [tilespmem:s6+$0xFFFFFFB0]  }
0x7c3: {  	v16 =	vld [tilespmem:s3+$0xFFFFFFE0]  }
0x7c4: {  	v17 =	vld [tilespmem:s3+$0xFFFFFFF0];
	v3 =	vadd.f32 v15, v3  }
0x7c5: {  	[tilespmem:s1+$0x0] =	vst v0;
	v0 =	vadd.f32 v4, v6;
	v15 =	vld [tilespmem:s6+$0xFFFFFFC0]  }
0x7c6: {  	[tilespmem:s1+$0xFFFFFFA0] =	vst v3;
	v3 =	vld [tilespmem:s28+$0xFFFFFFD0];
	v22 =	vadd.f32 v2, v18  }
0x7c7: {  	s7 =	simm.s32 $0x10770;
	[tilespmem:s23+$0xFFFFFF90] =	vst v0;
	v0 =	vadd.f32 v14, v5;
	v4 =	vadd.f32 v12, v7;
	v7 =	vld [tilespmem:s6+$0xFFFFFFD0]  }
0x7c8: {  	s9 =	simm.s32 $0x6770;
	v12 =	vld [tilespmem:s6+$0xFFFFFFF0];
	[tilespmem:s7+$0x0] =	vst v22  }
0x7c9: {  	v10 =	vadd.f32 v10, v1;
	[tilespmem:s1+$0xFFFFFFB0] =	vst v0;
	v14 =	vld [tilespmem:s9+$0x0]  }
0x7ca: {  	v2 =	vld [tilespmem:s28+$0xFFFFFFC0];
	v0 =	vadd.f32 v8, v9;
	[tilespmem:s1+$0xFFFFFFC0] =	vst v4  }
0x7cb: {  	v5 =	vadd.f32 v16, v11;
	v4 =	vld [tilespmem:s28+$0xFFFFFFE0];
	[tilespmem:s7+$0xFFFFFFB0] =	vst v10  }
0x7cc: {  	v8 =	vld [tilespmem:s6+$0xFFFFFFE0];
	[tilespmem:s1+$0xFFFFFFD0] =	vst v0;
	v0 =	vadd.f32 v17, v13  }
0x7cd: {  	v11 =	vadd.f32 v21, v20;
	[tilespmem:s1+$0xFFFFFFE0] =	vst v5;
	v5 =	vld [tilespmem:s28+$0xFFFFFFF0]  }
0x7ce: {  	[tilespmem:s1+$0xFFFFFFF0] =	vst v0;
	v0 =	vld [tilespmem:s28+$0xFFFFFF90];
	v9 =	vadd.f32 v14, v18  }
0x7cf: {  	s11 =	simm.s32 $0x12770;
	[tilespmem:s7+$0xFFFFFFA0] =	vst v11;
	v7 =	vadd.f32 v7, v3  }
0x7d0: {  	s12 =	simm.s32 $0xA770;
	v10 =	vld [tilespmem:s9+$0xFFFFFFA0];
	[tilespmem:s11+$0x0] =	vst v9;
	v9 =	vadd.f32 v15, v2  }
0x7d1: {  	v8 =	vadd.f32 v8, v4;
	[tilespmem:s7+$0xFFFFFFD0] =	vst v7;
	v11 =	vld [tilespmem:s12+$0x0]  }
0x7d2: {  	v12 =	vadd.f32 v12, v5;
	[tilespmem:s7+$0xFFFFFFC0] =	vst v9;
	v9 =	vld [tilespmem:s9+$0xFFFFFFB0]  }
0x7d3: {  	[tilespmem:s7+$0xFFFFFFE0] =	vst v8;
	v8 =	vadd.f32 v19, v0;
	v7 =	vld [tilespmem:s9+$0xFFFFFFC0]  }
0x7d4: {  	v13 =	vld [tilespmem:s9+$0xFFFFFFD0];
	[tilespmem:s7+$0xFFFFFFF0] =	vst v12  }
0x7d5: {  	v14 =	vld [tilespmem:s9+$0xFFFFFFE0];
	[tilespmem:s7+$0xFFFFFF90] =	vst v8;
	v8 =	vadd.f32 v10, v20  }
0x7d6: {  	v10 =	vld [tilespmem:s9+$0xFFFFFFF0];
	v11 =	vadd.f32 v11, v18  }
0x7d7: {  	s15 =	simm.s32 $0x14770;
	v12 =	vld [tilespmem:s9+$0xFFFFFF90];
	[tilespmem:s11+$0xFFFFFFA0] =	vst v8;
	v9 =	vadd.f32 v9, v1  }
0x7d8: {  	s8 =	simm.s32 $0xE770;
	[tilespmem:s15+$0x0] =	vst v11;
	v7 =	vadd.f32 v7, v2;
	v11 =	vld [tilespmem:s12+$0xFFFFFFA0]  }
0x7d9: {  	v8 =	vld [tilespmem:s8+$0x0];
	[tilespmem:s11+$0xFFFFFFB0] =	vst v9;
	v9 =	vadd.f32 v13, v3  }
0x7da: {  	v13 =	vld [tilespmem:s12+$0xFFFFFFB0];
	[tilespmem:s11+$0xFFFFFFC0] =	vst v7;
	v7 =	vadd.f32 v14, v4  }
0x7db: {  	v14 =	vld [tilespmem:s12+$0xFFFFFFC0];
	[tilespmem:s11+$0xFFFFFFD0] =	vst v9;
	v9 =	vadd.f32 v10, v5  }
0x7dc: {  	v10 =	vadd.f32 v12, v0;
	v12 =	vld [tilespmem:s12+$0xFFFFFFD0];
	[tilespmem:s11+$0xFFFFFFE0] =	vst v7  }
0x7dd: {  	v7 =	vld [tilespmem:s12+$0xFFFFFFE0];
	[tilespmem:s11+$0xFFFFFFF0] =	vst v9;
	v9 =	vadd.f32 v11, v20  }
0x7de: {  	[tilespmem:s11+$0xFFFFFF90] =	vst v10;
	v8 =	vadd.f32 v8, v18;
	v10 =	vld [tilespmem:s12+$0xFFFFFFF0]  }
0x7df: {  	s4 =	simm.s32 $0x16770;
	v11 =	vld [tilespmem:s12+$0xFFFFFF90];
	v13 =	vadd.f32 v13, v1;
	[tilespmem:s15+$0xFFFFFFA0] =	vst v9  }
0x7e0: {  	[tilespmem:s4+$0x0] =	vst v8;
	v8 =	vadd.f32 v14, v2;
	v14 =	vld [tilespmem:s3+$0xFFFFFF90]  }
0x7e1: {  	v15 =	vld [tilespmem:s8+$0xFFFFFFA0];
	[tilespmem:s15+$0xFFFFFFB0] =	vst v13;
	v12 =	vadd.f32 v12, v3  }
0x7e2: {  	v9 =	vld [tilespmem:s8+$0xFFFFFFB0];
	[tilespmem:s15+$0xFFFFFFC0] =	vst v8;
	v13 =	vadd.f32 v7, v4  }
0x7e3: {  	v7 =	vld [tilespmem:s8+$0xFFFFFFC0];
	[tilespmem:s15+$0xFFFFFFD0] =	vst v12;
	v12 =	vadd.f32 v10, v5  }
0x7e4: {  	s25 =	simm.s32 $0x80;
	s30 =	simm.s32 $0x1AB70;
	v11 =	vadd.f32 v11, v0;
	v8 =	vld [tilespmem:s8+$0xFFFFFFD0];
	[tilespmem:s15+$0xFFFFFFE0] =	vst v13  }
0x7e5: {  	s29 =	simm.s32 $0xE770;
	s19 =	simm.s32 $0x23F0;
	s17 =	simm.s32 $0x1A3F0;
	v10 =	vld [tilespmem:s8+$0xFFFFFFE0];
	[tilespmem:s15+$0xFFFFFFF0] =	vst v12;
	v12 =	vadd.f32 v14, v6  }
0x7e6: {  	s13 =	simm.s32 $0x63F0;
	s10 =	simm.s32 $0xA3F0;
	s3 =	simm.s32 $0xE3F0;
	[tilespmem:s15+$0xFFFFFF90] =	vst v11;
	v6 =	vadd.f32 v15, v20;
	v11 =	vld [tilespmem:s8+$0xFFFFFFF0]  }
.LBB2_31:
0x7e7: {  	v13 =	vld [tilespmem:s30+$0x0];
	v1 =	vadd.f32 v9, v1;
	s6 =	sadd.s32 $0x400, s6;
	[tilespmem:s1+$0xFFFFFF90] =	vst v12;
	s1 =	smov.u32 s4  }
0x7e8: {  	s25 =	sadd.s32 $0x80, s25;
	v9 =	vld [tilespmem:s6+$0x0];
	[tilespmem:s4+$0xFFFFFFA0] =	vst v6;
	v2 =	vadd.f32 v7, v2  }
0x7e9: {  	p1 =	slt.u32 s25, $0x380;
	v7 =	vld [tilespmem:s6+$0xFFFFFF90];
	[tilespmem:s4+$0xFFFFFFB0] =	vst v1;
	v1 =	vadd.f32 v8, v3  }
0x7ea: {  	v6 =	vld [tilespmem:s30+$0xFFFFFFA0];
	[tilespmem:s4+$0xFFFFFFC0] =	vst v2;
	v2 =	vadd.f32 v10, v4  }
0x7eb: {  	v3 =	vld [tilespmem:s6+$0xFFFFFFA0];
	[tilespmem:s4+$0xFFFFFFD0] =	vst v1;
	v4 =	vadd.f32 v11, v5  }
0x7ec: {  	v1 =	vld [tilespmem:s30+$0xFFFFFFB0];
	[tilespmem:s4+$0xFFFFFFE0] =	vst v2  }
0x7ed: {  	v5 =	vld [tilespmem:s6+$0xFFFFFFB0];
	v8 =	vadd.f32 v9, v13;
	[tilespmem:s4+$0xFFFFFFF0] =	vst v4  }
0x7ee: {  	s7 =	sadd.s32 $0x400, s7;
	v2 =	vld [tilespmem:s30+$0xFFFFFFC0]  }
0x7ef: {  	s9 =	sadd.s32 $0x400, s9;
	v9 =	vld [tilespmem:s6+$0xFFFFFFC0];
	[tilespmem:s7+$0x0] =	vst v8  }
0x7f0: {  	v4 =	vadd.f32 v3, v6;
	v8 =	vld [tilespmem:s9+$0x0]  }
0x7f1: {  	v3 =	vld [tilespmem:s30+$0xFFFFFFD0]  }
0x7f2: {  	[tilespmem:s7+$0xFFFFFFA0] =	vst v4;
	v5 =	vadd.f32 v5, v1;
	v10 =	vld [tilespmem:s6+$0xFFFFFFD0]  }
0x7f3: {  	v4 =	vld [tilespmem:s30+$0xFFFFFFE0]  }
0x7f4: {  	[tilespmem:s7+$0xFFFFFFB0] =	vst v5;
	v9 =	vadd.f32 v9, v2;
	v11 =	vld [tilespmem:s6+$0xFFFFFFE0]  }
0x7f5: {  	v5 =	vld [tilespmem:s30+$0xFFFFFFF0];
	v8 =	vadd.f32 v8, v13  }
0x7f6: {  	s11 =	sadd.s32 $0x400, s11;
	[tilespmem:s7+$0xFFFFFFC0] =	vst v9;
	v9 =	vld [tilespmem:s6+$0xFFFFFFF0]  }
0x7f7: {  	s12 =	sadd.s32 $0x400, s12;
	v14 =	vld [tilespmem:s30+$0xFFFFFF90];
	v10 =	vadd.f32 v10, v3;
	[tilespmem:s11+$0x0] =	vst v8  }
0x7f8: {  	v8 =	vld [tilespmem:s12+$0x0]  }
0x7f9: {  	v12 =	vld [tilespmem:s9+$0xFFFFFFA0];
	[tilespmem:s7+$0xFFFFFFD0] =	vst v10;
	v10 =	vadd.f32 v11, v4  }
0x7fa: {  	v11 =	vld [tilespmem:s9+$0xFFFFFFB0]  }
0x7fb: {  	v15 =	vld [tilespmem:s9+$0xFFFFFFC0];
	[tilespmem:s7+$0xFFFFFFE0] =	vst v10;
	v9 =	vadd.f32 v9, v5  }
0x7fc: {  	v7 =	vadd.f32 v7, v14;
	v10 =	vld [tilespmem:s9+$0xFFFFFFD0]  }
0x7fd: {  	v16 =	vld [tilespmem:s9+$0xFFFFFFE0];
	[tilespmem:s7+$0xFFFFFFF0] =	vst v9;
	v8 =	vadd.f32 v8, v13  }
0x7fe: {  	s15 =	sadd.s32 $0x400, s15;
	[tilespmem:s7+$0xFFFFFF90] =	vst v7;
	v7 =	vadd.f32 v12, v6;
	v9 =	vld [tilespmem:s9+$0xFFFFFFF0]  }
0x7ff: {  	s8 =	sadd.s32 $0x400, s8;
	v12 =	vld [tilespmem:s9+$0xFFFFFF90];
	v11 =	vadd.f32 v11, v1;
	[tilespmem:s15+$0x0] =	vst v8  }
0x800: {  	[tilespmem:s11+$0xFFFFFFA0] =	vst v7;
	v7 =	vadd.f32 v15, v2;
	v8 =	vld [tilespmem:s8+$0x0]  }
0x801: {  	v15 =	vld [tilespmem:s12+$0xFFFFFFA0];
	[tilespmem:s11+$0xFFFFFFB0] =	vst v11;
	v10 =	vadd.f32 v10, v3  }
0x802: {  	v11 =	vld [tilespmem:s12+$0xFFFFFFB0];
	[tilespmem:s11+$0xFFFFFFC0] =	vst v7;
	v7 =	vadd.f32 v16, v4  }
0x803: {  	v16 =	vld [tilespmem:s12+$0xFFFFFFC0];
	[tilespmem:s11+$0xFFFFFFD0] =	vst v10;
	v9 =	vadd.f32 v9, v5  }
0x804: {  	v10 =	vadd.f32 v12, v14;
	v12 =	vld [tilespmem:s12+$0xFFFFFFD0];
	[tilespmem:s11+$0xFFFFFFE0] =	vst v7  }
0x805: {  	s28 =	simm.s32 $0x103F0;
	v7 =	vld [tilespmem:s12+$0xFFFFFFE0];
	[tilespmem:s11+$0xFFFFFFF0] =	vst v9;
	v8 =	vadd.f32 v8, v13  }
0x806: {  	s24 =	simm.s32 $0x123F0;
	s4 =	sadd.s32 $0x400, s4;
	[tilespmem:s11+$0xFFFFFF90] =	vst v10;
	v9 =	vadd.f32 v15, v6;
	v10 =	vld [tilespmem:s12+$0xFFFFFFF0]  }
0x807: {  	s2 =	simm.s32 $0x163F0;
	s23 =	simm.s32 $0x143F0;
	v13 =	vld [tilespmem:s12+$0xFFFFFF90];
	v11 =	vadd.f32 v11, v1;
	[tilespmem:s4+$0x0] =	vst v8  }
0x808: {  	[tilespmem:s15+$0xFFFFFFA0] =	vst v9;
	v8 =	vadd.f32 v16, v2;
	v15 =	vld [tilespmem:s29+$0xFFFFFF90];
	s29 =	smov.u32 s8  }
0x809: {  	v16 =	vld [tilespmem:s8+$0xFFFFFFA0];
	[tilespmem:s15+$0xFFFFFFB0] =	vst v11;
	v11 =	vadd.f32 v12, v3  }
.Ltmp16:
0x80a: {  	v9 =	vld [tilespmem:s8+$0xFFFFFFB0];
	[tilespmem:s15+$0xFFFFFFC0] =	vst v8;
	v12 =	vadd.f32 v7, v4;
	(pc) =	sbr.rel @p1 .LBB2_31-.Ltmp16, $4  }
0x80b: {  	v7 =	vld [tilespmem:s8+$0xFFFFFFC0];
	[tilespmem:s15+$0xFFFFFFD0] =	vst v11;
	v11 =	vadd.f32 v10, v5  }
0x80c: {  	v13 =	vadd.f32 v13, v14;
	v8 =	vld [tilespmem:s8+$0xFFFFFFD0];
	[tilespmem:s15+$0xFFFFFFE0] =	vst v12  }
0x80d: {  	v10 =	vld [tilespmem:s8+$0xFFFFFFE0];
	[tilespmem:s15+$0xFFFFFFF0] =	vst v11;
	v12 =	vadd.f32 v15, v0;
	v0 =	vmov v14  }
0x80e: {  	s30 =	sadd.s32 $0x400, s30;
	[tilespmem:s15+$0xFFFFFF90] =	vst v13;
	v6 =	vadd.f32 v16, v6;
	v11 =	vld [tilespmem:s8+$0xFFFFFFF0]  }
0x80f: {  	v1 =	vadd.f32 v9, v1;
	[tilespmem:s1+$0xFFFFFF90] =	vst v12;
	v9 =	vld [tilespmem:s29+$0xFFFFFF90]  }
0x810: {  	[tilespmem:s4+$0xFFFFFFA0] =	vst v6;
	v2 =	vadd.f32 v7, v2  }
0x811: {  	[tilespmem:s4+$0xFFFFFFB0] =	vst v1;
	v1 =	vadd.f32 v8, v3  }
0x812: {  	[tilespmem:s4+$0xFFFFFFC0] =	vst v2;
	v2 =	vadd.f32 v10, v4  }
0x813: {  	[tilespmem:s4+$0xFFFFFFD0] =	vst v1;
	v1 =	vadd.f32 v11, v5  }
0x814: {  	[tilespmem:s4+$0xFFFFFFE0] =	vst v2;
	v0 =	vadd.f32 v9, v0  }
0x815: {  	[tilespmem:s4+$0xFFFFFFF0] =	vst v1  }
0x816: {  	[tilespmem:s4+$0xFFFFFF90] =	vst v0  }
0x817: {  	v0 =	vld [tilespmem:s17+$0x0]  }
0x818: {  	v1 =	vld [tilespmem:s19+$0x0]  }
0x819: {  	v2 =	vld [tilespmem:s19+$0xFFFFFF90]  }
0x81a: {  	v3 =	vld [tilespmem:s17+$0xFFFFFFA0]  }
0x81b: {  	v4 =	vld [tilespmem:s19+$0xFFFFFFA0]  }
0x81c: {  	v5 =	vld [tilespmem:s17+$0xFFFFFFB0]  }
0x81d: {  	v6 =	vld [tilespmem:s19+$0xFFFFFFB0]  }
0x81e: {  	v7 =	vld [tilespmem:s17+$0xFFFFFFC0]  }
0x81f: {  	v8 =	vld [tilespmem:s19+$0xFFFFFFC0]  }
0x820: {  	v9 =	vld [tilespmem:s17+$0xFFFFFFD0]  }
0x821: {  	v10 =	vld [tilespmem:s19+$0xFFFFFFD0]  }
0x822: {  	v11 =	vld [tilespmem:s17+$0xFFFFFFE0]  }
0x823: {  	v12 =	vld [tilespmem:s19+$0xFFFFFFE0]  }
0x824: {  	s30 =	simm.s32 $0x1A7F0;
	v13 =	vld [tilespmem:s17+$0xFFFFFFF0]  }
0x825: {  	s1 =	simm.s32 $0x27F0;
	v18 =	vld [tilespmem:s30+$0x0]  }
0x826: {  	v19 =	vld [tilespmem:s1+$0xFFFFFF90]  }
0x827: {  	v20 =	vld [tilespmem:s30+$0xFFFFFFA0];
	v1 =	vadd.f32 v1, v0  }
0x828: {  	v21 =	vld [tilespmem:s1+$0xFFFFFFA0]  }
0x829: {  	[tilespmem:s28+$0x0] =	vst v1;
	v1 =	vadd.f32 v4, v3;
	v4 =	vld [tilespmem:s19+$0xFFFFFFF0]  }
0x82a: {  	v15 =	vadd.f32 v6, v5;
	v14 =	vld [tilespmem:s13+$0x0]  }
0x82b: {  	v6 =	vld [tilespmem:s17+$0xFFFFFF90];
	[tilespmem:s28+$0xFFFFFFA0] =	vst v1;
	v1 =	vadd.f32 v8, v7  }
0x82c: {  	[tilespmem:s28+$0xFFFFFFB0] =	vst v15;
	v8 =	vadd.f32 v10, v9;
	v10 =	vld [tilespmem:s13+$0xFFFFFFA0]  }
0x82d: {  	[tilespmem:s28+$0xFFFFFFC0] =	vst v1;
	v1 =	vadd.f32 v12, v11;
	v12 =	vld [tilespmem:s13+$0xFFFFFFB0]  }
0x82e: {  	[tilespmem:s28+$0xFFFFFFD0] =	vst v8;
	v8 =	vld [tilespmem:s13+$0xFFFFFFC0];
	v4 =	vadd.f32 v4, v13  }
0x82f: {  	v14 =	vadd.f32 v14, v0;
	[tilespmem:s28+$0xFFFFFFE0] =	vst v1;
	v1 =	vld [tilespmem:s13+$0xFFFFFFD0]  }
0x830: {  	v2 =	vadd.f32 v2, v6;
	v15 =	vld [tilespmem:s13+$0xFFFFFFE0];
	[tilespmem:s28+$0xFFFFFFF0] =	vst v4  }
0x831: {  	[tilespmem:s24+$0x0] =	vst v14;
	v4 =	vadd.f32 v10, v3;
	v10 =	vld [tilespmem:s13+$0xFFFFFFF0]  }
0x832: {  	[tilespmem:s28+$0xFFFFFF90] =	vst v2;
	v14 =	vld [tilespmem:s10+$0x0];
	v2 =	vadd.f32 v12, v5  }
0x833: {  	v12 =	vld [tilespmem:s13+$0xFFFFFF90];
	[tilespmem:s24+$0xFFFFFFA0] =	vst v4;
	v4 =	vadd.f32 v8, v7  }
0x834: {  	v8 =	vld [tilespmem:s10+$0xFFFFFFA0];
	[tilespmem:s24+$0xFFFFFFB0] =	vst v2;
	v1 =	vadd.f32 v1, v9  }
0x835: {  	v2 =	vld [tilespmem:s10+$0xFFFFFFB0];
	[tilespmem:s24+$0xFFFFFFC0] =	vst v4;
	v4 =	vadd.f32 v15, v11  }
0x836: {  	v15 =	vld [tilespmem:s10+$0xFFFFFFC0];
	[tilespmem:s24+$0xFFFFFFD0] =	vst v1;
	v1 =	vadd.f32 v10, v13  }
0x837: {  	v10 =	vadd.f32 v14, v0;
	v14 =	vld [tilespmem:s10+$0xFFFFFFD0];
	[tilespmem:s24+$0xFFFFFFE0] =	vst v4  }
0x838: {  	v4 =	vadd.f32 v12, v6;
	v12 =	vld [tilespmem:s10+$0xFFFFFFE0];
	[tilespmem:s24+$0xFFFFFFF0] =	vst v1  }
0x839: {  	[tilespmem:s23+$0x0] =	vst v10;
	v1 =	vadd.f32 v8, v3;
	v8 =	vld [tilespmem:s10+$0xFFFFFFF0]  }
0x83a: {  	[tilespmem:s24+$0xFFFFFF90] =	vst v4;
	v10 =	vld [tilespmem:s3+$0x0];
	v2 =	vadd.f32 v2, v5  }
0x83b: {  	v4 =	vld [tilespmem:s10+$0xFFFFFF90];
	[tilespmem:s23+$0xFFFFFFA0] =	vst v1;
	v1 =	vadd.f32 v15, v7  }
0x83c: {  	v15 =	vld [tilespmem:s3+$0xFFFFFFA0];
	[tilespmem:s23+$0xFFFFFFB0] =	vst v2;
	v2 =	vadd.f32 v14, v9  }
0x83d: {  	v14 =	vld [tilespmem:s3+$0xFFFFFFB0];
	[tilespmem:s23+$0xFFFFFFC0] =	vst v1  }
0x83e: {  	v1 =	vadd.f32 v12, v11;
	v12 =	vld [tilespmem:s3+$0xFFFFFFC0];
	[tilespmem:s23+$0xFFFFFFD0] =	vst v2  }
0x83f: {  	v2 =	vadd.f32 v8, v13;
	v8 =	vld [tilespmem:s3+$0xFFFFFFD0]  }
0x840: {  	[tilespmem:s23+$0xFFFFFFE0] =	vst v1;
	v1 =	vld [tilespmem:s30+$0xFFFFFFB0]  }
0x841: {  	[tilespmem:s23+$0xFFFFFFF0] =	vst v2;
	v2 =	vld [tilespmem:s1+$0x0]  }
0x842: {  	v0 =	vadd.f32 v10, v0;
	v10 =	vld [tilespmem:s1+$0xFFFFFFB0]  }
0x843: {  	v16 =	vld [tilespmem:s3+$0xFFFFFFE0]  }
0x844: {  	v17 =	vld [tilespmem:s3+$0xFFFFFFF0];
	v3 =	vadd.f32 v15, v3  }
0x845: {  	[tilespmem:s2+$0x0] =	vst v0;
	v0 =	vadd.f32 v4, v6;
	v15 =	vld [tilespmem:s1+$0xFFFFFFC0]  }
0x846: {  	[tilespmem:s2+$0xFFFFFFA0] =	vst v3;
	v3 =	vld [tilespmem:s30+$0xFFFFFFD0];
	v22 =	vadd.f32 v2, v18  }
0x847: {  	s6 =	simm.s32 $0x107F0;
	[tilespmem:s23+$0xFFFFFF90] =	vst v0;
	v0 =	vadd.f32 v14, v5;
	v4 =	vadd.f32 v12, v7;
	v7 =	vld [tilespmem:s1+$0xFFFFFFD0]  }
0x848: {  	s7 =	simm.s32 $0x67F0;
	v12 =	vld [tilespmem:s1+$0xFFFFFFF0];
	[tilespmem:s6+$0x0] =	vst v22  }
0x849: {  	v10 =	vadd.f32 v10, v1;
	[tilespmem:s2+$0xFFFFFFB0] =	vst v0;
	v14 =	vld [tilespmem:s7+$0x0]  }
0x84a: {  	v2 =	vld [tilespmem:s30+$0xFFFFFFC0];
	v0 =	vadd.f32 v8, v9;
	[tilespmem:s2+$0xFFFFFFC0] =	vst v4  }
0x84b: {  	v5 =	vadd.f32 v16, v11;
	v4 =	vld [tilespmem:s30+$0xFFFFFFE0];
	[tilespmem:s6+$0xFFFFFFB0] =	vst v10  }
0x84c: {  	v8 =	vld [tilespmem:s1+$0xFFFFFFE0];
	[tilespmem:s2+$0xFFFFFFD0] =	vst v0;
	v0 =	vadd.f32 v17, v13  }
0x84d: {  	v11 =	vadd.f32 v21, v20;
	[tilespmem:s2+$0xFFFFFFE0] =	vst v5;
	v5 =	vld [tilespmem:s30+$0xFFFFFFF0]  }
0x84e: {  	[tilespmem:s2+$0xFFFFFFF0] =	vst v0;
	v0 =	vld [tilespmem:s30+$0xFFFFFF90];
	v9 =	vadd.f32 v14, v18  }
0x84f: {  	s9 =	simm.s32 $0x127F0;
	[tilespmem:s6+$0xFFFFFFA0] =	vst v11;
	v7 =	vadd.f32 v7, v3  }
0x850: {  	s10 =	simm.s32 $0xA7F0;
	v10 =	vld [tilespmem:s7+$0xFFFFFFA0];
	[tilespmem:s9+$0x0] =	vst v9;
	v9 =	vadd.f32 v15, v2  }
0x851: {  	v8 =	vadd.f32 v8, v4;
	[tilespmem:s6+$0xFFFFFFD0] =	vst v7;
	v11 =	vld [tilespmem:s10+$0x0]  }
0x852: {  	v12 =	vadd.f32 v12, v5;
	[tilespmem:s6+$0xFFFFFFC0] =	vst v9;
	v9 =	vld [tilespmem:s7+$0xFFFFFFB0]  }
0x853: {  	[tilespmem:s6+$0xFFFFFFE0] =	vst v8;
	v8 =	vadd.f32 v19, v0;
	v7 =	vld [tilespmem:s7+$0xFFFFFFC0]  }
0x854: {  	v13 =	vld [tilespmem:s7+$0xFFFFFFD0];
	[tilespmem:s6+$0xFFFFFFF0] =	vst v12  }
0x855: {  	v14 =	vld [tilespmem:s7+$0xFFFFFFE0];
	[tilespmem:s6+$0xFFFFFF90] =	vst v8;
	v8 =	vadd.f32 v10, v20  }
0x856: {  	v10 =	vld [tilespmem:s7+$0xFFFFFFF0];
	v11 =	vadd.f32 v11, v18  }
0x857: {  	s4 =	simm.s32 $0x147F0;
	v12 =	vld [tilespmem:s7+$0xFFFFFF90];
	[tilespmem:s9+$0xFFFFFFA0] =	vst v8;
	v9 =	vadd.f32 v9, v1  }
0x858: {  	s8 =	simm.s32 $0xE7F0;
	[tilespmem:s4+$0x0] =	vst v11;
	v7 =	vadd.f32 v7, v2;
	v11 =	vld [tilespmem:s10+$0xFFFFFFA0]  }
0x859: {  	v8 =	vld [tilespmem:s8+$0x0];
	[tilespmem:s9+$0xFFFFFFB0] =	vst v9;
	v9 =	vadd.f32 v13, v3  }
0x85a: {  	v13 =	vld [tilespmem:s10+$0xFFFFFFB0];
	[tilespmem:s9+$0xFFFFFFC0] =	vst v7;
	v7 =	vadd.f32 v14, v4  }
0x85b: {  	v14 =	vld [tilespmem:s10+$0xFFFFFFC0];
	[tilespmem:s9+$0xFFFFFFD0] =	vst v9;
	v9 =	vadd.f32 v10, v5  }
0x85c: {  	v10 =	vadd.f32 v12, v0;
	v12 =	vld [tilespmem:s10+$0xFFFFFFD0];
	[tilespmem:s9+$0xFFFFFFE0] =	vst v7  }
0x85d: {  	v7 =	vld [tilespmem:s10+$0xFFFFFFE0];
	[tilespmem:s9+$0xFFFFFFF0] =	vst v9;
	v9 =	vadd.f32 v11, v20  }
0x85e: {  	[tilespmem:s9+$0xFFFFFF90] =	vst v10;
	v8 =	vadd.f32 v8, v18;
	v11 =	vld [tilespmem:s10+$0xFFFFFFF0]  }
0x85f: {  	s11 =	simm.s32 $0x167F0;
	v15 =	vld [tilespmem:s10+$0xFFFFFF90];
	v10 =	vadd.f32 v13, v1;
	[tilespmem:s4+$0xFFFFFFA0] =	vst v9  }
0x860: {  	v13 =	vld [tilespmem:s3+$0xFFFFFF90];
	[tilespmem:s11+$0x0] =	vst v8;
	v8 =	vadd.f32 v14, v2  }
0x861: {  	v14 =	vld [tilespmem:s8+$0xFFFFFFA0];
	[tilespmem:s4+$0xFFFFFFB0] =	vst v10;
	v9 =	vadd.f32 v12, v3  }
0x862: {  	v10 =	vld [tilespmem:s8+$0xFFFFFFB0];
	[tilespmem:s4+$0xFFFFFFC0] =	vst v8;
	v8 =	vadd.f32 v7, v4  }
0x863: {  	v7 =	vld [tilespmem:s8+$0xFFFFFFC0];
	[tilespmem:s4+$0xFFFFFFD0] =	vst v9;
	v11 =	vadd.f32 v11, v5  }
0x864: {  	v15 =	vadd.f32 v15, v0;
	v9 =	vld [tilespmem:s8+$0xFFFFFFD0];
	[tilespmem:s4+$0xFFFFFFE0] =	vst v8  }
0x865: {  	v12 =	vadd.f32 v13, v6;
	v8 =	vld [tilespmem:s8+$0xFFFFFFE0];
	[tilespmem:s4+$0xFFFFFFF0] =	vst v11  }
0x866: {  	s12 =	simm.s32 $0xE7F0;
	s13 =	simm.s32 $0x1ABF0;
	s3 =	simm.s32 $0x80;
	[tilespmem:s4+$0xFFFFFF90] =	vst v15;
	v6 =	vadd.f32 v14, v20;
	v11 =	vld [tilespmem:s8+$0xFFFFFFF0]  }
.LBB2_33:
0x867: {  	v13 =	vld [tilespmem:s13+$0x0];
	v1 =	vadd.f32 v10, v1;
	s1 =	sadd.s32 $0x400, s1;
	[tilespmem:s2+$0xFFFFFF90] =	vst v12;
	s2 =	smov.u32 s11  }
0x868: {  	s3 =	sadd.s32 $0x80, s3;
	v10 =	vld [tilespmem:s1+$0x0];
	[tilespmem:s11+$0xFFFFFFA0] =	vst v6;
	v2 =	vadd.f32 v7, v2  }
0x869: {  	p1 =	slt.u32 s3, $0x380;
	v7 =	vld [tilespmem:s1+$0xFFFFFF90];
	[tilespmem:s11+$0xFFFFFFB0] =	vst v1;
	v1 =	vadd.f32 v9, v3  }
0x86a: {  	v6 =	vld [tilespmem:s13+$0xFFFFFFA0];
	[tilespmem:s11+$0xFFFFFFC0] =	vst v2;
	v2 =	vadd.f32 v8, v4  }
0x86b: {  	v3 =	vld [tilespmem:s1+$0xFFFFFFA0];
	[tilespmem:s11+$0xFFFFFFD0] =	vst v1;
	v4 =	vadd.f32 v11, v5  }
0x86c: {  	v1 =	vld [tilespmem:s13+$0xFFFFFFB0];
	[tilespmem:s11+$0xFFFFFFE0] =	vst v2  }
0x86d: {  	v5 =	vld [tilespmem:s1+$0xFFFFFFB0];
	v8 =	vadd.f32 v10, v13;
	[tilespmem:s11+$0xFFFFFFF0] =	vst v4  }
0x86e: {  	s6 =	sadd.s32 $0x400, s6;
	v2 =	vld [tilespmem:s13+$0xFFFFFFC0]  }
0x86f: {  	s7 =	sadd.s32 $0x400, s7;
	v9 =	vld [tilespmem:s1+$0xFFFFFFC0];
	[tilespmem:s6+$0x0] =	vst v8  }
0x870: {  	v4 =	vadd.f32 v3, v6;
	v8 =	vld [tilespmem:s7+$0x0]  }
0x871: {  	v3 =	vld [tilespmem:s13+$0xFFFFFFD0]  }
0x872: {  	[tilespmem:s6+$0xFFFFFFA0] =	vst v4;
	v5 =	vadd.f32 v5, v1;
	v10 =	vld [tilespmem:s1+$0xFFFFFFD0]  }
0x873: {  	v4 =	vld [tilespmem:s13+$0xFFFFFFE0]  }
0x874: {  	[tilespmem:s6+$0xFFFFFFB0] =	vst v5;
	v9 =	vadd.f32 v9, v2;
	v11 =	vld [tilespmem:s1+$0xFFFFFFE0]  }
0x875: {  	v5 =	vld [tilespmem:s13+$0xFFFFFFF0];
	v8 =	vadd.f32 v8, v13  }
0x876: {  	s9 =	sadd.s32 $0x400, s9;
	[tilespmem:s6+$0xFFFFFFC0] =	vst v9;
	v9 =	vld [tilespmem:s1+$0xFFFFFFF0]  }
0x877: {  	s10 =	sadd.s32 $0x400, s10;
	v14 =	vld [tilespmem:s13+$0xFFFFFF90];
	v10 =	vadd.f32 v10, v3;
	[tilespmem:s9+$0x0] =	vst v8  }
0x878: {  	v8 =	vld [tilespmem:s10+$0x0]  }
0x879: {  	v12 =	vld [tilespmem:s7+$0xFFFFFFA0];
	[tilespmem:s6+$0xFFFFFFD0] =	vst v10;
	v10 =	vadd.f32 v11, v4  }
0x87a: {  	v11 =	vld [tilespmem:s7+$0xFFFFFFB0]  }
0x87b: {  	v15 =	vld [tilespmem:s7+$0xFFFFFFC0];
	[tilespmem:s6+$0xFFFFFFE0] =	vst v10;
	v9 =	vadd.f32 v9, v5  }
0x87c: {  	v7 =	vadd.f32 v7, v14;
	v10 =	vld [tilespmem:s7+$0xFFFFFFD0]  }
0x87d: {  	v16 =	vld [tilespmem:s7+$0xFFFFFFE0];
	[tilespmem:s6+$0xFFFFFFF0] =	vst v9;
	v8 =	vadd.f32 v8, v13  }
0x87e: {  	s4 =	sadd.s32 $0x400, s4;
	[tilespmem:s6+$0xFFFFFF90] =	vst v7;
	v7 =	vadd.f32 v12, v6;
	v9 =	vld [tilespmem:s7+$0xFFFFFFF0]  }
0x87f: {  	s8 =	sadd.s32 $0x400, s8;
	v12 =	vld [tilespmem:s7+$0xFFFFFF90];
	v11 =	vadd.f32 v11, v1;
	[tilespmem:s4+$0x0] =	vst v8  }
0x880: {  	[tilespmem:s9+$0xFFFFFFA0] =	vst v7;
	v7 =	vadd.f32 v15, v2;
	v8 =	vld [tilespmem:s8+$0x0]  }
0x881: {  	v15 =	vld [tilespmem:s10+$0xFFFFFFA0];
	[tilespmem:s9+$0xFFFFFFB0] =	vst v11;
	v10 =	vadd.f32 v10, v3  }
0x882: {  	v11 =	vld [tilespmem:s10+$0xFFFFFFB0];
	[tilespmem:s9+$0xFFFFFFC0] =	vst v7;
	v7 =	vadd.f32 v16, v4  }
0x883: {  	v16 =	vld [tilespmem:s10+$0xFFFFFFC0];
	[tilespmem:s9+$0xFFFFFFD0] =	vst v10;
	v9 =	vadd.f32 v9, v5  }
0x884: {  	v10 =	vadd.f32 v12, v14;
	v12 =	vld [tilespmem:s10+$0xFFFFFFD0];
	[tilespmem:s9+$0xFFFFFFE0] =	vst v7  }
0x885: {  	v7 =	vld [tilespmem:s10+$0xFFFFFFE0];
	[tilespmem:s9+$0xFFFFFFF0] =	vst v9;
	v8 =	vadd.f32 v8, v13  }
0x886: {  	s11 =	sadd.s32 $0x400, s11;
	[tilespmem:s9+$0xFFFFFF90] =	vst v10;
	v9 =	vadd.f32 v15, v6;
	v13 =	vld [tilespmem:s10+$0xFFFFFFF0]  }
0x887: {  	v15 =	vld [tilespmem:s10+$0xFFFFFF90];
	v10 =	vadd.f32 v11, v1;
	[tilespmem:s11+$0x0] =	vst v8  }
0x888: {  	[tilespmem:s4+$0xFFFFFFA0] =	vst v9;
	v8 =	vadd.f32 v16, v2;
	v11 =	vld [tilespmem:s12+$0xFFFFFF90];
	s12 =	smov.u32 s8  }
0x889: {  	v16 =	vld [tilespmem:s8+$0xFFFFFFA0];
	[tilespmem:s4+$0xFFFFFFB0] =	vst v10;
	v9 =	vadd.f32 v12, v3  }
.Ltmp17:
0x88a: {  	v10 =	vld [tilespmem:s8+$0xFFFFFFB0];
	[tilespmem:s4+$0xFFFFFFC0] =	vst v8;
	v8 =	vadd.f32 v7, v4;
	(pc) =	sbr.rel @p1 .LBB2_33-.Ltmp17, $4  }
0x88b: {  	v7 =	vld [tilespmem:s8+$0xFFFFFFC0];
	[tilespmem:s4+$0xFFFFFFD0] =	vst v9;
	v12 =	vadd.f32 v13, v5  }
0x88c: {  	v13 =	vadd.f32 v15, v14;
	v9 =	vld [tilespmem:s8+$0xFFFFFFD0];
	[tilespmem:s4+$0xFFFFFFE0] =	vst v8  }
0x88d: {  	v8 =	vld [tilespmem:s8+$0xFFFFFFE0];
	[tilespmem:s4+$0xFFFFFFF0] =	vst v12;
	v12 =	vadd.f32 v11, v0;
	v0 =	vmov v14  }
0x88e: {  	s13 =	sadd.s32 $0x400, s13;
	[tilespmem:s4+$0xFFFFFF90] =	vst v13;
	v6 =	vadd.f32 v16, v6;
	v11 =	vld [tilespmem:s8+$0xFFFFFFF0]  }
0x88f: {  	v1 =	vadd.f32 v10, v1;
	[tilespmem:s2+$0xFFFFFF90] =	vst v12;
	v60 =	vld [tilespmem:s12+$0xFFFFFF90]  }
0x890: {  	[tilespmem:s11+$0xFFFFFFA0] =	vst v6;
	v2 =	vadd.f32 v7, v2  }
0x891: {  	[tilespmem:s11+$0xFFFFFFB0] =	vst v1;
	v61 =	vadd.f32 v9, v3  }
0x892: {  	[tilespmem:s11+$0xFFFFFFC0] =	vst v2;
	v62 =	vadd.f32 v8, v4  }
0x893: {  	[tilespmem:s11+$0xFFFFFFD0] =	vst v61;
	v63 =	vadd.f32 v11, v5  }
0x894: {  	[tilespmem:s11+$0xFFFFFFE0] =	vst v62;
	v0 =	vadd.f32 v60, v0  }
0x895: {  	s1 =	sor.u32 $0x400, s0;
	[tilespmem:s11+$0xFFFFFFF0] =	vst v63  }
0x896: {  	s3 =	simm.s32 $0x10000;
	s19 =	sadd.s32 s21, s1;
	[tilespmem:s11+$0xFFFFFF90] =	vst v0  }
0x897: {  	[hbm4b:s19+s5] =	stream.linear.scatter [tilespmem:s3], [sflag:$0x9], $0x2000, $0x38;
	[tilespmem:$0x1C000] =	vst v63  }
0x898: {  	s28 =	smov.u32 s21;
	s21 =	rddreg [dreg:$0x13]  }
0x899: {  	s23 =	simm.s32 $0x12000;
	s2 =	sadd.s32 s1, s21  }
0x89a: {  	[hbm4b:s2+s5] =	stream.linear.scatter [tilespmem:s23], [sflag:$0xA], $0x2000, $0x38;
	[tilespmem:$0x1C000] =	vst v63  }
.Ltmp18:
0x89b: {  	_ = 	snop;
	(pc) =	sbr.rel @p0 .LBB2_36-.Ltmp18, $4  }
0x89c: {  	s25 =	simm.s32 $0x14000;
	s24 =	sadd.s32 s1, s22  }
0x89d: {  	[hbm4b:s24+s5] =	stream.linear.scatter [tilespmem:s25], [sflag:$0xB], $0x2000, $0x38;
	[tilespmem:$0x1C000] =	vst v63  }
0x89e: {  	s30 =	simm.s32 $0x16000;
	s29 =	sadd.s32 s1, s26  }
0x89f: {  	[hbm4b:s29+s5] =	stream.linear.scatter [tilespmem:s30], [sflag:$0xC], $0x2000, $0x38;
	[tilespmem:$0x1C000] =	vst v63  }
0x8a0: {  	s0 =	sadd.s32 $0xC00, s0;
	s2 =	rddreg [dreg:$0x1]  }
0x8a1: {  	s3 =	simm.s32 $0x1A000;
	s17 =	rddreg [dreg:$0x0];
	s2 =	sadd.s32 s2, s0  }
0x8a2: {  	[tilespmem:s3], [sflag:$0xE] =	stream.linear.gather [hbm4b:s2+s5], $0x2000, $0x38;
	[tilespmem:$0x1C000] =	vst v63  }
0x8a3: {  	s19 =	simm.s32 $0x2000;
	s21 =	rddreg [dreg:$0x14];
	s0 =	sadd.s32 s17, s0  }
0x8a4: {  	[tilespmem:s19], [sflag:$0x2] =	stream.linear.gather [hbm4b:s0+s5], $0x2000, $0x38;
	[tilespmem:$0x1C000] =	vst v63  }
0x8a5: {  	s23 =	simm.s32 $0x6000;
	s0 =	sadd.s32 s1, s21  }
0x8a6: {  	[tilespmem:s23], [sflag:$0x4] =	stream.linear.gather [hbm4b:s0+s5], $0x2000, $0x38;
	[tilespmem:$0x1C000] =	vst v63  }
.Ltmp19:
0x8a7: {  	s24 =	rddreg [dreg:$0x15];
	(pc) =	sbr.rel .LBB2_2-.Ltmp19, $4  }
0x8a8: {  	s25 =	simm.s32 $0xA000;
	s29 =	rddreg [dreg:$0x17];
	s0 =	sadd.s32 s1, s24  }
0x8a9: {  	[tilespmem:s25], [sflag:$0x6] =	stream.linear.gather [hbm4b:s0+s5], $0x2000, $0x38;
	[tilespmem:$0x1C000] =	vst v63  }
0x8aa: {  	s30 =	simm.s32 $0xE000;
	s31 =	sadd.s32 $0x1, s31;
	s0 =	sadd.s32 s1, s29  }
0x8ab: {  	[tilespmem:s30], [sflag:$0x8] =	stream.linear.gather [hbm4b:s0+s5], $0x2000, $0x38;
	[tilespmem:$0x1C000] =	vst v63  }
.LBB2_37:
0x8ac: {  	_ =	sfence.sel $0x180000  }
0x8ad: {  	[bflag:$0x0] =	sbarrier.arrive $0xFFFF  }
0x8ae: {  	_ =	strace $0x90000047  }
0x8af: {  	s0 =	stileid.u32;
	[bflag:$0x2] =	sbarrier.arrive $0xFFFF  }
0x8b0: {  	p0 =	sne.s32 s0, $0x0;
	s0 =	rddreg [dreg:$0x3]  }
0x8b1: {  	s0 =	sadd.s32 @!p0 $0x100000, s0  }
0x8b2: {  	[sflag:s0] =	ssyncadd.tile.s32 @!p0 $0x1;
	_ =	shalt  }
.Lfunc_end2:
_tile_overlayer_lowered:
.L_overlay_start_2:
0x8b3: {  	(tag) =	ssettag $0x2  }
0x8b4: {  	s0 =	rddreg [dreg:$0x0];
	s2 =	stileid.u32  }
0x8b5: {  	s1 =	rddreg [dreg:$0x1];
	p0 =	sne.s32 s2, $0x0  }
0x8b6: {  	s3 =	rddreg [dreg:$0x2];
	[bflag:$0x3] =	sbarrier.arrive $0xFFFF;
	s2 =	simm.s32 @!p0 $0x1C0F  }
0x8b7: {  	[timem:s3], [sflag:s2] =	dma.local @!p0 [hbm:s0], s1  }
0x8b8: {  	s0 =	simm.s32 @!p0 $0xF  }
0x8b9: {  	_ =	swait.ge @!p0 [sflag:s0], s1  }
0x8ba: {  	s1 =	ssub.s32 @!p0 $0x0, s1;
	[sflag:s0] =	ssyncset.done @!p0 $0x0  }
0x8bb: {  	[sflag:s0] =	ssyncadd.s32 @!p0 s1  }
0x8bc: {  	[bflag:$0x3] =	sbarrier.arrive $0xFFFF  }
0x8bd: {  	_ =	shalt  }

</sc_bundles>
